<compile_context>
chip_gen: v7x
topology: tpu7x:2x2x1
jax: 0.10.2.dev20260603
libtpu: 0.0.44.dev20260713+nightly
codegen_flags: <defaults>
</compile_context>

<pallas_src>
import functools

import jax
import jax.numpy as jnp
from jax import lax
from jax.experimental import pallas as pl
from jax.experimental.pallas import tpu as pltpu
from jax.experimental.pallas import tpu_sc as plsc

N_NODES = 10000
N_EDGES = 10000
NNZ = 320000
D_IN = 128
D_OUT = 128
HALF = 64

NS = 16
ROWS = 10112
DUMMY = 10016
ROWS_PER_TILE = ROWS // NS
CHUNK = 64
CPG = 4
NSLOT = 2 * CPG
NCHUNK = 320
NGROUP = NCHUNK // CPG
PER_TILE = NCHUNK * CHUNK
NNZ_PAD = PER_TILE * NS


def _mm_body(x_ref, w_ref, oa_ref, ob_ref):
    y = jnp.dot(x_ref[...], w_ref[...], preferred_element_type=jnp.float32)
    oa_ref[...] = y[:, :HALF]
    ob_ref[...] = y[:, HALF:]


def _matmul_halves(x_0, weight):
    rb = ROWS // 4
    return pl.pallas_call(
        _mm_body,
        grid=(4,),
        in_specs=[
            pl.BlockSpec((rb, D_IN), lambda i: (i, 0)),
            pl.BlockSpec((D_IN, D_OUT), lambda i: (0, 0)),
        ],
        out_specs=[
            pl.BlockSpec((rb, HALF), lambda i: (i, 0)),
            pl.BlockSpec((rb, HALF), lambda i: (i, 0)),
        ],
        out_shape=[
            jax.ShapeDtypeStruct((ROWS, HALF), jnp.float32),
            jax.ShapeDtypeStruct((ROWS, HALF), jnp.float32),
        ],
    )(x_0, weight)


def _hop(table, gidx, sidx, acc, bufs, gi_v, si_v, dsem, ssem, isem,
         zero_hbm):
    def dwait(sl):
        pltpu.make_async_copy(table.at[gi_v.at[0].at[0]], bufs.at[sl],
                              dsem.at[sl]).wait()

    def swait(sl):
        pltpu.make_async_copy(bufs.at[sl], acc.at[si_v.at[0].at[0]],
                              ssem.at[sl]).wait()

    def iwait():
        pltpu.make_async_copy(gidx.at[0], gi_v.at[0], isem).wait()

    pltpu.sync_copy(gidx.at[0], gi_v.at[0])
    pltpu.sync_copy(sidx.at[0], si_v.at[0])
    pltpu.async_copy(gidx.at[1], gi_v.at[1], isem)
    pltpu.async_copy(sidx.at[1], si_v.at[1], isem)
    for b in range(CPG):
        pltpu.async_copy(table.at[gi_v.at[0].at[b]], bufs.at[b], dsem.at[b])

    iwait()
    iwait()
    for b in range(CPG):
        dwait(b)
        pltpu.async_copy(bufs.at[b], acc.at[si_v.at[0].at[b]], ssem.at[b],
                         add=True)
    for b in range(CPG):
        pltpu.async_copy(table.at[gi_v.at[1].at[b]], bufs.at[CPG + b],
                         dsem.at[CPG + b])
    pltpu.async_copy(gidx.at[2], gi_v.at[2], isem)
    pltpu.async_copy(sidx.at[2], si_v.at[2], isem)

    def group(g, carry):
        p = g % 2
        q = (g + 1) % 2
        u = g % 3
        v = (g + 1) % 3
        w = (g + 2) % 3
        iwait()
        iwait()
        for b in range(CPG):
            sl = CPG * p + b
            sl2 = CPG * q + b
            dwait(sl)
            pltpu.async_copy(bufs.at[sl], acc.at[si_v.at[u].at[b]],
                             ssem.at[sl], add=True)
            swait(sl2)
            pltpu.async_copy(table.at[gi_v.at[v].at[b]], bufs.at[sl2],
                             dsem.at[sl2])
        gn = jnp.minimum(g + 2, NGROUP - 1)
        pltpu.async_copy(gidx.at[gn], gi_v.at[w], isem)
        pltpu.async_copy(sidx.at[gn], si_v.at[w], isem)
        return carry

    lax.fori_loop(1, NGROUP, group, 0)

    pl_ = (NGROUP - 1) % 2
    for b in range(CPG):
        swait(CPG * pl_ + b)
    for b in range(CPG):
        dwait(CPG * (1 - pl_) + b)
    iwait()
    iwait()


def _sc_body(xwa, xwb, node_hbm, edge_hbm, zero_hbm, out,
             gi_v, si_v, bufs, xwsp, acc_m, dsem, ssem, isem):
    c = lax.axis_index("c")
    s = lax.axis_index("s")
    r0 = s * ROWS_PER_TILE
    rows = pl.ds(r0, ROWS_PER_TILE)
    node_s = node_hbm.at[s]
    edge_s = edge_hbm.at[s]

    @pl.when(c == 0)
    def _():
        pltpu.sync_copy(xwa.at[rows], xwsp.at[rows])

    @pl.when(c == 1)
    def _():
        pltpu.sync_copy(xwb.at[rows], xwsp.at[rows])

    pltpu.sync_copy(zero_hbm.at[rows], acc_m.at[rows])
    plsc.subcore_barrier()

    _hop(xwsp, node_s, edge_s, acc_m, bufs, gi_v, si_v, dsem, ssem, isem,
         zero_hbm)
    plsc.subcore_barrier()

    pltpu.sync_copy(zero_hbm.at[rows], xwsp.at[rows])
    plsc.subcore_barrier()

    _hop(acc_m, edge_s, node_s, xwsp, bufs, gi_v, si_v, dsem, ssem, isem,
         zero_hbm)
    plsc.subcore_barrier()

    wrows = pl.ds(s * (N_NODES // NS), N_NODES // NS)

    @pl.when(c == 0)
    def _():
        pltpu.sync_copy(xwsp.at[wrows], out.at[wrows, pl.ds(0, HALF)])

    @pl.when(c == 1)
    def _():
        pltpu.sync_copy(xwsp.at[wrows], out.at[wrows, pl.ds(HALF, HALF)])


_sc_call = pl.kernel(
    _sc_body,
    out_type=jax.ShapeDtypeStruct((N_NODES, D_OUT), jnp.float32),
    mesh=plsc.VectorSubcoreMesh(core_axis_name="c", subcore_axis_name="s"),
    scratch_types=[
        pltpu.VMEM((3, CPG, CHUNK), jnp.int32),
        pltpu.VMEM((3, CPG, CHUNK), jnp.int32),
        pltpu.VMEM((NSLOT, CHUNK, HALF), jnp.float32),
        pltpu.VMEM_SHARED((ROWS, HALF), jnp.float32),
        pltpu.VMEM_SHARED((ROWS, HALF), jnp.float32),
        pltpu.SemaphoreType.DMA((NSLOT,)),
        pltpu.SemaphoreType.DMA((NSLOT,)),
        pltpu.SemaphoreType.DMA,
    ],
    compiler_params=pltpu.CompilerParams(use_tc_tiling_on_sc=False),
)


@jax.jit
def kernel(x_0, node_idx, edge_idx, weight):
    pad = jnp.full((NNZ_PAD - NNZ,), DUMMY, jnp.int32)
    node3 = jnp.concatenate([node_idx, pad]).reshape(NS, NGROUP, CPG, CHUNK)
    edge3 = jnp.concatenate([edge_idx, pad]).reshape(NS, NGROUP, CPG, CHUNK)
    zeros = jnp.zeros((ROWS, HALF), jnp.float32)
    xwa, xwb = _matmul_halves(x_0, weight)
    return _sc_call(xwa, xwb, node3, edge3, zeros)

# --- scband reference (transcript-rebuilt; emitter-appended) ---
"""Pipeline reference for scband-uni-gcnlayer-48430051229827 (READ-ONLY COPY).

The authoritative reference and input builder live on the scoring server;
editing this copy changes nothing except your own understanding.
"""

import jax, jax.numpy as jnp
import numpy as np

N_NODES = 10000
N_EDGES = 10000
NNZ = 320000
D_IN = 128
D_OUT = 128


def setup_inputs(seed: int = 0) -> dict:
    key = jax.random.key(seed)
    k1, k2, k3, k4 = jax.random.split(key, 4)
    x_0 = jax.random.normal(k1, (N_NODES, D_IN), dtype=jnp.float32)
    node_idx = jax.random.randint(k2, (NNZ,), 0, N_NODES, dtype=jnp.int32)
    edge_idx = jax.random.randint(k3, (NNZ,), 0, N_EDGES, dtype=jnp.int32)
    # learned parameter of conv_level2_1_to_0 (xavier uniform, no bias)
    limit = float(np.sqrt(6.0 / (D_IN + D_OUT)))
    weight = jax.random.uniform(k4, (D_IN, D_OUT), dtype=jnp.float32, minval=-limit, maxval=limit)
    return {"x_0": x_0, "node_idx": node_idx, "edge_idx": edge_idx, "weight": weight}


def reference(x_0, node_idx, edge_idx, weight):
    # Step 1: conv_level1_0_to_1 (no linear transform, no aggr_norm, no update):
    #   m_{0->1} = B_1^T x_0  -> gather node features per incidence entry, scatter-add into hyperedges
    gathered_nodes = jnp.take(x_0, node_idx, axis=0)              # [NNZ, D_IN]
    m_0_1 = jax.ops.segment_sum(gathered_nodes, edge_idx, num_segments=N_EDGES)  # [N_EDGES, D_IN]
    # Step 2: conv_level2_1_to_0 (linear transform, no aggr_norm, no update):
    #   m_{1->0} = B_1 (m_{0->1} Theta)
    y = m_0_1 @ weight                                            # [N_EDGES, D_OUT]
    gathered_edges = jnp.take(y, edge_idx, axis=0)                # [NNZ, D_OUT]
    m_1_0 = jax.ops.segment_sum(gathered_edges, node_idx, num_segments=N_NODES)  # [N_NODES, D_OUT]
    return m_1_0

if __name__ == "__main__":
    import jax
    _d = setup_inputs()
    print(jax.jit(kernel)(*tuple(_d.values())))

</pallas_src>

<mosaic_0001>
#map = affine_map<(d0, d1) -> (0, 0)>
#map1 = affine_map<(d0, d1) -> (0, 0, 0, 0)>
module attributes {stable_mosaic.version = 14 : i64} {
  func.func @_sc_body(%arg0: i32, %arg1: i32, %arg2: memref<10112x64xf32, #tpu.memory_space<hbm>>, %arg3: memref<10112x64xf32, #tpu.memory_space<hbm>>, %arg4: memref<16x80x4x64xi32, #tpu.memory_space<hbm>>, %arg5: memref<16x80x4x64xi32, #tpu.memory_space<hbm>>, %arg6: memref<10112x64xf32, #tpu.memory_space<hbm>>, %arg7: memref<10000x128xf32, #tpu.memory_space<hbm>>, %arg8: memref<3x4x64xi32, #tpu.memory_space<vmem>>, %arg9: memref<3x4x64xi32, #tpu.memory_space<vmem>>, %arg10: memref<8x64x64xf32, #tpu.memory_space<vmem>>, %arg11: memref<10112x64xf32, #tpu.memory_space<vmem_shared>>, %arg12: memref<10112x64xf32, #tpu.memory_space<vmem_shared>>, %arg13: memref<8x!tpu.dma_semaphore, #tpu.memory_space<semaphore_mem>>, %arg14: memref<8x!tpu.dma_semaphore, #tpu.memory_space<semaphore_mem>>, %arg15: memref<!tpu.dma_semaphore, #tpu.memory_space<semaphore_mem>>) attributes {dimension_semantics = [#tpu.dimension_semantics<core_parallel>, #tpu.dimension_semantics<subcore_parallel>], iteration_bounds = array<i64: 2, 16>, scalar_prefetch = 0 : i64, scratch_operands = 8 : i64, tpu.core_type = #tpu.core_type<sc_vector_subcore>, window_params = [{transform_indices = #map}, {transform_indices = #map}, {transform_indices = #map1}, {transform_indices = #map1}, {transform_indices = #map}, {transform_indices = #map}]} {
    %mul3A = arith.constant 632 : i32
    %mul3A_0 = arith.muli %arg1, %mul3A : i32
    %eq3A = arith.constant 0 : i32
    %eq3A_1 = arith.cmpi eq, %arg0, %eq3A : i32
    %convert_element_type3A = arith.extui %eq3A_1 : i1 to i32
    %cond3A = arith.constant 0 : i32
    %cond3A_2 = arith.cmpi ne, %convert_element_type3A, %cond3A : i32
    scf.if %cond3A_2 {
      "tpu.region"() ({
        %run_scoped3A_1447 = tpu.sem_alloc : memref<!tpu.dma_semaphore, #tpu.memory_space<semaphore_mem>>
        %dma_start3A_1448 = arith.constant 0 : i32
        %dma_start3A_1449 = tpu.memref_slice %arg11[%mul3A_0, %dma_start3A_1448] : memref<10112x64xf32, #tpu.memory_space<vmem_shared>> -> memref<632x64xf32, #tpu.memory_space<vmem_shared>>
        %dma_start3A_1450 = arith.constant 0 : i32
        %dma_start3A_1451 = tpu.memref_slice %arg2[%mul3A_0, %dma_start3A_1450] : memref<10112x64xf32, #tpu.memory_space<hbm>> -> memref<632x64xf32, #tpu.memory_space<hbm>>
        tpu.enqueue_dma source(%dma_start3A_1451 : memref<632x64xf32, #tpu.memory_space<hbm>>) target(%dma_start3A_1449 : memref<632x64xf32, #tpu.memory_space<vmem_shared>>) target_semaphore(%run_scoped3A_1447 : memref<!tpu.dma_semaphore, #tpu.memory_space<semaphore_mem>>)
        %dma_wait3A_1452 = arith.constant 0 : i32
        %dma_wait3A_1453 = tpu.memref_slice %arg11[%mul3A_0, %dma_wait3A_1452] : memref<10112x64xf32, #tpu.memory_space<vmem_shared>> -> memref<632x64xf32, #tpu.memory_space<vmem_shared>>
        %dma_wait3A_1454 = arith.constant 0 : i32
        %dma_wait3A_1455 = tpu.memref_slice %arg2[%mul3A_0, %dma_wait3A_1454] : memref<10112x64xf32, #tpu.memory_space<hbm>> -> memref<632x64xf32, #tpu.memory_space<hbm>>
        tpu.wait_dma2 semaphore(%run_scoped3A_1447 : memref<!tpu.dma_semaphore, #tpu.memory_space<semaphore_mem>>) src(%dma_wait3A_1455 : memref<632x64xf32, #tpu.memory_space<hbm>>) dst(%dma_wait3A_1453 : memref<632x64xf32, #tpu.memory_space<vmem_shared>>)
        tpu.yield
      }) : () -> ()
    } else {
    }
    %eq3A_3 = arith.constant 1 : i32
    %eq3A_4 = arith.cmpi eq, %arg0, %eq3A_3 : i32
    %convert_element_type3A_5 = arith.extui %eq3A_4 : i1 to i32
    %cond3A_6 = arith.constant 0 : i32
    %cond3A_7 = arith.cmpi ne, %convert_element_type3A_5, %cond3A_6 : i32
    scf.if %cond3A_7 {
      "tpu.region"() ({
        %run_scoped3A_1447 = tpu.sem_alloc : memref<!tpu.dma_semaphore, #tpu.memory_space<semaphore_mem>>
        %dma_start3A_1448 = arith.constant 0 : i32
        %dma_start3A_1449 = tpu.memref_slice %arg11[%mul3A_0, %dma_start3A_1448] : memref<10112x64xf32, #tpu.memory_space<vmem_shared>> -> memref<632x64xf32, #tpu.memory_space<vmem_shared>>
        %dma_start3A_1450 = arith.constant 0 : i32
        %dma_start3A_1451 = tpu.memref_slice %arg3[%mul3A_0, %dma_start3A_1450] : memref<10112x64xf32, #tpu.memory_space<hbm>> -> memref<632x64xf32, #tpu.memory_space<hbm>>
        tpu.enqueue_dma source(%dma_start3A_1451 : memref<632x64xf32, #tpu.memory_space<hbm>>) target(%dma_start3A_1449 : memref<632x64xf32, #tpu.memory_space<vmem_shared>>) target_semaphore(%run_scoped3A_1447 : memref<!tpu.dma_semaphore, #tpu.memory_space<semaphore_mem>>)
        %dma_wait3A_1452 = arith.constant 0 : i32
        %dma_wait3A_1453 = tpu.memref_slice %arg11[%mul3A_0, %dma_wait3A_1452] : memref<10112x64xf32, #tpu.memory_space<vmem_shared>> -> memref<632x64xf32, #tpu.memory_space<vmem_shared>>
        %dma_wait3A_1454 = arith.constant 0 : i32
        %dma_wait3A_1455 = tpu.memref_slice %arg3[%mul3A_0, %dma_wait3A_1454] : memref<10112x64xf32, #tpu.memory_space<hbm>> -> memref<632x64xf32, #tpu.memory_space<hbm>>
        tpu.wait_dma2 semaphore(%run_scoped3A_1447 : memref<!tpu.dma_semaphore, #tpu.memory_space<semaphore_mem>>) src(%dma_wait3A_1455 : memref<632x64xf32, #tpu.memory_space<hbm>>) dst(%dma_wait3A_1453 : memref<632x64xf32, #tpu.memory_space<vmem_shared>>)
        tpu.yield
      }) : () -> ()
    } else {
    }
    "tpu.region"() ({
      %run_scoped3A_1447 = tpu.sem_alloc : memref<!tpu.dma_semaphore, #tpu.memory_space<semaphore_mem>>
      %dma_start3A_1448 = arith.constant 0 : i32
      %dma_start3A_1449 = tpu.memref_slice %arg12[%mul3A_0, %dma_start3A_1448] : memref<10112x64xf32, #tpu.memory_space<vmem_shared>> -> memref<632x64xf32, #tpu.memory_space<vmem_shared>>
      %dma_start3A_1450 = arith.constant 0 : i32
      %dma_start3A_1451 = tpu.memref_slice %arg6[%mul3A_0, %dma_start3A_1450] : memref<10112x64xf32, #tpu.memory_space<hbm>> -> memref<632x64xf32, #tpu.memory_space<hbm>>
      tpu.enqueue_dma source(%dma_start3A_1451 : memref<632x64xf32, #tpu.memory_space<hbm>>) target(%dma_start3A_1449 : memref<632x64xf32, #tpu.memory_space<vmem_shared>>) target_semaphore(%run_scoped3A_1447 : memref<!tpu.dma_semaphore, #tpu.memory_space<semaphore_mem>>)
      %dma_wait3A_1452 = arith.constant 0 : i32
      %dma_wait3A_1453 = tpu.memref_slice %arg12[%mul3A_0, %dma_wait3A_1452] : memref<10112x64xf32, #tpu.memory_space<vmem_shared>> -> memref<632x64xf32, #tpu.memory_space<vmem_shared>>
      %dma_wait3A_1454 = arith.constant 0 : i32
      %dma_wait3A_1455 = tpu.memref_slice %arg6[%mul3A_0, %dma_wait3A_1454] : memref<10112x64xf32, #tpu.memory_space<hbm>> -> memref<632x64xf32, #tpu.memory_space<hbm>>
      tpu.wait_dma2 semaphore(%run_scoped3A_1447 : memref<!tpu.dma_semaphore, #tpu.memory_space<semaphore_mem>>) src(%dma_wait3A_1455 : memref<632x64xf32, #tpu.memory_space<hbm>>) dst(%dma_wait3A_1453 : memref<632x64xf32, #tpu.memory_space<vmem_shared>>)
      tpu.yield
    }) : () -> ()
    %barrier3A = arith.constant 0 : index
    tpu.barrier barrier_id(%barrier3A)
    %run_scoped3A = arith.constant 0 : i32
    %run_scoped3A_8 = arith.constant 0 : i32
    "tpu.region"() ({
      %run_scoped3A_1447 = tpu.sem_alloc : memref<!tpu.dma_semaphore, #tpu.memory_space<semaphore_mem>>
      %dma_start3A_1448 = arith.constant 0 : i32
      %dma_start3A_1449 = arith.constant 0 : i32
      %dma_start3A_1450 = tpu.memref_slice %arg8[%run_scoped3A_8, %dma_start3A_1448, %dma_start3A_1449] : memref<3x4x64xi32, #tpu.memory_space<vmem>> -> memref<1x4x64xi32, #tpu.memory_space<vmem>>
      %dma_start3A_1451 = tpu.memref_squeeze %dma_start3A_1450 : memref<1x4x64xi32, #tpu.memory_space<vmem>> -> memref<4x64xi32, #tpu.memory_space<vmem>>
      %dma_start3A_1452 = arith.constant 0 : i32
      %dma_start3A_1453 = arith.constant 0 : i32
      %dma_start3A_1454 = arith.constant 0 : i32
      %dma_start3A_1455 = tpu.memref_slice %arg4[%arg1, %dma_start3A_1452, %dma_start3A_1453, %dma_start3A_1454] : memref<16x80x4x64xi32, #tpu.memory_space<hbm>> -> memref<1x80x4x64xi32, #tpu.memory_space<hbm>>
      %dma_start3A_1456 = tpu.memref_squeeze %dma_start3A_1455 : memref<1x80x4x64xi32, #tpu.memory_space<hbm>> -> memref<80x4x64xi32, #tpu.memory_space<hbm>>
      %dma_start3A_1457 = arith.constant 0 : i32
      %dma_start3A_1458 = arith.constant 0 : i32
      %dma_start3A_1459 = tpu.memref_slice %dma_start3A_1456[%run_scoped3A, %dma_start3A_1457, %dma_start3A_1458] : memref<80x4x64xi32, #tpu.memory_space<hbm>> -> memref<1x4x64xi32, #tpu.memory_space<hbm>>
      %dma_start3A_1460 = tpu.memref_squeeze %dma_start3A_1459 : memref<1x4x64xi32, #tpu.memory_space<hbm>> -> memref<4x64xi32, #tpu.memory_space<hbm>>
      %dma_start3A_1461 = arith.constant 0 : i32
      %dma_start3A_1462 = arith.constant 0 : i32
      %dma_start3A_1463 = tpu.memref_slice %arg8[%run_scoped3A_8, %dma_start3A_1461, %dma_start3A_1462] : memref<3x4x64xi32, #tpu.memory_space<vmem>> -> memref<1x4x64xi32, #tpu.memory_space<vmem>>
      %dma_start3A_1464 = tpu.memref_squeeze %dma_start3A_1463 : memref<1x4x64xi32, #tpu.memory_space<vmem>> -> memref<4x64xi32, #tpu.memory_space<vmem>>
      %dma_start3A_1465 = arith.constant 0 : i32
      %dma_start3A_1466 = arith.constant 0 : i32
      %dma_start3A_1467 = arith.constant 0 : i32
      %dma_start3A_1468 = tpu.memref_slice %arg4[%arg1, %dma_start3A_1465, %dma_start3A_1466, %dma_start3A_1467] : memref<16x80x4x64xi32, #tpu.memory_space<hbm>> -> memref<1x80x4x64xi32, #tpu.memory_space<hbm>>
      %dma_start3A_1469 = tpu.memref_squeeze %dma_start3A_1468 : memref<1x80x4x64xi32, #tpu.memory_space<hbm>> -> memref<80x4x64xi32, #tpu.memory_space<hbm>>
      %dma_start3A_1470 = arith.constant 0 : i32
      %dma_start3A_1471 = arith.constant 0 : i32
      %dma_start3A_1472 = tpu.memref_slice %dma_start3A_1469[%run_scoped3A, %dma_start3A_1470, %dma_start3A_1471] : memref<80x4x64xi32, #tpu.memory_space<hbm>> -> memref<1x4x64xi32, #tpu.memory_space<hbm>>
      %dma_start3A_1473 = tpu.memref_squeeze %dma_start3A_1472 : memref<1x4x64xi32, #tpu.memory_space<hbm>> -> memref<4x64xi32, #tpu.memory_space<hbm>>
      tpu.enqueue_dma source(%dma_start3A_1473 : memref<4x64xi32, #tpu.memory_space<hbm>>) target(%dma_start3A_1464 : memref<4x64xi32, #tpu.memory_space<vmem>>) target_semaphore(%run_scoped3A_1447 : memref<!tpu.dma_semaphore, #tpu.memory_space<semaphore_mem>>)
      %dma_wait3A_1474 = arith.constant 0 : i32
      %dma_wait3A_1475 = arith.constant 0 : i32
      %dma_wait3A_1476 = tpu.memref_slice %arg8[%run_scoped3A_8, %dma_wait3A_1474, %dma_wait3A_1475] : memref<3x4x64xi32, #tpu.memory_space<vmem>> -> memref<1x4x64xi32, #tpu.memory_space<vmem>>
      %dma_wait3A_1477 = tpu.memref_squeeze %dma_wait3A_1476 : memref<1x4x64xi32, #tpu.memory_space<vmem>> -> memref<4x64xi32, #tpu.memory_space<vmem>>
      %dma_wait3A_1478 = arith.constant 0 : i32
      %dma_wait3A_1479 = arith.constant 0 : i32
      %dma_wait3A_1480 = arith.constant 0 : i32
      %dma_wait3A_1481 = tpu.memref_slice %arg4[%arg1, %dma_wait3A_1478, %dma_wait3A_1479, %dma_wait3A_1480] : memref<16x80x4x64xi32, #tpu.memory_space<hbm>> -> memref<1x80x4x64xi32, #tpu.memory_space<hbm>>
      %dma_wait3A_1482 = tpu.memref_squeeze %dma_wait3A_1481 : memref<1x80x4x64xi32, #tpu.memory_space<hbm>> -> memref<80x4x64xi32, #tpu.memory_space<hbm>>
      %dma_wait3A_1483 = arith.constant 0 : i32
      %dma_wait3A_1484 = arith.constant 0 : i32
      %dma_wait3A_1485 = tpu.memref_slice %dma_wait3A_1482[%run_scoped3A, %dma_wait3A_1483, %dma_wait3A_1484] : memref<80x4x64xi32, #tpu.memory_space<hbm>> -> memref<1x4x64xi32, #tpu.memory_space<hbm>>
      %dma_wait3A_1486 = tpu.memref_squeeze %dma_wait3A_1485 : memref<1x4x64xi32, #tpu.memory_space<hbm>> -> memref<4x64xi32, #tpu.memory_space<hbm>>
      %dma_wait3A_1487 = arith.constant 0 : i32
      %dma_wait3A_1488 = arith.constant 0 : i32
      %dma_wait3A_1489 = tpu.memref_slice %arg8[%run_scoped3A_8, %dma_wait3A_1487, %dma_wait3A_1488] : memref<3x4x64xi32, #tpu.memory_space<vmem>> -> memref<1x4x64xi32, #tpu.memory_space<vmem>>
      %dma_wait3A_1490 = tpu.memref_squeeze %dma_wait3A_1489 : memref<1x4x64xi32, #tpu.memory_space<vmem>> -> memref<4x64xi32, #tpu.memory_space<vmem>>
      %dma_wait3A_1491 = arith.constant 0 : i32
      %dma_wait3A_1492 = arith.constant 0 : i32
      %dma_wait3A_1493 = arith.constant 0 : i32
      %dma_wait3A_1494 = tpu.memref_slice %arg4[%arg1, %dma_wait3A_1491, %dma_wait3A_1492, %dma_wait3A_1493] : memref<16x80x4x64xi32, #tpu.memory_space<hbm>> -> memref<1x80x4x64xi32, #tpu.memory_space<hbm>>
      %dma_wait3A_1495 = tpu.memref_squeeze %dma_wait3A_1494 : memref<1x80x4x64xi32, #tpu.memory_space<hbm>> -> memref<80x4x64xi32, #tpu.memory_space<hbm>>
      %dma_wait3A_1496 = arith.constant 0 : i32
      %dma_wait3A_1497 = arith.constant 0 : i32
      %dma_wait3A_1498 = tpu.memref_slice %dma_wait3A_1495[%run_scoped3A, %dma_wait3A_1496, %dma_wait3A_1497] : memref<80x4x64xi32, #tpu.memory_space<hbm>> -> memref<1x4x64xi32, #tpu.memory_space<hbm>>
      %dma_wait3A_1499 = tpu.memref_squeeze %dma_wait3A_1498 : memref<1x4x64xi32, #tpu.memory_space<hbm>> -> memref<4x64xi32, #tpu.memory_space<hbm>>
      tpu.wait_dma2 semaphore(%run_scoped3A_1447 : memref<!tpu.dma_semaphore, #tpu.memory_space<semaphore_mem>>) src(%dma_wait3A_1499 : memref<4x64xi32, #tpu.memory_space<hbm>>) dst(%dma_wait3A_1490 : memref<4x64xi32, #tpu.memory_space<vmem>>)
      tpu.yield
    }) : () -> ()
    %run_scoped3A_9 = arith.constant 0 : i32
    %run_scoped3A_10 = arith.constant 0 : i32
    "tpu.region"() ({
      %run_scoped3A_1447 = tpu.sem_alloc : memref<!tpu.dma_semaphore, #tpu.memory_space<semaphore_mem>>
      %dma_start3A_1448 = arith.constant 0 : i32
      %dma_start3A_1449 = arith.constant 0 : i32
      %dma_start3A_1450 = tpu.memref_slice %arg9[%run_scoped3A_10, %dma_start3A_1448, %dma_start3A_1449] : memref<3x4x64xi32, #tpu.memory_space<vmem>> -> memref<1x4x64xi32, #tpu.memory_space<vmem>>
      %dma_start3A_1451 = tpu.memref_squeeze %dma_start3A_1450 : memref<1x4x64xi32, #tpu.memory_space<vmem>> -> memref<4x64xi32, #tpu.memory_space<vmem>>
      %dma_start3A_1452 = arith.constant 0 : i32
      %dma_start3A_1453 = arith.constant 0 : i32
      %dma_start3A_1454 = arith.constant 0 : i32
      %dma_start3A_1455 = tpu.memref_slice %arg5[%arg1, %dma_start3A_1452, %dma_start3A_1453, %dma_start3A_1454] : memref<16x80x4x64xi32, #tpu.memory_space<hbm>> -> memref<1x80x4x64xi32, #tpu.memory_space<hbm>>
      %dma_start3A_1456 = tpu.memref_squeeze %dma_start3A_1455 : memref<1x80x4x64xi32, #tpu.memory_space<hbm>> -> memref<80x4x64xi32, #tpu.memory_space<hbm>>
      %dma_start3A_1457 = arith.constant 0 : i32
      %dma_start3A_1458 = arith.constant 0 : i32
      %dma_start3A_1459 = tpu.memref_slice %dma_start3A_1456[%run_scoped3A_9, %dma_start3A_1457, %dma_start3A_1458] : memref<80x4x64xi32, #tpu.memory_space<hbm>> -> memref<1x4x64xi32, #tpu.memory_space<hbm>>
      %dma_start3A_1460 = tpu.memref_squeeze %dma_start3A_1459 : memref<1x4x64xi32, #tpu.memory_space<hbm>> -> memref<4x64xi32, #tpu.memory_space<hbm>>
      %dma_start3A_1461 = arith.constant 0 : i32
      %dma_start3A_1462 = arith.constant 0 : i32
      %dma_start3A_1463 = tpu.memref_slice %arg9[%run_scoped3A_10, %dma_start3A_1461, %dma_start3A_1462] : memref<3x4x64xi32, #tpu.memory_space<vmem>> -> memref<1x4x64xi32, #tpu.memory_space<vmem>>
      %dma_start3A_1464 = tpu.memref_squeeze %dma_start3A_1463 : memref<1x4x64xi32, #tpu.memory_space<vmem>> -> memref<4x64xi32, #tpu.memory_space<vmem>>
      %dma_start3A_1465 = arith.constant 0 : i32
      %dma_start3A_1466 = arith.constant 0 : i32
      %dma_start3A_1467 = arith.constant 0 : i32
      %dma_start3A_1468 = tpu.memref_slice %arg5[%arg1, %dma_start3A_1465, %dma_start3A_1466, %dma_start3A_1467] : memref<16x80x4x64xi32, #tpu.memory_space<hbm>> -> memref<1x80x4x64xi32, #tpu.memory_space<hbm>>
      %dma_start3A_1469 = tpu.memref_squeeze %dma_start3A_1468 : memref<1x80x4x64xi32, #tpu.memory_space<hbm>> -> memref<80x4x64xi32, #tpu.memory_space<hbm>>
      %dma_start3A_1470 = arith.constant 0 : i32
      %dma_start3A_1471 = arith.constant 0 : i32
      %dma_start3A_1472 = tpu.memref_slice %dma_start3A_1469[%run_scoped3A_9, %dma_start3A_1470, %dma_start3A_1471] : memref<80x4x64xi32, #tpu.memory_space<hbm>> -> memref<1x4x64xi32, #tpu.memory_space<hbm>>
      %dma_start3A_1473 = tpu.memref_squeeze %dma_start3A_1472 : memref<1x4x64xi32, #tpu.memory_space<hbm>> -> memref<4x64xi32, #tpu.memory_space<hbm>>
      tpu.enqueue_dma source(%dma_start3A_1473 : memref<4x64xi32, #tpu.memory_space<hbm>>) target(%dma_start3A_1464 : memref<4x64xi32, #tpu.memory_space<vmem>>) target_semaphore(%run_scoped3A_1447 : memref<!tpu.dma_semaphore, #tpu.memory_space<semaphore_mem>>)
      %dma_wait3A_1474 = arith.constant 0 : i32
      %dma_wait3A_1475 = arith.constant 0 : i32
      %dma_wait3A_1476 = tpu.memref_slice %arg9[%run_scoped3A_10, %dma_wait3A_1474, %dma_wait3A_1475] : memref<3x4x64xi32, #tpu.memory_space<vmem>> -> memref<1x4x64xi32, #tpu.memory_space<vmem>>
      %dma_wait3A_1477 = tpu.memref_squeeze %dma_wait3A_1476 : memref<1x4x64xi32, #tpu.memory_space<vmem>> -> memref<4x64xi32, #tpu.memory_space<vmem>>
      %dma_wait3A_1478 = arith.constant 0 : i32
      %dma_wait3A_1479 = arith.constant 0 : i32
      %dma_wait3A_1480 = arith.constant 0 : i32
      %dma_wait3A_1481 = tpu.memref_slice %arg5[%arg1, %dma_wait3A_1478, %dma_wait3A_1479, %dma_wait3A_1480] : memref<16x80x4x64xi32, #tpu.memory_space<hbm>> -> memref<1x80x4x64xi32, #tpu.memory_space<hbm>>
      %dma_wait3A_1482 = tpu.memref_squeeze %dma_wait3A_1481 : memref<1x80x4x64xi32, #tpu.memory_space<hbm>> -> memref<80x4x64xi32, #tpu.memory_space<hbm>>
      %dma_wait3A_1483 = arith.constant 0 : i32
      %dma_wait3A_1484 = arith.constant 0 : i32
      %dma_wait3A_1485 = tpu.memref_slice %dma_wait3A_1482[%run_scoped3A_9, %dma_wait3A_1483, %dma_wait3A_1484] : memref<80x4x64xi32, #tpu.memory_space<hbm>> -> memref<1x4x64xi32, #tpu.memory_space<hbm>>
      %dma_wait3A_1486 = tpu.memref_squeeze %dma_wait3A_1485 : memref<1x4x64xi32, #tpu.memory_space<hbm>> -> memref<4x64xi32, #tpu.memory_space<hbm>>
      %dma_wait3A_1487 = arith.constant 0 : i32
      %dma_wait3A_1488 = arith.constant 0 : i32
      %dma_wait3A_1489 = tpu.memref_slice %arg9[%run_scoped3A_10, %dma_wait3A_1487, %dma_wait3A_1488] : memref<3x4x64xi32, #tpu.memory_space<vmem>> -> memref<1x4x64xi32, #tpu.memory_space<vmem>>
      %dma_wait3A_1490 = tpu.memref_squeeze %dma_wait3A_1489 : memref<1x4x64xi32, #tpu.memory_space<vmem>> -> memref<4x64xi32, #tpu.memory_space<vmem>>
      %dma_wait3A_1491 = arith.constant 0 : i32
      %dma_wait3A_1492 = arith.constant 0 : i32
      %dma_wait3A_1493 = arith.constant 0 : i32
      %dma_wait3A_1494 = tpu.memref_slice %arg5[%arg1, %dma_wait3A_1491, %dma_wait3A_1492, %dma_wait3A_1493] : memref<16x80x4x64xi32, #tpu.memory_space<hbm>> -> memref<1x80x4x64xi32, #tpu.memory_space<hbm>>
      %dma_wait3A_1495 = tpu.memref_squeeze %dma_wait3A_1494 : memref<1x80x4x64xi32, #tpu.memory_space<hbm>> -> memref<80x4x64xi32, #tpu.memory_space<hbm>>
      %dma_wait3A_1496 = arith.constant 0 : i32
      %dma_wait3A_1497 = arith.constant 0 : i32
      %dma_wait3A_1498 = tpu.memref_slice %dma_wait3A_1495[%run_scoped3A_9, %dma_wait3A_1496, %dma_wait3A_1497] : memref<80x4x64xi32, #tpu.memory_space<hbm>> -> memref<1x4x64xi32, #tpu.memory_space<hbm>>
      %dma_wait3A_1499 = tpu.memref_squeeze %dma_wait3A_1498 : memref<1x4x64xi32, #tpu.memory_space<hbm>> -> memref<4x64xi32, #tpu.memory_space<hbm>>
      tpu.wait_dma2 semaphore(%run_scoped3A_1447 : memref<!tpu.dma_semaphore, #tpu.memory_space<semaphore_mem>>) src(%dma_wait3A_1499 : memref<4x64xi32, #tpu.memory_space<hbm>>) dst(%dma_wait3A_1490 : memref<4x64xi32, #tpu.memory_space<vmem>>)
      tpu.yield
    }) : () -> ()
    %dma_start3A = arith.constant 1 : i32
    %dma_start3A_11 = arith.constant 1 : i32
    %dma_start3A_12 = arith.constant 0 : i32
    %dma_start3A_13 = arith.constant 0 : i32
    %dma_start3A_14 = tpu.memref_slice %arg8[%dma_start3A_11, %dma_start3A_12, %dma_start3A_13] : memref<3x4x64xi32, #tpu.memory_space<vmem>> -> memref<1x4x64xi32, #tpu.memory_space<vmem>>
    %dma_start3A_15 = tpu.memref_squeeze %dma_start3A_14 : memref<1x4x64xi32, #tpu.memory_space<vmem>> -> memref<4x64xi32, #tpu.memory_space<vmem>>
    %dma_start3A_16 = arith.constant 0 : i32
    %dma_start3A_17 = arith.constant 0 : i32
    %dma_start3A_18 = arith.constant 0 : i32
    %dma_start3A_19 = tpu.memref_slice %arg4[%arg1, %dma_start3A_16, %dma_start3A_17, %dma_start3A_18] : memref<16x80x4x64xi32, #tpu.memory_space<hbm>> -> memref<1x80x4x64xi32, #tpu.memory_space<hbm>>
    %dma_start3A_20 = tpu.memref_squeeze %dma_start3A_19 : memref<1x80x4x64xi32, #tpu.memory_space<hbm>> -> memref<80x4x64xi32, #tpu.memory_space<hbm>>
    %dma_start3A_21 = arith.constant 0 : i32
    %dma_start3A_22 = arith.constant 0 : i32
    %dma_start3A_23 = tpu.memref_slice %dma_start3A_20[%dma_start3A, %dma_start3A_21, %dma_start3A_22] : memref<80x4x64xi32, #tpu.memory_space<hbm>> -> memref<1x4x64xi32, #tpu.memory_space<hbm>>
    %dma_start3A_24 = tpu.memref_squeeze %dma_start3A_23 : memref<1x4x64xi32, #tpu.memory_space<hbm>> -> memref<4x64xi32, #tpu.memory_space<hbm>>
    %dma_start3A_25 = arith.constant 0 : i32
    %dma_start3A_26 = arith.constant 0 : i32
    %dma_start3A_27 = tpu.memref_slice %arg8[%dma_start3A_11, %dma_start3A_25, %dma_start3A_26] : memref<3x4x64xi32, #tpu.memory_space<vmem>> -> memref<1x4x64xi32, #tpu.memory_space<vmem>>
    %dma_start3A_28 = tpu.memref_squeeze %dma_start3A_27 : memref<1x4x64xi32, #tpu.memory_space<vmem>> -> memref<4x64xi32, #tpu.memory_space<vmem>>
    %dma_start3A_29 = arith.constant 0 : i32
    %dma_start3A_30 = arith.constant 0 : i32
    %dma_start3A_31 = arith.constant 0 : i32
    %dma_start3A_32 = tpu.memref_slice %arg4[%arg1, %dma_start3A_29, %dma_start3A_30, %dma_start3A_31] : memref<16x80x4x64xi32, #tpu.memory_space<hbm>> -> memref<1x80x4x64xi32, #tpu.memory_space<hbm>>
    %dma_start3A_33 = tpu.memref_squeeze %dma_start3A_32 : memref<1x80x4x64xi32, #tpu.memory_space<hbm>> -> memref<80x4x64xi32, #tpu.memory_space<hbm>>
    %dma_start3A_34 = arith.constant 0 : i32
    %dma_start3A_35 = arith.constant 0 : i32
    %dma_start3A_36 = tpu.memref_slice %dma_start3A_33[%dma_start3A, %dma_start3A_34, %dma_start3A_35] : memref<80x4x64xi32, #tpu.memory_space<hbm>> -> memref<1x4x64xi32, #tpu.memory_space<hbm>>
    %dma_start3A_37 = tpu.memref_squeeze %dma_start3A_36 : memref<1x4x64xi32, #tpu.memory_space<hbm>> -> memref<4x64xi32, #tpu.memory_space<hbm>>
    tpu.enqueue_dma source(%dma_start3A_37 : memref<4x64xi32, #tpu.memory_space<hbm>>) target(%dma_start3A_28 : memref<4x64xi32, #tpu.memory_space<vmem>>) target_semaphore(%arg15 : memref<!tpu.dma_semaphore, #tpu.memory_space<semaphore_mem>>)
    %dma_start3A_38 = arith.constant 1 : i32
    %dma_start3A_39 = arith.constant 1 : i32
    %dma_start3A_40 = arith.constant 0 : i32
    %dma_start3A_41 = arith.constant 0 : i32
    %dma_start3A_42 = tpu.memref_slice %arg9[%dma_start3A_39, %dma_start3A_40, %dma_start3A_41] : memref<3x4x64xi32, #tpu.memory_space<vmem>> -> memref<1x4x64xi32, #tpu.memory_space<vmem>>
    %dma_start3A_43 = tpu.memref_squeeze %dma_start3A_42 : memref<1x4x64xi32, #tpu.memory_space<vmem>> -> memref<4x64xi32, #tpu.memory_space<vmem>>
    %dma_start3A_44 = arith.constant 0 : i32
    %dma_start3A_45 = arith.constant 0 : i32
    %dma_start3A_46 = arith.constant 0 : i32
    %dma_start3A_47 = tpu.memref_slice %arg5[%arg1, %dma_start3A_44, %dma_start3A_45, %dma_start3A_46] : memref<16x80x4x64xi32, #tpu.memory_space<hbm>> -> memref<1x80x4x64xi32, #tpu.memory_space<hbm>>
    %dma_start3A_48 = tpu.memref_squeeze %dma_start3A_47 : memref<1x80x4x64xi32, #tpu.memory_space<hbm>> -> memref<80x4x64xi32, #tpu.memory_space<hbm>>
    %dma_start3A_49 = arith.constant 0 : i32
    %dma_start3A_50 = arith.constant 0 : i32
    %dma_start3A_51 = tpu.memref_slice %dma_start3A_48[%dma_start3A_38, %dma_start3A_49, %dma_start3A_50] : memref<80x4x64xi32, #tpu.memory_space<hbm>> -> memref<1x4x64xi32, #tpu.memory_space<hbm>>
    %dma_start3A_52 = tpu.memref_squeeze %dma_start3A_51 : memref<1x4x64xi32, #tpu.memory_space<hbm>> -> memref<4x64xi32, #tpu.memory_space<hbm>>
    %dma_start3A_53 = arith.constant 0 : i32
    %dma_start3A_54 = arith.constant 0 : i32
    %dma_start3A_55 = tpu.memref_slice %arg9[%dma_start3A_39, %dma_start3A_53, %dma_start3A_54] : memref<3x4x64xi32, #tpu.memory_space<vmem>> -> memref<1x4x64xi32, #tpu.memory_space<vmem>>
    %dma_start3A_56 = tpu.memref_squeeze %dma_start3A_55 : memref<1x4x64xi32, #tpu.memory_space<vmem>> -> memref<4x64xi32, #tpu.memory_space<vmem>>
    %dma_start3A_57 = arith.constant 0 : i32
    %dma_start3A_58 = arith.constant 0 : i32
    %dma_start3A_59 = arith.constant 0 : i32
    %dma_start3A_60 = tpu.memref_slice %arg5[%arg1, %dma_start3A_57, %dma_start3A_58, %dma_start3A_59] : memref<16x80x4x64xi32, #tpu.memory_space<hbm>> -> memref<1x80x4x64xi32, #tpu.memory_space<hbm>>
    %dma_start3A_61 = tpu.memref_squeeze %dma_start3A_60 : memref<1x80x4x64xi32, #tpu.memory_space<hbm>> -> memref<80x4x64xi32, #tpu.memory_space<hbm>>
    %dma_start3A_62 = arith.constant 0 : i32
    %dma_start3A_63 = arith.constant 0 : i32
    %dma_start3A_64 = tpu.memref_slice %dma_start3A_61[%dma_start3A_38, %dma_start3A_62, %dma_start3A_63] : memref<80x4x64xi32, #tpu.memory_space<hbm>> -> memref<1x4x64xi32, #tpu.memory_space<hbm>>
    %dma_start3A_65 = tpu.memref_squeeze %dma_start3A_64 : memref<1x4x64xi32, #tpu.memory_space<hbm>> -> memref<4x64xi32, #tpu.memory_space<hbm>>
    tpu.enqueue_dma source(%dma_start3A_65 : memref<4x64xi32, #tpu.memory_space<hbm>>) target(%dma_start3A_56 : memref<4x64xi32, #tpu.memory_space<vmem>>) target_semaphore(%arg15 : memref<!tpu.dma_semaphore, #tpu.memory_space<semaphore_mem>>)
    %dma_start3A_66 = arith.constant 0 : i32
    %dma_start3A_67 = arith.constant 0 : i32
    %dma_start3A_68 = arith.constant 0 : i32
    %dma_start3A_69 = arith.constant 0 : i32
    %dma_start3A_70 = arith.constant 0 : i32
    %dma_start3A_71 = arith.constant 0 : i32
    %dma_start3A_72 = tpu.memref_slice %arg10[%dma_start3A_68, %dma_start3A_70, %dma_start3A_71] : memref<8x64x64xf32, #tpu.memory_space<vmem>> -> memref<1x64x64xf32, #tpu.memory_space<vmem>>
    %dma_start3A_73 = tpu.memref_squeeze %dma_start3A_72 : memref<1x64x64xf32, #tpu.memory_space<vmem>> -> memref<64x64xf32, #tpu.memory_space<vmem>>
    %dma_start3A_74 = arith.constant 0 : i32
    %dma_start3A_75 = arith.constant 0 : i32
    %dma_start3A_76 = tpu.memref_slice %arg8[%dma_start3A_66, %dma_start3A_74, %dma_start3A_75] : memref<3x4x64xi32, #tpu.memory_space<vmem>> -> memref<1x4x64xi32, #tpu.memory_space<vmem>>
    %dma_start3A_77 = tpu.memref_squeeze %dma_start3A_76 : memref<1x4x64xi32, #tpu.memory_space<vmem>> -> memref<4x64xi32, #tpu.memory_space<vmem>>
    %dma_start3A_78 = arith.constant 0 : i32
    %dma_start3A_79 = tpu.memref_slice %dma_start3A_77[%dma_start3A_67, %dma_start3A_78] : memref<4x64xi32, #tpu.memory_space<vmem>> -> memref<1x64xi32, #tpu.memory_space<vmem>>
    %dma_start3A_80 = tpu.memref_squeeze %dma_start3A_79 : memref<1x64xi32, #tpu.memory_space<vmem>> -> memref<64xi32, #tpu.memory_space<vmem>>
    %dma_start3A_81 = arith.constant 0 : i32
    %dma_start3A_82 = arith.constant 0 : i32
    %dma_start3A_83 = tpu.memref_slice %arg11[%dma_start3A_81, %dma_start3A_82] : memref<10112x64xf32, #tpu.memory_space<vmem_shared>> -> memref<10112x64xf32, #tpu.memory_space<vmem_shared>>
    %dma_start3A_84 = tpu.memref_slice %arg13[%dma_start3A_69] : memref<8x!tpu.dma_semaphore, #tpu.memory_space<semaphore_mem>> -> memref<1x!tpu.dma_semaphore, #tpu.memory_space<semaphore_mem>>
    %dma_start3A_85 = tpu.memref_squeeze %dma_start3A_84 : memref<1x!tpu.dma_semaphore, #tpu.memory_space<semaphore_mem>> -> memref<!tpu.dma_semaphore, #tpu.memory_space<semaphore_mem>>
    tpu.enqueue_indirect_dma source(%dma_start3A_83 : memref<10112x64xf32, #tpu.memory_space<vmem_shared>>) target(%dma_start3A_73 : memref<64x64xf32, #tpu.memory_space<vmem>>) offsets(%dma_start3A_80 : memref<64xi32, #tpu.memory_space<vmem>>) semaphore(%dma_start3A_85 : memref<!tpu.dma_semaphore, #tpu.memory_space<semaphore_mem>>)
    %dma_start3A_86 = arith.constant 0 : i32
    %dma_start3A_87 = arith.constant 1 : i32
    %dma_start3A_88 = arith.constant 1 : i32
    %dma_start3A_89 = arith.constant 1 : i32
    %dma_start3A_90 = arith.constant 0 : i32
    %dma_start3A_91 = arith.constant 0 : i32
    %dma_start3A_92 = tpu.memref_slice %arg10[%dma_start3A_88, %dma_start3A_90, %dma_start3A_91] : memref<8x64x64xf32, #tpu.memory_space<vmem>> -> memref<1x64x64xf32, #tpu.memory_space<vmem>>
    %dma_start3A_93 = tpu.memref_squeeze %dma_start3A_92 : memref<1x64x64xf32, #tpu.memory_space<vmem>> -> memref<64x64xf32, #tpu.memory_space<vmem>>
    %dma_start3A_94 = arith.constant 0 : i32
    %dma_start3A_95 = arith.constant 0 : i32
    %dma_start3A_96 = tpu.memref_slice %arg8[%dma_start3A_86, %dma_start3A_94, %dma_start3A_95] : memref<3x4x64xi32, #tpu.memory_space<vmem>> -> memref<1x4x64xi32, #tpu.memory_space<vmem>>
    %dma_start3A_97 = tpu.memref_squeeze %dma_start3A_96 : memref<1x4x64xi32, #tpu.memory_space<vmem>> -> memref<4x64xi32, #tpu.memory_space<vmem>>
    %dma_start3A_98 = arith.constant 0 : i32
    %dma_start3A_99 = tpu.memref_slice %dma_start3A_97[%dma_start3A_87, %dma_start3A_98] : memref<4x64xi32, #tpu.memory_space<vmem>> -> memref<1x64xi32, #tpu.memory_space<vmem>>
    %dma_start3A_100 = tpu.memref_squeeze %dma_start3A_99 : memref<1x64xi32, #tpu.memory_space<vmem>> -> memref<64xi32, #tpu.memory_space<vmem>>
    %dma_start3A_101 = arith.constant 0 : i32
    %dma_start3A_102 = arith.constant 0 : i32
    %dma_start3A_103 = tpu.memref_slice %arg11[%dma_start3A_101, %dma_start3A_102] : memref<10112x64xf32, #tpu.memory_space<vmem_shared>> -> memref<10112x64xf32, #tpu.memory_space<vmem_shared>>
    %dma_start3A_104 = tpu.memref_slice %arg13[%dma_start3A_89] : memref<8x!tpu.dma_semaphore, #tpu.memory_space<semaphore_mem>> -> memref<1x!tpu.dma_semaphore, #tpu.memory_space<semaphore_mem>>
    %dma_start3A_105 = tpu.memref_squeeze %dma_start3A_104 : memref<1x!tpu.dma_semaphore, #tpu.memory_space<semaphore_mem>> -> memref<!tpu.dma_semaphore, #tpu.memory_space<semaphore_mem>>
    tpu.enqueue_indirect_dma source(%dma_start3A_103 : memref<10112x64xf32, #tpu.memory_space<vmem_shared>>) target(%dma_start3A_93 : memref<64x64xf32, #tpu.memory_space<vmem>>) offsets(%dma_start3A_100 : memref<64xi32, #tpu.memory_space<vmem>>) semaphore(%dma_start3A_105 : memref<!tpu.dma_semaphore, #tpu.memory_space<semaphore_mem>>)
    %dma_start3A_106 = arith.constant 0 : i32
    %dma_start3A_107 = arith.constant 2 : i32
    %dma_start3A_108 = arith.constant 2 : i32
    %dma_start3A_109 = arith.constant 2 : i32
    %dma_start3A_110 = arith.constant 0 : i32
    %dma_start3A_111 = arith.constant 0 : i32
    %dma_start3A_112 = tpu.memref_slice %arg10[%dma_start3A_108, %dma_start3A_110, %dma_start3A_111] : memref<8x64x64xf32, #tpu.memory_space<vmem>> -> memref<1x64x64xf32, #tpu.memory_space<vmem>>
    %dma_start3A_113 = tpu.memref_squeeze %dma_start3A_112 : memref<1x64x64xf32, #tpu.memory_space<vmem>> -> memref<64x64xf32, #tpu.memory_space<vmem>>
    %dma_start3A_114 = arith.constant 0 : i32
    %dma_start3A_115 = arith.constant 0 : i32
    %dma_start3A_116 = tpu.memref_slice %arg8[%dma_start3A_106, %dma_start3A_114, %dma_start3A_115] : memref<3x4x64xi32, #tpu.memory_space<vmem>> -> memref<1x4x64xi32, #tpu.memory_space<vmem>>
    %dma_start3A_117 = tpu.memref_squeeze %dma_start3A_116 : memref<1x4x64xi32, #tpu.memory_space<vmem>> -> memref<4x64xi32, #tpu.memory_space<vmem>>
    %dma_start3A_118 = arith.constant 0 : i32
    %dma_start3A_119 = tpu.memref_slice %dma_start3A_117[%dma_start3A_107, %dma_start3A_118] : memref<4x64xi32, #tpu.memory_space<vmem>> -> memref<1x64xi32, #tpu.memory_space<vmem>>
    %dma_start3A_120 = tpu.memref_squeeze %dma_start3A_119 : memref<1x64xi32, #tpu.memory_space<vmem>> -> memref<64xi32, #tpu.memory_space<vmem>>
    %dma_start3A_121 = arith.constant 0 : i32
    %dma_start3A_122 = arith.constant 0 : i32
    %dma_start3A_123 = tpu.memref_slice %arg11[%dma_start3A_121, %dma_start3A_122] : memref<10112x64xf32, #tpu.memory_space<vmem_shared>> -> memref<10112x64xf32, #tpu.memory_space<vmem_shared>>
    %dma_start3A_124 = tpu.memref_slice %arg13[%dma_start3A_109] : memref<8x!tpu.dma_semaphore, #tpu.memory_space<semaphore_mem>> -> memref<1x!tpu.dma_semaphore, #tpu.memory_space<semaphore_mem>>
    %dma_start3A_125 = tpu.memref_squeeze %dma_start3A_124 : memref<1x!tpu.dma_semaphore, #tpu.memory_space<semaphore_mem>> -> memref<!tpu.dma_semaphore, #tpu.memory_space<semaphore_mem>>
    tpu.enqueue_indirect_dma source(%dma_start3A_123 : memref<10112x64xf32, #tpu.memory_space<vmem_shared>>) target(%dma_start3A_113 : memref<64x64xf32, #tpu.memory_space<vmem>>) offsets(%dma_start3A_120 : memref<64xi32, #tpu.memory_space<vmem>>) semaphore(%dma_start3A_125 : memref<!tpu.dma_semaphore, #tpu.memory_space<semaphore_mem>>)
    %dma_start3A_126 = arith.constant 0 : i32
    %dma_start3A_127 = arith.constant 3 : i32
    %dma_start3A_128 = arith.constant 3 : i32
    %dma_start3A_129 = arith.constant 3 : i32
    %dma_start3A_130 = arith.constant 0 : i32
    %dma_start3A_131 = arith.constant 0 : i32
    %dma_start3A_132 = tpu.memref_slice %arg10[%dma_start3A_128, %dma_start3A_130, %dma_start3A_131] : memref<8x64x64xf32, #tpu.memory_space<vmem>> -> memref<1x64x64xf32, #tpu.memory_space<vmem>>
    %dma_start3A_133 = tpu.memref_squeeze %dma_start3A_132 : memref<1x64x64xf32, #tpu.memory_space<vmem>> -> memref<64x64xf32, #tpu.memory_space<vmem>>
    %dma_start3A_134 = arith.constant 0 : i32
    %dma_start3A_135 = arith.constant 0 : i32
    %dma_start3A_136 = tpu.memref_slice %arg8[%dma_start3A_126, %dma_start3A_134, %dma_start3A_135] : memref<3x4x64xi32, #tpu.memory_space<vmem>> -> memref<1x4x64xi32, #tpu.memory_space<vmem>>
    %dma_start3A_137 = tpu.memref_squeeze %dma_start3A_136 : memref<1x4x64xi32, #tpu.memory_space<vmem>> -> memref<4x64xi32, #tpu.memory_space<vmem>>
    %dma_start3A_138 = arith.constant 0 : i32
    %dma_start3A_139 = tpu.memref_slice %dma_start3A_137[%dma_start3A_127, %dma_start3A_138] : memref<4x64xi32, #tpu.memory_space<vmem>> -> memref<1x64xi32, #tpu.memory_space<vmem>>
    %dma_start3A_140 = tpu.memref_squeeze %dma_start3A_139 : memref<1x64xi32, #tpu.memory_space<vmem>> -> memref<64xi32, #tpu.memory_space<vmem>>
    %dma_start3A_141 = arith.constant 0 : i32
    %dma_start3A_142 = arith.constant 0 : i32
    %dma_start3A_143 = tpu.memref_slice %arg11[%dma_start3A_141, %dma_start3A_142] : memref<10112x64xf32, #tpu.memory_space<vmem_shared>> -> memref<10112x64xf32, #tpu.memory_space<vmem_shared>>
    %dma_start3A_144 = tpu.memref_slice %arg13[%dma_start3A_129] : memref<8x!tpu.dma_semaphore, #tpu.memory_space<semaphore_mem>> -> memref<1x!tpu.dma_semaphore, #tpu.memory_space<semaphore_mem>>
    %dma_start3A_145 = tpu.memref_squeeze %dma_start3A_144 : memref<1x!tpu.dma_semaphore, #tpu.memory_space<semaphore_mem>> -> memref<!tpu.dma_semaphore, #tpu.memory_space<semaphore_mem>>
    tpu.enqueue_indirect_dma source(%dma_start3A_143 : memref<10112x64xf32, #tpu.memory_space<vmem_shared>>) target(%dma_start3A_133 : memref<64x64xf32, #tpu.memory_space<vmem>>) offsets(%dma_start3A_140 : memref<64xi32, #tpu.memory_space<vmem>>) semaphore(%dma_start3A_145 : memref<!tpu.dma_semaphore, #tpu.memory_space<semaphore_mem>>)
    %dma_wait3A = arith.constant 0 : i32
    %dma_wait3A_146 = arith.constant 0 : i32
    %dma_wait3A_147 = arith.constant 0 : i32
    %dma_wait3A_148 = arith.constant 0 : i32
    %dma_wait3A_149 = tpu.memref_slice %arg8[%dma_wait3A_146, %dma_wait3A_147, %dma_wait3A_148] : memref<3x4x64xi32, #tpu.memory_space<vmem>> -> memref<1x4x64xi32, #tpu.memory_space<vmem>>
    %dma_wait3A_150 = tpu.memref_squeeze %dma_wait3A_149 : memref<1x4x64xi32, #tpu.memory_space<vmem>> -> memref<4x64xi32, #tpu.memory_space<vmem>>
    %dma_wait3A_151 = arith.constant 0 : i32
    %dma_wait3A_152 = arith.constant 0 : i32
    %dma_wait3A_153 = arith.constant 0 : i32
    %dma_wait3A_154 = tpu.memref_slice %arg4[%arg1, %dma_wait3A_151, %dma_wait3A_152, %dma_wait3A_153] : memref<16x80x4x64xi32, #tpu.memory_space<hbm>> -> memref<1x80x4x64xi32, #tpu.memory_space<hbm>>
    %dma_wait3A_155 = tpu.memref_squeeze %dma_wait3A_154 : memref<1x80x4x64xi32, #tpu.memory_space<hbm>> -> memref<80x4x64xi32, #tpu.memory_space<hbm>>
    %dma_wait3A_156 = arith.constant 0 : i32
    %dma_wait3A_157 = arith.constant 0 : i32
    %dma_wait3A_158 = tpu.memref_slice %dma_wait3A_155[%dma_wait3A, %dma_wait3A_156, %dma_wait3A_157] : memref<80x4x64xi32, #tpu.memory_space<hbm>> -> memref<1x4x64xi32, #tpu.memory_space<hbm>>
    %dma_wait3A_159 = tpu.memref_squeeze %dma_wait3A_158 : memref<1x4x64xi32, #tpu.memory_space<hbm>> -> memref<4x64xi32, #tpu.memory_space<hbm>>
    %dma_wait3A_160 = arith.constant 0 : i32
    %dma_wait3A_161 = arith.constant 0 : i32
    %dma_wait3A_162 = tpu.memref_slice %arg8[%dma_wait3A_146, %dma_wait3A_160, %dma_wait3A_161] : memref<3x4x64xi32, #tpu.memory_space<vmem>> -> memref<1x4x64xi32, #tpu.memory_space<vmem>>
    %dma_wait3A_163 = tpu.memref_squeeze %dma_wait3A_162 : memref<1x4x64xi32, #tpu.memory_space<vmem>> -> memref<4x64xi32, #tpu.memory_space<vmem>>
    %dma_wait3A_164 = arith.constant 0 : i32
    %dma_wait3A_165 = arith.constant 0 : i32
    %dma_wait3A_166 = arith.constant 0 : i32
    %dma_wait3A_167 = tpu.memref_slice %arg4[%arg1, %dma_wait3A_164, %dma_wait3A_165, %dma_wait3A_166] : memref<16x80x4x64xi32, #tpu.memory_space<hbm>> -> memref<1x80x4x64xi32, #tpu.memory_space<hbm>>
    %dma_wait3A_168 = tpu.memref_squeeze %dma_wait3A_167 : memref<1x80x4x64xi32, #tpu.memory_space<hbm>> -> memref<80x4x64xi32, #tpu.memory_space<hbm>>
    %dma_wait3A_169 = arith.constant 0 : i32
    %dma_wait3A_170 = arith.constant 0 : i32
    %dma_wait3A_171 = tpu.memref_slice %dma_wait3A_168[%dma_wait3A, %dma_wait3A_169, %dma_wait3A_170] : memref<80x4x64xi32, #tpu.memory_space<hbm>> -> memref<1x4x64xi32, #tpu.memory_space<hbm>>
    %dma_wait3A_172 = tpu.memref_squeeze %dma_wait3A_171 : memref<1x4x64xi32, #tpu.memory_space<hbm>> -> memref<4x64xi32, #tpu.memory_space<hbm>>
    tpu.wait_dma2 semaphore(%arg15 : memref<!tpu.dma_semaphore, #tpu.memory_space<semaphore_mem>>) src(%dma_wait3A_172 : memref<4x64xi32, #tpu.memory_space<hbm>>) dst(%dma_wait3A_163 : memref<4x64xi32, #tpu.memory_space<vmem>>)
    %dma_wait3A_173 = arith.constant 0 : i32
    %dma_wait3A_174 = arith.constant 0 : i32
    %dma_wait3A_175 = arith.constant 0 : i32
    %dma_wait3A_176 = arith.constant 0 : i32
    %dma_wait3A_177 = tpu.memref_slice %arg8[%dma_wait3A_174, %dma_wait3A_175, %dma_wait3A_176] : memref<3x4x64xi32, #tpu.memory_space<vmem>> -> memref<1x4x64xi32, #tpu.memory_space<vmem>>
    %dma_wait3A_178 = tpu.memref_squeeze %dma_wait3A_177 : memref<1x4x64xi32, #tpu.memory_space<vmem>> -> memref<4x64xi32, #tpu.memory_space<vmem>>
    %dma_wait3A_179 = arith.constant 0 : i32
    %dma_wait3A_180 = arith.constant 0 : i32
    %dma_wait3A_181 = arith.constant 0 : i32
    %dma_wait3A_182 = tpu.memref_slice %arg4[%arg1, %dma_wait3A_179, %dma_wait3A_180, %dma_wait3A_181] : memref<16x80x4x64xi32, #tpu.memory_space<hbm>> -> memref<1x80x4x64xi32, #tpu.memory_space<hbm>>
    %dma_wait3A_183 = tpu.memref_squeeze %dma_wait3A_182 : memref<1x80x4x64xi32, #tpu.memory_space<hbm>> -> memref<80x4x64xi32, #tpu.memory_space<hbm>>
    %dma_wait3A_184 = arith.constant 0 : i32
    %dma_wait3A_185 = arith.constant 0 : i32
    %dma_wait3A_186 = tpu.memref_slice %dma_wait3A_183[%dma_wait3A_173, %dma_wait3A_184, %dma_wait3A_185] : memref<80x4x64xi32, #tpu.memory_space<hbm>> -> memref<1x4x64xi32, #tpu.memory_space<hbm>>
    %dma_wait3A_187 = tpu.memref_squeeze %dma_wait3A_186 : memref<1x4x64xi32, #tpu.memory_space<hbm>> -> memref<4x64xi32, #tpu.memory_space<hbm>>
    %dma_wait3A_188 = arith.constant 0 : i32
    %dma_wait3A_189 = arith.constant 0 : i32
    %dma_wait3A_190 = tpu.memref_slice %arg8[%dma_wait3A_174, %dma_wait3A_188, %dma_wait3A_189] : memref<3x4x64xi32, #tpu.memory_space<vmem>> -> memref<1x4x64xi32, #tpu.memory_space<vmem>>
    %dma_wait3A_191 = tpu.memref_squeeze %dma_wait3A_190 : memref<1x4x64xi32, #tpu.memory_space<vmem>> -> memref<4x64xi32, #tpu.memory_space<vmem>>
    %dma_wait3A_192 = arith.constant 0 : i32
    %dma_wait3A_193 = arith.constant 0 : i32
    %dma_wait3A_194 = arith.constant 0 : i32
    %dma_wait3A_195 = tpu.memref_slice %arg4[%arg1, %dma_wait3A_192, %dma_wait3A_193, %dma_wait3A_194] : memref<16x80x4x64xi32, #tpu.memory_space<hbm>> -> memref<1x80x4x64xi32, #tpu.memory_space<hbm>>
    %dma_wait3A_196 = tpu.memref_squeeze %dma_wait3A_195 : memref<1x80x4x64xi32, #tpu.memory_space<hbm>> -> memref<80x4x64xi32, #tpu.memory_space<hbm>>
    %dma_wait3A_197 = arith.constant 0 : i32
    %dma_wait3A_198 = arith.constant 0 : i32
    %dma_wait3A_199 = tpu.memref_slice %dma_wait3A_196[%dma_wait3A_173, %dma_wait3A_197, %dma_wait3A_198] : memref<80x4x64xi32, #tpu.memory_space<hbm>> -> memref<1x4x64xi32, #tpu.memory_space<hbm>>
    %dma_wait3A_200 = tpu.memref_squeeze %dma_wait3A_199 : memref<1x4x64xi32, #tpu.memory_space<hbm>> -> memref<4x64xi32, #tpu.memory_space<hbm>>
    tpu.wait_dma2 semaphore(%arg15 : memref<!tpu.dma_semaphore, #tpu.memory_space<semaphore_mem>>) src(%dma_wait3A_200 : memref<4x64xi32, #tpu.memory_space<hbm>>) dst(%dma_wait3A_191 : memref<4x64xi32, #tpu.memory_space<vmem>>)
    %dma_wait3A_201 = arith.constant 0 : i32
    %dma_wait3A_202 = arith.constant 0 : i32
    %dma_wait3A_203 = arith.constant 0 : i32
    %dma_wait3A_204 = arith.constant 0 : i32
    %dma_wait3A_205 = arith.constant 0 : i32
    %dma_wait3A_206 = arith.constant 0 : i32
    %dma_wait3A_207 = tpu.memref_slice %arg10[%dma_wait3A_203, %dma_wait3A_205, %dma_wait3A_206] : memref<8x64x64xf32, #tpu.memory_space<vmem>> -> memref<1x64x64xf32, #tpu.memory_space<vmem>>
    %dma_wait3A_208 = tpu.memref_squeeze %dma_wait3A_207 : memref<1x64x64xf32, #tpu.memory_space<vmem>> -> memref<64x64xf32, #tpu.memory_space<vmem>>
    %dma_wait3A_209 = arith.constant 0 : i32
    %dma_wait3A_210 = arith.constant 0 : i32
    %dma_wait3A_211 = tpu.memref_slice %arg8[%dma_wait3A_201, %dma_wait3A_209, %dma_wait3A_210] : memref<3x4x64xi32, #tpu.memory_space<vmem>> -> memref<1x4x64xi32, #tpu.memory_space<vmem>>
    %dma_wait3A_212 = tpu.memref_squeeze %dma_wait3A_211 : memref<1x4x64xi32, #tpu.memory_space<vmem>> -> memref<4x64xi32, #tpu.memory_space<vmem>>
    %dma_wait3A_213 = arith.constant 0 : i32
    %dma_wait3A_214 = tpu.memref_slice %dma_wait3A_212[%dma_wait3A_202, %dma_wait3A_213] : memref<4x64xi32, #tpu.memory_space<vmem>> -> memref<1x64xi32, #tpu.memory_space<vmem>>
    %dma_wait3A_215 = tpu.memref_squeeze %dma_wait3A_214 : memref<1x64xi32, #tpu.memory_space<vmem>> -> memref<64xi32, #tpu.memory_space<vmem>>
    %dma_wait3A_216 = arith.constant 0 : i32
    %dma_wait3A_217 = arith.constant 0 : i32
    %dma_wait3A_218 = tpu.memref_slice %arg11[%dma_wait3A_216, %dma_wait3A_217] : memref<10112x64xf32, #tpu.memory_space<vmem_shared>> -> memref<10112x64xf32, #tpu.memory_space<vmem_shared>>
    %dma_wait3A_219 = tpu.memref_slice %arg13[%dma_wait3A_204] : memref<8x!tpu.dma_semaphore, #tpu.memory_space<semaphore_mem>> -> memref<1x!tpu.dma_semaphore, #tpu.memory_space<semaphore_mem>>
    %dma_wait3A_220 = tpu.memref_squeeze %dma_wait3A_219 : memref<1x!tpu.dma_semaphore, #tpu.memory_space<semaphore_mem>> -> memref<!tpu.dma_semaphore, #tpu.memory_space<semaphore_mem>>
    tpu.wait_indirect_dma semaphore(%dma_wait3A_220 : memref<!tpu.dma_semaphore, #tpu.memory_space<semaphore_mem>>) src(%dma_wait3A_218 : memref<10112x64xf32, #tpu.memory_space<vmem_shared>>) dst(%dma_wait3A_208 : memref<64x64xf32, #tpu.memory_space<vmem>>)
    %dma_start3A_221 = arith.constant 0 : i32
    %dma_start3A_222 = arith.constant 0 : i32
    %dma_start3A_223 = arith.constant 0 : i32
    %dma_start3A_224 = arith.constant 0 : i32
    %dma_start3A_225 = arith.constant 0 : i32
    %dma_start3A_226 = arith.constant 0 : i32
    %dma_start3A_227 = tpu.memref_slice %arg10[%dma_start3A_221, %dma_start3A_225, %dma_start3A_226] : memref<8x64x64xf32, #tpu.memory_space<vmem>> -> memref<1x64x64xf32, #tpu.memory_space<vmem>>
    %dma_start3A_228 = tpu.memref_squeeze %dma_start3A_227 : memref<1x64x64xf32, #tpu.memory_space<vmem>> -> memref<64x64xf32, #tpu.memory_space<vmem>>
    %dma_start3A_229 = arith.constant 0 : i32
    %dma_start3A_230 = arith.constant 0 : i32
    %dma_start3A_231 = tpu.memref_slice %arg9[%dma_start3A_222, %dma_start3A_229, %dma_start3A_230] : memref<3x4x64xi32, #tpu.memory_space<vmem>> -> memref<1x4x64xi32, #tpu.memory_space<vmem>>
    %dma_start3A_232 = tpu.memref_squeeze %dma_start3A_231 : memref<1x4x64xi32, #tpu.memory_space<vmem>> -> memref<4x64xi32, #tpu.memory_space<vmem>>
    %dma_start3A_233 = arith.constant 0 : i32
    %dma_start3A_234 = tpu.memref_slice %dma_start3A_232[%dma_start3A_223, %dma_start3A_233] : memref<4x64xi32, #tpu.memory_space<vmem>> -> memref<1x64xi32, #tpu.memory_space<vmem>>
    %dma_start3A_235 = tpu.memref_squeeze %dma_start3A_234 : memref<1x64xi32, #tpu.memory_space<vmem>> -> memref<64xi32, #tpu.memory_space<vmem>>
    %dma_start3A_236 = arith.constant 0 : i32
    %dma_start3A_237 = arith.constant 0 : i32
    %dma_start3A_238 = tpu.memref_slice %arg12[%dma_start3A_236, %dma_start3A_237] : memref<10112x64xf32, #tpu.memory_space<vmem_shared>> -> memref<10112x64xf32, #tpu.memory_space<vmem_shared>>
    %dma_start3A_239 = tpu.memref_slice %arg14[%dma_start3A_224] : memref<8x!tpu.dma_semaphore, #tpu.memory_space<semaphore_mem>> -> memref<1x!tpu.dma_semaphore, #tpu.memory_space<semaphore_mem>>
    %dma_start3A_240 = tpu.memref_squeeze %dma_start3A_239 : memref<1x!tpu.dma_semaphore, #tpu.memory_space<semaphore_mem>> -> memref<!tpu.dma_semaphore, #tpu.memory_space<semaphore_mem>>
    tpu.enqueue_indirect_dma source(%dma_start3A_228 : memref<64x64xf32, #tpu.memory_space<vmem>>) target(%dma_start3A_238 : memref<10112x64xf32, #tpu.memory_space<vmem_shared>>) offsets(%dma_start3A_235 : memref<64xi32, #tpu.memory_space<vmem>>) semaphore(%dma_start3A_240 : memref<!tpu.dma_semaphore, #tpu.memory_space<semaphore_mem>>) {add = true}
    %dma_wait3A_241 = arith.constant 0 : i32
    %dma_wait3A_242 = arith.constant 0 : i32
    %dma_wait3A_243 = arith.constant 1 : i32
    %dma_wait3A_244 = arith.constant 1 : i32
    %dma_wait3A_245 = arith.constant 0 : i32
    %dma_wait3A_246 = arith.constant 0 : i32
    %dma_wait3A_247 = tpu.memref_slice %arg10[%dma_wait3A_243, %dma_wait3A_245, %dma_wait3A_246] : memref<8x64x64xf32, #tpu.memory_space<vmem>> -> memref<1x64x64xf32, #tpu.memory_space<vmem>>
    %dma_wait3A_248 = tpu.memref_squeeze %dma_wait3A_247 : memref<1x64x64xf32, #tpu.memory_space<vmem>> -> memref<64x64xf32, #tpu.memory_space<vmem>>
    %dma_wait3A_249 = arith.constant 0 : i32
    %dma_wait3A_250 = arith.constant 0 : i32
    %dma_wait3A_251 = tpu.memref_slice %arg8[%dma_wait3A_241, %dma_wait3A_249, %dma_wait3A_250] : memref<3x4x64xi32, #tpu.memory_space<vmem>> -> memref<1x4x64xi32, #tpu.memory_space<vmem>>
    %dma_wait3A_252 = tpu.memref_squeeze %dma_wait3A_251 : memref<1x4x64xi32, #tpu.memory_space<vmem>> -> memref<4x64xi32, #tpu.memory_space<vmem>>
    %dma_wait3A_253 = arith.constant 0 : i32
    %dma_wait3A_254 = tpu.memref_slice %dma_wait3A_252[%dma_wait3A_242, %dma_wait3A_253] : memref<4x64xi32, #tpu.memory_space<vmem>> -> memref<1x64xi32, #tpu.memory_space<vmem>>
    %dma_wait3A_255 = tpu.memref_squeeze %dma_wait3A_254 : memref<1x64xi32, #tpu.memory_space<vmem>> -> memref<64xi32, #tpu.memory_space<vmem>>
    %dma_wait3A_256 = arith.constant 0 : i32
    %dma_wait3A_257 = arith.constant 0 : i32
    %dma_wait3A_258 = tpu.memref_slice %arg11[%dma_wait3A_256, %dma_wait3A_257] : memref<10112x64xf32, #tpu.memory_space<vmem_shared>> -> memref<10112x64xf32, #tpu.memory_space<vmem_shared>>
    %dma_wait3A_259 = tpu.memref_slice %arg13[%dma_wait3A_244] : memref<8x!tpu.dma_semaphore, #tpu.memory_space<semaphore_mem>> -> memref<1x!tpu.dma_semaphore, #tpu.memory_space<semaphore_mem>>
    %dma_wait3A_260 = tpu.memref_squeeze %dma_wait3A_259 : memref<1x!tpu.dma_semaphore, #tpu.memory_space<semaphore_mem>> -> memref<!tpu.dma_semaphore, #tpu.memory_space<semaphore_mem>>
    tpu.wait_indirect_dma semaphore(%dma_wait3A_260 : memref<!tpu.dma_semaphore, #tpu.memory_space<semaphore_mem>>) src(%dma_wait3A_258 : memref<10112x64xf32, #tpu.memory_space<vmem_shared>>) dst(%dma_wait3A_248 : memref<64x64xf32, #tpu.memory_space<vmem>>)
    %dma_start3A_261 = arith.constant 1 : i32
    %dma_start3A_262 = arith.constant 0 : i32
    %dma_start3A_263 = arith.constant 1 : i32
    %dma_start3A_264 = arith.constant 1 : i32
    %dma_start3A_265 = arith.constant 0 : i32
    %dma_start3A_266 = arith.constant 0 : i32
    %dma_start3A_267 = tpu.memref_slice %arg10[%dma_start3A_261, %dma_start3A_265, %dma_start3A_266] : memref<8x64x64xf32, #tpu.memory_space<vmem>> -> memref<1x64x64xf32, #tpu.memory_space<vmem>>
    %dma_start3A_268 = tpu.memref_squeeze %dma_start3A_267 : memref<1x64x64xf32, #tpu.memory_space<vmem>> -> memref<64x64xf32, #tpu.memory_space<vmem>>
    %dma_start3A_269 = arith.constant 0 : i32
    %dma_start3A_270 = arith.constant 0 : i32
    %dma_start3A_271 = tpu.memref_slice %arg9[%dma_start3A_262, %dma_start3A_269, %dma_start3A_270] : memref<3x4x64xi32, #tpu.memory_space<vmem>> -> memref<1x4x64xi32, #tpu.memory_space<vmem>>
    %dma_start3A_272 = tpu.memref_squeeze %dma_start3A_271 : memref<1x4x64xi32, #tpu.memory_space<vmem>> -> memref<4x64xi32, #tpu.memory_space<vmem>>
    %dma_start3A_273 = arith.constant 0 : i32
    %dma_start3A_274 = tpu.memref_slice %dma_start3A_272[%dma_start3A_263, %dma_start3A_273] : memref<4x64xi32, #tpu.memory_space<vmem>> -> memref<1x64xi32, #tpu.memory_space<vmem>>
    %dma_start3A_275 = tpu.memref_squeeze %dma_start3A_274 : memref<1x64xi32, #tpu.memory_space<vmem>> -> memref<64xi32, #tpu.memory_space<vmem>>
    %dma_start3A_276 = arith.constant 0 : i32
    %dma_start3A_277 = arith.constant 0 : i32
    %dma_start3A_278 = tpu.memref_slice %arg12[%dma_start3A_276, %dma_start3A_277] : memref<10112x64xf32, #tpu.memory_space<vmem_shared>> -> memref<10112x64xf32, #tpu.memory_space<vmem_shared>>
    %dma_start3A_279 = tpu.memref_slice %arg14[%dma_start3A_264] : memref<8x!tpu.dma_semaphore, #tpu.memory_space<semaphore_mem>> -> memref<1x!tpu.dma_semaphore, #tpu.memory_space<semaphore_mem>>
    %dma_start3A_280 = tpu.memref_squeeze %dma_start3A_279 : memref<1x!tpu.dma_semaphore, #tpu.memory_space<semaphore_mem>> -> memref<!tpu.dma_semaphore, #tpu.memory_space<semaphore_mem>>
    tpu.enqueue_indirect_dma source(%dma_start3A_268 : memref<64x64xf32, #tpu.memory_space<vmem>>) target(%dma_start3A_278 : memref<10112x64xf32, #tpu.memory_space<vmem_shared>>) offsets(%dma_start3A_275 : memref<64xi32, #tpu.memory_space<vmem>>) semaphore(%dma_start3A_280 : memref<!tpu.dma_semaphore, #tpu.memory_space<semaphore_mem>>) {add = true}
    %dma_wait3A_281 = arith.constant 0 : i32
    %dma_wait3A_282 = arith.constant 0 : i32
    %dma_wait3A_283 = arith.constant 2 : i32
    %dma_wait3A_284 = arith.constant 2 : i32
    %dma_wait3A_285 = arith.constant 0 : i32
    %dma_wait3A_286 = arith.constant 0 : i32
    %dma_wait3A_287 = tpu.memref_slice %arg10[%dma_wait3A_283, %dma_wait3A_285, %dma_wait3A_286] : memref<8x64x64xf32, #tpu.memory_space<vmem>> -> memref<1x64x64xf32, #tpu.memory_space<vmem>>
    %dma_wait3A_288 = tpu.memref_squeeze %dma_wait3A_287 : memref<1x64x64xf32, #tpu.memory_space<vmem>> -> memref<64x64xf32, #tpu.memory_space<vmem>>
    %dma_wait3A_289 = arith.constant 0 : i32
    %dma_wait3A_290 = arith.constant 0 : i32
    %dma_wait3A_291 = tpu.memref_slice %arg8[%dma_wait3A_281, %dma_wait3A_289, %dma_wait3A_290] : memref<3x4x64xi32, #tpu.memory_space<vmem>> -> memref<1x4x64xi32, #tpu.memory_space<vmem>>
    %dma_wait3A_292 = tpu.memref_squeeze %dma_wait3A_291 : memref<1x4x64xi32, #tpu.memory_space<vmem>> -> memref<4x64xi32, #tpu.memory_space<vmem>>
    %dma_wait3A_293 = arith.constant 0 : i32
    %dma_wait3A_294 = tpu.memref_slice %dma_wait3A_292[%dma_wait3A_282, %dma_wait3A_293] : memref<4x64xi32, #tpu.memory_space<vmem>> -> memref<1x64xi32, #tpu.memory_space<vmem>>
    %dma_wait3A_295 = tpu.memref_squeeze %dma_wait3A_294 : memref<1x64xi32, #tpu.memory_space<vmem>> -> memref<64xi32, #tpu.memory_space<vmem>>
    %dma_wait3A_296 = arith.constant 0 : i32
    %dma_wait3A_297 = arith.constant 0 : i32
    %dma_wait3A_298 = tpu.memref_slice %arg11[%dma_wait3A_296, %dma_wait3A_297] : memref<10112x64xf32, #tpu.memory_space<vmem_shared>> -> memref<10112x64xf32, #tpu.memory_space<vmem_shared>>
    %dma_wait3A_299 = tpu.memref_slice %arg13[%dma_wait3A_284] : memref<8x!tpu.dma_semaphore, #tpu.memory_space<semaphore_mem>> -> memref<1x!tpu.dma_semaphore, #tpu.memory_space<semaphore_mem>>
    %dma_wait3A_300 = tpu.memref_squeeze %dma_wait3A_299 : memref<1x!tpu.dma_semaphore, #tpu.memory_space<semaphore_mem>> -> memref<!tpu.dma_semaphore, #tpu.memory_space<semaphore_mem>>
    tpu.wait_indirect_dma semaphore(%dma_wait3A_300 : memref<!tpu.dma_semaphore, #tpu.memory_space<semaphore_mem>>) src(%dma_wait3A_298 : memref<10112x64xf32, #tpu.memory_space<vmem_shared>>) dst(%dma_wait3A_288 : memref<64x64xf32, #tpu.memory_space<vmem>>)
    %dma_start3A_301 = arith.constant 2 : i32
    %dma_start3A_302 = arith.constant 0 : i32
    %dma_start3A_303 = arith.constant 2 : i32
    %dma_start3A_304 = arith.constant 2 : i32
    %dma_start3A_305 = arith.constant 0 : i32
    %dma_start3A_306 = arith.constant 0 : i32
    %dma_start3A_307 = tpu.memref_slice %arg10[%dma_start3A_301, %dma_start3A_305, %dma_start3A_306] : memref<8x64x64xf32, #tpu.memory_space<vmem>> -> memref<1x64x64xf32, #tpu.memory_space<vmem>>
    %dma_start3A_308 = tpu.memref_squeeze %dma_start3A_307 : memref<1x64x64xf32, #tpu.memory_space<vmem>> -> memref<64x64xf32, #tpu.memory_space<vmem>>
    %dma_start3A_309 = arith.constant 0 : i32
    %dma_start3A_310 = arith.constant 0 : i32
    %dma_start3A_311 = tpu.memref_slice %arg9[%dma_start3A_302, %dma_start3A_309, %dma_start3A_310] : memref<3x4x64xi32, #tpu.memory_space<vmem>> -> memref<1x4x64xi32, #tpu.memory_space<vmem>>
    %dma_start3A_312 = tpu.memref_squeeze %dma_start3A_311 : memref<1x4x64xi32, #tpu.memory_space<vmem>> -> memref<4x64xi32, #tpu.memory_space<vmem>>
    %dma_start3A_313 = arith.constant 0 : i32
    %dma_start3A_314 = tpu.memref_slice %dma_start3A_312[%dma_start3A_303, %dma_start3A_313] : memref<4x64xi32, #tpu.memory_space<vmem>> -> memref<1x64xi32, #tpu.memory_space<vmem>>
    %dma_start3A_315 = tpu.memref_squeeze %dma_start3A_314 : memref<1x64xi32, #tpu.memory_space<vmem>> -> memref<64xi32, #tpu.memory_space<vmem>>
    %dma_start3A_316 = arith.constant 0 : i32
    %dma_start3A_317 = arith.constant 0 : i32
    %dma_start3A_318 = tpu.memref_slice %arg12[%dma_start3A_316, %dma_start3A_317] : memref<10112x64xf32, #tpu.memory_space<vmem_shared>> -> memref<10112x64xf32, #tpu.memory_space<vmem_shared>>
    %dma_start3A_319 = tpu.memref_slice %arg14[%dma_start3A_304] : memref<8x!tpu.dma_semaphore, #tpu.memory_space<semaphore_mem>> -> memref<1x!tpu.dma_semaphore, #tpu.memory_space<semaphore_mem>>
    %dma_start3A_320 = tpu.memref_squeeze %dma_start3A_319 : memref<1x!tpu.dma_semaphore, #tpu.memory_space<semaphore_mem>> -> memref<!tpu.dma_semaphore, #tpu.memory_space<semaphore_mem>>
    tpu.enqueue_indirect_dma source(%dma_start3A_308 : memref<64x64xf32, #tpu.memory_space<vmem>>) target(%dma_start3A_318 : memref<10112x64xf32, #tpu.memory_space<vmem_shared>>) offsets(%dma_start3A_315 : memref<64xi32, #tpu.memory_space<vmem>>) semaphore(%dma_start3A_320 : memref<!tpu.dma_semaphore, #tpu.memory_space<semaphore_mem>>) {add = true}
    %dma_wait3A_321 = arith.constant 0 : i32
    %dma_wait3A_322 = arith.constant 0 : i32
    %dma_wait3A_323 = arith.constant 3 : i32
    %dma_wait3A_324 = arith.constant 3 : i32
    %dma_wait3A_325 = arith.constant 0 : i32
    %dma_wait3A_326 = arith.constant 0 : i32
    %dma_wait3A_327 = tpu.memref_slice %arg10[%dma_wait3A_323, %dma_wait3A_325, %dma_wait3A_326] : memref<8x64x64xf32, #tpu.memory_space<vmem>> -> memref<1x64x64xf32, #tpu.memory_space<vmem>>
    %dma_wait3A_328 = tpu.memref_squeeze %dma_wait3A_327 : memref<1x64x64xf32, #tpu.memory_space<vmem>> -> memref<64x64xf32, #tpu.memory_space<vmem>>
    %dma_wait3A_329 = arith.constant 0 : i32
    %dma_wait3A_330 = arith.constant 0 : i32
    %dma_wait3A_331 = tpu.memref_slice %arg8[%dma_wait3A_321, %dma_wait3A_329, %dma_wait3A_330] : memref<3x4x64xi32, #tpu.memory_space<vmem>> -> memref<1x4x64xi32, #tpu.memory_space<vmem>>
    %dma_wait3A_332 = tpu.memref_squeeze %dma_wait3A_331 : memref<1x4x64xi32, #tpu.memory_space<vmem>> -> memref<4x64xi32, #tpu.memory_space<vmem>>
    %dma_wait3A_333 = arith.constant 0 : i32
    %dma_wait3A_334 = tpu.memref_slice %dma_wait3A_332[%dma_wait3A_322, %dma_wait3A_333] : memref<4x64xi32, #tpu.memory_space<vmem>> -> memref<1x64xi32, #tpu.memory_space<vmem>>
    %dma_wait3A_335 = tpu.memref_squeeze %dma_wait3A_334 : memref<1x64xi32, #tpu.memory_space<vmem>> -> memref<64xi32, #tpu.memory_space<vmem>>
    %dma_wait3A_336 = arith.constant 0 : i32
    %dma_wait3A_337 = arith.constant 0 : i32
    %dma_wait3A_338 = tpu.memref_slice %arg11[%dma_wait3A_336, %dma_wait3A_337] : memref<10112x64xf32, #tpu.memory_space<vmem_shared>> -> memref<10112x64xf32, #tpu.memory_space<vmem_shared>>
    %dma_wait3A_339 = tpu.memref_slice %arg13[%dma_wait3A_324] : memref<8x!tpu.dma_semaphore, #tpu.memory_space<semaphore_mem>> -> memref<1x!tpu.dma_semaphore, #tpu.memory_space<semaphore_mem>>
    %dma_wait3A_340 = tpu.memref_squeeze %dma_wait3A_339 : memref<1x!tpu.dma_semaphore, #tpu.memory_space<semaphore_mem>> -> memref<!tpu.dma_semaphore, #tpu.memory_space<semaphore_mem>>
    tpu.wait_indirect_dma semaphore(%dma_wait3A_340 : memref<!tpu.dma_semaphore, #tpu.memory_space<semaphore_mem>>) src(%dma_wait3A_338 : memref<10112x64xf32, #tpu.memory_space<vmem_shared>>) dst(%dma_wait3A_328 : memref<64x64xf32, #tpu.memory_space<vmem>>)
    %dma_start3A_341 = arith.constant 3 : i32
    %dma_start3A_342 = arith.constant 0 : i32
    %dma_start3A_343 = arith.constant 3 : i32
    %dma_start3A_344 = arith.constant 3 : i32
    %dma_start3A_345 = arith.constant 0 : i32
    %dma_start3A_346 = arith.constant 0 : i32
    %dma_start3A_347 = tpu.memref_slice %arg10[%dma_start3A_341, %dma_start3A_345, %dma_start3A_346] : memref<8x64x64xf32, #tpu.memory_space<vmem>> -> memref<1x64x64xf32, #tpu.memory_space<vmem>>
    %dma_start3A_348 = tpu.memref_squeeze %dma_start3A_347 : memref<1x64x64xf32, #tpu.memory_space<vmem>> -> memref<64x64xf32, #tpu.memory_space<vmem>>
    %dma_start3A_349 = arith.constant 0 : i32
    %dma_start3A_350 = arith.constant 0 : i32
    %dma_start3A_351 = tpu.memref_slice %arg9[%dma_start3A_342, %dma_start3A_349, %dma_start3A_350] : memref<3x4x64xi32, #tpu.memory_space<vmem>> -> memref<1x4x64xi32, #tpu.memory_space<vmem>>
    %dma_start3A_352 = tpu.memref_squeeze %dma_start3A_351 : memref<1x4x64xi32, #tpu.memory_space<vmem>> -> memref<4x64xi32, #tpu.memory_space<vmem>>
    %dma_start3A_353 = arith.constant 0 : i32
    %dma_start3A_354 = tpu.memref_slice %dma_start3A_352[%dma_start3A_343, %dma_start3A_353] : memref<4x64xi32, #tpu.memory_space<vmem>> -> memref<1x64xi32, #tpu.memory_space<vmem>>
    %dma_start3A_355 = tpu.memref_squeeze %dma_start3A_354 : memref<1x64xi32, #tpu.memory_space<vmem>> -> memref<64xi32, #tpu.memory_space<vmem>>
    %dma_start3A_356 = arith.constant 0 : i32
    %dma_start3A_357 = arith.constant 0 : i32
    %dma_start3A_358 = tpu.memref_slice %arg12[%dma_start3A_356, %dma_start3A_357] : memref<10112x64xf32, #tpu.memory_space<vmem_shared>> -> memref<10112x64xf32, #tpu.memory_space<vmem_shared>>
    %dma_start3A_359 = tpu.memref_slice %arg14[%dma_start3A_344] : memref<8x!tpu.dma_semaphore, #tpu.memory_space<semaphore_mem>> -> memref<1x!tpu.dma_semaphore, #tpu.memory_space<semaphore_mem>>
    %dma_start3A_360 = tpu.memref_squeeze %dma_start3A_359 : memref<1x!tpu.dma_semaphore, #tpu.memory_space<semaphore_mem>> -> memref<!tpu.dma_semaphore, #tpu.memory_space<semaphore_mem>>
    tpu.enqueue_indirect_dma source(%dma_start3A_348 : memref<64x64xf32, #tpu.memory_space<vmem>>) target(%dma_start3A_358 : memref<10112x64xf32, #tpu.memory_space<vmem_shared>>) offsets(%dma_start3A_355 : memref<64xi32, #tpu.memory_space<vmem>>) semaphore(%dma_start3A_360 : memref<!tpu.dma_semaphore, #tpu.memory_space<semaphore_mem>>) {add = true}
    %dma_start3A_361 = arith.constant 1 : i32
    %dma_start3A_362 = arith.constant 0 : i32
    %dma_start3A_363 = arith.constant 4 : i32
    %dma_start3A_364 = arith.constant 4 : i32
    %dma_start3A_365 = arith.constant 0 : i32
    %dma_start3A_366 = arith.constant 0 : i32
    %dma_start3A_367 = tpu.memref_slice %arg10[%dma_start3A_363, %dma_start3A_365, %dma_start3A_366] : memref<8x64x64xf32, #tpu.memory_space<vmem>> -> memref<1x64x64xf32, #tpu.memory_space<vmem>>
    %dma_start3A_368 = tpu.memref_squeeze %dma_start3A_367 : memref<1x64x64xf32, #tpu.memory_space<vmem>> -> memref<64x64xf32, #tpu.memory_space<vmem>>
    %dma_start3A_369 = arith.constant 0 : i32
    %dma_start3A_370 = arith.constant 0 : i32
    %dma_start3A_371 = tpu.memref_slice %arg8[%dma_start3A_361, %dma_start3A_369, %dma_start3A_370] : memref<3x4x64xi32, #tpu.memory_space<vmem>> -> memref<1x4x64xi32, #tpu.memory_space<vmem>>
    %dma_start3A_372 = tpu.memref_squeeze %dma_start3A_371 : memref<1x4x64xi32, #tpu.memory_space<vmem>> -> memref<4x64xi32, #tpu.memory_space<vmem>>
    %dma_start3A_373 = arith.constant 0 : i32
    %dma_start3A_374 = tpu.memref_slice %dma_start3A_372[%dma_start3A_362, %dma_start3A_373] : memref<4x64xi32, #tpu.memory_space<vmem>> -> memref<1x64xi32, #tpu.memory_space<vmem>>
    %dma_start3A_375 = tpu.memref_squeeze %dma_start3A_374 : memref<1x64xi32, #tpu.memory_space<vmem>> -> memref<64xi32, #tpu.memory_space<vmem>>
    %dma_start3A_376 = arith.constant 0 : i32
    %dma_start3A_377 = arith.constant 0 : i32
    %dma_start3A_378 = tpu.memref_slice %arg11[%dma_start3A_376, %dma_start3A_377] : memref<10112x64xf32, #tpu.memory_space<vmem_shared>> -> memref<10112x64xf32, #tpu.memory_space<vmem_shared>>
    %dma_start3A_379 = tpu.memref_slice %arg13[%dma_start3A_364] : memref<8x!tpu.dma_semaphore, #tpu.memory_space<semaphore_mem>> -> memref<1x!tpu.dma_semaphore, #tpu.memory_space<semaphore_mem>>
    %dma_start3A_380 = tpu.memref_squeeze %dma_start3A_379 : memref<1x!tpu.dma_semaphore, #tpu.memory_space<semaphore_mem>> -> memref<!tpu.dma_semaphore, #tpu.memory_space<semaphore_mem>>
    tpu.enqueue_indirect_dma source(%dma_start3A_378 : memref<10112x64xf32, #tpu.memory_space<vmem_shared>>) target(%dma_start3A_368 : memref<64x64xf32, #tpu.memory_space<vmem>>) offsets(%dma_start3A_375 : memref<64xi32, #tpu.memory_space<vmem>>) semaphore(%dma_start3A_380 : memref<!tpu.dma_semaphore, #tpu.memory_space<semaphore_mem>>)
    %dma_start3A_381 = arith.constant 1 : i32
    %dma_start3A_382 = arith.constant 1 : i32
    %dma_start3A_383 = arith.constant 5 : i32
    %dma_start3A_384 = arith.constant 5 : i32
    %dma_start3A_385 = arith.constant 0 : i32
    %dma_start3A_386 = arith.constant 0 : i32
    %dma_start3A_387 = tpu.memref_slice %arg10[%dma_start3A_383, %dma_start3A_385, %dma_start3A_386] : memref<8x64x64xf32, #tpu.memory_space<vmem>> -> memref<1x64x64xf32, #tpu.memory_space<vmem>>
    %dma_start3A_388 = tpu.memref_squeeze %dma_start3A_387 : memref<1x64x64xf32, #tpu.memory_space<vmem>> -> memref<64x64xf32, #tpu.memory_space<vmem>>
    %dma_start3A_389 = arith.constant 0 : i32
    %dma_start3A_390 = arith.constant 0 : i32
    %dma_start3A_391 = tpu.memref_slice %arg8[%dma_start3A_381, %dma_start3A_389, %dma_start3A_390] : memref<3x4x64xi32, #tpu.memory_space<vmem>> -> memref<1x4x64xi32, #tpu.memory_space<vmem>>
    %dma_start3A_392 = tpu.memref_squeeze %dma_start3A_391 : memref<1x4x64xi32, #tpu.memory_space<vmem>> -> memref<4x64xi32, #tpu.memory_space<vmem>>
    %dma_start3A_393 = arith.constant 0 : i32
    %dma_start3A_394 = tpu.memref_slice %dma_start3A_392[%dma_start3A_382, %dma_start3A_393] : memref<4x64xi32, #tpu.memory_space<vmem>> -> memref<1x64xi32, #tpu.memory_space<vmem>>
    %dma_start3A_395 = tpu.memref_squeeze %dma_start3A_394 : memref<1x64xi32, #tpu.memory_space<vmem>> -> memref<64xi32, #tpu.memory_space<vmem>>
    %dma_start3A_396 = arith.constant 0 : i32
    %dma_start3A_397 = arith.constant 0 : i32
    %dma_start3A_398 = tpu.memref_slice %arg11[%dma_start3A_396, %dma_start3A_397] : memref<10112x64xf32, #tpu.memory_space<vmem_shared>> -> memref<10112x64xf32, #tpu.memory_space<vmem_shared>>
    %dma_start3A_399 = tpu.memref_slice %arg13[%dma_start3A_384] : memref<8x!tpu.dma_semaphore, #tpu.memory_space<semaphore_mem>> -> memref<1x!tpu.dma_semaphore, #tpu.memory_space<semaphore_mem>>
    %dma_start3A_400 = tpu.memref_squeeze %dma_start3A_399 : memref<1x!tpu.dma_semaphore, #tpu.memory_space<semaphore_mem>> -> memref<!tpu.dma_semaphore, #tpu.memory_space<semaphore_mem>>
    tpu.enqueue_indirect_dma source(%dma_start3A_398 : memref<10112x64xf32, #tpu.memory_space<vmem_shared>>) target(%dma_start3A_388 : memref<64x64xf32, #tpu.memory_space<vmem>>) offsets(%dma_start3A_395 : memref<64xi32, #tpu.memory_space<vmem>>) semaphore(%dma_start3A_400 : memref<!tpu.dma_semaphore, #tpu.memory_space<semaphore_mem>>)
    %dma_start3A_401 = arith.constant 1 : i32
    %dma_start3A_402 = arith.constant 2 : i32
    %dma_start3A_403 = arith.constant 6 : i32
    %dma_start3A_404 = arith.constant 6 : i32
    %dma_start3A_405 = arith.constant 0 : i32
    %dma_start3A_406 = arith.constant 0 : i32
    %dma_start3A_407 = tpu.memref_slice %arg10[%dma_start3A_403, %dma_start3A_405, %dma_start3A_406] : memref<8x64x64xf32, #tpu.memory_space<vmem>> -> memref<1x64x64xf32, #tpu.memory_space<vmem>>
    %dma_start3A_408 = tpu.memref_squeeze %dma_start3A_407 : memref<1x64x64xf32, #tpu.memory_space<vmem>> -> memref<64x64xf32, #tpu.memory_space<vmem>>
    %dma_start3A_409 = arith.constant 0 : i32
    %dma_start3A_410 = arith.constant 0 : i32
    %dma_start3A_411 = tpu.memref_slice %arg8[%dma_start3A_401, %dma_start3A_409, %dma_start3A_410] : memref<3x4x64xi32, #tpu.memory_space<vmem>> -> memref<1x4x64xi32, #tpu.memory_space<vmem>>
    %dma_start3A_412 = tpu.memref_squeeze %dma_start3A_411 : memref<1x4x64xi32, #tpu.memory_space<vmem>> -> memref<4x64xi32, #tpu.memory_space<vmem>>
    %dma_start3A_413 = arith.constant 0 : i32
    %dma_start3A_414 = tpu.memref_slice %dma_start3A_412[%dma_start3A_402, %dma_start3A_413] : memref<4x64xi32, #tpu.memory_space<vmem>> -> memref<1x64xi32, #tpu.memory_space<vmem>>
    %dma_start3A_415 = tpu.memref_squeeze %dma_start3A_414 : memref<1x64xi32, #tpu.memory_space<vmem>> -> memref<64xi32, #tpu.memory_space<vmem>>
    %dma_start3A_416 = arith.constant 0 : i32
    %dma_start3A_417 = arith.constant 0 : i32
    %dma_start3A_418 = tpu.memref_slice %arg11[%dma_start3A_416, %dma_start3A_417] : memref<10112x64xf32, #tpu.memory_space<vmem_shared>> -> memref<10112x64xf32, #tpu.memory_space<vmem_shared>>
    %dma_start3A_419 = tpu.memref_slice %arg13[%dma_start3A_404] : memref<8x!tpu.dma_semaphore, #tpu.memory_space<semaphore_mem>> -> memref<1x!tpu.dma_semaphore, #tpu.memory_space<semaphore_mem>>
    %dma_start3A_420 = tpu.memref_squeeze %dma_start3A_419 : memref<1x!tpu.dma_semaphore, #tpu.memory_space<semaphore_mem>> -> memref<!tpu.dma_semaphore, #tpu.memory_space<semaphore_mem>>
    tpu.enqueue_indirect_dma source(%dma_start3A_418 : memref<10112x64xf32, #tpu.memory_space<vmem_shared>>) target(%dma_start3A_408 : memref<64x64xf32, #tpu.memory_space<vmem>>) offsets(%dma_start3A_415 : memref<64xi32, #tpu.memory_space<vmem>>) semaphore(%dma_start3A_420 : memref<!tpu.dma_semaphore, #tpu.memory_space<semaphore_mem>>)
    %dma_start3A_421 = arith.constant 1 : i32
    %dma_start3A_422 = arith.constant 3 : i32
    %dma_start3A_423 = arith.constant 7 : i32
    %dma_start3A_424 = arith.constant 7 : i32
    %dma_start3A_425 = arith.constant 0 : i32
    %dma_start3A_426 = arith.constant 0 : i32
    %dma_start3A_427 = tpu.memref_slice %arg10[%dma_start3A_423, %dma_start3A_425, %dma_start3A_426] : memref<8x64x64xf32, #tpu.memory_space<vmem>> -> memref<1x64x64xf32, #tpu.memory_space<vmem>>
    %dma_start3A_428 = tpu.memref_squeeze %dma_start3A_427 : memref<1x64x64xf32, #tpu.memory_space<vmem>> -> memref<64x64xf32, #tpu.memory_space<vmem>>
    %dma_start3A_429 = arith.constant 0 : i32
    %dma_start3A_430 = arith.constant 0 : i32
    %dma_start3A_431 = tpu.memref_slice %arg8[%dma_start3A_421, %dma_start3A_429, %dma_start3A_430] : memref<3x4x64xi32, #tpu.memory_space<vmem>> -> memref<1x4x64xi32, #tpu.memory_space<vmem>>
    %dma_start3A_432 = tpu.memref_squeeze %dma_start3A_431 : memref<1x4x64xi32, #tpu.memory_space<vmem>> -> memref<4x64xi32, #tpu.memory_space<vmem>>
    %dma_start3A_433 = arith.constant 0 : i32
    %dma_start3A_434 = tpu.memref_slice %dma_start3A_432[%dma_start3A_422, %dma_start3A_433] : memref<4x64xi32, #tpu.memory_space<vmem>> -> memref<1x64xi32, #tpu.memory_space<vmem>>
    %dma_start3A_435 = tpu.memref_squeeze %dma_start3A_434 : memref<1x64xi32, #tpu.memory_space<vmem>> -> memref<64xi32, #tpu.memory_space<vmem>>
    %dma_start3A_436 = arith.constant 0 : i32
    %dma_start3A_437 = arith.constant 0 : i32
    %dma_start3A_438 = tpu.memref_slice %arg11[%dma_start3A_436, %dma_start3A_437] : memref<10112x64xf32, #tpu.memory_space<vmem_shared>> -> memref<10112x64xf32, #tpu.memory_space<vmem_shared>>
    %dma_start3A_439 = tpu.memref_slice %arg13[%dma_start3A_424] : memref<8x!tpu.dma_semaphore, #tpu.memory_space<semaphore_mem>> -> memref<1x!tpu.dma_semaphore, #tpu.memory_space<semaphore_mem>>
    %dma_start3A_440 = tpu.memref_squeeze %dma_start3A_439 : memref<1x!tpu.dma_semaphore, #tpu.memory_space<semaphore_mem>> -> memref<!tpu.dma_semaphore, #tpu.memory_space<semaphore_mem>>
    tpu.enqueue_indirect_dma source(%dma_start3A_438 : memref<10112x64xf32, #tpu.memory_space<vmem_shared>>) target(%dma_start3A_428 : memref<64x64xf32, #tpu.memory_space<vmem>>) offsets(%dma_start3A_435 : memref<64xi32, #tpu.memory_space<vmem>>) semaphore(%dma_start3A_440 : memref<!tpu.dma_semaphore, #tpu.memory_space<semaphore_mem>>)
    %dma_start3A_441 = arith.constant 2 : i32
    %dma_start3A_442 = arith.constant 2 : i32
    %dma_start3A_443 = arith.constant 0 : i32
    %dma_start3A_444 = arith.constant 0 : i32
    %dma_start3A_445 = tpu.memref_slice %arg8[%dma_start3A_442, %dma_start3A_443, %dma_start3A_444] : memref<3x4x64xi32, #tpu.memory_space<vmem>> -> memref<1x4x64xi32, #tpu.memory_space<vmem>>
    %dma_start3A_446 = tpu.memref_squeeze %dma_start3A_445 : memref<1x4x64xi32, #tpu.memory_space<vmem>> -> memref<4x64xi32, #tpu.memory_space<vmem>>
    %dma_start3A_447 = arith.constant 0 : i32
    %dma_start3A_448 = arith.constant 0 : i32
    %dma_start3A_449 = arith.constant 0 : i32
    %dma_start3A_450 = tpu.memref_slice %arg4[%arg1, %dma_start3A_447, %dma_start3A_448, %dma_start3A_449] : memref<16x80x4x64xi32, #tpu.memory_space<hbm>> -> memref<1x80x4x64xi32, #tpu.memory_space<hbm>>
    %dma_start3A_451 = tpu.memref_squeeze %dma_start3A_450 : memref<1x80x4x64xi32, #tpu.memory_space<hbm>> -> memref<80x4x64xi32, #tpu.memory_space<hbm>>
    %dma_start3A_452 = arith.constant 0 : i32
    %dma_start3A_453 = arith.constant 0 : i32
    %dma_start3A_454 = tpu.memref_slice %dma_start3A_451[%dma_start3A_441, %dma_start3A_452, %dma_start3A_453] : memref<80x4x64xi32, #tpu.memory_space<hbm>> -> memref<1x4x64xi32, #tpu.memory_space<hbm>>
    %dma_start3A_455 = tpu.memref_squeeze %dma_start3A_454 : memref<1x4x64xi32, #tpu.memory_space<hbm>> -> memref<4x64xi32, #tpu.memory_space<hbm>>
    %dma_start3A_456 = arith.constant 0 : i32
    %dma_start3A_457 = arith.constant 0 : i32
    %dma_start3A_458 = tpu.memref_slice %arg8[%dma_start3A_442, %dma_start3A_456, %dma_start3A_457] : memref<3x4x64xi32, #tpu.memory_space<vmem>> -> memref<1x4x64xi32, #tpu.memory_space<vmem>>
    %dma_start3A_459 = tpu.memref_squeeze %dma_start3A_458 : memref<1x4x64xi32, #tpu.memory_space<vmem>> -> memref<4x64xi32, #tpu.memory_space<vmem>>
    %dma_start3A_460 = arith.constant 0 : i32
    %dma_start3A_461 = arith.constant 0 : i32
    %dma_start3A_462 = arith.constant 0 : i32
    %dma_start3A_463 = tpu.memref_slice %arg4[%arg1, %dma_start3A_460, %dma_start3A_461, %dma_start3A_462] : memref<16x80x4x64xi32, #tpu.memory_space<hbm>> -> memref<1x80x4x64xi32, #tpu.memory_space<hbm>>
    %dma_start3A_464 = tpu.memref_squeeze %dma_start3A_463 : memref<1x80x4x64xi32, #tpu.memory_space<hbm>> -> memref<80x4x64xi32, #tpu.memory_space<hbm>>
    %dma_start3A_465 = arith.constant 0 : i32
    %dma_start3A_466 = arith.constant 0 : i32
    %dma_start3A_467 = tpu.memref_slice %dma_start3A_464[%dma_start3A_441, %dma_start3A_465, %dma_start3A_466] : memref<80x4x64xi32, #tpu.memory_space<hbm>> -> memref<1x4x64xi32, #tpu.memory_space<hbm>>
    %dma_start3A_468 = tpu.memref_squeeze %dma_start3A_467 : memref<1x4x64xi32, #tpu.memory_space<hbm>> -> memref<4x64xi32, #tpu.memory_space<hbm>>
    tpu.enqueue_dma source(%dma_start3A_468 : memref<4x64xi32, #tpu.memory_space<hbm>>) target(%dma_start3A_459 : memref<4x64xi32, #tpu.memory_space<vmem>>) target_semaphore(%arg15 : memref<!tpu.dma_semaphore, #tpu.memory_space<semaphore_mem>>)
    %dma_start3A_469 = arith.constant 2 : i32
    %dma_start3A_470 = arith.constant 2 : i32
    %dma_start3A_471 = arith.constant 0 : i32
    %dma_start3A_472 = arith.constant 0 : i32
    %dma_start3A_473 = tpu.memref_slice %arg9[%dma_start3A_470, %dma_start3A_471, %dma_start3A_472] : memref<3x4x64xi32, #tpu.memory_space<vmem>> -> memref<1x4x64xi32, #tpu.memory_space<vmem>>
    %dma_start3A_474 = tpu.memref_squeeze %dma_start3A_473 : memref<1x4x64xi32, #tpu.memory_space<vmem>> -> memref<4x64xi32, #tpu.memory_space<vmem>>
    %dma_start3A_475 = arith.constant 0 : i32
    %dma_start3A_476 = arith.constant 0 : i32
    %dma_start3A_477 = arith.constant 0 : i32
    %dma_start3A_478 = tpu.memref_slice %arg5[%arg1, %dma_start3A_475, %dma_start3A_476, %dma_start3A_477] : memref<16x80x4x64xi32, #tpu.memory_space<hbm>> -> memref<1x80x4x64xi32, #tpu.memory_space<hbm>>
    %dma_start3A_479 = tpu.memref_squeeze %dma_start3A_478 : memref<1x80x4x64xi32, #tpu.memory_space<hbm>> -> memref<80x4x64xi32, #tpu.memory_space<hbm>>
    %dma_start3A_480 = arith.constant 0 : i32
    %dma_start3A_481 = arith.constant 0 : i32
    %dma_start3A_482 = tpu.memref_slice %dma_start3A_479[%dma_start3A_469, %dma_start3A_480, %dma_start3A_481] : memref<80x4x64xi32, #tpu.memory_space<hbm>> -> memref<1x4x64xi32, #tpu.memory_space<hbm>>
    %dma_start3A_483 = tpu.memref_squeeze %dma_start3A_482 : memref<1x4x64xi32, #tpu.memory_space<hbm>> -> memref<4x64xi32, #tpu.memory_space<hbm>>
    %dma_start3A_484 = arith.constant 0 : i32
    %dma_start3A_485 = arith.constant 0 : i32
    %dma_start3A_486 = tpu.memref_slice %arg9[%dma_start3A_470, %dma_start3A_484, %dma_start3A_485] : memref<3x4x64xi32, #tpu.memory_space<vmem>> -> memref<1x4x64xi32, #tpu.memory_space<vmem>>
    %dma_start3A_487 = tpu.memref_squeeze %dma_start3A_486 : memref<1x4x64xi32, #tpu.memory_space<vmem>> -> memref<4x64xi32, #tpu.memory_space<vmem>>
    %dma_start3A_488 = arith.constant 0 : i32
    %dma_start3A_489 = arith.constant 0 : i32
    %dma_start3A_490 = arith.constant 0 : i32
    %dma_start3A_491 = tpu.memref_slice %arg5[%arg1, %dma_start3A_488, %dma_start3A_489, %dma_start3A_490] : memref<16x80x4x64xi32, #tpu.memory_space<hbm>> -> memref<1x80x4x64xi32, #tpu.memory_space<hbm>>
    %dma_start3A_492 = tpu.memref_squeeze %dma_start3A_491 : memref<1x80x4x64xi32, #tpu.memory_space<hbm>> -> memref<80x4x64xi32, #tpu.memory_space<hbm>>
    %dma_start3A_493 = arith.constant 0 : i32
    %dma_start3A_494 = arith.constant 0 : i32
    %dma_start3A_495 = tpu.memref_slice %dma_start3A_492[%dma_start3A_469, %dma_start3A_493, %dma_start3A_494] : memref<80x4x64xi32, #tpu.memory_space<hbm>> -> memref<1x4x64xi32, #tpu.memory_space<hbm>>
    %dma_start3A_496 = tpu.memref_squeeze %dma_start3A_495 : memref<1x4x64xi32, #tpu.memory_space<hbm>> -> memref<4x64xi32, #tpu.memory_space<hbm>>
    tpu.enqueue_dma source(%dma_start3A_496 : memref<4x64xi32, #tpu.memory_space<hbm>>) target(%dma_start3A_487 : memref<4x64xi32, #tpu.memory_space<vmem>>) target_semaphore(%arg15 : memref<!tpu.dma_semaphore, #tpu.memory_space<semaphore_mem>>)
    %scan3A = arith.constant 0 : i32
    %scan3A_497 = arith.constant 1 : i32
    %scan3A_498 = arith.constant 79 : i32
    %scan3A_499 = arith.addi %scan3A_497, %scan3A_498 : i32
    %scan3A_500 = arith.constant 1 : i32
    scf.for %scan3A_1447 = %scan3A_497 to %scan3A_499 step %scan3A_500  : i32 {
      %jit3A = arith.constant 2 : i32
      %eq3A_1448 = arith.constant 0 : i32
      %eq3A_1449 = arith.cmpi eq, %jit3A, %eq3A_1448 : i32
      %jit3A_1450 = arith.constant 1 : i32
      %select_n3A = arith.select %eq3A_1449, %jit3A_1450, %jit3A : i32
      %rem3A = arith.remsi %scan3A_1447, %select_n3A : i32
      %ne3A = arith.constant 0 : i32
      %ne3A_1451 = arith.cmpi ne, %rem3A, %ne3A : i32
      %lt3A = arith.constant 0 : i32
      %lt3A_1452 = arith.cmpi slt, %rem3A, %lt3A : i32
      %lt3A_1453 = arith.constant 0 : i32
      %lt3A_1454 = arith.cmpi slt, %select_n3A, %lt3A_1453 : i32
      %ne3A_1455 = arith.xori %lt3A_1452, %lt3A_1454 : i1
      %and3A = arith.andi %ne3A_1455, %ne3A_1451 : i1
      %add3A = arith.addi %rem3A, %select_n3A : i32
      %select_n3A_1456 = arith.select %and3A, %add3A, %rem3A : i32
      %add3A_1457 = arith.constant 1 : i32
      %add3A_1458 = arith.addi %scan3A_1447, %add3A_1457 : i32
      %jit3A_1459 = arith.constant 2 : i32
      %eq3A_1460 = arith.constant 0 : i32
      %eq3A_1461 = arith.cmpi eq, %jit3A_1459, %eq3A_1460 : i32
      %jit3A_1462 = arith.constant 1 : i32
      %select_n3A_1463 = arith.select %eq3A_1461, %jit3A_1462, %jit3A_1459 : i32
      %rem3A_1464 = arith.remsi %add3A_1458, %select_n3A_1463 : i32
      %ne3A_1465 = arith.constant 0 : i32
      %ne3A_1466 = arith.cmpi ne, %rem3A_1464, %ne3A_1465 : i32
      %lt3A_1467 = arith.constant 0 : i32
      %lt3A_1468 = arith.cmpi slt, %rem3A_1464, %lt3A_1467 : i32
      %lt3A_1469 = arith.constant 0 : i32
      %lt3A_1470 = arith.cmpi slt, %select_n3A_1463, %lt3A_1469 : i32
      %ne3A_1471 = arith.xori %lt3A_1468, %lt3A_1470 : i1
      %and3A_1472 = arith.andi %ne3A_1471, %ne3A_1466 : i1
      %add3A_1473 = arith.addi %rem3A_1464, %select_n3A_1463 : i32
      %select_n3A_1474 = arith.select %and3A_1472, %add3A_1473, %rem3A_1464 : i32
      %jit3A_1475 = arith.constant 3 : i32
      %eq3A_1476 = arith.constant 0 : i32
      %eq3A_1477 = arith.cmpi eq, %jit3A_1475, %eq3A_1476 : i32
      %jit3A_1478 = arith.constant 1 : i32
      %select_n3A_1479 = arith.select %eq3A_1477, %jit3A_1478, %jit3A_1475 : i32
      %rem3A_1480 = arith.remsi %scan3A_1447, %select_n3A_1479 : i32
      %ne3A_1481 = arith.constant 0 : i32
      %ne3A_1482 = arith.cmpi ne, %rem3A_1480, %ne3A_1481 : i32
      %lt3A_1483 = arith.constant 0 : i32
      %lt3A_1484 = arith.cmpi slt, %rem3A_1480, %lt3A_1483 : i32
      %lt3A_1485 = arith.constant 0 : i32
      %lt3A_1486 = arith.cmpi slt, %select_n3A_1479, %lt3A_1485 : i32
      %ne3A_1487 = arith.xori %lt3A_1484, %lt3A_1486 : i1
      %and3A_1488 = arith.andi %ne3A_1487, %ne3A_1482 : i1
      %add3A_1489 = arith.addi %rem3A_1480, %select_n3A_1479 : i32
      %select_n3A_1490 = arith.select %and3A_1488, %add3A_1489, %rem3A_1480 : i32
      %add3A_1491 = arith.constant 1 : i32
      %add3A_1492 = arith.addi %scan3A_1447, %add3A_1491 : i32
      %jit3A_1493 = arith.constant 3 : i32
      %eq3A_1494 = arith.constant 0 : i32
      %eq3A_1495 = arith.cmpi eq, %jit3A_1493, %eq3A_1494 : i32
      %jit3A_1496 = arith.constant 1 : i32
      %select_n3A_1497 = arith.select %eq3A_1495, %jit3A_1496, %jit3A_1493 : i32
      %rem3A_1498 = arith.remsi %add3A_1492, %select_n3A_1497 : i32
      %ne3A_1499 = arith.constant 0 : i32
      %ne3A_1500 = arith.cmpi ne, %rem3A_1498, %ne3A_1499 : i32
      %lt3A_1501 = arith.constant 0 : i32
      %lt3A_1502 = arith.cmpi slt, %rem3A_1498, %lt3A_1501 : i32
      %lt3A_1503 = arith.constant 0 : i32
      %lt3A_1504 = arith.cmpi slt, %select_n3A_1497, %lt3A_1503 : i32
      %ne3A_1505 = arith.xori %lt3A_1502, %lt3A_1504 : i1
      %and3A_1506 = arith.andi %ne3A_1505, %ne3A_1500 : i1
      %add3A_1507 = arith.addi %rem3A_1498, %select_n3A_1497 : i32
      %select_n3A_1508 = arith.select %and3A_1506, %add3A_1507, %rem3A_1498 : i32
      %add3A_1509 = arith.constant 2 : i32
      %add3A_1510 = arith.addi %scan3A_1447, %add3A_1509 : i32
      %jit3A_1511 = arith.constant 3 : i32
      %eq3A_1512 = arith.constant 0 : i32
      %eq3A_1513 = arith.cmpi eq, %jit3A_1511, %eq3A_1512 : i32
      %jit3A_1514 = arith.constant 1 : i32
      %select_n3A_1515 = arith.select %eq3A_1513, %jit3A_1514, %jit3A_1511 : i32
      %rem3A_1516 = arith.remsi %add3A_1510, %select_n3A_1515 : i32
      %ne3A_1517 = arith.constant 0 : i32
      %ne3A_1518 = arith.cmpi ne, %rem3A_1516, %ne3A_1517 : i32
      %lt3A_1519 = arith.constant 0 : i32
      %lt3A_1520 = arith.cmpi slt, %rem3A_1516, %lt3A_1519 : i32
      %lt3A_1521 = arith.constant 0 : i32
      %lt3A_1522 = arith.cmpi slt, %select_n3A_1515, %lt3A_1521 : i32
      %ne3A_1523 = arith.xori %lt3A_1520, %lt3A_1522 : i1
      %and3A_1524 = arith.andi %ne3A_1523, %ne3A_1518 : i1
      %add3A_1525 = arith.addi %rem3A_1516, %select_n3A_1515 : i32
      %select_n3A_1526 = arith.select %and3A_1524, %add3A_1525, %rem3A_1516 : i32
      %dma_wait3A_1527 = arith.constant 0 : i32
      %dma_wait3A_1528 = arith.constant 0 : i32
      %dma_wait3A_1529 = arith.constant 0 : i32
      %dma_wait3A_1530 = arith.constant 0 : i32
      %dma_wait3A_1531 = tpu.memref_slice %arg8[%dma_wait3A_1528, %dma_wait3A_1529, %dma_wait3A_1530] : memref<3x4x64xi32, #tpu.memory_space<vmem>> -> memref<1x4x64xi32, #tpu.memory_space<vmem>>
      %dma_wait3A_1532 = tpu.memref_squeeze %dma_wait3A_1531 : memref<1x4x64xi32, #tpu.memory_space<vmem>> -> memref<4x64xi32, #tpu.memory_space<vmem>>
      %dma_wait3A_1533 = arith.constant 0 : i32
      %dma_wait3A_1534 = arith.constant 0 : i32
      %dma_wait3A_1535 = arith.constant 0 : i32
      %dma_wait3A_1536 = tpu.memref_slice %arg4[%arg1, %dma_wait3A_1533, %dma_wait3A_1534, %dma_wait3A_1535] : memref<16x80x4x64xi32, #tpu.memory_space<hbm>> -> memref<1x80x4x64xi32, #tpu.memory_space<hbm>>
      %dma_wait3A_1537 = tpu.memref_squeeze %dma_wait3A_1536 : memref<1x80x4x64xi32, #tpu.memory_space<hbm>> -> memref<80x4x64xi32, #tpu.memory_space<hbm>>
      %dma_wait3A_1538 = arith.constant 0 : i32
      %dma_wait3A_1539 = arith.constant 0 : i32
      %dma_wait3A_1540 = tpu.memref_slice %dma_wait3A_1537[%dma_wait3A_1527, %dma_wait3A_1538, %dma_wait3A_1539] : memref<80x4x64xi32, #tpu.memory_space<hbm>> -> memref<1x4x64xi32, #tpu.memory_space<hbm>>
      %dma_wait3A_1541 = tpu.memref_squeeze %dma_wait3A_1540 : memref<1x4x64xi32, #tpu.memory_space<hbm>> -> memref<4x64xi32, #tpu.memory_space<hbm>>
      %dma_wait3A_1542 = arith.constant 0 : i32
      %dma_wait3A_1543 = arith.constant 0 : i32
      %dma_wait3A_1544 = tpu.memref_slice %arg8[%dma_wait3A_1528, %dma_wait3A_1542, %dma_wait3A_1543] : memref<3x4x64xi32, #tpu.memory_space<vmem>> -> memref<1x4x64xi32, #tpu.memory_space<vmem>>
      %dma_wait3A_1545 = tpu.memref_squeeze %dma_wait3A_1544 : memref<1x4x64xi32, #tpu.memory_space<vmem>> -> memref<4x64xi32, #tpu.memory_space<vmem>>
      %dma_wait3A_1546 = arith.constant 0 : i32
      %dma_wait3A_1547 = arith.constant 0 : i32
      %dma_wait3A_1548 = arith.constant 0 : i32
      %dma_wait3A_1549 = tpu.memref_slice %arg4[%arg1, %dma_wait3A_1546, %dma_wait3A_1547, %dma_wait3A_1548] : memref<16x80x4x64xi32, #tpu.memory_space<hbm>> -> memref<1x80x4x64xi32, #tpu.memory_space<hbm>>
      %dma_wait3A_1550 = tpu.memref_squeeze %dma_wait3A_1549 : memref<1x80x4x64xi32, #tpu.memory_space<hbm>> -> memref<80x4x64xi32, #tpu.memory_space<hbm>>
      %dma_wait3A_1551 = arith.constant 0 : i32
      %dma_wait3A_1552 = arith.constant 0 : i32
      %dma_wait3A_1553 = tpu.memref_slice %dma_wait3A_1550[%dma_wait3A_1527, %dma_wait3A_1551, %dma_wait3A_1552] : memref<80x4x64xi32, #tpu.memory_space<hbm>> -> memref<1x4x64xi32, #tpu.memory_space<hbm>>
      %dma_wait3A_1554 = tpu.memref_squeeze %dma_wait3A_1553 : memref<1x4x64xi32, #tpu.memory_space<hbm>> -> memref<4x64xi32, #tpu.memory_space<hbm>>
      tpu.wait_dma2 semaphore(%arg15 : memref<!tpu.dma_semaphore, #tpu.memory_space<semaphore_mem>>) src(%dma_wait3A_1554 : memref<4x64xi32, #tpu.memory_space<hbm>>) dst(%dma_wait3A_1545 : memref<4x64xi32, #tpu.memory_space<vmem>>)
      %dma_wait3A_1555 = arith.constant 0 : i32
      %dma_wait3A_1556 = arith.constant 0 : i32
      %dma_wait3A_1557 = arith.constant 0 : i32
      %dma_wait3A_1558 = arith.constant 0 : i32
      %dma_wait3A_1559 = tpu.memref_slice %arg8[%dma_wait3A_1556, %dma_wait3A_1557, %dma_wait3A_1558] : memref<3x4x64xi32, #tpu.memory_space<vmem>> -> memref<1x4x64xi32, #tpu.memory_space<vmem>>
      %dma_wait3A_1560 = tpu.memref_squeeze %dma_wait3A_1559 : memref<1x4x64xi32, #tpu.memory_space<vmem>> -> memref<4x64xi32, #tpu.memory_space<vmem>>
      %dma_wait3A_1561 = arith.constant 0 : i32
      %dma_wait3A_1562 = arith.constant 0 : i32
      %dma_wait3A_1563 = arith.constant 0 : i32
      %dma_wait3A_1564 = tpu.memref_slice %arg4[%arg1, %dma_wait3A_1561, %dma_wait3A_1562, %dma_wait3A_1563] : memref<16x80x4x64xi32, #tpu.memory_space<hbm>> -> memref<1x80x4x64xi32, #tpu.memory_space<hbm>>
      %dma_wait3A_1565 = tpu.memref_squeeze %dma_wait3A_1564 : memref<1x80x4x64xi32, #tpu.memory_space<hbm>> -> memref<80x4x64xi32, #tpu.memory_space<hbm>>
      %dma_wait3A_1566 = arith.constant 0 : i32
      %dma_wait3A_1567 = arith.constant 0 : i32
      %dma_wait3A_1568 = tpu.memref_slice %dma_wait3A_1565[%dma_wait3A_1555, %dma_wait3A_1566, %dma_wait3A_1567] : memref<80x4x64xi32, #tpu.memory_space<hbm>> -> memref<1x4x64xi32, #tpu.memory_space<hbm>>
      %dma_wait3A_1569 = tpu.memref_squeeze %dma_wait3A_1568 : memref<1x4x64xi32, #tpu.memory_space<hbm>> -> memref<4x64xi32, #tpu.memory_space<hbm>>
      %dma_wait3A_1570 = arith.constant 0 : i32
      %dma_wait3A_1571 = arith.constant 0 : i32
      %dma_wait3A_1572 = tpu.memref_slice %arg8[%dma_wait3A_1556, %dma_wait3A_1570, %dma_wait3A_1571] : memref<3x4x64xi32, #tpu.memory_space<vmem>> -> memref<1x4x64xi32, #tpu.memory_space<vmem>>
      %dma_wait3A_1573 = tpu.memref_squeeze %dma_wait3A_1572 : memref<1x4x64xi32, #tpu.memory_space<vmem>> -> memref<4x64xi32, #tpu.memory_space<vmem>>
      %dma_wait3A_1574 = arith.constant 0 : i32
      %dma_wait3A_1575 = arith.constant 0 : i32
      %dma_wait3A_1576 = arith.constant 0 : i32
      %dma_wait3A_1577 = tpu.memref_slice %arg4[%arg1, %dma_wait3A_1574, %dma_wait3A_1575, %dma_wait3A_1576] : memref<16x80x4x64xi32, #tpu.memory_space<hbm>> -> memref<1x80x4x64xi32, #tpu.memory_space<hbm>>
      %dma_wait3A_1578 = tpu.memref_squeeze %dma_wait3A_1577 : memref<1x80x4x64xi32, #tpu.memory_space<hbm>> -> memref<80x4x64xi32, #tpu.memory_space<hbm>>
      %dma_wait3A_1579 = arith.constant 0 : i32
      %dma_wait3A_1580 = arith.constant 0 : i32
      %dma_wait3A_1581 = tpu.memref_slice %dma_wait3A_1578[%dma_wait3A_1555, %dma_wait3A_1579, %dma_wait3A_1580] : memref<80x4x64xi32, #tpu.memory_space<hbm>> -> memref<1x4x64xi32, #tpu.memory_space<hbm>>
      %dma_wait3A_1582 = tpu.memref_squeeze %dma_wait3A_1581 : memref<1x4x64xi32, #tpu.memory_space<hbm>> -> memref<4x64xi32, #tpu.memory_space<hbm>>
      tpu.wait_dma2 semaphore(%arg15 : memref<!tpu.dma_semaphore, #tpu.memory_space<semaphore_mem>>) src(%dma_wait3A_1582 : memref<4x64xi32, #tpu.memory_space<hbm>>) dst(%dma_wait3A_1573 : memref<4x64xi32, #tpu.memory_space<vmem>>)
      %mul3A_1583 = arith.constant 4 : i32
      %mul3A_1584 = arith.muli %mul3A_1583, %select_n3A_1456 : i32
      %add3A_1585 = arith.constant 0 : i32
      %add3A_1586 = arith.addi %mul3A_1584, %add3A_1585 : i32
      %mul3A_1587 = arith.constant 4 : i32
      %mul3A_1588 = arith.muli %mul3A_1587, %select_n3A_1474 : i32
      %add3A_1589 = arith.constant 0 : i32
      %add3A_1590 = arith.addi %mul3A_1588, %add3A_1589 : i32
      %dma_wait3A_1591 = arith.constant 0 : i32
      %dma_wait3A_1592 = arith.constant 0 : i32
      %dma_wait3A_1593 = arith.constant 0 : i32
      %dma_wait3A_1594 = arith.constant 0 : i32
      %dma_wait3A_1595 = tpu.memref_slice %arg10[%add3A_1586, %dma_wait3A_1593, %dma_wait3A_1594] : memref<8x64x64xf32, #tpu.memory_space<vmem>> -> memref<1x64x64xf32, #tpu.memory_space<vmem>>
      %dma_wait3A_1596 = tpu.memref_squeeze %dma_wait3A_1595 : memref<1x64x64xf32, #tpu.memory_space<vmem>> -> memref<64x64xf32, #tpu.memory_space<vmem>>
      %dma_wait3A_1597 = arith.constant 0 : i32
      %dma_wait3A_1598 = arith.constant 0 : i32
      %dma_wait3A_1599 = tpu.memref_slice %arg8[%dma_wait3A_1591, %dma_wait3A_1597, %dma_wait3A_1598] : memref<3x4x64xi32, #tpu.memory_space<vmem>> -> memref<1x4x64xi32, #tpu.memory_space<vmem>>
      %dma_wait3A_1600 = tpu.memref_squeeze %dma_wait3A_1599 : memref<1x4x64xi32, #tpu.memory_space<vmem>> -> memref<4x64xi32, #tpu.memory_space<vmem>>
      %dma_wait3A_1601 = arith.constant 0 : i32
      %dma_wait3A_1602 = tpu.memref_slice %dma_wait3A_1600[%dma_wait3A_1592, %dma_wait3A_1601] : memref<4x64xi32, #tpu.memory_space<vmem>> -> memref<1x64xi32, #tpu.memory_space<vmem>>
      %dma_wait3A_1603 = tpu.memref_squeeze %dma_wait3A_1602 : memref<1x64xi32, #tpu.memory_space<vmem>> -> memref<64xi32, #tpu.memory_space<vmem>>
      %dma_wait3A_1604 = arith.constant 0 : i32
      %dma_wait3A_1605 = arith.constant 0 : i32
      %dma_wait3A_1606 = tpu.memref_slice %arg11[%dma_wait3A_1604, %dma_wait3A_1605] : memref<10112x64xf32, #tpu.memory_space<vmem_shared>> -> memref<10112x64xf32, #tpu.memory_space<vmem_shared>>
      %dma_wait3A_1607 = tpu.memref_slice %arg13[%add3A_1586] : memref<8x!tpu.dma_semaphore, #tpu.memory_space<semaphore_mem>> -> memref<1x!tpu.dma_semaphore, #tpu.memory_space<semaphore_mem>>
      %dma_wait3A_1608 = tpu.memref_squeeze %dma_wait3A_1607 : memref<1x!tpu.dma_semaphore, #tpu.memory_space<semaphore_mem>> -> memref<!tpu.dma_semaphore, #tpu.memory_space<semaphore_mem>>
      tpu.wait_indirect_dma semaphore(%dma_wait3A_1608 : memref<!tpu.dma_semaphore, #tpu.memory_space<semaphore_mem>>) src(%dma_wait3A_1606 : memref<10112x64xf32, #tpu.memory_space<vmem_shared>>) dst(%dma_wait3A_1596 : memref<64x64xf32, #tpu.memory_space<vmem>>)
      %dma_start3A_1609 = arith.constant 0 : i32
      %dma_start3A_1610 = arith.constant 0 : i32
      %dma_start3A_1611 = arith.constant 0 : i32
      %dma_start3A_1612 = tpu.memref_slice %arg10[%add3A_1586, %dma_start3A_1610, %dma_start3A_1611] : memref<8x64x64xf32, #tpu.memory_space<vmem>> -> memref<1x64x64xf32, #tpu.memory_space<vmem>>
      %dma_start3A_1613 = tpu.memref_squeeze %dma_start3A_1612 : memref<1x64x64xf32, #tpu.memory_space<vmem>> -> memref<64x64xf32, #tpu.memory_space<vmem>>
      %dma_start3A_1614 = arith.constant 0 : i32
      %dma_start3A_1615 = arith.constant 0 : i32
      %dma_start3A_1616 = tpu.memref_slice %arg9[%select_n3A_1490, %dma_start3A_1614, %dma_start3A_1615] : memref<3x4x64xi32, #tpu.memory_space<vmem>> -> memref<1x4x64xi32, #tpu.memory_space<vmem>>
      %dma_start3A_1617 = tpu.memref_squeeze %dma_start3A_1616 : memref<1x4x64xi32, #tpu.memory_space<vmem>> -> memref<4x64xi32, #tpu.memory_space<vmem>>
      %dma_start3A_1618 = arith.constant 0 : i32
      %dma_start3A_1619 = tpu.memref_slice %dma_start3A_1617[%dma_start3A_1609, %dma_start3A_1618] : memref<4x64xi32, #tpu.memory_space<vmem>> -> memref<1x64xi32, #tpu.memory_space<vmem>>
      %dma_start3A_1620 = tpu.memref_squeeze %dma_start3A_1619 : memref<1x64xi32, #tpu.memory_space<vmem>> -> memref<64xi32, #tpu.memory_space<vmem>>
      %dma_start3A_1621 = arith.constant 0 : i32
      %dma_start3A_1622 = arith.constant 0 : i32
      %dma_start3A_1623 = tpu.memref_slice %arg12[%dma_start3A_1621, %dma_start3A_1622] : memref<10112x64xf32, #tpu.memory_space<vmem_shared>> -> memref<10112x64xf32, #tpu.memory_space<vmem_shared>>
      %dma_start3A_1624 = tpu.memref_slice %arg14[%add3A_1586] : memref<8x!tpu.dma_semaphore, #tpu.memory_space<semaphore_mem>> -> memref<1x!tpu.dma_semaphore, #tpu.memory_space<semaphore_mem>>
      %dma_start3A_1625 = tpu.memref_squeeze %dma_start3A_1624 : memref<1x!tpu.dma_semaphore, #tpu.memory_space<semaphore_mem>> -> memref<!tpu.dma_semaphore, #tpu.memory_space<semaphore_mem>>
      tpu.enqueue_indirect_dma source(%dma_start3A_1613 : memref<64x64xf32, #tpu.memory_space<vmem>>) target(%dma_start3A_1623 : memref<10112x64xf32, #tpu.memory_space<vmem_shared>>) offsets(%dma_start3A_1620 : memref<64xi32, #tpu.memory_space<vmem>>) semaphore(%dma_start3A_1625 : memref<!tpu.dma_semaphore, #tpu.memory_space<semaphore_mem>>) {add = true}
      %dma_wait3A_1626 = arith.constant 0 : i32
      %dma_wait3A_1627 = arith.constant 0 : i32
      %dma_wait3A_1628 = arith.constant 0 : i32
      %dma_wait3A_1629 = arith.constant 0 : i32
      %dma_wait3A_1630 = tpu.memref_slice %arg10[%add3A_1590, %dma_wait3A_1628, %dma_wait3A_1629] : memref<8x64x64xf32, #tpu.memory_space<vmem>> -> memref<1x64x64xf32, #tpu.memory_space<vmem>>
      %dma_wait3A_1631 = tpu.memref_squeeze %dma_wait3A_1630 : memref<1x64x64xf32, #tpu.memory_space<vmem>> -> memref<64x64xf32, #tpu.memory_space<vmem>>
      %dma_wait3A_1632 = arith.constant 0 : i32
      %dma_wait3A_1633 = arith.constant 0 : i32
      %dma_wait3A_1634 = tpu.memref_slice %arg9[%dma_wait3A_1626, %dma_wait3A_1632, %dma_wait3A_1633] : memref<3x4x64xi32, #tpu.memory_space<vmem>> -> memref<1x4x64xi32, #tpu.memory_space<vmem>>
      %dma_wait3A_1635 = tpu.memref_squeeze %dma_wait3A_1634 : memref<1x4x64xi32, #tpu.memory_space<vmem>> -> memref<4x64xi32, #tpu.memory_space<vmem>>
      %dma_wait3A_1636 = arith.constant 0 : i32
      %dma_wait3A_1637 = tpu.memref_slice %dma_wait3A_1635[%dma_wait3A_1627, %dma_wait3A_1636] : memref<4x64xi32, #tpu.memory_space<vmem>> -> memref<1x64xi32, #tpu.memory_space<vmem>>
      %dma_wait3A_1638 = tpu.memref_squeeze %dma_wait3A_1637 : memref<1x64xi32, #tpu.memory_space<vmem>> -> memref<64xi32, #tpu.memory_space<vmem>>
      %dma_wait3A_1639 = arith.constant 0 : i32
      %dma_wait3A_1640 = arith.constant 0 : i32
      %dma_wait3A_1641 = tpu.memref_slice %arg12[%dma_wait3A_1639, %dma_wait3A_1640] : memref<10112x64xf32, #tpu.memory_space<vmem_shared>> -> memref<10112x64xf32, #tpu.memory_space<vmem_shared>>
      %dma_wait3A_1642 = tpu.memref_slice %arg14[%add3A_1590] : memref<8x!tpu.dma_semaphore, #tpu.memory_space<semaphore_mem>> -> memref<1x!tpu.dma_semaphore, #tpu.memory_space<semaphore_mem>>
      %dma_wait3A_1643 = tpu.memref_squeeze %dma_wait3A_1642 : memref<1x!tpu.dma_semaphore, #tpu.memory_space<semaphore_mem>> -> memref<!tpu.dma_semaphore, #tpu.memory_space<semaphore_mem>>
      tpu.wait_indirect_dma semaphore(%dma_wait3A_1643 : memref<!tpu.dma_semaphore, #tpu.memory_space<semaphore_mem>>) src(%dma_wait3A_1631 : memref<64x64xf32, #tpu.memory_space<vmem>>) dst(%dma_wait3A_1641 : memref<10112x64xf32, #tpu.memory_space<vmem_shared>>)
      %dma_start3A_1644 = arith.constant 0 : i32
      %dma_start3A_1645 = arith.constant 0 : i32
      %dma_start3A_1646 = arith.constant 0 : i32
      %dma_start3A_1647 = tpu.memref_slice %arg10[%add3A_1590, %dma_start3A_1645, %dma_start3A_1646] : memref<8x64x64xf32, #tpu.memory_space<vmem>> -> memref<1x64x64xf32, #tpu.memory_space<vmem>>
      %dma_start3A_1648 = tpu.memref_squeeze %dma_start3A_1647 : memref<1x64x64xf32, #tpu.memory_space<vmem>> -> memref<64x64xf32, #tpu.memory_space<vmem>>
      %dma_start3A_1649 = arith.constant 0 : i32
      %dma_start3A_1650 = arith.constant 0 : i32
      %dma_start3A_1651 = tpu.memref_slice %arg8[%select_n3A_1508, %dma_start3A_1649, %dma_start3A_1650] : memref<3x4x64xi32, #tpu.memory_space<vmem>> -> memref<1x4x64xi32, #tpu.memory_space<vmem>>
      %dma_start3A_1652 = tpu.memref_squeeze %dma_start3A_1651 : memref<1x4x64xi32, #tpu.memory_space<vmem>> -> memref<4x64xi32, #tpu.memory_space<vmem>>
      %dma_start3A_1653 = arith.constant 0 : i32
      %dma_start3A_1654 = tpu.memref_slice %dma_start3A_1652[%dma_start3A_1644, %dma_start3A_1653] : memref<4x64xi32, #tpu.memory_space<vmem>> -> memref<1x64xi32, #tpu.memory_space<vmem>>
      %dma_start3A_1655 = tpu.memref_squeeze %dma_start3A_1654 : memref<1x64xi32, #tpu.memory_space<vmem>> -> memref<64xi32, #tpu.memory_space<vmem>>
      %dma_start3A_1656 = arith.constant 0 : i32
      %dma_start3A_1657 = arith.constant 0 : i32
      %dma_start3A_1658 = tpu.memref_slice %arg11[%dma_start3A_1656, %dma_start3A_1657] : memref<10112x64xf32, #tpu.memory_space<vmem_shared>> -> memref<10112x64xf32, #tpu.memory_space<vmem_shared>>
      %dma_start3A_1659 = tpu.memref_slice %arg13[%add3A_1590] : memref<8x!tpu.dma_semaphore, #tpu.memory_space<semaphore_mem>> -> memref<1x!tpu.dma_semaphore, #tpu.memory_space<semaphore_mem>>
      %dma_start3A_1660 = tpu.memref_squeeze %dma_start3A_1659 : memref<1x!tpu.dma_semaphore, #tpu.memory_space<semaphore_mem>> -> memref<!tpu.dma_semaphore, #tpu.memory_space<semaphore_mem>>
      tpu.enqueue_indirect_dma source(%dma_start3A_1658 : memref<10112x64xf32, #tpu.memory_space<vmem_shared>>) target(%dma_start3A_1648 : memref<64x64xf32, #tpu.memory_space<vmem>>) offsets(%dma_start3A_1655 : memref<64xi32, #tpu.memory_space<vmem>>) semaphore(%dma_start3A_1660 : memref<!tpu.dma_semaphore, #tpu.memory_space<semaphore_mem>>)
      %mul3A_1661 = arith.constant 4 : i32
      %mul3A_1662 = arith.muli %mul3A_1661, %select_n3A_1456 : i32
      %add3A_1663 = arith.constant 1 : i32
      %add3A_1664 = arith.addi %mul3A_1662, %add3A_1663 : i32
      %mul3A_1665 = arith.constant 4 : i32
      %mul3A_1666 = arith.muli %mul3A_1665, %select_n3A_1474 : i32
      %add3A_1667 = arith.constant 1 : i32
      %add3A_1668 = arith.addi %mul3A_1666, %add3A_1667 : i32
      %dma_wait3A_1669 = arith.constant 0 : i32
      %dma_wait3A_1670 = arith.constant 0 : i32
      %dma_wait3A_1671 = arith.constant 0 : i32
      %dma_wait3A_1672 = arith.constant 0 : i32
      %dma_wait3A_1673 = tpu.memref_slice %arg10[%add3A_1664, %dma_wait3A_1671, %dma_wait3A_1672] : memref<8x64x64xf32, #tpu.memory_space<vmem>> -> memref<1x64x64xf32, #tpu.memory_space<vmem>>
      %dma_wait3A_1674 = tpu.memref_squeeze %dma_wait3A_1673 : memref<1x64x64xf32, #tpu.memory_space<vmem>> -> memref<64x64xf32, #tpu.memory_space<vmem>>
      %dma_wait3A_1675 = arith.constant 0 : i32
      %dma_wait3A_1676 = arith.constant 0 : i32
      %dma_wait3A_1677 = tpu.memref_slice %arg8[%dma_wait3A_1669, %dma_wait3A_1675, %dma_wait3A_1676] : memref<3x4x64xi32, #tpu.memory_space<vmem>> -> memref<1x4x64xi32, #tpu.memory_space<vmem>>
      %dma_wait3A_1678 = tpu.memref_squeeze %dma_wait3A_1677 : memref<1x4x64xi32, #tpu.memory_space<vmem>> -> memref<4x64xi32, #tpu.memory_space<vmem>>
      %dma_wait3A_1679 = arith.constant 0 : i32
      %dma_wait3A_1680 = tpu.memref_slice %dma_wait3A_1678[%dma_wait3A_1670, %dma_wait3A_1679] : memref<4x64xi32, #tpu.memory_space<vmem>> -> memref<1x64xi32, #tpu.memory_space<vmem>>
      %dma_wait3A_1681 = tpu.memref_squeeze %dma_wait3A_1680 : memref<1x64xi32, #tpu.memory_space<vmem>> -> memref<64xi32, #tpu.memory_space<vmem>>
      %dma_wait3A_1682 = arith.constant 0 : i32
      %dma_wait3A_1683 = arith.constant 0 : i32
      %dma_wait3A_1684 = tpu.memref_slice %arg11[%dma_wait3A_1682, %dma_wait3A_1683] : memref<10112x64xf32, #tpu.memory_space<vmem_shared>> -> memref<10112x64xf32, #tpu.memory_space<vmem_shared>>
      %dma_wait3A_1685 = tpu.memref_slice %arg13[%add3A_1664] : memref<8x!tpu.dma_semaphore, #tpu.memory_space<semaphore_mem>> -> memref<1x!tpu.dma_semaphore, #tpu.memory_space<semaphore_mem>>
      %dma_wait3A_1686 = tpu.memref_squeeze %dma_wait3A_1685 : memref<1x!tpu.dma_semaphore, #tpu.memory_space<semaphore_mem>> -> memref<!tpu.dma_semaphore, #tpu.memory_space<semaphore_mem>>
      tpu.wait_indirect_dma semaphore(%dma_wait3A_1686 : memref<!tpu.dma_semaphore, #tpu.memory_space<semaphore_mem>>) src(%dma_wait3A_1684 : memref<10112x64xf32, #tpu.memory_space<vmem_shared>>) dst(%dma_wait3A_1674 : memref<64x64xf32, #tpu.memory_space<vmem>>)
      %dma_start3A_1687 = arith.constant 1 : i32
      %dma_start3A_1688 = arith.constant 0 : i32
      %dma_start3A_1689 = arith.constant 0 : i32
      %dma_start3A_1690 = tpu.memref_slice %arg10[%add3A_1664, %dma_start3A_1688, %dma_start3A_1689] : memref<8x64x64xf32, #tpu.memory_space<vmem>> -> memref<1x64x64xf32, #tpu.memory_space<vmem>>
      %dma_start3A_1691 = tpu.memref_squeeze %dma_start3A_1690 : memref<1x64x64xf32, #tpu.memory_space<vmem>> -> memref<64x64xf32, #tpu.memory_space<vmem>>
      %dma_start3A_1692 = arith.constant 0 : i32
      %dma_start3A_1693 = arith.constant 0 : i32
      %dma_start3A_1694 = tpu.memref_slice %arg9[%select_n3A_1490, %dma_start3A_1692, %dma_start3A_1693] : memref<3x4x64xi32, #tpu.memory_space<vmem>> -> memref<1x4x64xi32, #tpu.memory_space<vmem>>
      %dma_start3A_1695 = tpu.memref_squeeze %dma_start3A_1694 : memref<1x4x64xi32, #tpu.memory_space<vmem>> -> memref<4x64xi32, #tpu.memory_space<vmem>>
      %dma_start3A_1696 = arith.constant 0 : i32
      %dma_start3A_1697 = tpu.memref_slice %dma_start3A_1695[%dma_start3A_1687, %dma_start3A_1696] : memref<4x64xi32, #tpu.memory_space<vmem>> -> memref<1x64xi32, #tpu.memory_space<vmem>>
      %dma_start3A_1698 = tpu.memref_squeeze %dma_start3A_1697 : memref<1x64xi32, #tpu.memory_space<vmem>> -> memref<64xi32, #tpu.memory_space<vmem>>
      %dma_start3A_1699 = arith.constant 0 : i32
      %dma_start3A_1700 = arith.constant 0 : i32
      %dma_start3A_1701 = tpu.memref_slice %arg12[%dma_start3A_1699, %dma_start3A_1700] : memref<10112x64xf32, #tpu.memory_space<vmem_shared>> -> memref<10112x64xf32, #tpu.memory_space<vmem_shared>>
      %dma_start3A_1702 = tpu.memref_slice %arg14[%add3A_1664] : memref<8x!tpu.dma_semaphore, #tpu.memory_space<semaphore_mem>> -> memref<1x!tpu.dma_semaphore, #tpu.memory_space<semaphore_mem>>
      %dma_start3A_1703 = tpu.memref_squeeze %dma_start3A_1702 : memref<1x!tpu.dma_semaphore, #tpu.memory_space<semaphore_mem>> -> memref<!tpu.dma_semaphore, #tpu.memory_space<semaphore_mem>>
      tpu.enqueue_indirect_dma source(%dma_start3A_1691 : memref<64x64xf32, #tpu.memory_space<vmem>>) target(%dma_start3A_1701 : memref<10112x64xf32, #tpu.memory_space<vmem_shared>>) offsets(%dma_start3A_1698 : memref<64xi32, #tpu.memory_space<vmem>>) semaphore(%dma_start3A_1703 : memref<!tpu.dma_semaphore, #tpu.memory_space<semaphore_mem>>) {add = true}
      %dma_wait3A_1704 = arith.constant 0 : i32
      %dma_wait3A_1705 = arith.constant 0 : i32
      %dma_wait3A_1706 = arith.constant 0 : i32
      %dma_wait3A_1707 = arith.constant 0 : i32
      %dma_wait3A_1708 = tpu.memref_slice %arg10[%add3A_1668, %dma_wait3A_1706, %dma_wait3A_1707] : memref<8x64x64xf32, #tpu.memory_space<vmem>> -> memref<1x64x64xf32, #tpu.memory_space<vmem>>
      %dma_wait3A_1709 = tpu.memref_squeeze %dma_wait3A_1708 : memref<1x64x64xf32, #tpu.memory_space<vmem>> -> memref<64x64xf32, #tpu.memory_space<vmem>>
      %dma_wait3A_1710 = arith.constant 0 : i32
      %dma_wait3A_1711 = arith.constant 0 : i32
      %dma_wait3A_1712 = tpu.memref_slice %arg9[%dma_wait3A_1704, %dma_wait3A_1710, %dma_wait3A_1711] : memref<3x4x64xi32, #tpu.memory_space<vmem>> -> memref<1x4x64xi32, #tpu.memory_space<vmem>>
      %dma_wait3A_1713 = tpu.memref_squeeze %dma_wait3A_1712 : memref<1x4x64xi32, #tpu.memory_space<vmem>> -> memref<4x64xi32, #tpu.memory_space<vmem>>
      %dma_wait3A_1714 = arith.constant 0 : i32
      %dma_wait3A_1715 = tpu.memref_slice %dma_wait3A_1713[%dma_wait3A_1705, %dma_wait3A_1714] : memref<4x64xi32, #tpu.memory_space<vmem>> -> memref<1x64xi32, #tpu.memory_space<vmem>>
      %dma_wait3A_1716 = tpu.memref_squeeze %dma_wait3A_1715 : memref<1x64xi32, #tpu.memory_space<vmem>> -> memref<64xi32, #tpu.memory_space<vmem>>
      %dma_wait3A_1717 = arith.constant 0 : i32
      %dma_wait3A_1718 = arith.constant 0 : i32
      %dma_wait3A_1719 = tpu.memref_slice %arg12[%dma_wait3A_1717, %dma_wait3A_1718] : memref<10112x64xf32, #tpu.memory_space<vmem_shared>> -> memref<10112x64xf32, #tpu.memory_space<vmem_shared>>
      %dma_wait3A_1720 = tpu.memref_slice %arg14[%add3A_1668] : memref<8x!tpu.dma_semaphore, #tpu.memory_space<semaphore_mem>> -> memref<1x!tpu.dma_semaphore, #tpu.memory_space<semaphore_mem>>
      %dma_wait3A_1721 = tpu.memref_squeeze %dma_wait3A_1720 : memref<1x!tpu.dma_semaphore, #tpu.memory_space<semaphore_mem>> -> memref<!tpu.dma_semaphore, #tpu.memory_space<semaphore_mem>>
      tpu.wait_indirect_dma semaphore(%dma_wait3A_1721 : memref<!tpu.dma_semaphore, #tpu.memory_space<semaphore_mem>>) src(%dma_wait3A_1709 : memref<64x64xf32, #tpu.memory_space<vmem>>) dst(%dma_wait3A_1719 : memref<10112x64xf32, #tpu.memory_space<vmem_shared>>)
      %dma_start3A_1722 = arith.constant 1 : i32
      %dma_start3A_1723 = arith.constant 0 : i32
      %dma_start3A_1724 = arith.constant 0 : i32
      %dma_start3A_1725 = tpu.memref_slice %arg10[%add3A_1668, %dma_start3A_1723, %dma_start3A_1724] : memref<8x64x64xf32, #tpu.memory_space<vmem>> -> memref<1x64x64xf32, #tpu.memory_space<vmem>>
      %dma_start3A_1726 = tpu.memref_squeeze %dma_start3A_1725 : memref<1x64x64xf32, #tpu.memory_space<vmem>> -> memref<64x64xf32, #tpu.memory_space<vmem>>
      %dma_start3A_1727 = arith.constant 0 : i32
      %dma_start3A_1728 = arith.constant 0 : i32
      %dma_start3A_1729 = tpu.memref_slice %arg8[%select_n3A_1508, %dma_start3A_1727, %dma_start3A_1728] : memref<3x4x64xi32, #tpu.memory_space<vmem>> -> memref<1x4x64xi32, #tpu.memory_space<vmem>>
      %dma_start3A_1730 = tpu.memref_squeeze %dma_start3A_1729 : memref<1x4x64xi32, #tpu.memory_space<vmem>> -> memref<4x64xi32, #tpu.memory_space<vmem>>
      %dma_start3A_1731 = arith.constant 0 : i32
      %dma_start3A_1732 = tpu.memref_slice %dma_start3A_1730[%dma_start3A_1722, %dma_start3A_1731] : memref<4x64xi32, #tpu.memory_space<vmem>> -> memref<1x64xi32, #tpu.memory_space<vmem>>
      %dma_start3A_1733 = tpu.memref_squeeze %dma_start3A_1732 : memref<1x64xi32, #tpu.memory_space<vmem>> -> memref<64xi32, #tpu.memory_space<vmem>>
      %dma_start3A_1734 = arith.constant 0 : i32
      %dma_start3A_1735 = arith.constant 0 : i32
      %dma_start3A_1736 = tpu.memref_slice %arg11[%dma_start3A_1734, %dma_start3A_1735] : memref<10112x64xf32, #tpu.memory_space<vmem_shared>> -> memref<10112x64xf32, #tpu.memory_space<vmem_shared>>
      %dma_start3A_1737 = tpu.memref_slice %arg13[%add3A_1668] : memref<8x!tpu.dma_semaphore, #tpu.memory_space<semaphore_mem>> -> memref<1x!tpu.dma_semaphore, #tpu.memory_space<semaphore_mem>>
      %dma_start3A_1738 = tpu.memref_squeeze %dma_start3A_1737 : memref<1x!tpu.dma_semaphore, #tpu.memory_space<semaphore_mem>> -> memref<!tpu.dma_semaphore, #tpu.memory_space<semaphore_mem>>
      tpu.enqueue_indirect_dma source(%dma_start3A_1736 : memref<10112x64xf32, #tpu.memory_space<vmem_shared>>) target(%dma_start3A_1726 : memref<64x64xf32, #tpu.memory_space<vmem>>) offsets(%dma_start3A_1733 : memref<64xi32, #tpu.memory_space<vmem>>) semaphore(%dma_start3A_1738 : memref<!tpu.dma_semaphore, #tpu.memory_space<semaphore_mem>>)
      %mul3A_1739 = arith.constant 4 : i32
      %mul3A_1740 = arith.muli %mul3A_1739, %select_n3A_1456 : i32
      %add3A_1741 = arith.constant 2 : i32
      %add3A_1742 = arith.addi %mul3A_1740, %add3A_1741 : i32
      %mul3A_1743 = arith.constant 4 : i32
      %mul3A_1744 = arith.muli %mul3A_1743, %select_n3A_1474 : i32
      %add3A_1745 = arith.constant 2 : i32
      %add3A_1746 = arith.addi %mul3A_1744, %add3A_1745 : i32
      %dma_wait3A_1747 = arith.constant 0 : i32
      %dma_wait3A_1748 = arith.constant 0 : i32
      %dma_wait3A_1749 = arith.constant 0 : i32
      %dma_wait3A_1750 = arith.constant 0 : i32
      %dma_wait3A_1751 = tpu.memref_slice %arg10[%add3A_1742, %dma_wait3A_1749, %dma_wait3A_1750] : memref<8x64x64xf32, #tpu.memory_space<vmem>> -> memref<1x64x64xf32, #tpu.memory_space<vmem>>
      %dma_wait3A_1752 = tpu.memref_squeeze %dma_wait3A_1751 : memref<1x64x64xf32, #tpu.memory_space<vmem>> -> memref<64x64xf32, #tpu.memory_space<vmem>>
      %dma_wait3A_1753 = arith.constant 0 : i32
      %dma_wait3A_1754 = arith.constant 0 : i32
      %dma_wait3A_1755 = tpu.memref_slice %arg8[%dma_wait3A_1747, %dma_wait3A_1753, %dma_wait3A_1754] : memref<3x4x64xi32, #tpu.memory_space<vmem>> -> memref<1x4x64xi32, #tpu.memory_space<vmem>>
      %dma_wait3A_1756 = tpu.memref_squeeze %dma_wait3A_1755 : memref<1x4x64xi32, #tpu.memory_space<vmem>> -> memref<4x64xi32, #tpu.memory_space<vmem>>
      %dma_wait3A_1757 = arith.constant 0 : i32
      %dma_wait3A_1758 = tpu.memref_slice %dma_wait3A_1756[%dma_wait3A_1748, %dma_wait3A_1757] : memref<4x64xi32, #tpu.memory_space<vmem>> -> memref<1x64xi32, #tpu.memory_space<vmem>>
      %dma_wait3A_1759 = tpu.memref_squeeze %dma_wait3A_1758 : memref<1x64xi32, #tpu.memory_space<vmem>> -> memref<64xi32, #tpu.memory_space<vmem>>
      %dma_wait3A_1760 = arith.constant 0 : i32
      %dma_wait3A_1761 = arith.constant 0 : i32
      %dma_wait3A_1762 = tpu.memref_slice %arg11[%dma_wait3A_1760, %dma_wait3A_1761] : memref<10112x64xf32, #tpu.memory_space<vmem_shared>> -> memref<10112x64xf32, #tpu.memory_space<vmem_shared>>
      %dma_wait3A_1763 = tpu.memref_slice %arg13[%add3A_1742] : memref<8x!tpu.dma_semaphore, #tpu.memory_space<semaphore_mem>> -> memref<1x!tpu.dma_semaphore, #tpu.memory_space<semaphore_mem>>
      %dma_wait3A_1764 = tpu.memref_squeeze %dma_wait3A_1763 : memref<1x!tpu.dma_semaphore, #tpu.memory_space<semaphore_mem>> -> memref<!tpu.dma_semaphore, #tpu.memory_space<semaphore_mem>>
      tpu.wait_indirect_dma semaphore(%dma_wait3A_1764 : memref<!tpu.dma_semaphore, #tpu.memory_space<semaphore_mem>>) src(%dma_wait3A_1762 : memref<10112x64xf32, #tpu.memory_space<vmem_shared>>) dst(%dma_wait3A_1752 : memref<64x64xf32, #tpu.memory_space<vmem>>)
      %dma_start3A_1765 = arith.constant 2 : i32
      %dma_start3A_1766 = arith.constant 0 : i32
      %dma_start3A_1767 = arith.constant 0 : i32
      %dma_start3A_1768 = tpu.memref_slice %arg10[%add3A_1742, %dma_start3A_1766, %dma_start3A_1767] : memref<8x64x64xf32, #tpu.memory_space<vmem>> -> memref<1x64x64xf32, #tpu.memory_space<vmem>>
      %dma_start3A_1769 = tpu.memref_squeeze %dma_start3A_1768 : memref<1x64x64xf32, #tpu.memory_space<vmem>> -> memref<64x64xf32, #tpu.memory_space<vmem>>
      %dma_start3A_1770 = arith.constant 0 : i32
      %dma_start3A_1771 = arith.constant 0 : i32
      %dma_start3A_1772 = tpu.memref_slice %arg9[%select_n3A_1490, %dma_start3A_1770, %dma_start3A_1771] : memref<3x4x64xi32, #tpu.memory_space<vmem>> -> memref<1x4x64xi32, #tpu.memory_space<vmem>>
      %dma_start3A_1773 = tpu.memref_squeeze %dma_start3A_1772 : memref<1x4x64xi32, #tpu.memory_space<vmem>> -> memref<4x64xi32, #tpu.memory_space<vmem>>
      %dma_start3A_1774 = arith.constant 0 : i32
      %dma_start3A_1775 = tpu.memref_slice %dma_start3A_1773[%dma_start3A_1765, %dma_start3A_1774] : memref<4x64xi32, #tpu.memory_space<vmem>> -> memref<1x64xi32, #tpu.memory_space<vmem>>
      %dma_start3A_1776 = tpu.memref_squeeze %dma_start3A_1775 : memref<1x64xi32, #tpu.memory_space<vmem>> -> memref<64xi32, #tpu.memory_space<vmem>>
      %dma_start3A_1777 = arith.constant 0 : i32
      %dma_start3A_1778 = arith.constant 0 : i32
      %dma_start3A_1779 = tpu.memref_slice %arg12[%dma_start3A_1777, %dma_start3A_1778] : memref<10112x64xf32, #tpu.memory_space<vmem_shared>> -> memref<10112x64xf32, #tpu.memory_space<vmem_shared>>
      %dma_start3A_1780 = tpu.memref_slice %arg14[%add3A_1742] : memref<8x!tpu.dma_semaphore, #tpu.memory_space<semaphore_mem>> -> memref<1x!tpu.dma_semaphore, #tpu.memory_space<semaphore_mem>>
      %dma_start3A_1781 = tpu.memref_squeeze %dma_start3A_1780 : memref<1x!tpu.dma_semaphore, #tpu.memory_space<semaphore_mem>> -> memref<!tpu.dma_semaphore, #tpu.memory_space<semaphore_mem>>
      tpu.enqueue_indirect_dma source(%dma_start3A_1769 : memref<64x64xf32, #tpu.memory_space<vmem>>) target(%dma_start3A_1779 : memref<10112x64xf32, #tpu.memory_space<vmem_shared>>) offsets(%dma_start3A_1776 : memref<64xi32, #tpu.memory_space<vmem>>) semaphore(%dma_start3A_1781 : memref<!tpu.dma_semaphore, #tpu.memory_space<semaphore_mem>>) {add = true}
      %dma_wait3A_1782 = arith.constant 0 : i32
      %dma_wait3A_1783 = arith.constant 0 : i32
      %dma_wait3A_1784 = arith.constant 0 : i32
      %dma_wait3A_1785 = arith.constant 0 : i32
      %dma_wait3A_1786 = tpu.memref_slice %arg10[%add3A_1746, %dma_wait3A_1784, %dma_wait3A_1785] : memref<8x64x64xf32, #tpu.memory_space<vmem>> -> memref<1x64x64xf32, #tpu.memory_space<vmem>>
      %dma_wait3A_1787 = tpu.memref_squeeze %dma_wait3A_1786 : memref<1x64x64xf32, #tpu.memory_space<vmem>> -> memref<64x64xf32, #tpu.memory_space<vmem>>
      %dma_wait3A_1788 = arith.constant 0 : i32
      %dma_wait3A_1789 = arith.constant 0 : i32
      %dma_wait3A_1790 = tpu.memref_slice %arg9[%dma_wait3A_1782, %dma_wait3A_1788, %dma_wait3A_1789] : memref<3x4x64xi32, #tpu.memory_space<vmem>> -> memref<1x4x64xi32, #tpu.memory_space<vmem>>
      %dma_wait3A_1791 = tpu.memref_squeeze %dma_wait3A_1790 : memref<1x4x64xi32, #tpu.memory_space<vmem>> -> memref<4x64xi32, #tpu.memory_space<vmem>>
      %dma_wait3A_1792 = arith.constant 0 : i32
      %dma_wait3A_1793 = tpu.memref_slice %dma_wait3A_1791[%dma_wait3A_1783, %dma_wait3A_1792] : memref<4x64xi32, #tpu.memory_space<vmem>> -> memref<1x64xi32, #tpu.memory_space<vmem>>
      %dma_wait3A_1794 = tpu.memref_squeeze %dma_wait3A_1793 : memref<1x64xi32, #tpu.memory_space<vmem>> -> memref<64xi32, #tpu.memory_space<vmem>>
      %dma_wait3A_1795 = arith.constant 0 : i32
      %dma_wait3A_1796 = arith.constant 0 : i32
      %dma_wait3A_1797 = tpu.memref_slice %arg12[%dma_wait3A_1795, %dma_wait3A_1796] : memref<10112x64xf32, #tpu.memory_space<vmem_shared>> -> memref<10112x64xf32, #tpu.memory_space<vmem_shared>>
      %dma_wait3A_1798 = tpu.memref_slice %arg14[%add3A_1746] : memref<8x!tpu.dma_semaphore, #tpu.memory_space<semaphore_mem>> -> memref<1x!tpu.dma_semaphore, #tpu.memory_space<semaphore_mem>>
      %dma_wait3A_1799 = tpu.memref_squeeze %dma_wait3A_1798 : memref<1x!tpu.dma_semaphore, #tpu.memory_space<semaphore_mem>> -> memref<!tpu.dma_semaphore, #tpu.memory_space<semaphore_mem>>
      tpu.wait_indirect_dma semaphore(%dma_wait3A_1799 : memref<!tpu.dma_semaphore, #tpu.memory_space<semaphore_mem>>) src(%dma_wait3A_1787 : memref<64x64xf32, #tpu.memory_space<vmem>>) dst(%dma_wait3A_1797 : memref<10112x64xf32, #tpu.memory_space<vmem_shared>>)
      %dma_start3A_1800 = arith.constant 2 : i32
      %dma_start3A_1801 = arith.constant 0 : i32
      %dma_start3A_1802 = arith.constant 0 : i32
      %dma_start3A_1803 = tpu.memref_slice %arg10[%add3A_1746, %dma_start3A_1801, %dma_start3A_1802] : memref<8x64x64xf32, #tpu.memory_space<vmem>> -> memref<1x64x64xf32, #tpu.memory_space<vmem>>
      %dma_start3A_1804 = tpu.memref_squeeze %dma_start3A_1803 : memref<1x64x64xf32, #tpu.memory_space<vmem>> -> memref<64x64xf32, #tpu.memory_space<vmem>>
      %dma_start3A_1805 = arith.constant 0 : i32
      %dma_start3A_1806 = arith.constant 0 : i32
      %dma_start3A_1807 = tpu.memref_slice %arg8[%select_n3A_1508, %dma_start3A_1805, %dma_start3A_1806] : memref<3x4x64xi32, #tpu.memory_space<vmem>> -> memref<1x4x64xi32, #tpu.memory_space<vmem>>
      %dma_start3A_1808 = tpu.memref_squeeze %dma_start3A_1807 : memref<1x4x64xi32, #tpu.memory_space<vmem>> -> memref<4x64xi32, #tpu.memory_space<vmem>>
      %dma_start3A_1809 = arith.constant 0 : i32
      %dma_start3A_1810 = tpu.memref_slice %dma_start3A_1808[%dma_start3A_1800, %dma_start3A_1809] : memref<4x64xi32, #tpu.memory_space<vmem>> -> memref<1x64xi32, #tpu.memory_space<vmem>>
      %dma_start3A_1811 = tpu.memref_squeeze %dma_start3A_1810 : memref<1x64xi32, #tpu.memory_space<vmem>> -> memref<64xi32, #tpu.memory_space<vmem>>
      %dma_start3A_1812 = arith.constant 0 : i32
      %dma_start3A_1813 = arith.constant 0 : i32
      %dma_start3A_1814 = tpu.memref_slice %arg11[%dma_start3A_1812, %dma_start3A_1813] : memref<10112x64xf32, #tpu.memory_space<vmem_shared>> -> memref<10112x64xf32, #tpu.memory_space<vmem_shared>>
      %dma_start3A_1815 = tpu.memref_slice %arg13[%add3A_1746] : memref<8x!tpu.dma_semaphore, #tpu.memory_space<semaphore_mem>> -> memref<1x!tpu.dma_semaphore, #tpu.memory_space<semaphore_mem>>
      %dma_start3A_1816 = tpu.memref_squeeze %dma_start3A_1815 : memref<1x!tpu.dma_semaphore, #tpu.memory_space<semaphore_mem>> -> memref<!tpu.dma_semaphore, #tpu.memory_space<semaphore_mem>>
      tpu.enqueue_indirect_dma source(%dma_start3A_1814 : memref<10112x64xf32, #tpu.memory_space<vmem_shared>>) target(%dma_start3A_1804 : memref<64x64xf32, #tpu.memory_space<vmem>>) offsets(%dma_start3A_1811 : memref<64xi32, #tpu.memory_space<vmem>>) semaphore(%dma_start3A_1816 : memref<!tpu.dma_semaphore, #tpu.memory_space<semaphore_mem>>)
      %mul3A_1817 = arith.constant 4 : i32
      %mul3A_1818 = arith.muli %mul3A_1817, %select_n3A_1456 : i32
      %add3A_1819 = arith.constant 3 : i32
      %add3A_1820 = arith.addi %mul3A_1818, %add3A_1819 : i32
      %mul3A_1821 = arith.constant 4 : i32
      %mul3A_1822 = arith.muli %mul3A_1821, %select_n3A_1474 : i32
      %add3A_1823 = arith.constant 3 : i32
      %add3A_1824 = arith.addi %mul3A_1822, %add3A_1823 : i32
      %dma_wait3A_1825 = arith.constant 0 : i32
      %dma_wait3A_1826 = arith.constant 0 : i32
      %dma_wait3A_1827 = arith.constant 0 : i32
      %dma_wait3A_1828 = arith.constant 0 : i32
      %dma_wait3A_1829 = tpu.memref_slice %arg10[%add3A_1820, %dma_wait3A_1827, %dma_wait3A_1828] : memref<8x64x64xf32, #tpu.memory_space<vmem>> -> memref<1x64x64xf32, #tpu.memory_space<vmem>>
      %dma_wait3A_1830 = tpu.memref_squeeze %dma_wait3A_1829 : memref<1x64x64xf32, #tpu.memory_space<vmem>> -> memref<64x64xf32, #tpu.memory_space<vmem>>
      %dma_wait3A_1831 = arith.constant 0 : i32
      %dma_wait3A_1832 = arith.constant 0 : i32
      %dma_wait3A_1833 = tpu.memref_slice %arg8[%dma_wait3A_1825, %dma_wait3A_1831, %dma_wait3A_1832] : memref<3x4x64xi32, #tpu.memory_space<vmem>> -> memref<1x4x64xi32, #tpu.memory_space<vmem>>
      %dma_wait3A_1834 = tpu.memref_squeeze %dma_wait3A_1833 : memref<1x4x64xi32, #tpu.memory_space<vmem>> -> memref<4x64xi32, #tpu.memory_space<vmem>>
      %dma_wait3A_1835 = arith.constant 0 : i32
      %dma_wait3A_1836 = tpu.memref_slice %dma_wait3A_1834[%dma_wait3A_1826, %dma_wait3A_1835] : memref<4x64xi32, #tpu.memory_space<vmem>> -> memref<1x64xi32, #tpu.memory_space<vmem>>
      %dma_wait3A_1837 = tpu.memref_squeeze %dma_wait3A_1836 : memref<1x64xi32, #tpu.memory_space<vmem>> -> memref<64xi32, #tpu.memory_space<vmem>>
      %dma_wait3A_1838 = arith.constant 0 : i32
      %dma_wait3A_1839 = arith.constant 0 : i32
      %dma_wait3A_1840 = tpu.memref_slice %arg11[%dma_wait3A_1838, %dma_wait3A_1839] : memref<10112x64xf32, #tpu.memory_space<vmem_shared>> -> memref<10112x64xf32, #tpu.memory_space<vmem_shared>>
      %dma_wait3A_1841 = tpu.memref_slice %arg13[%add3A_1820] : memref<8x!tpu.dma_semaphore, #tpu.memory_space<semaphore_mem>> -> memref<1x!tpu.dma_semaphore, #tpu.memory_space<semaphore_mem>>
      %dma_wait3A_1842 = tpu.memref_squeeze %dma_wait3A_1841 : memref<1x!tpu.dma_semaphore, #tpu.memory_space<semaphore_mem>> -> memref<!tpu.dma_semaphore, #tpu.memory_space<semaphore_mem>>
      tpu.wait_indirect_dma semaphore(%dma_wait3A_1842 : memref<!tpu.dma_semaphore, #tpu.memory_space<semaphore_mem>>) src(%dma_wait3A_1840 : memref<10112x64xf32, #tpu.memory_space<vmem_shared>>) dst(%dma_wait3A_1830 : memref<64x64xf32, #tpu.memory_space<vmem>>)
      %dma_start3A_1843 = arith.constant 3 : i32
      %dma_start3A_1844 = arith.constant 0 : i32
      %dma_start3A_1845 = arith.constant 0 : i32
      %dma_start3A_1846 = tpu.memref_slice %arg10[%add3A_1820, %dma_start3A_1844, %dma_start3A_1845] : memref<8x64x64xf32, #tpu.memory_space<vmem>> -> memref<1x64x64xf32, #tpu.memory_space<vmem>>
      %dma_start3A_1847 = tpu.memref_squeeze %dma_start3A_1846 : memref<1x64x64xf32, #tpu.memory_space<vmem>> -> memref<64x64xf32, #tpu.memory_space<vmem>>
      %dma_start3A_1848 = arith.constant 0 : i32
      %dma_start3A_1849 = arith.constant 0 : i32
      %dma_start3A_1850 = tpu.memref_slice %arg9[%select_n3A_1490, %dma_start3A_1848, %dma_start3A_1849] : memref<3x4x64xi32, #tpu.memory_space<vmem>> -> memref<1x4x64xi32, #tpu.memory_space<vmem>>
      %dma_start3A_1851 = tpu.memref_squeeze %dma_start3A_1850 : memref<1x4x64xi32, #tpu.memory_space<vmem>> -> memref<4x64xi32, #tpu.memory_space<vmem>>
      %dma_start3A_1852 = arith.constant 0 : i32
      %dma_start3A_1853 = tpu.memref_slice %dma_start3A_1851[%dma_start3A_1843, %dma_start3A_1852] : memref<4x64xi32, #tpu.memory_space<vmem>> -> memref<1x64xi32, #tpu.memory_space<vmem>>
      %dma_start3A_1854 = tpu.memref_squeeze %dma_start3A_1853 : memref<1x64xi32, #tpu.memory_space<vmem>> -> memref<64xi32, #tpu.memory_space<vmem>>
      %dma_start3A_1855 = arith.constant 0 : i32
      %dma_start3A_1856 = arith.constant 0 : i32
      %dma_start3A_1857 = tpu.memref_slice %arg12[%dma_start3A_1855, %dma_start3A_1856] : memref<10112x64xf32, #tpu.memory_space<vmem_shared>> -> memref<10112x64xf32, #tpu.memory_space<vmem_shared>>
      %dma_start3A_1858 = tpu.memref_slice %arg14[%add3A_1820] : memref<8x!tpu.dma_semaphore, #tpu.memory_space<semaphore_mem>> -> memref<1x!tpu.dma_semaphore, #tpu.memory_space<semaphore_mem>>
      %dma_start3A_1859 = tpu.memref_squeeze %dma_start3A_1858 : memref<1x!tpu.dma_semaphore, #tpu.memory_space<semaphore_mem>> -> memref<!tpu.dma_semaphore, #tpu.memory_space<semaphore_mem>>
      tpu.enqueue_indirect_dma source(%dma_start3A_1847 : memref<64x64xf32, #tpu.memory_space<vmem>>) target(%dma_start3A_1857 : memref<10112x64xf32, #tpu.memory_space<vmem_shared>>) offsets(%dma_start3A_1854 : memref<64xi32, #tpu.memory_space<vmem>>) semaphore(%dma_start3A_1859 : memref<!tpu.dma_semaphore, #tpu.memory_space<semaphore_mem>>) {add = true}
      %dma_wait3A_1860 = arith.constant 0 : i32
      %dma_wait3A_1861 = arith.constant 0 : i32
      %dma_wait3A_1862 = arith.constant 0 : i32
      %dma_wait3A_1863 = arith.constant 0 : i32
      %dma_wait3A_1864 = tpu.memref_slice %arg10[%add3A_1824, %dma_wait3A_1862, %dma_wait3A_1863] : memref<8x64x64xf32, #tpu.memory_space<vmem>> -> memref<1x64x64xf32, #tpu.memory_space<vmem>>
      %dma_wait3A_1865 = tpu.memref_squeeze %dma_wait3A_1864 : memref<1x64x64xf32, #tpu.memory_space<vmem>> -> memref<64x64xf32, #tpu.memory_space<vmem>>
      %dma_wait3A_1866 = arith.constant 0 : i32
      %dma_wait3A_1867 = arith.constant 0 : i32
      %dma_wait3A_1868 = tpu.memref_slice %arg9[%dma_wait3A_1860, %dma_wait3A_1866, %dma_wait3A_1867] : memref<3x4x64xi32, #tpu.memory_space<vmem>> -> memref<1x4x64xi32, #tpu.memory_space<vmem>>
      %dma_wait3A_1869 = tpu.memref_squeeze %dma_wait3A_1868 : memref<1x4x64xi32, #tpu.memory_space<vmem>> -> memref<4x64xi32, #tpu.memory_space<vmem>>
      %dma_wait3A_1870 = arith.constant 0 : i32
      %dma_wait3A_1871 = tpu.memref_slice %dma_wait3A_1869[%dma_wait3A_1861, %dma_wait3A_1870] : memref<4x64xi32, #tpu.memory_space<vmem>> -> memref<1x64xi32, #tpu.memory_space<vmem>>
      %dma_wait3A_1872 = tpu.memref_squeeze %dma_wait3A_1871 : memref<1x64xi32, #tpu.memory_space<vmem>> -> memref<64xi32, #tpu.memory_space<vmem>>
      %dma_wait3A_1873 = arith.constant 0 : i32
      %dma_wait3A_1874 = arith.constant 0 : i32
      %dma_wait3A_1875 = tpu.memref_slice %arg12[%dma_wait3A_1873, %dma_wait3A_1874] : memref<10112x64xf32, #tpu.memory_space<vmem_shared>> -> memref<10112x64xf32, #tpu.memory_space<vmem_shared>>
      %dma_wait3A_1876 = tpu.memref_slice %arg14[%add3A_1824] : memref<8x!tpu.dma_semaphore, #tpu.memory_space<semaphore_mem>> -> memref<1x!tpu.dma_semaphore, #tpu.memory_space<semaphore_mem>>
      %dma_wait3A_1877 = tpu.memref_squeeze %dma_wait3A_1876 : memref<1x!tpu.dma_semaphore, #tpu.memory_space<semaphore_mem>> -> memref<!tpu.dma_semaphore, #tpu.memory_space<semaphore_mem>>
      tpu.wait_indirect_dma semaphore(%dma_wait3A_1877 : memref<!tpu.dma_semaphore, #tpu.memory_space<semaphore_mem>>) src(%dma_wait3A_1865 : memref<64x64xf32, #tpu.memory_space<vmem>>) dst(%dma_wait3A_1875 : memref<10112x64xf32, #tpu.memory_space<vmem_shared>>)
      %dma_start3A_1878 = arith.constant 3 : i32
      %dma_start3A_1879 = arith.constant 0 : i32
      %dma_start3A_1880 = arith.constant 0 : i32
      %dma_start3A_1881 = tpu.memref_slice %arg10[%add3A_1824, %dma_start3A_1879, %dma_start3A_1880] : memref<8x64x64xf32, #tpu.memory_space<vmem>> -> memref<1x64x64xf32, #tpu.memory_space<vmem>>
      %dma_start3A_1882 = tpu.memref_squeeze %dma_start3A_1881 : memref<1x64x64xf32, #tpu.memory_space<vmem>> -> memref<64x64xf32, #tpu.memory_space<vmem>>
      %dma_start3A_1883 = arith.constant 0 : i32
      %dma_start3A_1884 = arith.constant 0 : i32
      %dma_start3A_1885 = tpu.memref_slice %arg8[%select_n3A_1508, %dma_start3A_1883, %dma_start3A_1884] : memref<3x4x64xi32, #tpu.memory_space<vmem>> -> memref<1x4x64xi32, #tpu.memory_space<vmem>>
      %dma_start3A_1886 = tpu.memref_squeeze %dma_start3A_1885 : memref<1x4x64xi32, #tpu.memory_space<vmem>> -> memref<4x64xi32, #tpu.memory_space<vmem>>
      %dma_start3A_1887 = arith.constant 0 : i32
      %dma_start3A_1888 = tpu.memref_slice %dma_start3A_1886[%dma_start3A_1878, %dma_start3A_1887] : memref<4x64xi32, #tpu.memory_space<vmem>> -> memref<1x64xi32, #tpu.memory_space<vmem>>
      %dma_start3A_1889 = tpu.memref_squeeze %dma_start3A_1888 : memref<1x64xi32, #tpu.memory_space<vmem>> -> memref<64xi32, #tpu.memory_space<vmem>>
      %dma_start3A_1890 = arith.constant 0 : i32
      %dma_start3A_1891 = arith.constant 0 : i32
      %dma_start3A_1892 = tpu.memref_slice %arg11[%dma_start3A_1890, %dma_start3A_1891] : memref<10112x64xf32, #tpu.memory_space<vmem_shared>> -> memref<10112x64xf32, #tpu.memory_space<vmem_shared>>
      %dma_start3A_1893 = tpu.memref_slice %arg13[%add3A_1824] : memref<8x!tpu.dma_semaphore, #tpu.memory_space<semaphore_mem>> -> memref<1x!tpu.dma_semaphore, #tpu.memory_space<semaphore_mem>>
      %dma_start3A_1894 = tpu.memref_squeeze %dma_start3A_1893 : memref<1x!tpu.dma_semaphore, #tpu.memory_space<semaphore_mem>> -> memref<!tpu.dma_semaphore, #tpu.memory_space<semaphore_mem>>
      tpu.enqueue_indirect_dma source(%dma_start3A_1892 : memref<10112x64xf32, #tpu.memory_space<vmem_shared>>) target(%dma_start3A_1882 : memref<64x64xf32, #tpu.memory_space<vmem>>) offsets(%dma_start3A_1889 : memref<64xi32, #tpu.memory_space<vmem>>) semaphore(%dma_start3A_1894 : memref<!tpu.dma_semaphore, #tpu.memory_space<semaphore_mem>>)
      %add3A_1895 = arith.constant 2 : i32
      %add3A_1896 = arith.addi %scan3A_1447, %add3A_1895 : i32
      %min3A = arith.constant 79 : i32
      %min3A_1897 = arith.minsi %add3A_1896, %min3A : i32
      %dma_start3A_1898 = arith.constant 0 : i32
      %dma_start3A_1899 = arith.constant 0 : i32
      %dma_start3A_1900 = tpu.memref_slice %arg8[%select_n3A_1526, %dma_start3A_1898, %dma_start3A_1899] : memref<3x4x64xi32, #tpu.memory_space<vmem>> -> memref<1x4x64xi32, #tpu.memory_space<vmem>>
      %dma_start3A_1901 = tpu.memref_squeeze %dma_start3A_1900 : memref<1x4x64xi32, #tpu.memory_space<vmem>> -> memref<4x64xi32, #tpu.memory_space<vmem>>
      %dma_start3A_1902 = arith.constant 0 : i32
      %dma_start3A_1903 = arith.constant 0 : i32
      %dma_start3A_1904 = arith.constant 0 : i32
      %dma_start3A_1905 = tpu.memref_slice %arg4[%arg1, %dma_start3A_1902, %dma_start3A_1903, %dma_start3A_1904] : memref<16x80x4x64xi32, #tpu.memory_space<hbm>> -> memref<1x80x4x64xi32, #tpu.memory_space<hbm>>
      %dma_start3A_1906 = tpu.memref_squeeze %dma_start3A_1905 : memref<1x80x4x64xi32, #tpu.memory_space<hbm>> -> memref<80x4x64xi32, #tpu.memory_space<hbm>>
      %dma_start3A_1907 = arith.constant 0 : i32
      %dma_start3A_1908 = arith.constant 0 : i32
      %dma_start3A_1909 = tpu.memref_slice %dma_start3A_1906[%min3A_1897, %dma_start3A_1907, %dma_start3A_1908] : memref<80x4x64xi32, #tpu.memory_space<hbm>> -> memref<1x4x64xi32, #tpu.memory_space<hbm>>
      %dma_start3A_1910 = tpu.memref_squeeze %dma_start3A_1909 : memref<1x4x64xi32, #tpu.memory_space<hbm>> -> memref<4x64xi32, #tpu.memory_space<hbm>>
      %dma_start3A_1911 = arith.constant 0 : i32
      %dma_start3A_1912 = arith.constant 0 : i32
      %dma_start3A_1913 = tpu.memref_slice %arg8[%select_n3A_1526, %dma_start3A_1911, %dma_start3A_1912] : memref<3x4x64xi32, #tpu.memory_space<vmem>> -> memref<1x4x64xi32, #tpu.memory_space<vmem>>
      %dma_start3A_1914 = tpu.memref_squeeze %dma_start3A_1913 : memref<1x4x64xi32, #tpu.memory_space<vmem>> -> memref<4x64xi32, #tpu.memory_space<vmem>>
      %dma_start3A_1915 = arith.constant 0 : i32
      %dma_start3A_1916 = arith.constant 0 : i32
      %dma_start3A_1917 = arith.constant 0 : i32
      %dma_start3A_1918 = tpu.memref_slice %arg4[%arg1, %dma_start3A_1915, %dma_start3A_1916, %dma_start3A_1917] : memref<16x80x4x64xi32, #tpu.memory_space<hbm>> -> memref<1x80x4x64xi32, #tpu.memory_space<hbm>>
      %dma_start3A_1919 = tpu.memref_squeeze %dma_start3A_1918 : memref<1x80x4x64xi32, #tpu.memory_space<hbm>> -> memref<80x4x64xi32, #tpu.memory_space<hbm>>
      %dma_start3A_1920 = arith.constant 0 : i32
      %dma_start3A_1921 = arith.constant 0 : i32
      %dma_start3A_1922 = tpu.memref_slice %dma_start3A_1919[%min3A_1897, %dma_start3A_1920, %dma_start3A_1921] : memref<80x4x64xi32, #tpu.memory_space<hbm>> -> memref<1x4x64xi32, #tpu.memory_space<hbm>>
      %dma_start3A_1923 = tpu.memref_squeeze %dma_start3A_1922 : memref<1x4x64xi32, #tpu.memory_space<hbm>> -> memref<4x64xi32, #tpu.memory_space<hbm>>
      tpu.enqueue_dma source(%dma_start3A_1923 : memref<4x64xi32, #tpu.memory_space<hbm>>) target(%dma_start3A_1914 : memref<4x64xi32, #tpu.memory_space<vmem>>) target_semaphore(%arg15 : memref<!tpu.dma_semaphore, #tpu.memory_space<semaphore_mem>>)
      %dma_start3A_1924 = arith.constant 0 : i32
      %dma_start3A_1925 = arith.constant 0 : i32
      %dma_start3A_1926 = tpu.memref_slice %arg9[%select_n3A_1526, %dma_start3A_1924, %dma_start3A_1925] : memref<3x4x64xi32, #tpu.memory_space<vmem>> -> memref<1x4x64xi32, #tpu.memory_space<vmem>>
      %dma_start3A_1927 = tpu.memref_squeeze %dma_start3A_1926 : memref<1x4x64xi32, #tpu.memory_space<vmem>> -> memref<4x64xi32, #tpu.memory_space<vmem>>
      %dma_start3A_1928 = arith.constant 0 : i32
      %dma_start3A_1929 = arith.constant 0 : i32
      %dma_start3A_1930 = arith.constant 0 : i32
      %dma_start3A_1931 = tpu.memref_slice %arg5[%arg1, %dma_start3A_1928, %dma_start3A_1929, %dma_start3A_1930] : memref<16x80x4x64xi32, #tpu.memory_space<hbm>> -> memref<1x80x4x64xi32, #tpu.memory_space<hbm>>
      %dma_start3A_1932 = tpu.memref_squeeze %dma_start3A_1931 : memref<1x80x4x64xi32, #tpu.memory_space<hbm>> -> memref<80x4x64xi32, #tpu.memory_space<hbm>>
      %dma_start3A_1933 = arith.constant 0 : i32
      %dma_start3A_1934 = arith.constant 0 : i32
      %dma_start3A_1935 = tpu.memref_slice %dma_start3A_1932[%min3A_1897, %dma_start3A_1933, %dma_start3A_1934] : memref<80x4x64xi32, #tpu.memory_space<hbm>> -> memref<1x4x64xi32, #tpu.memory_space<hbm>>
      %dma_start3A_1936 = tpu.memref_squeeze %dma_start3A_1935 : memref<1x4x64xi32, #tpu.memory_space<hbm>> -> memref<4x64xi32, #tpu.memory_space<hbm>>
      %dma_start3A_1937 = arith.constant 0 : i32
      %dma_start3A_1938 = arith.constant 0 : i32
      %dma_start3A_1939 = tpu.memref_slice %arg9[%select_n3A_1526, %dma_start3A_1937, %dma_start3A_1938] : memref<3x4x64xi32, #tpu.memory_space<vmem>> -> memref<1x4x64xi32, #tpu.memory_space<vmem>>
      %dma_start3A_1940 = tpu.memref_squeeze %dma_start3A_1939 : memref<1x4x64xi32, #tpu.memory_space<vmem>> -> memref<4x64xi32, #tpu.memory_space<vmem>>
      %dma_start3A_1941 = arith.constant 0 : i32
      %dma_start3A_1942 = arith.constant 0 : i32
      %dma_start3A_1943 = arith.constant 0 : i32
      %dma_start3A_1944 = tpu.memref_slice %arg5[%arg1, %dma_start3A_1941, %dma_start3A_1942, %dma_start3A_1943] : memref<16x80x4x64xi32, #tpu.memory_space<hbm>> -> memref<1x80x4x64xi32, #tpu.memory_space<hbm>>
      %dma_start3A_1945 = tpu.memref_squeeze %dma_start3A_1944 : memref<1x80x4x64xi32, #tpu.memory_space<hbm>> -> memref<80x4x64xi32, #tpu.memory_space<hbm>>
      %dma_start3A_1946 = arith.constant 0 : i32
      %dma_start3A_1947 = arith.constant 0 : i32
      %dma_start3A_1948 = tpu.memref_slice %dma_start3A_1945[%min3A_1897, %dma_start3A_1946, %dma_start3A_1947] : memref<80x4x64xi32, #tpu.memory_space<hbm>> -> memref<1x4x64xi32, #tpu.memory_space<hbm>>
      %dma_start3A_1949 = tpu.memref_squeeze %dma_start3A_1948 : memref<1x4x64xi32, #tpu.memory_space<hbm>> -> memref<4x64xi32, #tpu.memory_space<hbm>>
      tpu.enqueue_dma source(%dma_start3A_1949 : memref<4x64xi32, #tpu.memory_space<hbm>>) target(%dma_start3A_1940 : memref<4x64xi32, #tpu.memory_space<vmem>>) target_semaphore(%arg15 : memref<!tpu.dma_semaphore, #tpu.memory_space<semaphore_mem>>)
    }
    %scan3A_501 = arith.constant 79 : i32
    %dma_wait3A_502 = arith.constant 4 : i32
    %dma_wait3A_503 = arith.constant 0 : i32
    %dma_wait3A_504 = arith.constant 0 : i32
    %dma_wait3A_505 = arith.constant 4 : i32
    %dma_wait3A_506 = arith.constant 0 : i32
    %dma_wait3A_507 = arith.constant 0 : i32
    %dma_wait3A_508 = tpu.memref_slice %arg10[%dma_wait3A_502, %dma_wait3A_506, %dma_wait3A_507] : memref<8x64x64xf32, #tpu.memory_space<vmem>> -> memref<1x64x64xf32, #tpu.memory_space<vmem>>
    %dma_wait3A_509 = tpu.memref_squeeze %dma_wait3A_508 : memref<1x64x64xf32, #tpu.memory_space<vmem>> -> memref<64x64xf32, #tpu.memory_space<vmem>>
    %dma_wait3A_510 = arith.constant 0 : i32
    %dma_wait3A_511 = arith.constant 0 : i32
    %dma_wait3A_512 = tpu.memref_slice %arg9[%dma_wait3A_503, %dma_wait3A_510, %dma_wait3A_511] : memref<3x4x64xi32, #tpu.memory_space<vmem>> -> memref<1x4x64xi32, #tpu.memory_space<vmem>>
    %dma_wait3A_513 = tpu.memref_squeeze %dma_wait3A_512 : memref<1x4x64xi32, #tpu.memory_space<vmem>> -> memref<4x64xi32, #tpu.memory_space<vmem>>
    %dma_wait3A_514 = arith.constant 0 : i32
    %dma_wait3A_515 = tpu.memref_slice %dma_wait3A_513[%dma_wait3A_504, %dma_wait3A_514] : memref<4x64xi32, #tpu.memory_space<vmem>> -> memref<1x64xi32, #tpu.memory_space<vmem>>
    %dma_wait3A_516 = tpu.memref_squeeze %dma_wait3A_515 : memref<1x64xi32, #tpu.memory_space<vmem>> -> memref<64xi32, #tpu.memory_space<vmem>>
    %dma_wait3A_517 = arith.constant 0 : i32
    %dma_wait3A_518 = arith.constant 0 : i32
    %dma_wait3A_519 = tpu.memref_slice %arg12[%dma_wait3A_517, %dma_wait3A_518] : memref<10112x64xf32, #tpu.memory_space<vmem_shared>> -> memref<10112x64xf32, #tpu.memory_space<vmem_shared>>
    %dma_wait3A_520 = tpu.memref_slice %arg14[%dma_wait3A_505] : memref<8x!tpu.dma_semaphore, #tpu.memory_space<semaphore_mem>> -> memref<1x!tpu.dma_semaphore, #tpu.memory_space<semaphore_mem>>
    %dma_wait3A_521 = tpu.memref_squeeze %dma_wait3A_520 : memref<1x!tpu.dma_semaphore, #tpu.memory_space<semaphore_mem>> -> memref<!tpu.dma_semaphore, #tpu.memory_space<semaphore_mem>>
    tpu.wait_indirect_dma semaphore(%dma_wait3A_521 : memref<!tpu.dma_semaphore, #tpu.memory_space<semaphore_mem>>) src(%dma_wait3A_509 : memref<64x64xf32, #tpu.memory_space<vmem>>) dst(%dma_wait3A_519 : memref<10112x64xf32, #tpu.memory_space<vmem_shared>>)
    %dma_wait3A_522 = arith.constant 5 : i32
    %dma_wait3A_523 = arith.constant 0 : i32
    %dma_wait3A_524 = arith.constant 0 : i32
    %dma_wait3A_525 = arith.constant 5 : i32
    %dma_wait3A_526 = arith.constant 0 : i32
    %dma_wait3A_527 = arith.constant 0 : i32
    %dma_wait3A_528 = tpu.memref_slice %arg10[%dma_wait3A_522, %dma_wait3A_526, %dma_wait3A_527] : memref<8x64x64xf32, #tpu.memory_space<vmem>> -> memref<1x64x64xf32, #tpu.memory_space<vmem>>
    %dma_wait3A_529 = tpu.memref_squeeze %dma_wait3A_528 : memref<1x64x64xf32, #tpu.memory_space<vmem>> -> memref<64x64xf32, #tpu.memory_space<vmem>>
    %dma_wait3A_530 = arith.constant 0 : i32
    %dma_wait3A_531 = arith.constant 0 : i32
    %dma_wait3A_532 = tpu.memref_slice %arg9[%dma_wait3A_523, %dma_wait3A_530, %dma_wait3A_531] : memref<3x4x64xi32, #tpu.memory_space<vmem>> -> memref<1x4x64xi32, #tpu.memory_space<vmem>>
    %dma_wait3A_533 = tpu.memref_squeeze %dma_wait3A_532 : memref<1x4x64xi32, #tpu.memory_space<vmem>> -> memref<4x64xi32, #tpu.memory_space<vmem>>
    %dma_wait3A_534 = arith.constant 0 : i32
    %dma_wait3A_535 = tpu.memref_slice %dma_wait3A_533[%dma_wait3A_524, %dma_wait3A_534] : memref<4x64xi32, #tpu.memory_space<vmem>> -> memref<1x64xi32, #tpu.memory_space<vmem>>
    %dma_wait3A_536 = tpu.memref_squeeze %dma_wait3A_535 : memref<1x64xi32, #tpu.memory_space<vmem>> -> memref<64xi32, #tpu.memory_space<vmem>>
    %dma_wait3A_537 = arith.constant 0 : i32
    %dma_wait3A_538 = arith.constant 0 : i32
    %dma_wait3A_539 = tpu.memref_slice %arg12[%dma_wait3A_537, %dma_wait3A_538] : memref<10112x64xf32, #tpu.memory_space<vmem_shared>> -> memref<10112x64xf32, #tpu.memory_space<vmem_shared>>
    %dma_wait3A_540 = tpu.memref_slice %arg14[%dma_wait3A_525] : memref<8x!tpu.dma_semaphore, #tpu.memory_space<semaphore_mem>> -> memref<1x!tpu.dma_semaphore, #tpu.memory_space<semaphore_mem>>
    %dma_wait3A_541 = tpu.memref_squeeze %dma_wait3A_540 : memref<1x!tpu.dma_semaphore, #tpu.memory_space<semaphore_mem>> -> memref<!tpu.dma_semaphore, #tpu.memory_space<semaphore_mem>>
    tpu.wait_indirect_dma semaphore(%dma_wait3A_541 : memref<!tpu.dma_semaphore, #tpu.memory_space<semaphore_mem>>) src(%dma_wait3A_529 : memref<64x64xf32, #tpu.memory_space<vmem>>) dst(%dma_wait3A_539 : memref<10112x64xf32, #tpu.memory_space<vmem_shared>>)
    %dma_wait3A_542 = arith.constant 6 : i32
    %dma_wait3A_543 = arith.constant 0 : i32
    %dma_wait3A_544 = arith.constant 0 : i32
    %dma_wait3A_545 = arith.constant 6 : i32
    %dma_wait3A_546 = arith.constant 0 : i32
    %dma_wait3A_547 = arith.constant 0 : i32
    %dma_wait3A_548 = tpu.memref_slice %arg10[%dma_wait3A_542, %dma_wait3A_546, %dma_wait3A_547] : memref<8x64x64xf32, #tpu.memory_space<vmem>> -> memref<1x64x64xf32, #tpu.memory_space<vmem>>
    %dma_wait3A_549 = tpu.memref_squeeze %dma_wait3A_548 : memref<1x64x64xf32, #tpu.memory_space<vmem>> -> memref<64x64xf32, #tpu.memory_space<vmem>>
    %dma_wait3A_550 = arith.constant 0 : i32
    %dma_wait3A_551 = arith.constant 0 : i32
    %dma_wait3A_552 = tpu.memref_slice %arg9[%dma_wait3A_543, %dma_wait3A_550, %dma_wait3A_551] : memref<3x4x64xi32, #tpu.memory_space<vmem>> -> memref<1x4x64xi32, #tpu.memory_space<vmem>>
    %dma_wait3A_553 = tpu.memref_squeeze %dma_wait3A_552 : memref<1x4x64xi32, #tpu.memory_space<vmem>> -> memref<4x64xi32, #tpu.memory_space<vmem>>
    %dma_wait3A_554 = arith.constant 0 : i32
    %dma_wait3A_555 = tpu.memref_slice %dma_wait3A_553[%dma_wait3A_544, %dma_wait3A_554] : memref<4x64xi32, #tpu.memory_space<vmem>> -> memref<1x64xi32, #tpu.memory_space<vmem>>
    %dma_wait3A_556 = tpu.memref_squeeze %dma_wait3A_555 : memref<1x64xi32, #tpu.memory_space<vmem>> -> memref<64xi32, #tpu.memory_space<vmem>>
    %dma_wait3A_557 = arith.constant 0 : i32
    %dma_wait3A_558 = arith.constant 0 : i32
    %dma_wait3A_559 = tpu.memref_slice %arg12[%dma_wait3A_557, %dma_wait3A_558] : memref<10112x64xf32, #tpu.memory_space<vmem_shared>> -> memref<10112x64xf32, #tpu.memory_space<vmem_shared>>
    %dma_wait3A_560 = tpu.memref_slice %arg14[%dma_wait3A_545] : memref<8x!tpu.dma_semaphore, #tpu.memory_space<semaphore_mem>> -> memref<1x!tpu.dma_semaphore, #tpu.memory_space<semaphore_mem>>
    %dma_wait3A_561 = tpu.memref_squeeze %dma_wait3A_560 : memref<1x!tpu.dma_semaphore, #tpu.memory_space<semaphore_mem>> -> memref<!tpu.dma_semaphore, #tpu.memory_space<semaphore_mem>>
    tpu.wait_indirect_dma semaphore(%dma_wait3A_561 : memref<!tpu.dma_semaphore, #tpu.memory_space<semaphore_mem>>) src(%dma_wait3A_549 : memref<64x64xf32, #tpu.memory_space<vmem>>) dst(%dma_wait3A_559 : memref<10112x64xf32, #tpu.memory_space<vmem_shared>>)
    %dma_wait3A_562 = arith.constant 7 : i32
    %dma_wait3A_563 = arith.constant 0 : i32
    %dma_wait3A_564 = arith.constant 0 : i32
    %dma_wait3A_565 = arith.constant 7 : i32
    %dma_wait3A_566 = arith.constant 0 : i32
    %dma_wait3A_567 = arith.constant 0 : i32
    %dma_wait3A_568 = tpu.memref_slice %arg10[%dma_wait3A_562, %dma_wait3A_566, %dma_wait3A_567] : memref<8x64x64xf32, #tpu.memory_space<vmem>> -> memref<1x64x64xf32, #tpu.memory_space<vmem>>
    %dma_wait3A_569 = tpu.memref_squeeze %dma_wait3A_568 : memref<1x64x64xf32, #tpu.memory_space<vmem>> -> memref<64x64xf32, #tpu.memory_space<vmem>>
    %dma_wait3A_570 = arith.constant 0 : i32
    %dma_wait3A_571 = arith.constant 0 : i32
    %dma_wait3A_572 = tpu.memref_slice %arg9[%dma_wait3A_563, %dma_wait3A_570, %dma_wait3A_571] : memref<3x4x64xi32, #tpu.memory_space<vmem>> -> memref<1x4x64xi32, #tpu.memory_space<vmem>>
    %dma_wait3A_573 = tpu.memref_squeeze %dma_wait3A_572 : memref<1x4x64xi32, #tpu.memory_space<vmem>> -> memref<4x64xi32, #tpu.memory_space<vmem>>
    %dma_wait3A_574 = arith.constant 0 : i32
    %dma_wait3A_575 = tpu.memref_slice %dma_wait3A_573[%dma_wait3A_564, %dma_wait3A_574] : memref<4x64xi32, #tpu.memory_space<vmem>> -> memref<1x64xi32, #tpu.memory_space<vmem>>
    %dma_wait3A_576 = tpu.memref_squeeze %dma_wait3A_575 : memref<1x64xi32, #tpu.memory_space<vmem>> -> memref<64xi32, #tpu.memory_space<vmem>>
    %dma_wait3A_577 = arith.constant 0 : i32
    %dma_wait3A_578 = arith.constant 0 : i32
    %dma_wait3A_579 = tpu.memref_slice %arg12[%dma_wait3A_577, %dma_wait3A_578] : memref<10112x64xf32, #tpu.memory_space<vmem_shared>> -> memref<10112x64xf32, #tpu.memory_space<vmem_shared>>
    %dma_wait3A_580 = tpu.memref_slice %arg14[%dma_wait3A_565] : memref<8x!tpu.dma_semaphore, #tpu.memory_space<semaphore_mem>> -> memref<1x!tpu.dma_semaphore, #tpu.memory_space<semaphore_mem>>
    %dma_wait3A_581 = tpu.memref_squeeze %dma_wait3A_580 : memref<1x!tpu.dma_semaphore, #tpu.memory_space<semaphore_mem>> -> memref<!tpu.dma_semaphore, #tpu.memory_space<semaphore_mem>>
    tpu.wait_indirect_dma semaphore(%dma_wait3A_581 : memref<!tpu.dma_semaphore, #tpu.memory_space<semaphore_mem>>) src(%dma_wait3A_569 : memref<64x64xf32, #tpu.memory_space<vmem>>) dst(%dma_wait3A_579 : memref<10112x64xf32, #tpu.memory_space<vmem_shared>>)
    %dma_wait3A_582 = arith.constant 0 : i32
    %dma_wait3A_583 = arith.constant 0 : i32
    %dma_wait3A_584 = arith.constant 0 : i32
    %dma_wait3A_585 = arith.constant 0 : i32
    %dma_wait3A_586 = arith.constant 0 : i32
    %dma_wait3A_587 = arith.constant 0 : i32
    %dma_wait3A_588 = tpu.memref_slice %arg10[%dma_wait3A_584, %dma_wait3A_586, %dma_wait3A_587] : memref<8x64x64xf32, #tpu.memory_space<vmem>> -> memref<1x64x64xf32, #tpu.memory_space<vmem>>
    %dma_wait3A_589 = tpu.memref_squeeze %dma_wait3A_588 : memref<1x64x64xf32, #tpu.memory_space<vmem>> -> memref<64x64xf32, #tpu.memory_space<vmem>>
    %dma_wait3A_590 = arith.constant 0 : i32
    %dma_wait3A_591 = arith.constant 0 : i32
    %dma_wait3A_592 = tpu.memref_slice %arg8[%dma_wait3A_582, %dma_wait3A_590, %dma_wait3A_591] : memref<3x4x64xi32, #tpu.memory_space<vmem>> -> memref<1x4x64xi32, #tpu.memory_space<vmem>>
    %dma_wait3A_593 = tpu.memref_squeeze %dma_wait3A_592 : memref<1x4x64xi32, #tpu.memory_space<vmem>> -> memref<4x64xi32, #tpu.memory_space<vmem>>
    %dma_wait3A_594 = arith.constant 0 : i32
    %dma_wait3A_595 = tpu.memref_slice %dma_wait3A_593[%dma_wait3A_583, %dma_wait3A_594] : memref<4x64xi32, #tpu.memory_space<vmem>> -> memref<1x64xi32, #tpu.memory_space<vmem>>
    %dma_wait3A_596 = tpu.memref_squeeze %dma_wait3A_595 : memref<1x64xi32, #tpu.memory_space<vmem>> -> memref<64xi32, #tpu.memory_space<vmem>>
    %dma_wait3A_597 = arith.constant 0 : i32
    %dma_wait3A_598 = arith.constant 0 : i32
    %dma_wait3A_599 = tpu.memref_slice %arg11[%dma_wait3A_597, %dma_wait3A_598] : memref<10112x64xf32, #tpu.memory_space<vmem_shared>> -> memref<10112x64xf32, #tpu.memory_space<vmem_shared>>
    %dma_wait3A_600 = tpu.memref_slice %arg13[%dma_wait3A_585] : memref<8x!tpu.dma_semaphore, #tpu.memory_space<semaphore_mem>> -> memref<1x!tpu.dma_semaphore, #tpu.memory_space<semaphore_mem>>
    %dma_wait3A_601 = tpu.memref_squeeze %dma_wait3A_600 : memref<1x!tpu.dma_semaphore, #tpu.memory_space<semaphore_mem>> -> memref<!tpu.dma_semaphore, #tpu.memory_space<semaphore_mem>>
    tpu.wait_indirect_dma semaphore(%dma_wait3A_601 : memref<!tpu.dma_semaphore, #tpu.memory_space<semaphore_mem>>) src(%dma_wait3A_599 : memref<10112x64xf32, #tpu.memory_space<vmem_shared>>) dst(%dma_wait3A_589 : memref<64x64xf32, #tpu.memory_space<vmem>>)
    %dma_wait3A_602 = arith.constant 0 : i32
    %dma_wait3A_603 = arith.constant 0 : i32
    %dma_wait3A_604 = arith.constant 1 : i32
    %dma_wait3A_605 = arith.constant 1 : i32
    %dma_wait3A_606 = arith.constant 0 : i32
    %dma_wait3A_607 = arith.constant 0 : i32
    %dma_wait3A_608 = tpu.memref_slice %arg10[%dma_wait3A_604, %dma_wait3A_606, %dma_wait3A_607] : memref<8x64x64xf32, #tpu.memory_space<vmem>> -> memref<1x64x64xf32, #tpu.memory_space<vmem>>
    %dma_wait3A_609 = tpu.memref_squeeze %dma_wait3A_608 : memref<1x64x64xf32, #tpu.memory_space<vmem>> -> memref<64x64xf32, #tpu.memory_space<vmem>>
    %dma_wait3A_610 = arith.constant 0 : i32
    %dma_wait3A_611 = arith.constant 0 : i32
    %dma_wait3A_612 = tpu.memref_slice %arg8[%dma_wait3A_602, %dma_wait3A_610, %dma_wait3A_611] : memref<3x4x64xi32, #tpu.memory_space<vmem>> -> memref<1x4x64xi32, #tpu.memory_space<vmem>>
    %dma_wait3A_613 = tpu.memref_squeeze %dma_wait3A_612 : memref<1x4x64xi32, #tpu.memory_space<vmem>> -> memref<4x64xi32, #tpu.memory_space<vmem>>
    %dma_wait3A_614 = arith.constant 0 : i32
    %dma_wait3A_615 = tpu.memref_slice %dma_wait3A_613[%dma_wait3A_603, %dma_wait3A_614] : memref<4x64xi32, #tpu.memory_space<vmem>> -> memref<1x64xi32, #tpu.memory_space<vmem>>
    %dma_wait3A_616 = tpu.memref_squeeze %dma_wait3A_615 : memref<1x64xi32, #tpu.memory_space<vmem>> -> memref<64xi32, #tpu.memory_space<vmem>>
    %dma_wait3A_617 = arith.constant 0 : i32
    %dma_wait3A_618 = arith.constant 0 : i32
    %dma_wait3A_619 = tpu.memref_slice %arg11[%dma_wait3A_617, %dma_wait3A_618] : memref<10112x64xf32, #tpu.memory_space<vmem_shared>> -> memref<10112x64xf32, #tpu.memory_space<vmem_shared>>
    %dma_wait3A_620 = tpu.memref_slice %arg13[%dma_wait3A_605] : memref<8x!tpu.dma_semaphore, #tpu.memory_space<semaphore_mem>> -> memref<1x!tpu.dma_semaphore, #tpu.memory_space<semaphore_mem>>
    %dma_wait3A_621 = tpu.memref_squeeze %dma_wait3A_620 : memref<1x!tpu.dma_semaphore, #tpu.memory_space<semaphore_mem>> -> memref<!tpu.dma_semaphore, #tpu.memory_space<semaphore_mem>>
    tpu.wait_indirect_dma semaphore(%dma_wait3A_621 : memref<!tpu.dma_semaphore, #tpu.memory_space<semaphore_mem>>) src(%dma_wait3A_619 : memref<10112x64xf32, #tpu.memory_space<vmem_shared>>) dst(%dma_wait3A_609 : memref<64x64xf32, #tpu.memory_space<vmem>>)
    %dma_wait3A_622 = arith.constant 0 : i32
    %dma_wait3A_623 = arith.constant 0 : i32
    %dma_wait3A_624 = arith.constant 2 : i32
    %dma_wait3A_625 = arith.constant 2 : i32
    %dma_wait3A_626 = arith.constant 0 : i32
    %dma_wait3A_627 = arith.constant 0 : i32
    %dma_wait3A_628 = tpu.memref_slice %arg10[%dma_wait3A_624, %dma_wait3A_626, %dma_wait3A_627] : memref<8x64x64xf32, #tpu.memory_space<vmem>> -> memref<1x64x64xf32, #tpu.memory_space<vmem>>
    %dma_wait3A_629 = tpu.memref_squeeze %dma_wait3A_628 : memref<1x64x64xf32, #tpu.memory_space<vmem>> -> memref<64x64xf32, #tpu.memory_space<vmem>>
    %dma_wait3A_630 = arith.constant 0 : i32
    %dma_wait3A_631 = arith.constant 0 : i32
    %dma_wait3A_632 = tpu.memref_slice %arg8[%dma_wait3A_622, %dma_wait3A_630, %dma_wait3A_631] : memref<3x4x64xi32, #tpu.memory_space<vmem>> -> memref<1x4x64xi32, #tpu.memory_space<vmem>>
    %dma_wait3A_633 = tpu.memref_squeeze %dma_wait3A_632 : memref<1x4x64xi32, #tpu.memory_space<vmem>> -> memref<4x64xi32, #tpu.memory_space<vmem>>
    %dma_wait3A_634 = arith.constant 0 : i32
    %dma_wait3A_635 = tpu.memref_slice %dma_wait3A_633[%dma_wait3A_623, %dma_wait3A_634] : memref<4x64xi32, #tpu.memory_space<vmem>> -> memref<1x64xi32, #tpu.memory_space<vmem>>
    %dma_wait3A_636 = tpu.memref_squeeze %dma_wait3A_635 : memref<1x64xi32, #tpu.memory_space<vmem>> -> memref<64xi32, #tpu.memory_space<vmem>>
    %dma_wait3A_637 = arith.constant 0 : i32
    %dma_wait3A_638 = arith.constant 0 : i32
    %dma_wait3A_639 = tpu.memref_slice %arg11[%dma_wait3A_637, %dma_wait3A_638] : memref<10112x64xf32, #tpu.memory_space<vmem_shared>> -> memref<10112x64xf32, #tpu.memory_space<vmem_shared>>
    %dma_wait3A_640 = tpu.memref_slice %arg13[%dma_wait3A_625] : memref<8x!tpu.dma_semaphore, #tpu.memory_space<semaphore_mem>> -> memref<1x!tpu.dma_semaphore, #tpu.memory_space<semaphore_mem>>
    %dma_wait3A_641 = tpu.memref_squeeze %dma_wait3A_640 : memref<1x!tpu.dma_semaphore, #tpu.memory_space<semaphore_mem>> -> memref<!tpu.dma_semaphore, #tpu.memory_space<semaphore_mem>>
    tpu.wait_indirect_dma semaphore(%dma_wait3A_641 : memref<!tpu.dma_semaphore, #tpu.memory_space<semaphore_mem>>) src(%dma_wait3A_639 : memref<10112x64xf32, #tpu.memory_space<vmem_shared>>) dst(%dma_wait3A_629 : memref<64x64xf32, #tpu.memory_space<vmem>>)
    %dma_wait3A_642 = arith.constant 0 : i32
    %dma_wait3A_643 = arith.constant 0 : i32
    %dma_wait3A_644 = arith.constant 3 : i32
    %dma_wait3A_645 = arith.constant 3 : i32
    %dma_wait3A_646 = arith.constant 0 : i32
    %dma_wait3A_647 = arith.constant 0 : i32
    %dma_wait3A_648 = tpu.memref_slice %arg10[%dma_wait3A_644, %dma_wait3A_646, %dma_wait3A_647] : memref<8x64x64xf32, #tpu.memory_space<vmem>> -> memref<1x64x64xf32, #tpu.memory_space<vmem>>
    %dma_wait3A_649 = tpu.memref_squeeze %dma_wait3A_648 : memref<1x64x64xf32, #tpu.memory_space<vmem>> -> memref<64x64xf32, #tpu.memory_space<vmem>>
    %dma_wait3A_650 = arith.constant 0 : i32
    %dma_wait3A_651 = arith.constant 0 : i32
    %dma_wait3A_652 = tpu.memref_slice %arg8[%dma_wait3A_642, %dma_wait3A_650, %dma_wait3A_651] : memref<3x4x64xi32, #tpu.memory_space<vmem>> -> memref<1x4x64xi32, #tpu.memory_space<vmem>>
    %dma_wait3A_653 = tpu.memref_squeeze %dma_wait3A_652 : memref<1x4x64xi32, #tpu.memory_space<vmem>> -> memref<4x64xi32, #tpu.memory_space<vmem>>
    %dma_wait3A_654 = arith.constant 0 : i32
    %dma_wait3A_655 = tpu.memref_slice %dma_wait3A_653[%dma_wait3A_643, %dma_wait3A_654] : memref<4x64xi32, #tpu.memory_space<vmem>> -> memref<1x64xi32, #tpu.memory_space<vmem>>
    %dma_wait3A_656 = tpu.memref_squeeze %dma_wait3A_655 : memref<1x64xi32, #tpu.memory_space<vmem>> -> memref<64xi32, #tpu.memory_space<vmem>>
    %dma_wait3A_657 = arith.constant 0 : i32
    %dma_wait3A_658 = arith.constant 0 : i32
    %dma_wait3A_659 = tpu.memref_slice %arg11[%dma_wait3A_657, %dma_wait3A_658] : memref<10112x64xf32, #tpu.memory_space<vmem_shared>> -> memref<10112x64xf32, #tpu.memory_space<vmem_shared>>
    %dma_wait3A_660 = tpu.memref_slice %arg13[%dma_wait3A_645] : memref<8x!tpu.dma_semaphore, #tpu.memory_space<semaphore_mem>> -> memref<1x!tpu.dma_semaphore, #tpu.memory_space<semaphore_mem>>
    %dma_wait3A_661 = tpu.memref_squeeze %dma_wait3A_660 : memref<1x!tpu.dma_semaphore, #tpu.memory_space<semaphore_mem>> -> memref<!tpu.dma_semaphore, #tpu.memory_space<semaphore_mem>>
    tpu.wait_indirect_dma semaphore(%dma_wait3A_661 : memref<!tpu.dma_semaphore, #tpu.memory_space<semaphore_mem>>) src(%dma_wait3A_659 : memref<10112x64xf32, #tpu.memory_space<vmem_shared>>) dst(%dma_wait3A_649 : memref<64x64xf32, #tpu.memory_space<vmem>>)
    %dma_wait3A_662 = arith.constant 0 : i32
    %dma_wait3A_663 = arith.constant 0 : i32
    %dma_wait3A_664 = arith.constant 0 : i32
    %dma_wait3A_665 = arith.constant 0 : i32
    %dma_wait3A_666 = tpu.memref_slice %arg8[%dma_wait3A_663, %dma_wait3A_664, %dma_wait3A_665] : memref<3x4x64xi32, #tpu.memory_space<vmem>> -> memref<1x4x64xi32, #tpu.memory_space<vmem>>
    %dma_wait3A_667 = tpu.memref_squeeze %dma_wait3A_666 : memref<1x4x64xi32, #tpu.memory_space<vmem>> -> memref<4x64xi32, #tpu.memory_space<vmem>>
    %dma_wait3A_668 = arith.constant 0 : i32
    %dma_wait3A_669 = arith.constant 0 : i32
    %dma_wait3A_670 = arith.constant 0 : i32
    %dma_wait3A_671 = tpu.memref_slice %arg4[%arg1, %dma_wait3A_668, %dma_wait3A_669, %dma_wait3A_670] : memref<16x80x4x64xi32, #tpu.memory_space<hbm>> -> memref<1x80x4x64xi32, #tpu.memory_space<hbm>>
    %dma_wait3A_672 = tpu.memref_squeeze %dma_wait3A_671 : memref<1x80x4x64xi32, #tpu.memory_space<hbm>> -> memref<80x4x64xi32, #tpu.memory_space<hbm>>
    %dma_wait3A_673 = arith.constant 0 : i32
    %dma_wait3A_674 = arith.constant 0 : i32
    %dma_wait3A_675 = tpu.memref_slice %dma_wait3A_672[%dma_wait3A_662, %dma_wait3A_673, %dma_wait3A_674] : memref<80x4x64xi32, #tpu.memory_space<hbm>> -> memref<1x4x64xi32, #tpu.memory_space<hbm>>
    %dma_wait3A_676 = tpu.memref_squeeze %dma_wait3A_675 : memref<1x4x64xi32, #tpu.memory_space<hbm>> -> memref<4x64xi32, #tpu.memory_space<hbm>>
    %dma_wait3A_677 = arith.constant 0 : i32
    %dma_wait3A_678 = arith.constant 0 : i32
    %dma_wait3A_679 = tpu.memref_slice %arg8[%dma_wait3A_663, %dma_wait3A_677, %dma_wait3A_678] : memref<3x4x64xi32, #tpu.memory_space<vmem>> -> memref<1x4x64xi32, #tpu.memory_space<vmem>>
    %dma_wait3A_680 = tpu.memref_squeeze %dma_wait3A_679 : memref<1x4x64xi32, #tpu.memory_space<vmem>> -> memref<4x64xi32, #tpu.memory_space<vmem>>
    %dma_wait3A_681 = arith.constant 0 : i32
    %dma_wait3A_682 = arith.constant 0 : i32
    %dma_wait3A_683 = arith.constant 0 : i32
    %dma_wait3A_684 = tpu.memref_slice %arg4[%arg1, %dma_wait3A_681, %dma_wait3A_682, %dma_wait3A_683] : memref<16x80x4x64xi32, #tpu.memory_space<hbm>> -> memref<1x80x4x64xi32, #tpu.memory_space<hbm>>
    %dma_wait3A_685 = tpu.memref_squeeze %dma_wait3A_684 : memref<1x80x4x64xi32, #tpu.memory_space<hbm>> -> memref<80x4x64xi32, #tpu.memory_space<hbm>>
    %dma_wait3A_686 = arith.constant 0 : i32
    %dma_wait3A_687 = arith.constant 0 : i32
    %dma_wait3A_688 = tpu.memref_slice %dma_wait3A_685[%dma_wait3A_662, %dma_wait3A_686, %dma_wait3A_687] : memref<80x4x64xi32, #tpu.memory_space<hbm>> -> memref<1x4x64xi32, #tpu.memory_space<hbm>>
    %dma_wait3A_689 = tpu.memref_squeeze %dma_wait3A_688 : memref<1x4x64xi32, #tpu.memory_space<hbm>> -> memref<4x64xi32, #tpu.memory_space<hbm>>
    tpu.wait_dma2 semaphore(%arg15 : memref<!tpu.dma_semaphore, #tpu.memory_space<semaphore_mem>>) src(%dma_wait3A_689 : memref<4x64xi32, #tpu.memory_space<hbm>>) dst(%dma_wait3A_680 : memref<4x64xi32, #tpu.memory_space<vmem>>)
    %dma_wait3A_690 = arith.constant 0 : i32
    %dma_wait3A_691 = arith.constant 0 : i32
    %dma_wait3A_692 = arith.constant 0 : i32
    %dma_wait3A_693 = arith.constant 0 : i32
    %dma_wait3A_694 = tpu.memref_slice %arg8[%dma_wait3A_691, %dma_wait3A_692, %dma_wait3A_693] : memref<3x4x64xi32, #tpu.memory_space<vmem>> -> memref<1x4x64xi32, #tpu.memory_space<vmem>>
    %dma_wait3A_695 = tpu.memref_squeeze %dma_wait3A_694 : memref<1x4x64xi32, #tpu.memory_space<vmem>> -> memref<4x64xi32, #tpu.memory_space<vmem>>
    %dma_wait3A_696 = arith.constant 0 : i32
    %dma_wait3A_697 = arith.constant 0 : i32
    %dma_wait3A_698 = arith.constant 0 : i32
    %dma_wait3A_699 = tpu.memref_slice %arg4[%arg1, %dma_wait3A_696, %dma_wait3A_697, %dma_wait3A_698] : memref<16x80x4x64xi32, #tpu.memory_space<hbm>> -> memref<1x80x4x64xi32, #tpu.memory_space<hbm>>
    %dma_wait3A_700 = tpu.memref_squeeze %dma_wait3A_699 : memref<1x80x4x64xi32, #tpu.memory_space<hbm>> -> memref<80x4x64xi32, #tpu.memory_space<hbm>>
    %dma_wait3A_701 = arith.constant 0 : i32
    %dma_wait3A_702 = arith.constant 0 : i32
    %dma_wait3A_703 = tpu.memref_slice %dma_wait3A_700[%dma_wait3A_690, %dma_wait3A_701, %dma_wait3A_702] : memref<80x4x64xi32, #tpu.memory_space<hbm>> -> memref<1x4x64xi32, #tpu.memory_space<hbm>>
    %dma_wait3A_704 = tpu.memref_squeeze %dma_wait3A_703 : memref<1x4x64xi32, #tpu.memory_space<hbm>> -> memref<4x64xi32, #tpu.memory_space<hbm>>
    %dma_wait3A_705 = arith.constant 0 : i32
    %dma_wait3A_706 = arith.constant 0 : i32
    %dma_wait3A_707 = tpu.memref_slice %arg8[%dma_wait3A_691, %dma_wait3A_705, %dma_wait3A_706] : memref<3x4x64xi32, #tpu.memory_space<vmem>> -> memref<1x4x64xi32, #tpu.memory_space<vmem>>
    %dma_wait3A_708 = tpu.memref_squeeze %dma_wait3A_707 : memref<1x4x64xi32, #tpu.memory_space<vmem>> -> memref<4x64xi32, #tpu.memory_space<vmem>>
    %dma_wait3A_709 = arith.constant 0 : i32
    %dma_wait3A_710 = arith.constant 0 : i32
    %dma_wait3A_711 = arith.constant 0 : i32
    %dma_wait3A_712 = tpu.memref_slice %arg4[%arg1, %dma_wait3A_709, %dma_wait3A_710, %dma_wait3A_711] : memref<16x80x4x64xi32, #tpu.memory_space<hbm>> -> memref<1x80x4x64xi32, #tpu.memory_space<hbm>>
    %dma_wait3A_713 = tpu.memref_squeeze %dma_wait3A_712 : memref<1x80x4x64xi32, #tpu.memory_space<hbm>> -> memref<80x4x64xi32, #tpu.memory_space<hbm>>
    %dma_wait3A_714 = arith.constant 0 : i32
    %dma_wait3A_715 = arith.constant 0 : i32
    %dma_wait3A_716 = tpu.memref_slice %dma_wait3A_713[%dma_wait3A_690, %dma_wait3A_714, %dma_wait3A_715] : memref<80x4x64xi32, #tpu.memory_space<hbm>> -> memref<1x4x64xi32, #tpu.memory_space<hbm>>
    %dma_wait3A_717 = tpu.memref_squeeze %dma_wait3A_716 : memref<1x4x64xi32, #tpu.memory_space<hbm>> -> memref<4x64xi32, #tpu.memory_space<hbm>>
    tpu.wait_dma2 semaphore(%arg15 : memref<!tpu.dma_semaphore, #tpu.memory_space<semaphore_mem>>) src(%dma_wait3A_717 : memref<4x64xi32, #tpu.memory_space<hbm>>) dst(%dma_wait3A_708 : memref<4x64xi32, #tpu.memory_space<vmem>>)
    %barrier3A_718 = arith.constant 0 : index
    tpu.barrier barrier_id(%barrier3A_718)
    "tpu.region"() ({
      %run_scoped3A_1447 = tpu.sem_alloc : memref<!tpu.dma_semaphore, #tpu.memory_space<semaphore_mem>>
      %dma_start3A_1448 = arith.constant 0 : i32
      %dma_start3A_1449 = tpu.memref_slice %arg11[%mul3A_0, %dma_start3A_1448] : memref<10112x64xf32, #tpu.memory_space<vmem_shared>> -> memref<632x64xf32, #tpu.memory_space<vmem_shared>>
      %dma_start3A_1450 = arith.constant 0 : i32
      %dma_start3A_1451 = tpu.memref_slice %arg6[%mul3A_0, %dma_start3A_1450] : memref<10112x64xf32, #tpu.memory_space<hbm>> -> memref<632x64xf32, #tpu.memory_space<hbm>>
      tpu.enqueue_dma source(%dma_start3A_1451 : memref<632x64xf32, #tpu.memory_space<hbm>>) target(%dma_start3A_1449 : memref<632x64xf32, #tpu.memory_space<vmem_shared>>) target_semaphore(%run_scoped3A_1447 : memref<!tpu.dma_semaphore, #tpu.memory_space<semaphore_mem>>)
      %dma_wait3A_1452 = arith.constant 0 : i32
      %dma_wait3A_1453 = tpu.memref_slice %arg11[%mul3A_0, %dma_wait3A_1452] : memref<10112x64xf32, #tpu.memory_space<vmem_shared>> -> memref<632x64xf32, #tpu.memory_space<vmem_shared>>
      %dma_wait3A_1454 = arith.constant 0 : i32
      %dma_wait3A_1455 = tpu.memref_slice %arg6[%mul3A_0, %dma_wait3A_1454] : memref<10112x64xf32, #tpu.memory_space<hbm>> -> memref<632x64xf32, #tpu.memory_space<hbm>>
      tpu.wait_dma2 semaphore(%run_scoped3A_1447 : memref<!tpu.dma_semaphore, #tpu.memory_space<semaphore_mem>>) src(%dma_wait3A_1455 : memref<632x64xf32, #tpu.memory_space<hbm>>) dst(%dma_wait3A_1453 : memref<632x64xf32, #tpu.memory_space<vmem_shared>>)
      tpu.yield
    }) : () -> ()
    %barrier3A_719 = arith.constant 0 : index
    tpu.barrier barrier_id(%barrier3A_719)
    %run_scoped3A_720 = arith.constant 0 : i32
    %run_scoped3A_721 = arith.constant 0 : i32
    "tpu.region"() ({
      %run_scoped3A_1447 = tpu.sem_alloc : memref<!tpu.dma_semaphore, #tpu.memory_space<semaphore_mem>>
      %dma_start3A_1448 = arith.constant 0 : i32
      %dma_start3A_1449 = arith.constant 0 : i32
      %dma_start3A_1450 = tpu.memref_slice %arg8[%run_scoped3A_721, %dma_start3A_1448, %dma_start3A_1449] : memref<3x4x64xi32, #tpu.memory_space<vmem>> -> memref<1x4x64xi32, #tpu.memory_space<vmem>>
      %dma_start3A_1451 = tpu.memref_squeeze %dma_start3A_1450 : memref<1x4x64xi32, #tpu.memory_space<vmem>> -> memref<4x64xi32, #tpu.memory_space<vmem>>
      %dma_start3A_1452 = arith.constant 0 : i32
      %dma_start3A_1453 = arith.constant 0 : i32
      %dma_start3A_1454 = arith.constant 0 : i32
      %dma_start3A_1455 = tpu.memref_slice %arg5[%arg1, %dma_start3A_1452, %dma_start3A_1453, %dma_start3A_1454] : memref<16x80x4x64xi32, #tpu.memory_space<hbm>> -> memref<1x80x4x64xi32, #tpu.memory_space<hbm>>
      %dma_start3A_1456 = tpu.memref_squeeze %dma_start3A_1455 : memref<1x80x4x64xi32, #tpu.memory_space<hbm>> -> memref<80x4x64xi32, #tpu.memory_space<hbm>>
      %dma_start3A_1457 = arith.constant 0 : i32
      %dma_start3A_1458 = arith.constant 0 : i32
      %dma_start3A_1459 = tpu.memref_slice %dma_start3A_1456[%run_scoped3A_720, %dma_start3A_1457, %dma_start3A_1458] : memref<80x4x64xi32, #tpu.memory_space<hbm>> -> memref<1x4x64xi32, #tpu.memory_space<hbm>>
      %dma_start3A_1460 = tpu.memref_squeeze %dma_start3A_1459 : memref<1x4x64xi32, #tpu.memory_space<hbm>> -> memref<4x64xi32, #tpu.memory_space<hbm>>
      %dma_start3A_1461 = arith.constant 0 : i32
      %dma_start3A_1462 = arith.constant 0 : i32
      %dma_start3A_1463 = tpu.memref_slice %arg8[%run_scoped3A_721, %dma_start3A_1461, %dma_start3A_1462] : memref<3x4x64xi32, #tpu.memory_space<vmem>> -> memref<1x4x64xi32, #tpu.memory_space<vmem>>
      %dma_start3A_1464 = tpu.memref_squeeze %dma_start3A_1463 : memref<1x4x64xi32, #tpu.memory_space<vmem>> -> memref<4x64xi32, #tpu.memory_space<vmem>>
      %dma_start3A_1465 = arith.constant 0 : i32
      %dma_start3A_1466 = arith.constant 0 : i32
      %dma_start3A_1467 = arith.constant 0 : i32
      %dma_start3A_1468 = tpu.memref_slice %arg5[%arg1, %dma_start3A_1465, %dma_start3A_1466, %dma_start3A_1467] : memref<16x80x4x64xi32, #tpu.memory_space<hbm>> -> memref<1x80x4x64xi32, #tpu.memory_space<hbm>>
      %dma_start3A_1469 = tpu.memref_squeeze %dma_start3A_1468 : memref<1x80x4x64xi32, #tpu.memory_space<hbm>> -> memref<80x4x64xi32, #tpu.memory_space<hbm>>
      %dma_start3A_1470 = arith.constant 0 : i32
      %dma_start3A_1471 = arith.constant 0 : i32
      %dma_start3A_1472 = tpu.memref_slice %dma_start3A_1469[%run_scoped3A_720, %dma_start3A_1470, %dma_start3A_1471] : memref<80x4x64xi32, #tpu.memory_space<hbm>> -> memref<1x4x64xi32, #tpu.memory_space<hbm>>
      %dma_start3A_1473 = tpu.memref_squeeze %dma_start3A_1472 : memref<1x4x64xi32, #tpu.memory_space<hbm>> -> memref<4x64xi32, #tpu.memory_space<hbm>>
      tpu.enqueue_dma source(%dma_start3A_1473 : memref<4x64xi32, #tpu.memory_space<hbm>>) target(%dma_start3A_1464 : memref<4x64xi32, #tpu.memory_space<vmem>>) target_semaphore(%run_scoped3A_1447 : memref<!tpu.dma_semaphore, #tpu.memory_space<semaphore_mem>>)
      %dma_wait3A_1474 = arith.constant 0 : i32
      %dma_wait3A_1475 = arith.constant 0 : i32
      %dma_wait3A_1476 = tpu.memref_slice %arg8[%run_scoped3A_721, %dma_wait3A_1474, %dma_wait3A_1475] : memref<3x4x64xi32, #tpu.memory_space<vmem>> -> memref<1x4x64xi32, #tpu.memory_space<vmem>>
      %dma_wait3A_1477 = tpu.memref_squeeze %dma_wait3A_1476 : memref<1x4x64xi32, #tpu.memory_space<vmem>> -> memref<4x64xi32, #tpu.memory_space<vmem>>
      %dma_wait3A_1478 = arith.constant 0 : i32
      %dma_wait3A_1479 = arith.constant 0 : i32
      %dma_wait3A_1480 = arith.constant 0 : i32
      %dma_wait3A_1481 = tpu.memref_slice %arg5[%arg1, %dma_wait3A_1478, %dma_wait3A_1479, %dma_wait3A_1480] : memref<16x80x4x64xi32, #tpu.memory_space<hbm>> -> memref<1x80x4x64xi32, #tpu.memory_space<hbm>>
      %dma_wait3A_1482 = tpu.memref_squeeze %dma_wait3A_1481 : memref<1x80x4x64xi32, #tpu.memory_space<hbm>> -> memref<80x4x64xi32, #tpu.memory_space<hbm>>
      %dma_wait3A_1483 = arith.constant 0 : i32
      %dma_wait3A_1484 = arith.constant 0 : i32
      %dma_wait3A_1485 = tpu.memref_slice %dma_wait3A_1482[%run_scoped3A_720, %dma_wait3A_1483, %dma_wait3A_1484] : memref<80x4x64xi32, #tpu.memory_space<hbm>> -> memref<1x4x64xi32, #tpu.memory_space<hbm>>
      %dma_wait3A_1486 = tpu.memref_squeeze %dma_wait3A_1485 : memref<1x4x64xi32, #tpu.memory_space<hbm>> -> memref<4x64xi32, #tpu.memory_space<hbm>>
      %dma_wait3A_1487 = arith.constant 0 : i32
      %dma_wait3A_1488 = arith.constant 0 : i32
      %dma_wait3A_1489 = tpu.memref_slice %arg8[%run_scoped3A_721, %dma_wait3A_1487, %dma_wait3A_1488] : memref<3x4x64xi32, #tpu.memory_space<vmem>> -> memref<1x4x64xi32, #tpu.memory_space<vmem>>
      %dma_wait3A_1490 = tpu.memref_squeeze %dma_wait3A_1489 : memref<1x4x64xi32, #tpu.memory_space<vmem>> -> memref<4x64xi32, #tpu.memory_space<vmem>>
      %dma_wait3A_1491 = arith.constant 0 : i32
      %dma_wait3A_1492 = arith.constant 0 : i32
      %dma_wait3A_1493 = arith.constant 0 : i32
      %dma_wait3A_1494 = tpu.memref_slice %arg5[%arg1, %dma_wait3A_1491, %dma_wait3A_1492, %dma_wait3A_1493] : memref<16x80x4x64xi32, #tpu.memory_space<hbm>> -> memref<1x80x4x64xi32, #tpu.memory_space<hbm>>
      %dma_wait3A_1495 = tpu.memref_squeeze %dma_wait3A_1494 : memref<1x80x4x64xi32, #tpu.memory_space<hbm>> -> memref<80x4x64xi32, #tpu.memory_space<hbm>>
      %dma_wait3A_1496 = arith.constant 0 : i32
      %dma_wait3A_1497 = arith.constant 0 : i32
      %dma_wait3A_1498 = tpu.memref_slice %dma_wait3A_1495[%run_scoped3A_720, %dma_wait3A_1496, %dma_wait3A_1497] : memref<80x4x64xi32, #tpu.memory_space<hbm>> -> memref<1x4x64xi32, #tpu.memory_space<hbm>>
      %dma_wait3A_1499 = tpu.memref_squeeze %dma_wait3A_1498 : memref<1x4x64xi32, #tpu.memory_space<hbm>> -> memref<4x64xi32, #tpu.memory_space<hbm>>
      tpu.wait_dma2 semaphore(%run_scoped3A_1447 : memref<!tpu.dma_semaphore, #tpu.memory_space<semaphore_mem>>) src(%dma_wait3A_1499 : memref<4x64xi32, #tpu.memory_space<hbm>>) dst(%dma_wait3A_1490 : memref<4x64xi32, #tpu.memory_space<vmem>>)
      tpu.yield
    }) : () -> ()
    %run_scoped3A_722 = arith.constant 0 : i32
    %run_scoped3A_723 = arith.constant 0 : i32
    "tpu.region"() ({
      %run_scoped3A_1447 = tpu.sem_alloc : memref<!tpu.dma_semaphore, #tpu.memory_space<semaphore_mem>>
      %dma_start3A_1448 = arith.constant 0 : i32
      %dma_start3A_1449 = arith.constant 0 : i32
      %dma_start3A_1450 = tpu.memref_slice %arg9[%run_scoped3A_723, %dma_start3A_1448, %dma_start3A_1449] : memref<3x4x64xi32, #tpu.memory_space<vmem>> -> memref<1x4x64xi32, #tpu.memory_space<vmem>>
      %dma_start3A_1451 = tpu.memref_squeeze %dma_start3A_1450 : memref<1x4x64xi32, #tpu.memory_space<vmem>> -> memref<4x64xi32, #tpu.memory_space<vmem>>
      %dma_start3A_1452 = arith.constant 0 : i32
      %dma_start3A_1453 = arith.constant 0 : i32
      %dma_start3A_1454 = arith.constant 0 : i32
      %dma_start3A_1455 = tpu.memref_slice %arg4[%arg1, %dma_start3A_1452, %dma_start3A_1453, %dma_start3A_1454] : memref<16x80x4x64xi32, #tpu.memory_space<hbm>> -> memref<1x80x4x64xi32, #tpu.memory_space<hbm>>
      %dma_start3A_1456 = tpu.memref_squeeze %dma_start3A_1455 : memref<1x80x4x64xi32, #tpu.memory_space<hbm>> -> memref<80x4x64xi32, #tpu.memory_space<hbm>>
      %dma_start3A_1457 = arith.constant 0 : i32
      %dma_start3A_1458 = arith.constant 0 : i32
      %dma_start3A_1459 = tpu.memref_slice %dma_start3A_1456[%run_scoped3A_722, %dma_start3A_1457, %dma_start3A_1458] : memref<80x4x64xi32, #tpu.memory_space<hbm>> -> memref<1x4x64xi32, #tpu.memory_space<hbm>>
      %dma_start3A_1460 = tpu.memref_squeeze %dma_start3A_1459 : memref<1x4x64xi32, #tpu.memory_space<hbm>> -> memref<4x64xi32, #tpu.memory_space<hbm>>
      %dma_start3A_1461 = arith.constant 0 : i32
      %dma_start3A_1462 = arith.constant 0 : i32
      %dma_start3A_1463 = tpu.memref_slice %arg9[%run_scoped3A_723, %dma_start3A_1461, %dma_start3A_1462] : memref<3x4x64xi32, #tpu.memory_space<vmem>> -> memref<1x4x64xi32, #tpu.memory_space<vmem>>
      %dma_start3A_1464 = tpu.memref_squeeze %dma_start3A_1463 : memref<1x4x64xi32, #tpu.memory_space<vmem>> -> memref<4x64xi32, #tpu.memory_space<vmem>>
      %dma_start3A_1465 = arith.constant 0 : i32
      %dma_start3A_1466 = arith.constant 0 : i32
      %dma_start3A_1467 = arith.constant 0 : i32
      %dma_start3A_1468 = tpu.memref_slice %arg4[%arg1, %dma_start3A_1465, %dma_start3A_1466, %dma_start3A_1467] : memref<16x80x4x64xi32, #tpu.memory_space<hbm>> -> memref<1x80x4x64xi32, #tpu.memory_space<hbm>>
      %dma_start3A_1469 = tpu.memref_squeeze %dma_start3A_1468 : memref<1x80x4x64xi32, #tpu.memory_space<hbm>> -> memref<80x4x64xi32, #tpu.memory_space<hbm>>
      %dma_start3A_1470 = arith.constant 0 : i32
      %dma_start3A_1471 = arith.constant 0 : i32
      %dma_start3A_1472 = tpu.memref_slice %dma_start3A_1469[%run_scoped3A_722, %dma_start3A_1470, %dma_start3A_1471] : memref<80x4x64xi32, #tpu.memory_space<hbm>> -> memref<1x4x64xi32, #tpu.memory_space<hbm>>
      %dma_start3A_1473 = tpu.memref_squeeze %dma_start3A_1472 : memref<1x4x64xi32, #tpu.memory_space<hbm>> -> memref<4x64xi32, #tpu.memory_space<hbm>>
      tpu.enqueue_dma source(%dma_start3A_1473 : memref<4x64xi32, #tpu.memory_space<hbm>>) target(%dma_start3A_1464 : memref<4x64xi32, #tpu.memory_space<vmem>>) target_semaphore(%run_scoped3A_1447 : memref<!tpu.dma_semaphore, #tpu.memory_space<semaphore_mem>>)
      %dma_wait3A_1474 = arith.constant 0 : i32
      %dma_wait3A_1475 = arith.constant 0 : i32
      %dma_wait3A_1476 = tpu.memref_slice %arg9[%run_scoped3A_723, %dma_wait3A_1474, %dma_wait3A_1475] : memref<3x4x64xi32, #tpu.memory_space<vmem>> -> memref<1x4x64xi32, #tpu.memory_space<vmem>>
      %dma_wait3A_1477 = tpu.memref_squeeze %dma_wait3A_1476 : memref<1x4x64xi32, #tpu.memory_space<vmem>> -> memref<4x64xi32, #tpu.memory_space<vmem>>
      %dma_wait3A_1478 = arith.constant 0 : i32
      %dma_wait3A_1479 = arith.constant 0 : i32
      %dma_wait3A_1480 = arith.constant 0 : i32
      %dma_wait3A_1481 = tpu.memref_slice %arg4[%arg1, %dma_wait3A_1478, %dma_wait3A_1479, %dma_wait3A_1480] : memref<16x80x4x64xi32, #tpu.memory_space<hbm>> -> memref<1x80x4x64xi32, #tpu.memory_space<hbm>>
      %dma_wait3A_1482 = tpu.memref_squeeze %dma_wait3A_1481 : memref<1x80x4x64xi32, #tpu.memory_space<hbm>> -> memref<80x4x64xi32, #tpu.memory_space<hbm>>
      %dma_wait3A_1483 = arith.constant 0 : i32
      %dma_wait3A_1484 = arith.constant 0 : i32
      %dma_wait3A_1485 = tpu.memref_slice %dma_wait3A_1482[%run_scoped3A_722, %dma_wait3A_1483, %dma_wait3A_1484] : memref<80x4x64xi32, #tpu.memory_space<hbm>> -> memref<1x4x64xi32, #tpu.memory_space<hbm>>
      %dma_wait3A_1486 = tpu.memref_squeeze %dma_wait3A_1485 : memref<1x4x64xi32, #tpu.memory_space<hbm>> -> memref<4x64xi32, #tpu.memory_space<hbm>>
      %dma_wait3A_1487 = arith.constant 0 : i32
      %dma_wait3A_1488 = arith.constant 0 : i32
      %dma_wait3A_1489 = tpu.memref_slice %arg9[%run_scoped3A_723, %dma_wait3A_1487, %dma_wait3A_1488] : memref<3x4x64xi32, #tpu.memory_space<vmem>> -> memref<1x4x64xi32, #tpu.memory_space<vmem>>
      %dma_wait3A_1490 = tpu.memref_squeeze %dma_wait3A_1489 : memref<1x4x64xi32, #tpu.memory_space<vmem>> -> memref<4x64xi32, #tpu.memory_space<vmem>>
      %dma_wait3A_1491 = arith.constant 0 : i32
      %dma_wait3A_1492 = arith.constant 0 : i32
      %dma_wait3A_1493 = arith.constant 0 : i32
      %dma_wait3A_1494 = tpu.memref_slice %arg4[%arg1, %dma_wait3A_1491, %dma_wait3A_1492, %dma_wait3A_1493] : memref<16x80x4x64xi32, #tpu.memory_space<hbm>> -> memref<1x80x4x64xi32, #tpu.memory_space<hbm>>
      %dma_wait3A_1495 = tpu.memref_squeeze %dma_wait3A_1494 : memref<1x80x4x64xi32, #tpu.memory_space<hbm>> -> memref<80x4x64xi32, #tpu.memory_space<hbm>>
      %dma_wait3A_1496 = arith.constant 0 : i32
      %dma_wait3A_1497 = arith.constant 0 : i32
      %dma_wait3A_1498 = tpu.memref_slice %dma_wait3A_1495[%run_scoped3A_722, %dma_wait3A_1496, %dma_wait3A_1497] : memref<80x4x64xi32, #tpu.memory_space<hbm>> -> memref<1x4x64xi32, #tpu.memory_space<hbm>>
      %dma_wait3A_1499 = tpu.memref_squeeze %dma_wait3A_1498 : memref<1x4x64xi32, #tpu.memory_space<hbm>> -> memref<4x64xi32, #tpu.memory_space<hbm>>
      tpu.wait_dma2 semaphore(%run_scoped3A_1447 : memref<!tpu.dma_semaphore, #tpu.memory_space<semaphore_mem>>) src(%dma_wait3A_1499 : memref<4x64xi32, #tpu.memory_space<hbm>>) dst(%dma_wait3A_1490 : memref<4x64xi32, #tpu.memory_space<vmem>>)
      tpu.yield
    }) : () -> ()
    %dma_start3A_724 = arith.constant 1 : i32
    %dma_start3A_725 = arith.constant 1 : i32
    %dma_start3A_726 = arith.constant 0 : i32
    %dma_start3A_727 = arith.constant 0 : i32
    %dma_start3A_728 = tpu.memref_slice %arg8[%dma_start3A_725, %dma_start3A_726, %dma_start3A_727] : memref<3x4x64xi32, #tpu.memory_space<vmem>> -> memref<1x4x64xi32, #tpu.memory_space<vmem>>
    %dma_start3A_729 = tpu.memref_squeeze %dma_start3A_728 : memref<1x4x64xi32, #tpu.memory_space<vmem>> -> memref<4x64xi32, #tpu.memory_space<vmem>>
    %dma_start3A_730 = arith.constant 0 : i32
    %dma_start3A_731 = arith.constant 0 : i32
    %dma_start3A_732 = arith.constant 0 : i32
    %dma_start3A_733 = tpu.memref_slice %arg5[%arg1, %dma_start3A_730, %dma_start3A_731, %dma_start3A_732] : memref<16x80x4x64xi32, #tpu.memory_space<hbm>> -> memref<1x80x4x64xi32, #tpu.memory_space<hbm>>
    %dma_start3A_734 = tpu.memref_squeeze %dma_start3A_733 : memref<1x80x4x64xi32, #tpu.memory_space<hbm>> -> memref<80x4x64xi32, #tpu.memory_space<hbm>>
    %dma_start3A_735 = arith.constant 0 : i32
    %dma_start3A_736 = arith.constant 0 : i32
    %dma_start3A_737 = tpu.memref_slice %dma_start3A_734[%dma_start3A_724, %dma_start3A_735, %dma_start3A_736] : memref<80x4x64xi32, #tpu.memory_space<hbm>> -> memref<1x4x64xi32, #tpu.memory_space<hbm>>
    %dma_start3A_738 = tpu.memref_squeeze %dma_start3A_737 : memref<1x4x64xi32, #tpu.memory_space<hbm>> -> memref<4x64xi32, #tpu.memory_space<hbm>>
    %dma_start3A_739 = arith.constant 0 : i32
    %dma_start3A_740 = arith.constant 0 : i32
    %dma_start3A_741 = tpu.memref_slice %arg8[%dma_start3A_725, %dma_start3A_739, %dma_start3A_740] : memref<3x4x64xi32, #tpu.memory_space<vmem>> -> memref<1x4x64xi32, #tpu.memory_space<vmem>>
    %dma_start3A_742 = tpu.memref_squeeze %dma_start3A_741 : memref<1x4x64xi32, #tpu.memory_space<vmem>> -> memref<4x64xi32, #tpu.memory_space<vmem>>
    %dma_start3A_743 = arith.constant 0 : i32
    %dma_start3A_744 = arith.constant 0 : i32
    %dma_start3A_745 = arith.constant 0 : i32
    %dma_start3A_746 = tpu.memref_slice %arg5[%arg1, %dma_start3A_743, %dma_start3A_744, %dma_start3A_745] : memref<16x80x4x64xi32, #tpu.memory_space<hbm>> -> memref<1x80x4x64xi32, #tpu.memory_space<hbm>>
    %dma_start3A_747 = tpu.memref_squeeze %dma_start3A_746 : memref<1x80x4x64xi32, #tpu.memory_space<hbm>> -> memref<80x4x64xi32, #tpu.memory_space<hbm>>
    %dma_start3A_748 = arith.constant 0 : i32
    %dma_start3A_749 = arith.constant 0 : i32
    %dma_start3A_750 = tpu.memref_slice %dma_start3A_747[%dma_start3A_724, %dma_start3A_748, %dma_start3A_749] : memref<80x4x64xi32, #tpu.memory_space<hbm>> -> memref<1x4x64xi32, #tpu.memory_space<hbm>>
    %dma_start3A_751 = tpu.memref_squeeze %dma_start3A_750 : memref<1x4x64xi32, #tpu.memory_space<hbm>> -> memref<4x64xi32, #tpu.memory_space<hbm>>
    tpu.enqueue_dma source(%dma_start3A_751 : memref<4x64xi32, #tpu.memory_space<hbm>>) target(%dma_start3A_742 : memref<4x64xi32, #tpu.memory_space<vmem>>) target_semaphore(%arg15 : memref<!tpu.dma_semaphore, #tpu.memory_space<semaphore_mem>>)
    %dma_start3A_752 = arith.constant 1 : i32
    %dma_start3A_753 = arith.constant 1 : i32
    %dma_start3A_754 = arith.constant 0 : i32
    %dma_start3A_755 = arith.constant 0 : i32
    %dma_start3A_756 = tpu.memref_slice %arg9[%dma_start3A_753, %dma_start3A_754, %dma_start3A_755] : memref<3x4x64xi32, #tpu.memory_space<vmem>> -> memref<1x4x64xi32, #tpu.memory_space<vmem>>
    %dma_start3A_757 = tpu.memref_squeeze %dma_start3A_756 : memref<1x4x64xi32, #tpu.memory_space<vmem>> -> memref<4x64xi32, #tpu.memory_space<vmem>>
    %dma_start3A_758 = arith.constant 0 : i32
    %dma_start3A_759 = arith.constant 0 : i32
    %dma_start3A_760 = arith.constant 0 : i32
    %dma_start3A_761 = tpu.memref_slice %arg4[%arg1, %dma_start3A_758, %dma_start3A_759, %dma_start3A_760] : memref<16x80x4x64xi32, #tpu.memory_space<hbm>> -> memref<1x80x4x64xi32, #tpu.memory_space<hbm>>
    %dma_start3A_762 = tpu.memref_squeeze %dma_start3A_761 : memref<1x80x4x64xi32, #tpu.memory_space<hbm>> -> memref<80x4x64xi32, #tpu.memory_space<hbm>>
    %dma_start3A_763 = arith.constant 0 : i32
    %dma_start3A_764 = arith.constant 0 : i32
    %dma_start3A_765 = tpu.memref_slice %dma_start3A_762[%dma_start3A_752, %dma_start3A_763, %dma_start3A_764] : memref<80x4x64xi32, #tpu.memory_space<hbm>> -> memref<1x4x64xi32, #tpu.memory_space<hbm>>
    %dma_start3A_766 = tpu.memref_squeeze %dma_start3A_765 : memref<1x4x64xi32, #tpu.memory_space<hbm>> -> memref<4x64xi32, #tpu.memory_space<hbm>>
    %dma_start3A_767 = arith.constant 0 : i32
    %dma_start3A_768 = arith.constant 0 : i32
    %dma_start3A_769 = tpu.memref_slice %arg9[%dma_start3A_753, %dma_start3A_767, %dma_start3A_768] : memref<3x4x64xi32, #tpu.memory_space<vmem>> -> memref<1x4x64xi32, #tpu.memory_space<vmem>>
    %dma_start3A_770 = tpu.memref_squeeze %dma_start3A_769 : memref<1x4x64xi32, #tpu.memory_space<vmem>> -> memref<4x64xi32, #tpu.memory_space<vmem>>
    %dma_start3A_771 = arith.constant 0 : i32
    %dma_start3A_772 = arith.constant 0 : i32
    %dma_start3A_773 = arith.constant 0 : i32
    %dma_start3A_774 = tpu.memref_slice %arg4[%arg1, %dma_start3A_771, %dma_start3A_772, %dma_start3A_773] : memref<16x80x4x64xi32, #tpu.memory_space<hbm>> -> memref<1x80x4x64xi32, #tpu.memory_space<hbm>>
    %dma_start3A_775 = tpu.memref_squeeze %dma_start3A_774 : memref<1x80x4x64xi32, #tpu.memory_space<hbm>> -> memref<80x4x64xi32, #tpu.memory_space<hbm>>
    %dma_start3A_776 = arith.constant 0 : i32
    %dma_start3A_777 = arith.constant 0 : i32
    %dma_start3A_778 = tpu.memref_slice %dma_start3A_775[%dma_start3A_752, %dma_start3A_776, %dma_start3A_777] : memref<80x4x64xi32, #tpu.memory_space<hbm>> -> memref<1x4x64xi32, #tpu.memory_space<hbm>>
    %dma_start3A_779 = tpu.memref_squeeze %dma_start3A_778 : memref<1x4x64xi32, #tpu.memory_space<hbm>> -> memref<4x64xi32, #tpu.memory_space<hbm>>
    tpu.enqueue_dma source(%dma_start3A_779 : memref<4x64xi32, #tpu.memory_space<hbm>>) target(%dma_start3A_770 : memref<4x64xi32, #tpu.memory_space<vmem>>) target_semaphore(%arg15 : memref<!tpu.dma_semaphore, #tpu.memory_space<semaphore_mem>>)
    %dma_start3A_780 = arith.constant 0 : i32
    %dma_start3A_781 = arith.constant 0 : i32
    %dma_start3A_782 = arith.constant 0 : i32
    %dma_start3A_783 = arith.constant 0 : i32
    %dma_start3A_784 = arith.constant 0 : i32
    %dma_start3A_785 = arith.constant 0 : i32
    %dma_start3A_786 = tpu.memref_slice %arg10[%dma_start3A_782, %dma_start3A_784, %dma_start3A_785] : memref<8x64x64xf32, #tpu.memory_space<vmem>> -> memref<1x64x64xf32, #tpu.memory_space<vmem>>
    %dma_start3A_787 = tpu.memref_squeeze %dma_start3A_786 : memref<1x64x64xf32, #tpu.memory_space<vmem>> -> memref<64x64xf32, #tpu.memory_space<vmem>>
    %dma_start3A_788 = arith.constant 0 : i32
    %dma_start3A_789 = arith.constant 0 : i32
    %dma_start3A_790 = tpu.memref_slice %arg8[%dma_start3A_780, %dma_start3A_788, %dma_start3A_789] : memref<3x4x64xi32, #tpu.memory_space<vmem>> -> memref<1x4x64xi32, #tpu.memory_space<vmem>>
    %dma_start3A_791 = tpu.memref_squeeze %dma_start3A_790 : memref<1x4x64xi32, #tpu.memory_space<vmem>> -> memref<4x64xi32, #tpu.memory_space<vmem>>
    %dma_start3A_792 = arith.constant 0 : i32
    %dma_start3A_793 = tpu.memref_slice %dma_start3A_791[%dma_start3A_781, %dma_start3A_792] : memref<4x64xi32, #tpu.memory_space<vmem>> -> memref<1x64xi32, #tpu.memory_space<vmem>>
    %dma_start3A_794 = tpu.memref_squeeze %dma_start3A_793 : memref<1x64xi32, #tpu.memory_space<vmem>> -> memref<64xi32, #tpu.memory_space<vmem>>
    %dma_start3A_795 = arith.constant 0 : i32
    %dma_start3A_796 = arith.constant 0 : i32
    %dma_start3A_797 = tpu.memref_slice %arg12[%dma_start3A_795, %dma_start3A_796] : memref<10112x64xf32, #tpu.memory_space<vmem_shared>> -> memref<10112x64xf32, #tpu.memory_space<vmem_shared>>
    %dma_start3A_798 = tpu.memref_slice %arg13[%dma_start3A_783] : memref<8x!tpu.dma_semaphore, #tpu.memory_space<semaphore_mem>> -> memref<1x!tpu.dma_semaphore, #tpu.memory_space<semaphore_mem>>
    %dma_start3A_799 = tpu.memref_squeeze %dma_start3A_798 : memref<1x!tpu.dma_semaphore, #tpu.memory_space<semaphore_mem>> -> memref<!tpu.dma_semaphore, #tpu.memory_space<semaphore_mem>>
    tpu.enqueue_indirect_dma source(%dma_start3A_797 : memref<10112x64xf32, #tpu.memory_space<vmem_shared>>) target(%dma_start3A_787 : memref<64x64xf32, #tpu.memory_space<vmem>>) offsets(%dma_start3A_794 : memref<64xi32, #tpu.memory_space<vmem>>) semaphore(%dma_start3A_799 : memref<!tpu.dma_semaphore, #tpu.memory_space<semaphore_mem>>)
    %dma_start3A_800 = arith.constant 0 : i32
    %dma_start3A_801 = arith.constant 1 : i32
    %dma_start3A_802 = arith.constant 1 : i32
    %dma_start3A_803 = arith.constant 1 : i32
    %dma_start3A_804 = arith.constant 0 : i32
    %dma_start3A_805 = arith.constant 0 : i32
    %dma_start3A_806 = tpu.memref_slice %arg10[%dma_start3A_802, %dma_start3A_804, %dma_start3A_805] : memref<8x64x64xf32, #tpu.memory_space<vmem>> -> memref<1x64x64xf32, #tpu.memory_space<vmem>>
    %dma_start3A_807 = tpu.memref_squeeze %dma_start3A_806 : memref<1x64x64xf32, #tpu.memory_space<vmem>> -> memref<64x64xf32, #tpu.memory_space<vmem>>
    %dma_start3A_808 = arith.constant 0 : i32
    %dma_start3A_809 = arith.constant 0 : i32
    %dma_start3A_810 = tpu.memref_slice %arg8[%dma_start3A_800, %dma_start3A_808, %dma_start3A_809] : memref<3x4x64xi32, #tpu.memory_space<vmem>> -> memref<1x4x64xi32, #tpu.memory_space<vmem>>
    %dma_start3A_811 = tpu.memref_squeeze %dma_start3A_810 : memref<1x4x64xi32, #tpu.memory_space<vmem>> -> memref<4x64xi32, #tpu.memory_space<vmem>>
    %dma_start3A_812 = arith.constant 0 : i32
    %dma_start3A_813 = tpu.memref_slice %dma_start3A_811[%dma_start3A_801, %dma_start3A_812] : memref<4x64xi32, #tpu.memory_space<vmem>> -> memref<1x64xi32, #tpu.memory_space<vmem>>
    %dma_start3A_814 = tpu.memref_squeeze %dma_start3A_813 : memref<1x64xi32, #tpu.memory_space<vmem>> -> memref<64xi32, #tpu.memory_space<vmem>>
    %dma_start3A_815 = arith.constant 0 : i32
    %dma_start3A_816 = arith.constant 0 : i32
    %dma_start3A_817 = tpu.memref_slice %arg12[%dma_start3A_815, %dma_start3A_816] : memref<10112x64xf32, #tpu.memory_space<vmem_shared>> -> memref<10112x64xf32, #tpu.memory_space<vmem_shared>>
    %dma_start3A_818 = tpu.memref_slice %arg13[%dma_start3A_803] : memref<8x!tpu.dma_semaphore, #tpu.memory_space<semaphore_mem>> -> memref<1x!tpu.dma_semaphore, #tpu.memory_space<semaphore_mem>>
    %dma_start3A_819 = tpu.memref_squeeze %dma_start3A_818 : memref<1x!tpu.dma_semaphore, #tpu.memory_space<semaphore_mem>> -> memref<!tpu.dma_semaphore, #tpu.memory_space<semaphore_mem>>
    tpu.enqueue_indirect_dma source(%dma_start3A_817 : memref<10112x64xf32, #tpu.memory_space<vmem_shared>>) target(%dma_start3A_807 : memref<64x64xf32, #tpu.memory_space<vmem>>) offsets(%dma_start3A_814 : memref<64xi32, #tpu.memory_space<vmem>>) semaphore(%dma_start3A_819 : memref<!tpu.dma_semaphore, #tpu.memory_space<semaphore_mem>>)
    %dma_start3A_820 = arith.constant 0 : i32
    %dma_start3A_821 = arith.constant 2 : i32
    %dma_start3A_822 = arith.constant 2 : i32
    %dma_start3A_823 = arith.constant 2 : i32
    %dma_start3A_824 = arith.constant 0 : i32
    %dma_start3A_825 = arith.constant 0 : i32
    %dma_start3A_826 = tpu.memref_slice %arg10[%dma_start3A_822, %dma_start3A_824, %dma_start3A_825] : memref<8x64x64xf32, #tpu.memory_space<vmem>> -> memref<1x64x64xf32, #tpu.memory_space<vmem>>
    %dma_start3A_827 = tpu.memref_squeeze %dma_start3A_826 : memref<1x64x64xf32, #tpu.memory_space<vmem>> -> memref<64x64xf32, #tpu.memory_space<vmem>>
    %dma_start3A_828 = arith.constant 0 : i32
    %dma_start3A_829 = arith.constant 0 : i32
    %dma_start3A_830 = tpu.memref_slice %arg8[%dma_start3A_820, %dma_start3A_828, %dma_start3A_829] : memref<3x4x64xi32, #tpu.memory_space<vmem>> -> memref<1x4x64xi32, #tpu.memory_space<vmem>>
    %dma_start3A_831 = tpu.memref_squeeze %dma_start3A_830 : memref<1x4x64xi32, #tpu.memory_space<vmem>> -> memref<4x64xi32, #tpu.memory_space<vmem>>
    %dma_start3A_832 = arith.constant 0 : i32
    %dma_start3A_833 = tpu.memref_slice %dma_start3A_831[%dma_start3A_821, %dma_start3A_832] : memref<4x64xi32, #tpu.memory_space<vmem>> -> memref<1x64xi32, #tpu.memory_space<vmem>>
    %dma_start3A_834 = tpu.memref_squeeze %dma_start3A_833 : memref<1x64xi32, #tpu.memory_space<vmem>> -> memref<64xi32, #tpu.memory_space<vmem>>
    %dma_start3A_835 = arith.constant 0 : i32
    %dma_start3A_836 = arith.constant 0 : i32
    %dma_start3A_837 = tpu.memref_slice %arg12[%dma_start3A_835, %dma_start3A_836] : memref<10112x64xf32, #tpu.memory_space<vmem_shared>> -> memref<10112x64xf32, #tpu.memory_space<vmem_shared>>
    %dma_start3A_838 = tpu.memref_slice %arg13[%dma_start3A_823] : memref<8x!tpu.dma_semaphore, #tpu.memory_space<semaphore_mem>> -> memref<1x!tpu.dma_semaphore, #tpu.memory_space<semaphore_mem>>
    %dma_start3A_839 = tpu.memref_squeeze %dma_start3A_838 : memref<1x!tpu.dma_semaphore, #tpu.memory_space<semaphore_mem>> -> memref<!tpu.dma_semaphore, #tpu.memory_space<semaphore_mem>>
    tpu.enqueue_indirect_dma source(%dma_start3A_837 : memref<10112x64xf32, #tpu.memory_space<vmem_shared>>) target(%dma_start3A_827 : memref<64x64xf32, #tpu.memory_space<vmem>>) offsets(%dma_start3A_834 : memref<64xi32, #tpu.memory_space<vmem>>) semaphore(%dma_start3A_839 : memref<!tpu.dma_semaphore, #tpu.memory_space<semaphore_mem>>)
    %dma_start3A_840 = arith.constant 0 : i32
    %dma_start3A_841 = arith.constant 3 : i32
    %dma_start3A_842 = arith.constant 3 : i32
    %dma_start3A_843 = arith.constant 3 : i32
    %dma_start3A_844 = arith.constant 0 : i32
    %dma_start3A_845 = arith.constant 0 : i32
    %dma_start3A_846 = tpu.memref_slice %arg10[%dma_start3A_842, %dma_start3A_844, %dma_start3A_845] : memref<8x64x64xf32, #tpu.memory_space<vmem>> -> memref<1x64x64xf32, #tpu.memory_space<vmem>>
    %dma_start3A_847 = tpu.memref_squeeze %dma_start3A_846 : memref<1x64x64xf32, #tpu.memory_space<vmem>> -> memref<64x64xf32, #tpu.memory_space<vmem>>
    %dma_start3A_848 = arith.constant 0 : i32
    %dma_start3A_849 = arith.constant 0 : i32
    %dma_start3A_850 = tpu.memref_slice %arg8[%dma_start3A_840, %dma_start3A_848, %dma_start3A_849] : memref<3x4x64xi32, #tpu.memory_space<vmem>> -> memref<1x4x64xi32, #tpu.memory_space<vmem>>
    %dma_start3A_851 = tpu.memref_squeeze %dma_start3A_850 : memref<1x4x64xi32, #tpu.memory_space<vmem>> -> memref<4x64xi32, #tpu.memory_space<vmem>>
    %dma_start3A_852 = arith.constant 0 : i32
    %dma_start3A_853 = tpu.memref_slice %dma_start3A_851[%dma_start3A_841, %dma_start3A_852] : memref<4x64xi32, #tpu.memory_space<vmem>> -> memref<1x64xi32, #tpu.memory_space<vmem>>
    %dma_start3A_854 = tpu.memref_squeeze %dma_start3A_853 : memref<1x64xi32, #tpu.memory_space<vmem>> -> memref<64xi32, #tpu.memory_space<vmem>>
    %dma_start3A_855 = arith.constant 0 : i32
    %dma_start3A_856 = arith.constant 0 : i32
    %dma_start3A_857 = tpu.memref_slice %arg12[%dma_start3A_855, %dma_start3A_856] : memref<10112x64xf32, #tpu.memory_space<vmem_shared>> -> memref<10112x64xf32, #tpu.memory_space<vmem_shared>>
    %dma_start3A_858 = tpu.memref_slice %arg13[%dma_start3A_843] : memref<8x!tpu.dma_semaphore, #tpu.memory_space<semaphore_mem>> -> memref<1x!tpu.dma_semaphore, #tpu.memory_space<semaphore_mem>>
    %dma_start3A_859 = tpu.memref_squeeze %dma_start3A_858 : memref<1x!tpu.dma_semaphore, #tpu.memory_space<semaphore_mem>> -> memref<!tpu.dma_semaphore, #tpu.memory_space<semaphore_mem>>
    tpu.enqueue_indirect_dma source(%dma_start3A_857 : memref<10112x64xf32, #tpu.memory_space<vmem_shared>>) target(%dma_start3A_847 : memref<64x64xf32, #tpu.memory_space<vmem>>) offsets(%dma_start3A_854 : memref<64xi32, #tpu.memory_space<vmem>>) semaphore(%dma_start3A_859 : memref<!tpu.dma_semaphore, #tpu.memory_space<semaphore_mem>>)
    %dma_wait3A_860 = arith.constant 0 : i32
    %dma_wait3A_861 = arith.constant 0 : i32
    %dma_wait3A_862 = arith.constant 0 : i32
    %dma_wait3A_863 = arith.constant 0 : i32
    %dma_wait3A_864 = tpu.memref_slice %arg8[%dma_wait3A_861, %dma_wait3A_862, %dma_wait3A_863] : memref<3x4x64xi32, #tpu.memory_space<vmem>> -> memref<1x4x64xi32, #tpu.memory_space<vmem>>
    %dma_wait3A_865 = tpu.memref_squeeze %dma_wait3A_864 : memref<1x4x64xi32, #tpu.memory_space<vmem>> -> memref<4x64xi32, #tpu.memory_space<vmem>>
    %dma_wait3A_866 = arith.constant 0 : i32
    %dma_wait3A_867 = arith.constant 0 : i32
    %dma_wait3A_868 = arith.constant 0 : i32
    %dma_wait3A_869 = tpu.memref_slice %arg5[%arg1, %dma_wait3A_866, %dma_wait3A_867, %dma_wait3A_868] : memref<16x80x4x64xi32, #tpu.memory_space<hbm>> -> memref<1x80x4x64xi32, #tpu.memory_space<hbm>>
    %dma_wait3A_870 = tpu.memref_squeeze %dma_wait3A_869 : memref<1x80x4x64xi32, #tpu.memory_space<hbm>> -> memref<80x4x64xi32, #tpu.memory_space<hbm>>
    %dma_wait3A_871 = arith.constant 0 : i32
    %dma_wait3A_872 = arith.constant 0 : i32
    %dma_wait3A_873 = tpu.memref_slice %dma_wait3A_870[%dma_wait3A_860, %dma_wait3A_871, %dma_wait3A_872] : memref<80x4x64xi32, #tpu.memory_space<hbm>> -> memref<1x4x64xi32, #tpu.memory_space<hbm>>
    %dma_wait3A_874 = tpu.memref_squeeze %dma_wait3A_873 : memref<1x4x64xi32, #tpu.memory_space<hbm>> -> memref<4x64xi32, #tpu.memory_space<hbm>>
    %dma_wait3A_875 = arith.constant 0 : i32
    %dma_wait3A_876 = arith.constant 0 : i32
    %dma_wait3A_877 = tpu.memref_slice %arg8[%dma_wait3A_861, %dma_wait3A_875, %dma_wait3A_876] : memref<3x4x64xi32, #tpu.memory_space<vmem>> -> memref<1x4x64xi32, #tpu.memory_space<vmem>>
    %dma_wait3A_878 = tpu.memref_squeeze %dma_wait3A_877 : memref<1x4x64xi32, #tpu.memory_space<vmem>> -> memref<4x64xi32, #tpu.memory_space<vmem>>
    %dma_wait3A_879 = arith.constant 0 : i32
    %dma_wait3A_880 = arith.constant 0 : i32
    %dma_wait3A_881 = arith.constant 0 : i32
    %dma_wait3A_882 = tpu.memref_slice %arg5[%arg1, %dma_wait3A_879, %dma_wait3A_880, %dma_wait3A_881] : memref<16x80x4x64xi32, #tpu.memory_space<hbm>> -> memref<1x80x4x64xi32, #tpu.memory_space<hbm>>
    %dma_wait3A_883 = tpu.memref_squeeze %dma_wait3A_882 : memref<1x80x4x64xi32, #tpu.memory_space<hbm>> -> memref<80x4x64xi32, #tpu.memory_space<hbm>>
    %dma_wait3A_884 = arith.constant 0 : i32
    %dma_wait3A_885 = arith.constant 0 : i32
    %dma_wait3A_886 = tpu.memref_slice %dma_wait3A_883[%dma_wait3A_860, %dma_wait3A_884, %dma_wait3A_885] : memref<80x4x64xi32, #tpu.memory_space<hbm>> -> memref<1x4x64xi32, #tpu.memory_space<hbm>>
    %dma_wait3A_887 = tpu.memref_squeeze %dma_wait3A_886 : memref<1x4x64xi32, #tpu.memory_space<hbm>> -> memref<4x64xi32, #tpu.memory_space<hbm>>
    tpu.wait_dma2 semaphore(%arg15 : memref<!tpu.dma_semaphore, #tpu.memory_space<semaphore_mem>>) src(%dma_wait3A_887 : memref<4x64xi32, #tpu.memory_space<hbm>>) dst(%dma_wait3A_878 : memref<4x64xi32, #tpu.memory_space<vmem>>)
    %dma_wait3A_888 = arith.constant 0 : i32
    %dma_wait3A_889 = arith.constant 0 : i32
    %dma_wait3A_890 = arith.constant 0 : i32
    %dma_wait3A_891 = arith.constant 0 : i32
    %dma_wait3A_892 = tpu.memref_slice %arg8[%dma_wait3A_889, %dma_wait3A_890, %dma_wait3A_891] : memref<3x4x64xi32, #tpu.memory_space<vmem>> -> memref<1x4x64xi32, #tpu.memory_space<vmem>>
    %dma_wait3A_893 = tpu.memref_squeeze %dma_wait3A_892 : memref<1x4x64xi32, #tpu.memory_space<vmem>> -> memref<4x64xi32, #tpu.memory_space<vmem>>
    %dma_wait3A_894 = arith.constant 0 : i32
    %dma_wait3A_895 = arith.constant 0 : i32
    %dma_wait3A_896 = arith.constant 0 : i32
    %dma_wait3A_897 = tpu.memref_slice %arg5[%arg1, %dma_wait3A_894, %dma_wait3A_895, %dma_wait3A_896] : memref<16x80x4x64xi32, #tpu.memory_space<hbm>> -> memref<1x80x4x64xi32, #tpu.memory_space<hbm>>
    %dma_wait3A_898 = tpu.memref_squeeze %dma_wait3A_897 : memref<1x80x4x64xi32, #tpu.memory_space<hbm>> -> memref<80x4x64xi32, #tpu.memory_space<hbm>>
    %dma_wait3A_899 = arith.constant 0 : i32
    %dma_wait3A_900 = arith.constant 0 : i32
    %dma_wait3A_901 = tpu.memref_slice %dma_wait3A_898[%dma_wait3A_888, %dma_wait3A_899, %dma_wait3A_900] : memref<80x4x64xi32, #tpu.memory_space<hbm>> -> memref<1x4x64xi32, #tpu.memory_space<hbm>>
    %dma_wait3A_902 = tpu.memref_squeeze %dma_wait3A_901 : memref<1x4x64xi32, #tpu.memory_space<hbm>> -> memref<4x64xi32, #tpu.memory_space<hbm>>
    %dma_wait3A_903 = arith.constant 0 : i32
    %dma_wait3A_904 = arith.constant 0 : i32
    %dma_wait3A_905 = tpu.memref_slice %arg8[%dma_wait3A_889, %dma_wait3A_903, %dma_wait3A_904] : memref<3x4x64xi32, #tpu.memory_space<vmem>> -> memref<1x4x64xi32, #tpu.memory_space<vmem>>
    %dma_wait3A_906 = tpu.memref_squeeze %dma_wait3A_905 : memref<1x4x64xi32, #tpu.memory_space<vmem>> -> memref<4x64xi32, #tpu.memory_space<vmem>>
    %dma_wait3A_907 = arith.constant 0 : i32
    %dma_wait3A_908 = arith.constant 0 : i32
    %dma_wait3A_909 = arith.constant 0 : i32
    %dma_wait3A_910 = tpu.memref_slice %arg5[%arg1, %dma_wait3A_907, %dma_wait3A_908, %dma_wait3A_909] : memref<16x80x4x64xi32, #tpu.memory_space<hbm>> -> memref<1x80x4x64xi32, #tpu.memory_space<hbm>>
    %dma_wait3A_911 = tpu.memref_squeeze %dma_wait3A_910 : memref<1x80x4x64xi32, #tpu.memory_space<hbm>> -> memref<80x4x64xi32, #tpu.memory_space<hbm>>
    %dma_wait3A_912 = arith.constant 0 : i32
    %dma_wait3A_913 = arith.constant 0 : i32
    %dma_wait3A_914 = tpu.memref_slice %dma_wait3A_911[%dma_wait3A_888, %dma_wait3A_912, %dma_wait3A_913] : memref<80x4x64xi32, #tpu.memory_space<hbm>> -> memref<1x4x64xi32, #tpu.memory_space<hbm>>
    %dma_wait3A_915 = tpu.memref_squeeze %dma_wait3A_914 : memref<1x4x64xi32, #tpu.memory_space<hbm>> -> memref<4x64xi32, #tpu.memory_space<hbm>>
    tpu.wait_dma2 semaphore(%arg15 : memref<!tpu.dma_semaphore, #tpu.memory_space<semaphore_mem>>) src(%dma_wait3A_915 : memref<4x64xi32, #tpu.memory_space<hbm>>) dst(%dma_wait3A_906 : memref<4x64xi32, #tpu.memory_space<vmem>>)
    %dma_wait3A_916 = arith.constant 0 : i32
    %dma_wait3A_917 = arith.constant 0 : i32
    %dma_wait3A_918 = arith.constant 0 : i32
    %dma_wait3A_919 = arith.constant 0 : i32
    %dma_wait3A_920 = arith.constant 0 : i32
    %dma_wait3A_921 = arith.constant 0 : i32
    %dma_wait3A_922 = tpu.memref_slice %arg10[%dma_wait3A_918, %dma_wait3A_920, %dma_wait3A_921] : memref<8x64x64xf32, #tpu.memory_space<vmem>> -> memref<1x64x64xf32, #tpu.memory_space<vmem>>
    %dma_wait3A_923 = tpu.memref_squeeze %dma_wait3A_922 : memref<1x64x64xf32, #tpu.memory_space<vmem>> -> memref<64x64xf32, #tpu.memory_space<vmem>>
    %dma_wait3A_924 = arith.constant 0 : i32
    %dma_wait3A_925 = arith.constant 0 : i32
    %dma_wait3A_926 = tpu.memref_slice %arg8[%dma_wait3A_916, %dma_wait3A_924, %dma_wait3A_925] : memref<3x4x64xi32, #tpu.memory_space<vmem>> -> memref<1x4x64xi32, #tpu.memory_space<vmem>>
    %dma_wait3A_927 = tpu.memref_squeeze %dma_wait3A_926 : memref<1x4x64xi32, #tpu.memory_space<vmem>> -> memref<4x64xi32, #tpu.memory_space<vmem>>
    %dma_wait3A_928 = arith.constant 0 : i32
    %dma_wait3A_929 = tpu.memref_slice %dma_wait3A_927[%dma_wait3A_917, %dma_wait3A_928] : memref<4x64xi32, #tpu.memory_space<vmem>> -> memref<1x64xi32, #tpu.memory_space<vmem>>
    %dma_wait3A_930 = tpu.memref_squeeze %dma_wait3A_929 : memref<1x64xi32, #tpu.memory_space<vmem>> -> memref<64xi32, #tpu.memory_space<vmem>>
    %dma_wait3A_931 = arith.constant 0 : i32
    %dma_wait3A_932 = arith.constant 0 : i32
    %dma_wait3A_933 = tpu.memref_slice %arg12[%dma_wait3A_931, %dma_wait3A_932] : memref<10112x64xf32, #tpu.memory_space<vmem_shared>> -> memref<10112x64xf32, #tpu.memory_space<vmem_shared>>
    %dma_wait3A_934 = tpu.memref_slice %arg13[%dma_wait3A_919] : memref<8x!tpu.dma_semaphore, #tpu.memory_space<semaphore_mem>> -> memref<1x!tpu.dma_semaphore, #tpu.memory_space<semaphore_mem>>
    %dma_wait3A_935 = tpu.memref_squeeze %dma_wait3A_934 : memref<1x!tpu.dma_semaphore, #tpu.memory_space<semaphore_mem>> -> memref<!tpu.dma_semaphore, #tpu.memory_space<semaphore_mem>>
    tpu.wait_indirect_dma semaphore(%dma_wait3A_935 : memref<!tpu.dma_semaphore, #tpu.memory_space<semaphore_mem>>) src(%dma_wait3A_933 : memref<10112x64xf32, #tpu.memory_space<vmem_shared>>) dst(%dma_wait3A_923 : memref<64x64xf32, #tpu.memory_space<vmem>>)
    %dma_start3A_936 = arith.constant 0 : i32
    %dma_start3A_937 = arith.constant 0 : i32
    %dma_start3A_938 = arith.constant 0 : i32
    %dma_start3A_939 = arith.constant 0 : i32
    %dma_start3A_940 = arith.constant 0 : i32
    %dma_start3A_941 = arith.constant 0 : i32
    %dma_start3A_942 = tpu.memref_slice %arg10[%dma_start3A_936, %dma_start3A_940, %dma_start3A_941] : memref<8x64x64xf32, #tpu.memory_space<vmem>> -> memref<1x64x64xf32, #tpu.memory_space<vmem>>
    %dma_start3A_943 = tpu.memref_squeeze %dma_start3A_942 : memref<1x64x64xf32, #tpu.memory_space<vmem>> -> memref<64x64xf32, #tpu.memory_space<vmem>>
    %dma_start3A_944 = arith.constant 0 : i32
    %dma_start3A_945 = arith.constant 0 : i32
    %dma_start3A_946 = tpu.memref_slice %arg9[%dma_start3A_937, %dma_start3A_944, %dma_start3A_945] : memref<3x4x64xi32, #tpu.memory_space<vmem>> -> memref<1x4x64xi32, #tpu.memory_space<vmem>>
    %dma_start3A_947 = tpu.memref_squeeze %dma_start3A_946 : memref<1x4x64xi32, #tpu.memory_space<vmem>> -> memref<4x64xi32, #tpu.memory_space<vmem>>
    %dma_start3A_948 = arith.constant 0 : i32
    %dma_start3A_949 = tpu.memref_slice %dma_start3A_947[%dma_start3A_938, %dma_start3A_948] : memref<4x64xi32, #tpu.memory_space<vmem>> -> memref<1x64xi32, #tpu.memory_space<vmem>>
    %dma_start3A_950 = tpu.memref_squeeze %dma_start3A_949 : memref<1x64xi32, #tpu.memory_space<vmem>> -> memref<64xi32, #tpu.memory_space<vmem>>
    %dma_start3A_951 = arith.constant 0 : i32
    %dma_start3A_952 = arith.constant 0 : i32
    %dma_start3A_953 = tpu.memref_slice %arg11[%dma_start3A_951, %dma_start3A_952] : memref<10112x64xf32, #tpu.memory_space<vmem_shared>> -> memref<10112x64xf32, #tpu.memory_space<vmem_shared>>
    %dma_start3A_954 = tpu.memref_slice %arg14[%dma_start3A_939] : memref<8x!tpu.dma_semaphore, #tpu.memory_space<semaphore_mem>> -> memref<1x!tpu.dma_semaphore, #tpu.memory_space<semaphore_mem>>
    %dma_start3A_955 = tpu.memref_squeeze %dma_start3A_954 : memref<1x!tpu.dma_semaphore, #tpu.memory_space<semaphore_mem>> -> memref<!tpu.dma_semaphore, #tpu.memory_space<semaphore_mem>>
    tpu.enqueue_indirect_dma source(%dma_start3A_943 : memref<64x64xf32, #tpu.memory_space<vmem>>) target(%dma_start3A_953 : memref<10112x64xf32, #tpu.memory_space<vmem_shared>>) offsets(%dma_start3A_950 : memref<64xi32, #tpu.memory_space<vmem>>) semaphore(%dma_start3A_955 : memref<!tpu.dma_semaphore, #tpu.memory_space<semaphore_mem>>) {add = true}
    %dma_wait3A_956 = arith.constant 0 : i32
    %dma_wait3A_957 = arith.constant 0 : i32
    %dma_wait3A_958 = arith.constant 1 : i32
    %dma_wait3A_959 = arith.constant 1 : i32
    %dma_wait3A_960 = arith.constant 0 : i32
    %dma_wait3A_961 = arith.constant 0 : i32
    %dma_wait3A_962 = tpu.memref_slice %arg10[%dma_wait3A_958, %dma_wait3A_960, %dma_wait3A_961] : memref<8x64x64xf32, #tpu.memory_space<vmem>> -> memref<1x64x64xf32, #tpu.memory_space<vmem>>
    %dma_wait3A_963 = tpu.memref_squeeze %dma_wait3A_962 : memref<1x64x64xf32, #tpu.memory_space<vmem>> -> memref<64x64xf32, #tpu.memory_space<vmem>>
    %dma_wait3A_964 = arith.constant 0 : i32
    %dma_wait3A_965 = arith.constant 0 : i32
    %dma_wait3A_966 = tpu.memref_slice %arg8[%dma_wait3A_956, %dma_wait3A_964, %dma_wait3A_965] : memref<3x4x64xi32, #tpu.memory_space<vmem>> -> memref<1x4x64xi32, #tpu.memory_space<vmem>>
    %dma_wait3A_967 = tpu.memref_squeeze %dma_wait3A_966 : memref<1x4x64xi32, #tpu.memory_space<vmem>> -> memref<4x64xi32, #tpu.memory_space<vmem>>
    %dma_wait3A_968 = arith.constant 0 : i32
    %dma_wait3A_969 = tpu.memref_slice %dma_wait3A_967[%dma_wait3A_957, %dma_wait3A_968] : memref<4x64xi32, #tpu.memory_space<vmem>> -> memref<1x64xi32, #tpu.memory_space<vmem>>
    %dma_wait3A_970 = tpu.memref_squeeze %dma_wait3A_969 : memref<1x64xi32, #tpu.memory_space<vmem>> -> memref<64xi32, #tpu.memory_space<vmem>>
    %dma_wait3A_971 = arith.constant 0 : i32
    %dma_wait3A_972 = arith.constant 0 : i32
    %dma_wait3A_973 = tpu.memref_slice %arg12[%dma_wait3A_971, %dma_wait3A_972] : memref<10112x64xf32, #tpu.memory_space<vmem_shared>> -> memref<10112x64xf32, #tpu.memory_space<vmem_shared>>
    %dma_wait3A_974 = tpu.memref_slice %arg13[%dma_wait3A_959] : memref<8x!tpu.dma_semaphore, #tpu.memory_space<semaphore_mem>> -> memref<1x!tpu.dma_semaphore, #tpu.memory_space<semaphore_mem>>
    %dma_wait3A_975 = tpu.memref_squeeze %dma_wait3A_974 : memref<1x!tpu.dma_semaphore, #tpu.memory_space<semaphore_mem>> -> memref<!tpu.dma_semaphore, #tpu.memory_space<semaphore_mem>>
    tpu.wait_indirect_dma semaphore(%dma_wait3A_975 : memref<!tpu.dma_semaphore, #tpu.memory_space<semaphore_mem>>) src(%dma_wait3A_973 : memref<10112x64xf32, #tpu.memory_space<vmem_shared>>) dst(%dma_wait3A_963 : memref<64x64xf32, #tpu.memory_space<vmem>>)
    %dma_start3A_976 = arith.constant 1 : i32
    %dma_start3A_977 = arith.constant 0 : i32
    %dma_start3A_978 = arith.constant 1 : i32
    %dma_start3A_979 = arith.constant 1 : i32
    %dma_start3A_980 = arith.constant 0 : i32
    %dma_start3A_981 = arith.constant 0 : i32
    %dma_start3A_982 = tpu.memref_slice %arg10[%dma_start3A_976, %dma_start3A_980, %dma_start3A_981] : memref<8x64x64xf32, #tpu.memory_space<vmem>> -> memref<1x64x64xf32, #tpu.memory_space<vmem>>
    %dma_start3A_983 = tpu.memref_squeeze %dma_start3A_982 : memref<1x64x64xf32, #tpu.memory_space<vmem>> -> memref<64x64xf32, #tpu.memory_space<vmem>>
    %dma_start3A_984 = arith.constant 0 : i32
    %dma_start3A_985 = arith.constant 0 : i32
    %dma_start3A_986 = tpu.memref_slice %arg9[%dma_start3A_977, %dma_start3A_984, %dma_start3A_985] : memref<3x4x64xi32, #tpu.memory_space<vmem>> -> memref<1x4x64xi32, #tpu.memory_space<vmem>>
    %dma_start3A_987 = tpu.memref_squeeze %dma_start3A_986 : memref<1x4x64xi32, #tpu.memory_space<vmem>> -> memref<4x64xi32, #tpu.memory_space<vmem>>
    %dma_start3A_988 = arith.constant 0 : i32
    %dma_start3A_989 = tpu.memref_slice %dma_start3A_987[%dma_start3A_978, %dma_start3A_988] : memref<4x64xi32, #tpu.memory_space<vmem>> -> memref<1x64xi32, #tpu.memory_space<vmem>>
    %dma_start3A_990 = tpu.memref_squeeze %dma_start3A_989 : memref<1x64xi32, #tpu.memory_space<vmem>> -> memref<64xi32, #tpu.memory_space<vmem>>
    %dma_start3A_991 = arith.constant 0 : i32
    %dma_start3A_992 = arith.constant 0 : i32
    %dma_start3A_993 = tpu.memref_slice %arg11[%dma_start3A_991, %dma_start3A_992] : memref<10112x64xf32, #tpu.memory_space<vmem_shared>> -> memref<10112x64xf32, #tpu.memory_space<vmem_shared>>
    %dma_start3A_994 = tpu.memref_slice %arg14[%dma_start3A_979] : memref<8x!tpu.dma_semaphore, #tpu.memory_space<semaphore_mem>> -> memref<1x!tpu.dma_semaphore, #tpu.memory_space<semaphore_mem>>
    %dma_start3A_995 = tpu.memref_squeeze %dma_start3A_994 : memref<1x!tpu.dma_semaphore, #tpu.memory_space<semaphore_mem>> -> memref<!tpu.dma_semaphore, #tpu.memory_space<semaphore_mem>>
    tpu.enqueue_indirect_dma source(%dma_start3A_983 : memref<64x64xf32, #tpu.memory_space<vmem>>) target(%dma_start3A_993 : memref<10112x64xf32, #tpu.memory_space<vmem_shared>>) offsets(%dma_start3A_990 : memref<64xi32, #tpu.memory_space<vmem>>) semaphore(%dma_start3A_995 : memref<!tpu.dma_semaphore, #tpu.memory_space<semaphore_mem>>) {add = true}
    %dma_wait3A_996 = arith.constant 0 : i32
    %dma_wait3A_997 = arith.constant 0 : i32
    %dma_wait3A_998 = arith.constant 2 : i32
    %dma_wait3A_999 = arith.constant 2 : i32
    %dma_wait3A_1000 = arith.constant 0 : i32
    %dma_wait3A_1001 = arith.constant 0 : i32
    %dma_wait3A_1002 = tpu.memref_slice %arg10[%dma_wait3A_998, %dma_wait3A_1000, %dma_wait3A_1001] : memref<8x64x64xf32, #tpu.memory_space<vmem>> -> memref<1x64x64xf32, #tpu.memory_space<vmem>>
    %dma_wait3A_1003 = tpu.memref_squeeze %dma_wait3A_1002 : memref<1x64x64xf32, #tpu.memory_space<vmem>> -> memref<64x64xf32, #tpu.memory_space<vmem>>
    %dma_wait3A_1004 = arith.constant 0 : i32
    %dma_wait3A_1005 = arith.constant 0 : i32
    %dma_wait3A_1006 = tpu.memref_slice %arg8[%dma_wait3A_996, %dma_wait3A_1004, %dma_wait3A_1005] : memref<3x4x64xi32, #tpu.memory_space<vmem>> -> memref<1x4x64xi32, #tpu.memory_space<vmem>>
    %dma_wait3A_1007 = tpu.memref_squeeze %dma_wait3A_1006 : memref<1x4x64xi32, #tpu.memory_space<vmem>> -> memref<4x64xi32, #tpu.memory_space<vmem>>
    %dma_wait3A_1008 = arith.constant 0 : i32
    %dma_wait3A_1009 = tpu.memref_slice %dma_wait3A_1007[%dma_wait3A_997, %dma_wait3A_1008] : memref<4x64xi32, #tpu.memory_space<vmem>> -> memref<1x64xi32, #tpu.memory_space<vmem>>
    %dma_wait3A_1010 = tpu.memref_squeeze %dma_wait3A_1009 : memref<1x64xi32, #tpu.memory_space<vmem>> -> memref<64xi32, #tpu.memory_space<vmem>>
    %dma_wait3A_1011 = arith.constant 0 : i32
    %dma_wait3A_1012 = arith.constant 0 : i32
    %dma_wait3A_1013 = tpu.memref_slice %arg12[%dma_wait3A_1011, %dma_wait3A_1012] : memref<10112x64xf32, #tpu.memory_space<vmem_shared>> -> memref<10112x64xf32, #tpu.memory_space<vmem_shared>>
    %dma_wait3A_1014 = tpu.memref_slice %arg13[%dma_wait3A_999] : memref<8x!tpu.dma_semaphore, #tpu.memory_space<semaphore_mem>> -> memref<1x!tpu.dma_semaphore, #tpu.memory_space<semaphore_mem>>
    %dma_wait3A_1015 = tpu.memref_squeeze %dma_wait3A_1014 : memref<1x!tpu.dma_semaphore, #tpu.memory_space<semaphore_mem>> -> memref<!tpu.dma_semaphore, #tpu.memory_space<semaphore_mem>>
    tpu.wait_indirect_dma semaphore(%dma_wait3A_1015 : memref<!tpu.dma_semaphore, #tpu.memory_space<semaphore_mem>>) src(%dma_wait3A_1013 : memref<10112x64xf32, #tpu.memory_space<vmem_shared>>) dst(%dma_wait3A_1003 : memref<64x64xf32, #tpu.memory_space<vmem>>)
    %dma_start3A_1016 = arith.constant 2 : i32
    %dma_start3A_1017 = arith.constant 0 : i32
    %dma_start3A_1018 = arith.constant 2 : i32
    %dma_start3A_1019 = arith.constant 2 : i32
    %dma_start3A_1020 = arith.constant 0 : i32
    %dma_start3A_1021 = arith.constant 0 : i32
    %dma_start3A_1022 = tpu.memref_slice %arg10[%dma_start3A_1016, %dma_start3A_1020, %dma_start3A_1021] : memref<8x64x64xf32, #tpu.memory_space<vmem>> -> memref<1x64x64xf32, #tpu.memory_space<vmem>>
    %dma_start3A_1023 = tpu.memref_squeeze %dma_start3A_1022 : memref<1x64x64xf32, #tpu.memory_space<vmem>> -> memref<64x64xf32, #tpu.memory_space<vmem>>
    %dma_start3A_1024 = arith.constant 0 : i32
    %dma_start3A_1025 = arith.constant 0 : i32
    %dma_start3A_1026 = tpu.memref_slice %arg9[%dma_start3A_1017, %dma_start3A_1024, %dma_start3A_1025] : memref<3x4x64xi32, #tpu.memory_space<vmem>> -> memref<1x4x64xi32, #tpu.memory_space<vmem>>
    %dma_start3A_1027 = tpu.memref_squeeze %dma_start3A_1026 : memref<1x4x64xi32, #tpu.memory_space<vmem>> -> memref<4x64xi32, #tpu.memory_space<vmem>>
    %dma_start3A_1028 = arith.constant 0 : i32
    %dma_start3A_1029 = tpu.memref_slice %dma_start3A_1027[%dma_start3A_1018, %dma_start3A_1028] : memref<4x64xi32, #tpu.memory_space<vmem>> -> memref<1x64xi32, #tpu.memory_space<vmem>>
    %dma_start3A_1030 = tpu.memref_squeeze %dma_start3A_1029 : memref<1x64xi32, #tpu.memory_space<vmem>> -> memref<64xi32, #tpu.memory_space<vmem>>
    %dma_start3A_1031 = arith.constant 0 : i32
    %dma_start3A_1032 = arith.constant 0 : i32
    %dma_start3A_1033 = tpu.memref_slice %arg11[%dma_start3A_1031, %dma_start3A_1032] : memref<10112x64xf32, #tpu.memory_space<vmem_shared>> -> memref<10112x64xf32, #tpu.memory_space<vmem_shared>>
    %dma_start3A_1034 = tpu.memref_slice %arg14[%dma_start3A_1019] : memref<8x!tpu.dma_semaphore, #tpu.memory_space<semaphore_mem>> -> memref<1x!tpu.dma_semaphore, #tpu.memory_space<semaphore_mem>>
    %dma_start3A_1035 = tpu.memref_squeeze %dma_start3A_1034 : memref<1x!tpu.dma_semaphore, #tpu.memory_space<semaphore_mem>> -> memref<!tpu.dma_semaphore, #tpu.memory_space<semaphore_mem>>
    tpu.enqueue_indirect_dma source(%dma_start3A_1023 : memref<64x64xf32, #tpu.memory_space<vmem>>) target(%dma_start3A_1033 : memref<10112x64xf32, #tpu.memory_space<vmem_shared>>) offsets(%dma_start3A_1030 : memref<64xi32, #tpu.memory_space<vmem>>) semaphore(%dma_start3A_1035 : memref<!tpu.dma_semaphore, #tpu.memory_space<semaphore_mem>>) {add = true}
    %dma_wait3A_1036 = arith.constant 0 : i32
    %dma_wait3A_1037 = arith.constant 0 : i32
    %dma_wait3A_1038 = arith.constant 3 : i32
    %dma_wait3A_1039 = arith.constant 3 : i32
    %dma_wait3A_1040 = arith.constant 0 : i32
    %dma_wait3A_1041 = arith.constant 0 : i32
    %dma_wait3A_1042 = tpu.memref_slice %arg10[%dma_wait3A_1038, %dma_wait3A_1040, %dma_wait3A_1041] : memref<8x64x64xf32, #tpu.memory_space<vmem>> -> memref<1x64x64xf32, #tpu.memory_space<vmem>>
    %dma_wait3A_1043 = tpu.memref_squeeze %dma_wait3A_1042 : memref<1x64x64xf32, #tpu.memory_space<vmem>> -> memref<64x64xf32, #tpu.memory_space<vmem>>
    %dma_wait3A_1044 = arith.constant 0 : i32
    %dma_wait3A_1045 = arith.constant 0 : i32
    %dma_wait3A_1046 = tpu.memref_slice %arg8[%dma_wait3A_1036, %dma_wait3A_1044, %dma_wait3A_1045] : memref<3x4x64xi32, #tpu.memory_space<vmem>> -> memref<1x4x64xi32, #tpu.memory_space<vmem>>
    %dma_wait3A_1047 = tpu.memref_squeeze %dma_wait3A_1046 : memref<1x4x64xi32, #tpu.memory_space<vmem>> -> memref<4x64xi32, #tpu.memory_space<vmem>>
    %dma_wait3A_1048 = arith.constant 0 : i32
    %dma_wait3A_1049 = tpu.memref_slice %dma_wait3A_1047[%dma_wait3A_1037, %dma_wait3A_1048] : memref<4x64xi32, #tpu.memory_space<vmem>> -> memref<1x64xi32, #tpu.memory_space<vmem>>
    %dma_wait3A_1050 = tpu.memref_squeeze %dma_wait3A_1049 : memref<1x64xi32, #tpu.memory_space<vmem>> -> memref<64xi32, #tpu.memory_space<vmem>>
    %dma_wait3A_1051 = arith.constant 0 : i32
    %dma_wait3A_1052 = arith.constant 0 : i32
    %dma_wait3A_1053 = tpu.memref_slice %arg12[%dma_wait3A_1051, %dma_wait3A_1052] : memref<10112x64xf32, #tpu.memory_space<vmem_shared>> -> memref<10112x64xf32, #tpu.memory_space<vmem_shared>>
    %dma_wait3A_1054 = tpu.memref_slice %arg13[%dma_wait3A_1039] : memref<8x!tpu.dma_semaphore, #tpu.memory_space<semaphore_mem>> -> memref<1x!tpu.dma_semaphore, #tpu.memory_space<semaphore_mem>>
    %dma_wait3A_1055 = tpu.memref_squeeze %dma_wait3A_1054 : memref<1x!tpu.dma_semaphore, #tpu.memory_space<semaphore_mem>> -> memref<!tpu.dma_semaphore, #tpu.memory_space<semaphore_mem>>
    tpu.wait_indirect_dma semaphore(%dma_wait3A_1055 : memref<!tpu.dma_semaphore, #tpu.memory_space<semaphore_mem>>) src(%dma_wait3A_1053 : memref<10112x64xf32, #tpu.memory_space<vmem_shared>>) dst(%dma_wait3A_1043 : memref<64x64xf32, #tpu.memory_space<vmem>>)
    %dma_start3A_1056 = arith.constant 3 : i32
    %dma_start3A_1057 = arith.constant 0 : i32
    %dma_start3A_1058 = arith.constant 3 : i32
    %dma_start3A_1059 = arith.constant 3 : i32
    %dma_start3A_1060 = arith.constant 0 : i32
    %dma_start3A_1061 = arith.constant 0 : i32
    %dma_start3A_1062 = tpu.memref_slice %arg10[%dma_start3A_1056, %dma_start3A_1060, %dma_start3A_1061] : memref<8x64x64xf32, #tpu.memory_space<vmem>> -> memref<1x64x64xf32, #tpu.memory_space<vmem>>
    %dma_start3A_1063 = tpu.memref_squeeze %dma_start3A_1062 : memref<1x64x64xf32, #tpu.memory_space<vmem>> -> memref<64x64xf32, #tpu.memory_space<vmem>>
    %dma_start3A_1064 = arith.constant 0 : i32
    %dma_start3A_1065 = arith.constant 0 : i32
    %dma_start3A_1066 = tpu.memref_slice %arg9[%dma_start3A_1057, %dma_start3A_1064, %dma_start3A_1065] : memref<3x4x64xi32, #tpu.memory_space<vmem>> -> memref<1x4x64xi32, #tpu.memory_space<vmem>>
    %dma_start3A_1067 = tpu.memref_squeeze %dma_start3A_1066 : memref<1x4x64xi32, #tpu.memory_space<vmem>> -> memref<4x64xi32, #tpu.memory_space<vmem>>
    %dma_start3A_1068 = arith.constant 0 : i32
    %dma_start3A_1069 = tpu.memref_slice %dma_start3A_1067[%dma_start3A_1058, %dma_start3A_1068] : memref<4x64xi32, #tpu.memory_space<vmem>> -> memref<1x64xi32, #tpu.memory_space<vmem>>
    %dma_start3A_1070 = tpu.memref_squeeze %dma_start3A_1069 : memref<1x64xi32, #tpu.memory_space<vmem>> -> memref<64xi32, #tpu.memory_space<vmem>>
    %dma_start3A_1071 = arith.constant 0 : i32
    %dma_start3A_1072 = arith.constant 0 : i32
    %dma_start3A_1073 = tpu.memref_slice %arg11[%dma_start3A_1071, %dma_start3A_1072] : memref<10112x64xf32, #tpu.memory_space<vmem_shared>> -> memref<10112x64xf32, #tpu.memory_space<vmem_shared>>
    %dma_start3A_1074 = tpu.memref_slice %arg14[%dma_start3A_1059] : memref<8x!tpu.dma_semaphore, #tpu.memory_space<semaphore_mem>> -> memref<1x!tpu.dma_semaphore, #tpu.memory_space<semaphore_mem>>
    %dma_start3A_1075 = tpu.memref_squeeze %dma_start3A_1074 : memref<1x!tpu.dma_semaphore, #tpu.memory_space<semaphore_mem>> -> memref<!tpu.dma_semaphore, #tpu.memory_space<semaphore_mem>>
    tpu.enqueue_indirect_dma source(%dma_start3A_1063 : memref<64x64xf32, #tpu.memory_space<vmem>>) target(%dma_start3A_1073 : memref<10112x64xf32, #tpu.memory_space<vmem_shared>>) offsets(%dma_start3A_1070 : memref<64xi32, #tpu.memory_space<vmem>>) semaphore(%dma_start3A_1075 : memref<!tpu.dma_semaphore, #tpu.memory_space<semaphore_mem>>) {add = true}
    %dma_start3A_1076 = arith.constant 1 : i32
    %dma_start3A_1077 = arith.constant 0 : i32
    %dma_start3A_1078 = arith.constant 4 : i32
    %dma_start3A_1079 = arith.constant 4 : i32
    %dma_start3A_1080 = arith.constant 0 : i32
    %dma_start3A_1081 = arith.constant 0 : i32
    %dma_start3A_1082 = tpu.memref_slice %arg10[%dma_start3A_1078, %dma_start3A_1080, %dma_start3A_1081] : memref<8x64x64xf32, #tpu.memory_space<vmem>> -> memref<1x64x64xf32, #tpu.memory_space<vmem>>
    %dma_start3A_1083 = tpu.memref_squeeze %dma_start3A_1082 : memref<1x64x64xf32, #tpu.memory_space<vmem>> -> memref<64x64xf32, #tpu.memory_space<vmem>>
    %dma_start3A_1084 = arith.constant 0 : i32
    %dma_start3A_1085 = arith.constant 0 : i32
    %dma_start3A_1086 = tpu.memref_slice %arg8[%dma_start3A_1076, %dma_start3A_1084, %dma_start3A_1085] : memref<3x4x64xi32, #tpu.memory_space<vmem>> -> memref<1x4x64xi32, #tpu.memory_space<vmem>>
    %dma_start3A_1087 = tpu.memref_squeeze %dma_start3A_1086 : memref<1x4x64xi32, #tpu.memory_space<vmem>> -> memref<4x64xi32, #tpu.memory_space<vmem>>
    %dma_start3A_1088 = arith.constant 0 : i32
    %dma_start3A_1089 = tpu.memref_slice %dma_start3A_1087[%dma_start3A_1077, %dma_start3A_1088] : memref<4x64xi32, #tpu.memory_space<vmem>> -> memref<1x64xi32, #tpu.memory_space<vmem>>
    %dma_start3A_1090 = tpu.memref_squeeze %dma_start3A_1089 : memref<1x64xi32, #tpu.memory_space<vmem>> -> memref<64xi32, #tpu.memory_space<vmem>>
    %dma_start3A_1091 = arith.constant 0 : i32
    %dma_start3A_1092 = arith.constant 0 : i32
    %dma_start3A_1093 = tpu.memref_slice %arg12[%dma_start3A_1091, %dma_start3A_1092] : memref<10112x64xf32, #tpu.memory_space<vmem_shared>> -> memref<10112x64xf32, #tpu.memory_space<vmem_shared>>
    %dma_start3A_1094 = tpu.memref_slice %arg13[%dma_start3A_1079] : memref<8x!tpu.dma_semaphore, #tpu.memory_space<semaphore_mem>> -> memref<1x!tpu.dma_semaphore, #tpu.memory_space<semaphore_mem>>
    %dma_start3A_1095 = tpu.memref_squeeze %dma_start3A_1094 : memref<1x!tpu.dma_semaphore, #tpu.memory_space<semaphore_mem>> -> memref<!tpu.dma_semaphore, #tpu.memory_space<semaphore_mem>>
    tpu.enqueue_indirect_dma source(%dma_start3A_1093 : memref<10112x64xf32, #tpu.memory_space<vmem_shared>>) target(%dma_start3A_1083 : memref<64x64xf32, #tpu.memory_space<vmem>>) offsets(%dma_start3A_1090 : memref<64xi32, #tpu.memory_space<vmem>>) semaphore(%dma_start3A_1095 : memref<!tpu.dma_semaphore, #tpu.memory_space<semaphore_mem>>)
    %dma_start3A_1096 = arith.constant 1 : i32
    %dma_start3A_1097 = arith.constant 1 : i32
    %dma_start3A_1098 = arith.constant 5 : i32
    %dma_start3A_1099 = arith.constant 5 : i32
    %dma_start3A_1100 = arith.constant 0 : i32
    %dma_start3A_1101 = arith.constant 0 : i32
    %dma_start3A_1102 = tpu.memref_slice %arg10[%dma_start3A_1098, %dma_start3A_1100, %dma_start3A_1101] : memref<8x64x64xf32, #tpu.memory_space<vmem>> -> memref<1x64x64xf32, #tpu.memory_space<vmem>>
    %dma_start3A_1103 = tpu.memref_squeeze %dma_start3A_1102 : memref<1x64x64xf32, #tpu.memory_space<vmem>> -> memref<64x64xf32, #tpu.memory_space<vmem>>
    %dma_start3A_1104 = arith.constant 0 : i32
    %dma_start3A_1105 = arith.constant 0 : i32
    %dma_start3A_1106 = tpu.memref_slice %arg8[%dma_start3A_1096, %dma_start3A_1104, %dma_start3A_1105] : memref<3x4x64xi32, #tpu.memory_space<vmem>> -> memref<1x4x64xi32, #tpu.memory_space<vmem>>
    %dma_start3A_1107 = tpu.memref_squeeze %dma_start3A_1106 : memref<1x4x64xi32, #tpu.memory_space<vmem>> -> memref<4x64xi32, #tpu.memory_space<vmem>>
    %dma_start3A_1108 = arith.constant 0 : i32
    %dma_start3A_1109 = tpu.memref_slice %dma_start3A_1107[%dma_start3A_1097, %dma_start3A_1108] : memref<4x64xi32, #tpu.memory_space<vmem>> -> memref<1x64xi32, #tpu.memory_space<vmem>>
    %dma_start3A_1110 = tpu.memref_squeeze %dma_start3A_1109 : memref<1x64xi32, #tpu.memory_space<vmem>> -> memref<64xi32, #tpu.memory_space<vmem>>
    %dma_start3A_1111 = arith.constant 0 : i32
    %dma_start3A_1112 = arith.constant 0 : i32
    %dma_start3A_1113 = tpu.memref_slice %arg12[%dma_start3A_1111, %dma_start3A_1112] : memref<10112x64xf32, #tpu.memory_space<vmem_shared>> -> memref<10112x64xf32, #tpu.memory_space<vmem_shared>>
    %dma_start3A_1114 = tpu.memref_slice %arg13[%dma_start3A_1099] : memref<8x!tpu.dma_semaphore, #tpu.memory_space<semaphore_mem>> -> memref<1x!tpu.dma_semaphore, #tpu.memory_space<semaphore_mem>>
    %dma_start3A_1115 = tpu.memref_squeeze %dma_start3A_1114 : memref<1x!tpu.dma_semaphore, #tpu.memory_space<semaphore_mem>> -> memref<!tpu.dma_semaphore, #tpu.memory_space<semaphore_mem>>
    tpu.enqueue_indirect_dma source(%dma_start3A_1113 : memref<10112x64xf32, #tpu.memory_space<vmem_shared>>) target(%dma_start3A_1103 : memref<64x64xf32, #tpu.memory_space<vmem>>) offsets(%dma_start3A_1110 : memref<64xi32, #tpu.memory_space<vmem>>) semaphore(%dma_start3A_1115 : memref<!tpu.dma_semaphore, #tpu.memory_space<semaphore_mem>>)
    %dma_start3A_1116 = arith.constant 1 : i32
    %dma_start3A_1117 = arith.constant 2 : i32
    %dma_start3A_1118 = arith.constant 6 : i32
    %dma_start3A_1119 = arith.constant 6 : i32
    %dma_start3A_1120 = arith.constant 0 : i32
    %dma_start3A_1121 = arith.constant 0 : i32
    %dma_start3A_1122 = tpu.memref_slice %arg10[%dma_start3A_1118, %dma_start3A_1120, %dma_start3A_1121] : memref<8x64x64xf32, #tpu.memory_space<vmem>> -> memref<1x64x64xf32, #tpu.memory_space<vmem>>
    %dma_start3A_1123 = tpu.memref_squeeze %dma_start3A_1122 : memref<1x64x64xf32, #tpu.memory_space<vmem>> -> memref<64x64xf32, #tpu.memory_space<vmem>>
    %dma_start3A_1124 = arith.constant 0 : i32
    %dma_start3A_1125 = arith.constant 0 : i32
    %dma_start3A_1126 = tpu.memref_slice %arg8[%dma_start3A_1116, %dma_start3A_1124, %dma_start3A_1125] : memref<3x4x64xi32, #tpu.memory_space<vmem>> -> memref<1x4x64xi32, #tpu.memory_space<vmem>>
    %dma_start3A_1127 = tpu.memref_squeeze %dma_start3A_1126 : memref<1x4x64xi32, #tpu.memory_space<vmem>> -> memref<4x64xi32, #tpu.memory_space<vmem>>
    %dma_start3A_1128 = arith.constant 0 : i32
    %dma_start3A_1129 = tpu.memref_slice %dma_start3A_1127[%dma_start3A_1117, %dma_start3A_1128] : memref<4x64xi32, #tpu.memory_space<vmem>> -> memref<1x64xi32, #tpu.memory_space<vmem>>
    %dma_start3A_1130 = tpu.memref_squeeze %dma_start3A_1129 : memref<1x64xi32, #tpu.memory_space<vmem>> -> memref<64xi32, #tpu.memory_space<vmem>>
    %dma_start3A_1131 = arith.constant 0 : i32
    %dma_start3A_1132 = arith.constant 0 : i32
    %dma_start3A_1133 = tpu.memref_slice %arg12[%dma_start3A_1131, %dma_start3A_1132] : memref<10112x64xf32, #tpu.memory_space<vmem_shared>> -> memref<10112x64xf32, #tpu.memory_space<vmem_shared>>
    %dma_start3A_1134 = tpu.memref_slice %arg13[%dma_start3A_1119] : memref<8x!tpu.dma_semaphore, #tpu.memory_space<semaphore_mem>> -> memref<1x!tpu.dma_semaphore, #tpu.memory_space<semaphore_mem>>
    %dma_start3A_1135 = tpu.memref_squeeze %dma_start3A_1134 : memref<1x!tpu.dma_semaphore, #tpu.memory_space<semaphore_mem>> -> memref<!tpu.dma_semaphore, #tpu.memory_space<semaphore_mem>>
    tpu.enqueue_indirect_dma source(%dma_start3A_1133 : memref<10112x64xf32, #tpu.memory_space<vmem_shared>>) target(%dma_start3A_1123 : memref<64x64xf32, #tpu.memory_space<vmem>>) offsets(%dma_start3A_1130 : memref<64xi32, #tpu.memory_space<vmem>>) semaphore(%dma_start3A_1135 : memref<!tpu.dma_semaphore, #tpu.memory_space<semaphore_mem>>)
    %dma_start3A_1136 = arith.constant 1 : i32
    %dma_start3A_1137 = arith.constant 3 : i32
    %dma_start3A_1138 = arith.constant 7 : i32
    %dma_start3A_1139 = arith.constant 7 : i32
    %dma_start3A_1140 = arith.constant 0 : i32
    %dma_start3A_1141 = arith.constant 0 : i32
    %dma_start3A_1142 = tpu.memref_slice %arg10[%dma_start3A_1138, %dma_start3A_1140, %dma_start3A_1141] : memref<8x64x64xf32, #tpu.memory_space<vmem>> -> memref<1x64x64xf32, #tpu.memory_space<vmem>>
    %dma_start3A_1143 = tpu.memref_squeeze %dma_start3A_1142 : memref<1x64x64xf32, #tpu.memory_space<vmem>> -> memref<64x64xf32, #tpu.memory_space<vmem>>
    %dma_start3A_1144 = arith.constant 0 : i32
    %dma_start3A_1145 = arith.constant 0 : i32
    %dma_start3A_1146 = tpu.memref_slice %arg8[%dma_start3A_1136, %dma_start3A_1144, %dma_start3A_1145] : memref<3x4x64xi32, #tpu.memory_space<vmem>> -> memref<1x4x64xi32, #tpu.memory_space<vmem>>
    %dma_start3A_1147 = tpu.memref_squeeze %dma_start3A_1146 : memref<1x4x64xi32, #tpu.memory_space<vmem>> -> memref<4x64xi32, #tpu.memory_space<vmem>>
    %dma_start3A_1148 = arith.constant 0 : i32
    %dma_start3A_1149 = tpu.memref_slice %dma_start3A_1147[%dma_start3A_1137, %dma_start3A_1148] : memref<4x64xi32, #tpu.memory_space<vmem>> -> memref<1x64xi32, #tpu.memory_space<vmem>>
    %dma_start3A_1150 = tpu.memref_squeeze %dma_start3A_1149 : memref<1x64xi32, #tpu.memory_space<vmem>> -> memref<64xi32, #tpu.memory_space<vmem>>
    %dma_start3A_1151 = arith.constant 0 : i32
    %dma_start3A_1152 = arith.constant 0 : i32
    %dma_start3A_1153 = tpu.memref_slice %arg12[%dma_start3A_1151, %dma_start3A_1152] : memref<10112x64xf32, #tpu.memory_space<vmem_shared>> -> memref<10112x64xf32, #tpu.memory_space<vmem_shared>>
    %dma_start3A_1154 = tpu.memref_slice %arg13[%dma_start3A_1139] : memref<8x!tpu.dma_semaphore, #tpu.memory_space<semaphore_mem>> -> memref<1x!tpu.dma_semaphore, #tpu.memory_space<semaphore_mem>>
    %dma_start3A_1155 = tpu.memref_squeeze %dma_start3A_1154 : memref<1x!tpu.dma_semaphore, #tpu.memory_space<semaphore_mem>> -> memref<!tpu.dma_semaphore, #tpu.memory_space<semaphore_mem>>
    tpu.enqueue_indirect_dma source(%dma_start3A_1153 : memref<10112x64xf32, #tpu.memory_space<vmem_shared>>) target(%dma_start3A_1143 : memref<64x64xf32, #tpu.memory_space<vmem>>) offsets(%dma_start3A_1150 : memref<64xi32, #tpu.memory_space<vmem>>) semaphore(%dma_start3A_1155 : memref<!tpu.dma_semaphore, #tpu.memory_space<semaphore_mem>>)
    %dma_start3A_1156 = arith.constant 2 : i32
    %dma_start3A_1157 = arith.constant 2 : i32
    %dma_start3A_1158 = arith.constant 0 : i32
    %dma_start3A_1159 = arith.constant 0 : i32
    %dma_start3A_1160 = tpu.memref_slice %arg8[%dma_start3A_1157, %dma_start3A_1158, %dma_start3A_1159] : memref<3x4x64xi32, #tpu.memory_space<vmem>> -> memref<1x4x64xi32, #tpu.memory_space<vmem>>
    %dma_start3A_1161 = tpu.memref_squeeze %dma_start3A_1160 : memref<1x4x64xi32, #tpu.memory_space<vmem>> -> memref<4x64xi32, #tpu.memory_space<vmem>>
    %dma_start3A_1162 = arith.constant 0 : i32
    %dma_start3A_1163 = arith.constant 0 : i32
    %dma_start3A_1164 = arith.constant 0 : i32
    %dma_start3A_1165 = tpu.memref_slice %arg5[%arg1, %dma_start3A_1162, %dma_start3A_1163, %dma_start3A_1164] : memref<16x80x4x64xi32, #tpu.memory_space<hbm>> -> memref<1x80x4x64xi32, #tpu.memory_space<hbm>>
    %dma_start3A_1166 = tpu.memref_squeeze %dma_start3A_1165 : memref<1x80x4x64xi32, #tpu.memory_space<hbm>> -> memref<80x4x64xi32, #tpu.memory_space<hbm>>
    %dma_start3A_1167 = arith.constant 0 : i32
    %dma_start3A_1168 = arith.constant 0 : i32
    %dma_start3A_1169 = tpu.memref_slice %dma_start3A_1166[%dma_start3A_1156, %dma_start3A_1167, %dma_start3A_1168] : memref<80x4x64xi32, #tpu.memory_space<hbm>> -> memref<1x4x64xi32, #tpu.memory_space<hbm>>
    %dma_start3A_1170 = tpu.memref_squeeze %dma_start3A_1169 : memref<1x4x64xi32, #tpu.memory_space<hbm>> -> memref<4x64xi32, #tpu.memory_space<hbm>>
    %dma_start3A_1171 = arith.constant 0 : i32
    %dma_start3A_1172 = arith.constant 0 : i32
    %dma_start3A_1173 = tpu.memref_slice %arg8[%dma_start3A_1157, %dma_start3A_1171, %dma_start3A_1172] : memref<3x4x64xi32, #tpu.memory_space<vmem>> -> memref<1x4x64xi32, #tpu.memory_space<vmem>>
    %dma_start3A_1174 = tpu.memref_squeeze %dma_start3A_1173 : memref<1x4x64xi32, #tpu.memory_space<vmem>> -> memref<4x64xi32, #tpu.memory_space<vmem>>
    %dma_start3A_1175 = arith.constant 0 : i32
    %dma_start3A_1176 = arith.constant 0 : i32
    %dma_start3A_1177 = arith.constant 0 : i32
    %dma_start3A_1178 = tpu.memref_slice %arg5[%arg1, %dma_start3A_1175, %dma_start3A_1176, %dma_start3A_1177] : memref<16x80x4x64xi32, #tpu.memory_space<hbm>> -> memref<1x80x4x64xi32, #tpu.memory_space<hbm>>
    %dma_start3A_1179 = tpu.memref_squeeze %dma_start3A_1178 : memref<1x80x4x64xi32, #tpu.memory_space<hbm>> -> memref<80x4x64xi32, #tpu.memory_space<hbm>>
    %dma_start3A_1180 = arith.constant 0 : i32
    %dma_start3A_1181 = arith.constant 0 : i32
    %dma_start3A_1182 = tpu.memref_slice %dma_start3A_1179[%dma_start3A_1156, %dma_start3A_1180, %dma_start3A_1181] : memref<80x4x64xi32, #tpu.memory_space<hbm>> -> memref<1x4x64xi32, #tpu.memory_space<hbm>>
    %dma_start3A_1183 = tpu.memref_squeeze %dma_start3A_1182 : memref<1x4x64xi32, #tpu.memory_space<hbm>> -> memref<4x64xi32, #tpu.memory_space<hbm>>
    tpu.enqueue_dma source(%dma_start3A_1183 : memref<4x64xi32, #tpu.memory_space<hbm>>) target(%dma_start3A_1174 : memref<4x64xi32, #tpu.memory_space<vmem>>) target_semaphore(%arg15 : memref<!tpu.dma_semaphore, #tpu.memory_space<semaphore_mem>>)
    %dma_start3A_1184 = arith.constant 2 : i32
    %dma_start3A_1185 = arith.constant 2 : i32
    %dma_start3A_1186 = arith.constant 0 : i32
    %dma_start3A_1187 = arith.constant 0 : i32
    %dma_start3A_1188 = tpu.memref_slice %arg9[%dma_start3A_1185, %dma_start3A_1186, %dma_start3A_1187] : memref<3x4x64xi32, #tpu.memory_space<vmem>> -> memref<1x4x64xi32, #tpu.memory_space<vmem>>
    %dma_start3A_1189 = tpu.memref_squeeze %dma_start3A_1188 : memref<1x4x64xi32, #tpu.memory_space<vmem>> -> memref<4x64xi32, #tpu.memory_space<vmem>>
    %dma_start3A_1190 = arith.constant 0 : i32
    %dma_start3A_1191 = arith.constant 0 : i32
    %dma_start3A_1192 = arith.constant 0 : i32
    %dma_start3A_1193 = tpu.memref_slice %arg4[%arg1, %dma_start3A_1190, %dma_start3A_1191, %dma_start3A_1192] : memref<16x80x4x64xi32, #tpu.memory_space<hbm>> -> memref<1x80x4x64xi32, #tpu.memory_space<hbm>>
    %dma_start3A_1194 = tpu.memref_squeeze %dma_start3A_1193 : memref<1x80x4x64xi32, #tpu.memory_space<hbm>> -> memref<80x4x64xi32, #tpu.memory_space<hbm>>
    %dma_start3A_1195 = arith.constant 0 : i32
    %dma_start3A_1196 = arith.constant 0 : i32
    %dma_start3A_1197 = tpu.memref_slice %dma_start3A_1194[%dma_start3A_1184, %dma_start3A_1195, %dma_start3A_1196] : memref<80x4x64xi32, #tpu.memory_space<hbm>> -> memref<1x4x64xi32, #tpu.memory_space<hbm>>
    %dma_start3A_1198 = tpu.memref_squeeze %dma_start3A_1197 : memref<1x4x64xi32, #tpu.memory_space<hbm>> -> memref<4x64xi32, #tpu.memory_space<hbm>>
    %dma_start3A_1199 = arith.constant 0 : i32
    %dma_start3A_1200 = arith.constant 0 : i32
    %dma_start3A_1201 = tpu.memref_slice %arg9[%dma_start3A_1185, %dma_start3A_1199, %dma_start3A_1200] : memref<3x4x64xi32, #tpu.memory_space<vmem>> -> memref<1x4x64xi32, #tpu.memory_space<vmem>>
    %dma_start3A_1202 = tpu.memref_squeeze %dma_start3A_1201 : memref<1x4x64xi32, #tpu.memory_space<vmem>> -> memref<4x64xi32, #tpu.memory_space<vmem>>
    %dma_start3A_1203 = arith.constant 0 : i32
    %dma_start3A_1204 = arith.constant 0 : i32
    %dma_start3A_1205 = arith.constant 0 : i32
    %dma_start3A_1206 = tpu.memref_slice %arg4[%arg1, %dma_start3A_1203, %dma_start3A_1204, %dma_start3A_1205] : memref<16x80x4x64xi32, #tpu.memory_space<hbm>> -> memref<1x80x4x64xi32, #tpu.memory_space<hbm>>
    %dma_start3A_1207 = tpu.memref_squeeze %dma_start3A_1206 : memref<1x80x4x64xi32, #tpu.memory_space<hbm>> -> memref<80x4x64xi32, #tpu.memory_space<hbm>>
    %dma_start3A_1208 = arith.constant 0 : i32
    %dma_start3A_1209 = arith.constant 0 : i32
    %dma_start3A_1210 = tpu.memref_slice %dma_start3A_1207[%dma_start3A_1184, %dma_start3A_1208, %dma_start3A_1209] : memref<80x4x64xi32, #tpu.memory_space<hbm>> -> memref<1x4x64xi32, #tpu.memory_space<hbm>>
    %dma_start3A_1211 = tpu.memref_squeeze %dma_start3A_1210 : memref<1x4x64xi32, #tpu.memory_space<hbm>> -> memref<4x64xi32, #tpu.memory_space<hbm>>
    tpu.enqueue_dma source(%dma_start3A_1211 : memref<4x64xi32, #tpu.memory_space<hbm>>) target(%dma_start3A_1202 : memref<4x64xi32, #tpu.memory_space<vmem>>) target_semaphore(%arg15 : memref<!tpu.dma_semaphore, #tpu.memory_space<semaphore_mem>>)
    %scan3A_1212 = arith.constant 0 : i32
    %scan3A_1213 = arith.constant 1 : i32
    %scan3A_1214 = arith.constant 79 : i32
    %scan3A_1215 = arith.addi %scan3A_1213, %scan3A_1214 : i32
    %scan3A_1216 = arith.constant 1 : i32
    scf.for %scan3A_1447 = %scan3A_1213 to %scan3A_1215 step %scan3A_1216  : i32 {
      %jit3A = arith.constant 2 : i32
      %eq3A_1448 = arith.constant 0 : i32
      %eq3A_1449 = arith.cmpi eq, %jit3A, %eq3A_1448 : i32
      %jit3A_1450 = arith.constant 1 : i32
      %select_n3A = arith.select %eq3A_1449, %jit3A_1450, %jit3A : i32
      %rem3A = arith.remsi %scan3A_1447, %select_n3A : i32
      %ne3A = arith.constant 0 : i32
      %ne3A_1451 = arith.cmpi ne, %rem3A, %ne3A : i32
      %lt3A = arith.constant 0 : i32
      %lt3A_1452 = arith.cmpi slt, %rem3A, %lt3A : i32
      %lt3A_1453 = arith.constant 0 : i32
      %lt3A_1454 = arith.cmpi slt, %select_n3A, %lt3A_1453 : i32
      %ne3A_1455 = arith.xori %lt3A_1452, %lt3A_1454 : i1
      %and3A = arith.andi %ne3A_1455, %ne3A_1451 : i1
      %add3A = arith.addi %rem3A, %select_n3A : i32
      %select_n3A_1456 = arith.select %and3A, %add3A, %rem3A : i32
      %add3A_1457 = arith.constant 1 : i32
      %add3A_1458 = arith.addi %scan3A_1447, %add3A_1457 : i32
      %jit3A_1459 = arith.constant 2 : i32
      %eq3A_1460 = arith.constant 0 : i32
      %eq3A_1461 = arith.cmpi eq, %jit3A_1459, %eq3A_1460 : i32
      %jit3A_1462 = arith.constant 1 : i32
      %select_n3A_1463 = arith.select %eq3A_1461, %jit3A_1462, %jit3A_1459 : i32
      %rem3A_1464 = arith.remsi %add3A_1458, %select_n3A_1463 : i32
      %ne3A_1465 = arith.constant 0 : i32
      %ne3A_1466 = arith.cmpi ne, %rem3A_1464, %ne3A_1465 : i32
      %lt3A_1467 = arith.constant 0 : i32
      %lt3A_1468 = arith.cmpi slt, %rem3A_1464, %lt3A_1467 : i32
      %lt3A_1469 = arith.constant 0 : i32
      %lt3A_1470 = arith.cmpi slt, %select_n3A_1463, %lt3A_1469 : i32
      %ne3A_1471 = arith.xori %lt3A_1468, %lt3A_1470 : i1
      %and3A_1472 = arith.andi %ne3A_1471, %ne3A_1466 : i1
      %add3A_1473 = arith.addi %rem3A_1464, %select_n3A_1463 : i32
      %select_n3A_1474 = arith.select %and3A_1472, %add3A_1473, %rem3A_1464 : i32
      %jit3A_1475 = arith.constant 3 : i32
      %eq3A_1476 = arith.constant 0 : i32
      %eq3A_1477 = arith.cmpi eq, %jit3A_1475, %eq3A_1476 : i32
      %jit3A_1478 = arith.constant 1 : i32
      %select_n3A_1479 = arith.select %eq3A_1477, %jit3A_1478, %jit3A_1475 : i32
      %rem3A_1480 = arith.remsi %scan3A_1447, %select_n3A_1479 : i32
      %ne3A_1481 = arith.constant 0 : i32
      %ne3A_1482 = arith.cmpi ne, %rem3A_1480, %ne3A_1481 : i32
      %lt3A_1483 = arith.constant 0 : i32
      %lt3A_1484 = arith.cmpi slt, %rem3A_1480, %lt3A_1483 : i32
      %lt3A_1485 = arith.constant 0 : i32
      %lt3A_1486 = arith.cmpi slt, %select_n3A_1479, %lt3A_1485 : i32
      %ne3A_1487 = arith.xori %lt3A_1484, %lt3A_1486 : i1
      %and3A_1488 = arith.andi %ne3A_1487, %ne3A_1482 : i1
      %add3A_1489 = arith.addi %rem3A_1480, %select_n3A_1479 : i32
      %select_n3A_1490 = arith.select %and3A_1488, %add3A_1489, %rem3A_1480 : i32
      %add3A_1491 = arith.constant 1 : i32
      %add3A_1492 = arith.addi %scan3A_1447, %add3A_1491 : i32
      %jit3A_1493 = arith.constant 3 : i32
      %eq3A_1494 = arith.constant 0 : i32
      %eq3A_1495 = arith.cmpi eq, %jit3A_1493, %eq3A_1494 : i32
      %jit3A_1496 = arith.constant 1 : i32
      %select_n3A_1497 = arith.select %eq3A_1495, %jit3A_1496, %jit3A_1493 : i32
      %rem3A_1498 = arith.remsi %add3A_1492, %select_n3A_1497 : i32
      %ne3A_1499 = arith.constant 0 : i32
      %ne3A_1500 = arith.cmpi ne, %rem3A_1498, %ne3A_1499 : i32
      %lt3A_1501 = arith.constant 0 : i32
      %lt3A_1502 = arith.cmpi slt, %rem3A_1498, %lt3A_1501 : i32
      %lt3A_1503 = arith.constant 0 : i32
      %lt3A_1504 = arith.cmpi slt, %select_n3A_1497, %lt3A_1503 : i32
      %ne3A_1505 = arith.xori %lt3A_1502, %lt3A_1504 : i1
      %and3A_1506 = arith.andi %ne3A_1505, %ne3A_1500 : i1
      %add3A_1507 = arith.addi %rem3A_1498, %select_n3A_1497 : i32
      %select_n3A_1508 = arith.select %and3A_1506, %add3A_1507, %rem3A_1498 : i32
      %add3A_1509 = arith.constant 2 : i32
      %add3A_1510 = arith.addi %scan3A_1447, %add3A_1509 : i32
      %jit3A_1511 = arith.constant 3 : i32
      %eq3A_1512 = arith.constant 0 : i32
      %eq3A_1513 = arith.cmpi eq, %jit3A_1511, %eq3A_1512 : i32
      %jit3A_1514 = arith.constant 1 : i32
      %select_n3A_1515 = arith.select %eq3A_1513, %jit3A_1514, %jit3A_1511 : i32
      %rem3A_1516 = arith.remsi %add3A_1510, %select_n3A_1515 : i32
      %ne3A_1517 = arith.constant 0 : i32
      %ne3A_1518 = arith.cmpi ne, %rem3A_1516, %ne3A_1517 : i32
      %lt3A_1519 = arith.constant 0 : i32
      %lt3A_1520 = arith.cmpi slt, %rem3A_1516, %lt3A_1519 : i32
      %lt3A_1521 = arith.constant 0 : i32
      %lt3A_1522 = arith.cmpi slt, %select_n3A_1515, %lt3A_1521 : i32
      %ne3A_1523 = arith.xori %lt3A_1520, %lt3A_1522 : i1
      %and3A_1524 = arith.andi %ne3A_1523, %ne3A_1518 : i1
      %add3A_1525 = arith.addi %rem3A_1516, %select_n3A_1515 : i32
      %select_n3A_1526 = arith.select %and3A_1524, %add3A_1525, %rem3A_1516 : i32
      %dma_wait3A_1527 = arith.constant 0 : i32
      %dma_wait3A_1528 = arith.constant 0 : i32
      %dma_wait3A_1529 = arith.constant 0 : i32
      %dma_wait3A_1530 = arith.constant 0 : i32
      %dma_wait3A_1531 = tpu.memref_slice %arg8[%dma_wait3A_1528, %dma_wait3A_1529, %dma_wait3A_1530] : memref<3x4x64xi32, #tpu.memory_space<vmem>> -> memref<1x4x64xi32, #tpu.memory_space<vmem>>
      %dma_wait3A_1532 = tpu.memref_squeeze %dma_wait3A_1531 : memref<1x4x64xi32, #tpu.memory_space<vmem>> -> memref<4x64xi32, #tpu.memory_space<vmem>>
      %dma_wait3A_1533 = arith.constant 0 : i32
      %dma_wait3A_1534 = arith.constant 0 : i32
      %dma_wait3A_1535 = arith.constant 0 : i32
      %dma_wait3A_1536 = tpu.memref_slice %arg5[%arg1, %dma_wait3A_1533, %dma_wait3A_1534, %dma_wait3A_1535] : memref<16x80x4x64xi32, #tpu.memory_space<hbm>> -> memref<1x80x4x64xi32, #tpu.memory_space<hbm>>
      %dma_wait3A_1537 = tpu.memref_squeeze %dma_wait3A_1536 : memref<1x80x4x64xi32, #tpu.memory_space<hbm>> -> memref<80x4x64xi32, #tpu.memory_space<hbm>>
      %dma_wait3A_1538 = arith.constant 0 : i32
      %dma_wait3A_1539 = arith.constant 0 : i32
      %dma_wait3A_1540 = tpu.memref_slice %dma_wait3A_1537[%dma_wait3A_1527, %dma_wait3A_1538, %dma_wait3A_1539] : memref<80x4x64xi32, #tpu.memory_space<hbm>> -> memref<1x4x64xi32, #tpu.memory_space<hbm>>
      %dma_wait3A_1541 = tpu.memref_squeeze %dma_wait3A_1540 : memref<1x4x64xi32, #tpu.memory_space<hbm>> -> memref<4x64xi32, #tpu.memory_space<hbm>>
      %dma_wait3A_1542 = arith.constant 0 : i32
      %dma_wait3A_1543 = arith.constant 0 : i32
      %dma_wait3A_1544 = tpu.memref_slice %arg8[%dma_wait3A_1528, %dma_wait3A_1542, %dma_wait3A_1543] : memref<3x4x64xi32, #tpu.memory_space<vmem>> -> memref<1x4x64xi32, #tpu.memory_space<vmem>>
      %dma_wait3A_1545 = tpu.memref_squeeze %dma_wait3A_1544 : memref<1x4x64xi32, #tpu.memory_space<vmem>> -> memref<4x64xi32, #tpu.memory_space<vmem>>
      %dma_wait3A_1546 = arith.constant 0 : i32
      %dma_wait3A_1547 = arith.constant 0 : i32
      %dma_wait3A_1548 = arith.constant 0 : i32
      %dma_wait3A_1549 = tpu.memref_slice %arg5[%arg1, %dma_wait3A_1546, %dma_wait3A_1547, %dma_wait3A_1548] : memref<16x80x4x64xi32, #tpu.memory_space<hbm>> -> memref<1x80x4x64xi32, #tpu.memory_space<hbm>>
      %dma_wait3A_1550 = tpu.memref_squeeze %dma_wait3A_1549 : memref<1x80x4x64xi32, #tpu.memory_space<hbm>> -> memref<80x4x64xi32, #tpu.memory_space<hbm>>
      %dma_wait3A_1551 = arith.constant 0 : i32
      %dma_wait3A_1552 = arith.constant 0 : i32
      %dma_wait3A_1553 = tpu.memref_slice %dma_wait3A_1550[%dma_wait3A_1527, %dma_wait3A_1551, %dma_wait3A_1552] : memref<80x4x64xi32, #tpu.memory_space<hbm>> -> memref<1x4x64xi32, #tpu.memory_space<hbm>>
      %dma_wait3A_1554 = tpu.memref_squeeze %dma_wait3A_1553 : memref<1x4x64xi32, #tpu.memory_space<hbm>> -> memref<4x64xi32, #tpu.memory_space<hbm>>
      tpu.wait_dma2 semaphore(%arg15 : memref<!tpu.dma_semaphore, #tpu.memory_space<semaphore_mem>>) src(%dma_wait3A_1554 : memref<4x64xi32, #tpu.memory_space<hbm>>) dst(%dma_wait3A_1545 : memref<4x64xi32, #tpu.memory_space<vmem>>)
      %dma_wait3A_1555 = arith.constant 0 : i32
      %dma_wait3A_1556 = arith.constant 0 : i32
      %dma_wait3A_1557 = arith.constant 0 : i32
      %dma_wait3A_1558 = arith.constant 0 : i32
      %dma_wait3A_1559 = tpu.memref_slice %arg8[%dma_wait3A_1556, %dma_wait3A_1557, %dma_wait3A_1558] : memref<3x4x64xi32, #tpu.memory_space<vmem>> -> memref<1x4x64xi32, #tpu.memory_space<vmem>>
      %dma_wait3A_1560 = tpu.memref_squeeze %dma_wait3A_1559 : memref<1x4x64xi32, #tpu.memory_space<vmem>> -> memref<4x64xi32, #tpu.memory_space<vmem>>
      %dma_wait3A_1561 = arith.constant 0 : i32
      %dma_wait3A_1562 = arith.constant 0 : i32
      %dma_wait3A_1563 = arith.constant 0 : i32
      %dma_wait3A_1564 = tpu.memref_slice %arg5[%arg1, %dma_wait3A_1561, %dma_wait3A_1562, %dma_wait3A_1563] : memref<16x80x4x64xi32, #tpu.memory_space<hbm>> -> memref<1x80x4x64xi32, #tpu.memory_space<hbm>>
      %dma_wait3A_1565 = tpu.memref_squeeze %dma_wait3A_1564 : memref<1x80x4x64xi32, #tpu.memory_space<hbm>> -> memref<80x4x64xi32, #tpu.memory_space<hbm>>
      %dma_wait3A_1566 = arith.constant 0 : i32
      %dma_wait3A_1567 = arith.constant 0 : i32
      %dma_wait3A_1568 = tpu.memref_slice %dma_wait3A_1565[%dma_wait3A_1555, %dma_wait3A_1566, %dma_wait3A_1567] : memref<80x4x64xi32, #tpu.memory_space<hbm>> -> memref<1x4x64xi32, #tpu.memory_space<hbm>>
      %dma_wait3A_1569 = tpu.memref_squeeze %dma_wait3A_1568 : memref<1x4x64xi32, #tpu.memory_space<hbm>> -> memref<4x64xi32, #tpu.memory_space<hbm>>
      %dma_wait3A_1570 = arith.constant 0 : i32
      %dma_wait3A_1571 = arith.constant 0 : i32
      %dma_wait3A_1572 = tpu.memref_slice %arg8[%dma_wait3A_1556, %dma_wait3A_1570, %dma_wait3A_1571] : memref<3x4x64xi32, #tpu.memory_space<vmem>> -> memref<1x4x64xi32, #tpu.memory_space<vmem>>
      %dma_wait3A_1573 = tpu.memref_squeeze %dma_wait3A_1572 : memref<1x4x64xi32, #tpu.memory_space<vmem>> -> memref<4x64xi32, #tpu.memory_space<vmem>>
      %dma_wait3A_1574 = arith.constant 0 : i32
      %dma_wait3A_1575 = arith.constant 0 : i32
      %dma_wait3A_1576 = arith.constant 0 : i32
      %dma_wait3A_1577 = tpu.memref_slice %arg5[%arg1, %dma_wait3A_1574, %dma_wait3A_1575, %dma_wait3A_1576] : memref<16x80x4x64xi32, #tpu.memory_space<hbm>> -> memref<1x80x4x64xi32, #tpu.memory_space<hbm>>
      %dma_wait3A_1578 = tpu.memref_squeeze %dma_wait3A_1577 : memref<1x80x4x64xi32, #tpu.memory_space<hbm>> -> memref<80x4x64xi32, #tpu.memory_space<hbm>>
      %dma_wait3A_1579 = arith.constant 0 : i32
      %dma_wait3A_1580 = arith.constant 0 : i32
      %dma_wait3A_1581 = tpu.memref_slice %dma_wait3A_1578[%dma_wait3A_1555, %dma_wait3A_1579, %dma_wait3A_1580] : memref<80x4x64xi32, #tpu.memory_space<hbm>> -> memref<1x4x64xi32, #tpu.memory_space<hbm>>
      %dma_wait3A_1582 = tpu.memref_squeeze %dma_wait3A_1581 : memref<1x4x64xi32, #tpu.memory_space<hbm>> -> memref<4x64xi32, #tpu.memory_space<hbm>>
      tpu.wait_dma2 semaphore(%arg15 : memref<!tpu.dma_semaphore, #tpu.memory_space<semaphore_mem>>) src(%dma_wait3A_1582 : memref<4x64xi32, #tpu.memory_space<hbm>>) dst(%dma_wait3A_1573 : memref<4x64xi32, #tpu.memory_space<vmem>>)
      %mul3A_1583 = arith.constant 4 : i32
      %mul3A_1584 = arith.muli %mul3A_1583, %select_n3A_1456 : i32
      %add3A_1585 = arith.constant 0 : i32
      %add3A_1586 = arith.addi %mul3A_1584, %add3A_1585 : i32
      %mul3A_1587 = arith.constant 4 : i32
      %mul3A_1588 = arith.muli %mul3A_1587, %select_n3A_1474 : i32
      %add3A_1589 = arith.constant 0 : i32
      %add3A_1590 = arith.addi %mul3A_1588, %add3A_1589 : i32
      %dma_wait3A_1591 = arith.constant 0 : i32
      %dma_wait3A_1592 = arith.constant 0 : i32
      %dma_wait3A_1593 = arith.constant 0 : i32
      %dma_wait3A_1594 = arith.constant 0 : i32
      %dma_wait3A_1595 = tpu.memref_slice %arg10[%add3A_1586, %dma_wait3A_1593, %dma_wait3A_1594] : memref<8x64x64xf32, #tpu.memory_space<vmem>> -> memref<1x64x64xf32, #tpu.memory_space<vmem>>
      %dma_wait3A_1596 = tpu.memref_squeeze %dma_wait3A_1595 : memref<1x64x64xf32, #tpu.memory_space<vmem>> -> memref<64x64xf32, #tpu.memory_space<vmem>>
      %dma_wait3A_1597 = arith.constant 0 : i32
      %dma_wait3A_1598 = arith.constant 0 : i32
      %dma_wait3A_1599 = tpu.memref_slice %arg8[%dma_wait3A_1591, %dma_wait3A_1597, %dma_wait3A_1598] : memref<3x4x64xi32, #tpu.memory_space<vmem>> -> memref<1x4x64xi32, #tpu.memory_space<vmem>>
      %dma_wait3A_1600 = tpu.memref_squeeze %dma_wait3A_1599 : memref<1x4x64xi32, #tpu.memory_space<vmem>> -> memref<4x64xi32, #tpu.memory_space<vmem>>
      %dma_wait3A_1601 = arith.constant 0 : i32
      %dma_wait3A_1602 = tpu.memref_slice %dma_wait3A_1600[%dma_wait3A_1592, %dma_wait3A_1601] : memref<4x64xi32, #tpu.memory_space<vmem>> -> memref<1x64xi32, #tpu.memory_space<vmem>>
      %dma_wait3A_1603 = tpu.memref_squeeze %dma_wait3A_1602 : memref<1x64xi32, #tpu.memory_space<vmem>> -> memref<64xi32, #tpu.memory_space<vmem>>
      %dma_wait3A_1604 = arith.constant 0 : i32
      %dma_wait3A_1605 = arith.constant 0 : i32
      %dma_wait3A_1606 = tpu.memref_slice %arg12[%dma_wait3A_1604, %dma_wait3A_1605] : memref<10112x64xf32, #tpu.memory_space<vmem_shared>> -> memref<10112x64xf32, #tpu.memory_space<vmem_shared>>
      %dma_wait3A_1607 = tpu.memref_slice %arg13[%add3A_1586] : memref<8x!tpu.dma_semaphore, #tpu.memory_space<semaphore_mem>> -> memref<1x!tpu.dma_semaphore, #tpu.memory_space<semaphore_mem>>
      %dma_wait3A_1608 = tpu.memref_squeeze %dma_wait3A_1607 : memref<1x!tpu.dma_semaphore, #tpu.memory_space<semaphore_mem>> -> memref<!tpu.dma_semaphore, #tpu.memory_space<semaphore_mem>>
      tpu.wait_indirect_dma semaphore(%dma_wait3A_1608 : memref<!tpu.dma_semaphore, #tpu.memory_space<semaphore_mem>>) src(%dma_wait3A_1606 : memref<10112x64xf32, #tpu.memory_space<vmem_shared>>) dst(%dma_wait3A_1596 : memref<64x64xf32, #tpu.memory_space<vmem>>)
      %dma_start3A_1609 = arith.constant 0 : i32
      %dma_start3A_1610 = arith.constant 0 : i32
      %dma_start3A_1611 = arith.constant 0 : i32
      %dma_start3A_1612 = tpu.memref_slice %arg10[%add3A_1586, %dma_start3A_1610, %dma_start3A_1611] : memref<8x64x64xf32, #tpu.memory_space<vmem>> -> memref<1x64x64xf32, #tpu.memory_space<vmem>>
      %dma_start3A_1613 = tpu.memref_squeeze %dma_start3A_1612 : memref<1x64x64xf32, #tpu.memory_space<vmem>> -> memref<64x64xf32, #tpu.memory_space<vmem>>
      %dma_start3A_1614 = arith.constant 0 : i32
      %dma_start3A_1615 = arith.constant 0 : i32
      %dma_start3A_1616 = tpu.memref_slice %arg9[%select_n3A_1490, %dma_start3A_1614, %dma_start3A_1615] : memref<3x4x64xi32, #tpu.memory_space<vmem>> -> memref<1x4x64xi32, #tpu.memory_space<vmem>>
      %dma_start3A_1617 = tpu.memref_squeeze %dma_start3A_1616 : memref<1x4x64xi32, #tpu.memory_space<vmem>> -> memref<4x64xi32, #tpu.memory_space<vmem>>
      %dma_start3A_1618 = arith.constant 0 : i32
      %dma_start3A_1619 = tpu.memref_slice %dma_start3A_1617[%dma_start3A_1609, %dma_start3A_1618] : memref<4x64xi32, #tpu.memory_space<vmem>> -> memref<1x64xi32, #tpu.memory_space<vmem>>
      %dma_start3A_1620 = tpu.memref_squeeze %dma_start3A_1619 : memref<1x64xi32, #tpu.memory_space<vmem>> -> memref<64xi32, #tpu.memory_space<vmem>>
      %dma_start3A_1621 = arith.constant 0 : i32
      %dma_start3A_1622 = arith.constant 0 : i32
      %dma_start3A_1623 = tpu.memref_slice %arg11[%dma_start3A_1621, %dma_start3A_1622] : memref<10112x64xf32, #tpu.memory_space<vmem_shared>> -> memref<10112x64xf32, #tpu.memory_space<vmem_shared>>
      %dma_start3A_1624 = tpu.memref_slice %arg14[%add3A_1586] : memref<8x!tpu.dma_semaphore, #tpu.memory_space<semaphore_mem>> -> memref<1x!tpu.dma_semaphore, #tpu.memory_space<semaphore_mem>>
      %dma_start3A_1625 = tpu.memref_squeeze %dma_start3A_1624 : memref<1x!tpu.dma_semaphore, #tpu.memory_space<semaphore_mem>> -> memref<!tpu.dma_semaphore, #tpu.memory_space<semaphore_mem>>
      tpu.enqueue_indirect_dma source(%dma_start3A_1613 : memref<64x64xf32, #tpu.memory_space<vmem>>) target(%dma_start3A_1623 : memref<10112x64xf32, #tpu.memory_space<vmem_shared>>) offsets(%dma_start3A_1620 : memref<64xi32, #tpu.memory_space<vmem>>) semaphore(%dma_start3A_1625 : memref<!tpu.dma_semaphore, #tpu.memory_space<semaphore_mem>>) {add = true}
      %dma_wait3A_1626 = arith.constant 0 : i32
      %dma_wait3A_1627 = arith.constant 0 : i32
      %dma_wait3A_1628 = arith.constant 0 : i32
      %dma_wait3A_1629 = arith.constant 0 : i32
      %dma_wait3A_1630 = tpu.memref_slice %arg10[%add3A_1590, %dma_wait3A_1628, %dma_wait3A_1629] : memref<8x64x64xf32, #tpu.memory_space<vmem>> -> memref<1x64x64xf32, #tpu.memory_space<vmem>>
      %dma_wait3A_1631 = tpu.memref_squeeze %dma_wait3A_1630 : memref<1x64x64xf32, #tpu.memory_space<vmem>> -> memref<64x64xf32, #tpu.memory_space<vmem>>
      %dma_wait3A_1632 = arith.constant 0 : i32
      %dma_wait3A_1633 = arith.constant 0 : i32
      %dma_wait3A_1634 = tpu.memref_slice %arg9[%dma_wait3A_1626, %dma_wait3A_1632, %dma_wait3A_1633] : memref<3x4x64xi32, #tpu.memory_space<vmem>> -> memref<1x4x64xi32, #tpu.memory_space<vmem>>
      %dma_wait3A_1635 = tpu.memref_squeeze %dma_wait3A_1634 : memref<1x4x64xi32, #tpu.memory_space<vmem>> -> memref<4x64xi32, #tpu.memory_space<vmem>>
      %dma_wait3A_1636 = arith.constant 0 : i32
      %dma_wait3A_1637 = tpu.memref_slice %dma_wait3A_1635[%dma_wait3A_1627, %dma_wait3A_1636] : memref<4x64xi32, #tpu.memory_space<vmem>> -> memref<1x64xi32, #tpu.memory_space<vmem>>
      %dma_wait3A_1638 = tpu.memref_squeeze %dma_wait3A_1637 : memref<1x64xi32, #tpu.memory_space<vmem>> -> memref<64xi32, #tpu.memory_space<vmem>>
      %dma_wait3A_1639 = arith.constant 0 : i32
      %dma_wait3A_1640 = arith.constant 0 : i32
      %dma_wait3A_1641 = tpu.memref_slice %arg11[%dma_wait3A_1639, %dma_wait3A_1640] : memref<10112x64xf32, #tpu.memory_space<vmem_shared>> -> memref<10112x64xf32, #tpu.memory_space<vmem_shared>>
      %dma_wait3A_1642 = tpu.memref_slice %arg14[%add3A_1590] : memref<8x!tpu.dma_semaphore, #tpu.memory_space<semaphore_mem>> -> memref<1x!tpu.dma_semaphore, #tpu.memory_space<semaphore_mem>>
      %dma_wait3A_1643 = tpu.memref_squeeze %dma_wait3A_1642 : memref<1x!tpu.dma_semaphore, #tpu.memory_space<semaphore_mem>> -> memref<!tpu.dma_semaphore, #tpu.memory_space<semaphore_mem>>
      tpu.wait_indirect_dma semaphore(%dma_wait3A_1643 : memref<!tpu.dma_semaphore, #tpu.memory_space<semaphore_mem>>) src(%dma_wait3A_1631 : memref<64x64xf32, #tpu.memory_space<vmem>>) dst(%dma_wait3A_1641 : memref<10112x64xf32, #tpu.memory_space<vmem_shared>>)
      %dma_start3A_1644 = arith.constant 0 : i32
      %dma_start3A_1645 = arith.constant 0 : i32
      %dma_start3A_1646 = arith.constant 0 : i32
      %dma_start3A_1647 = tpu.memref_slice %arg10[%add3A_1590, %dma_start3A_1645, %dma_start3A_1646] : memref<8x64x64xf32, #tpu.memory_space<vmem>> -> memref<1x64x64xf32, #tpu.memory_space<vmem>>
      %dma_start3A_1648 = tpu.memref_squeeze %dma_start3A_1647 : memref<1x64x64xf32, #tpu.memory_space<vmem>> -> memref<64x64xf32, #tpu.memory_space<vmem>>
      %dma_start3A_1649 = arith.constant 0 : i32
      %dma_start3A_1650 = arith.constant 0 : i32
      %dma_start3A_1651 = tpu.memref_slice %arg8[%select_n3A_1508, %dma_start3A_1649, %dma_start3A_1650] : memref<3x4x64xi32, #tpu.memory_space<vmem>> -> memref<1x4x64xi32, #tpu.memory_space<vmem>>
      %dma_start3A_1652 = tpu.memref_squeeze %dma_start3A_1651 : memref<1x4x64xi32, #tpu.memory_space<vmem>> -> memref<4x64xi32, #tpu.memory_space<vmem>>
      %dma_start3A_1653 = arith.constant 0 : i32
      %dma_start3A_1654 = tpu.memref_slice %dma_start3A_1652[%dma_start3A_1644, %dma_start3A_1653] : memref<4x64xi32, #tpu.memory_space<vmem>> -> memref<1x64xi32, #tpu.memory_space<vmem>>
      %dma_start3A_1655 = tpu.memref_squeeze %dma_start3A_1654 : memref<1x64xi32, #tpu.memory_space<vmem>> -> memref<64xi32, #tpu.memory_space<vmem>>
      %dma_start3A_1656 = arith.constant 0 : i32
      %dma_start3A_1657 = arith.constant 0 : i32
      %dma_start3A_1658 = tpu.memref_slice %arg12[%dma_start3A_1656, %dma_start3A_1657] : memref<10112x64xf32, #tpu.memory_space<vmem_shared>> -> memref<10112x64xf32, #tpu.memory_space<vmem_shared>>
      %dma_start3A_1659 = tpu.memref_slice %arg13[%add3A_1590] : memref<8x!tpu.dma_semaphore, #tpu.memory_space<semaphore_mem>> -> memref<1x!tpu.dma_semaphore, #tpu.memory_space<semaphore_mem>>
      %dma_start3A_1660 = tpu.memref_squeeze %dma_start3A_1659 : memref<1x!tpu.dma_semaphore, #tpu.memory_space<semaphore_mem>> -> memref<!tpu.dma_semaphore, #tpu.memory_space<semaphore_mem>>
      tpu.enqueue_indirect_dma source(%dma_start3A_1658 : memref<10112x64xf32, #tpu.memory_space<vmem_shared>>) target(%dma_start3A_1648 : memref<64x64xf32, #tpu.memory_space<vmem>>) offsets(%dma_start3A_1655 : memref<64xi32, #tpu.memory_space<vmem>>) semaphore(%dma_start3A_1660 : memref<!tpu.dma_semaphore, #tpu.memory_space<semaphore_mem>>)
      %mul3A_1661 = arith.constant 4 : i32
      %mul3A_1662 = arith.muli %mul3A_1661, %select_n3A_1456 : i32
      %add3A_1663 = arith.constant 1 : i32
      %add3A_1664 = arith.addi %mul3A_1662, %add3A_1663 : i32
      %mul3A_1665 = arith.constant 4 : i32
      %mul3A_1666 = arith.muli %mul3A_1665, %select_n3A_1474 : i32
      %add3A_1667 = arith.constant 1 : i32
      %add3A_1668 = arith.addi %mul3A_1666, %add3A_1667 : i32
      %dma_wait3A_1669 = arith.constant 0 : i32
      %dma_wait3A_1670 = arith.constant 0 : i32
      %dma_wait3A_1671 = arith.constant 0 : i32
      %dma_wait3A_1672 = arith.constant 0 : i32
      %dma_wait3A_1673 = tpu.memref_slice %arg10[%add3A_1664, %dma_wait3A_1671, %dma_wait3A_1672] : memref<8x64x64xf32, #tpu.memory_space<vmem>> -> memref<1x64x64xf32, #tpu.memory_space<vmem>>
      %dma_wait3A_1674 = tpu.memref_squeeze %dma_wait3A_1673 : memref<1x64x64xf32, #tpu.memory_space<vmem>> -> memref<64x64xf32, #tpu.memory_space<vmem>>
      %dma_wait3A_1675 = arith.constant 0 : i32
      %dma_wait3A_1676 = arith.constant 0 : i32
      %dma_wait3A_1677 = tpu.memref_slice %arg8[%dma_wait3A_1669, %dma_wait3A_1675, %dma_wait3A_1676] : memref<3x4x64xi32, #tpu.memory_space<vmem>> -> memref<1x4x64xi32, #tpu.memory_space<vmem>>
      %dma_wait3A_1678 = tpu.memref_squeeze %dma_wait3A_1677 : memref<1x4x64xi32, #tpu.memory_space<vmem>> -> memref<4x64xi32, #tpu.memory_space<vmem>>
      %dma_wait3A_1679 = arith.constant 0 : i32
      %dma_wait3A_1680 = tpu.memref_slice %dma_wait3A_1678[%dma_wait3A_1670, %dma_wait3A_1679] : memref<4x64xi32, #tpu.memory_space<vmem>> -> memref<1x64xi32, #tpu.memory_space<vmem>>
      %dma_wait3A_1681 = tpu.memref_squeeze %dma_wait3A_1680 : memref<1x64xi32, #tpu.memory_space<vmem>> -> memref<64xi32, #tpu.memory_space<vmem>>
      %dma_wait3A_1682 = arith.constant 0 : i32
      %dma_wait3A_1683 = arith.constant 0 : i32
      %dma_wait3A_1684 = tpu.memref_slice %arg12[%dma_wait3A_1682, %dma_wait3A_1683] : memref<10112x64xf32, #tpu.memory_space<vmem_shared>> -> memref<10112x64xf32, #tpu.memory_space<vmem_shared>>
      %dma_wait3A_1685 = tpu.memref_slice %arg13[%add3A_1664] : memref<8x!tpu.dma_semaphore, #tpu.memory_space<semaphore_mem>> -> memref<1x!tpu.dma_semaphore, #tpu.memory_space<semaphore_mem>>
      %dma_wait3A_1686 = tpu.memref_squeeze %dma_wait3A_1685 : memref<1x!tpu.dma_semaphore, #tpu.memory_space<semaphore_mem>> -> memref<!tpu.dma_semaphore, #tpu.memory_space<semaphore_mem>>
      tpu.wait_indirect_dma semaphore(%dma_wait3A_1686 : memref<!tpu.dma_semaphore, #tpu.memory_space<semaphore_mem>>) src(%dma_wait3A_1684 : memref<10112x64xf32, #tpu.memory_space<vmem_shared>>) dst(%dma_wait3A_1674 : memref<64x64xf32, #tpu.memory_space<vmem>>)
      %dma_start3A_1687 = arith.constant 1 : i32
      %dma_start3A_1688 = arith.constant 0 : i32
      %dma_start3A_1689 = arith.constant 0 : i32
      %dma_start3A_1690 = tpu.memref_slice %arg10[%add3A_1664, %dma_start3A_1688, %dma_start3A_1689] : memref<8x64x64xf32, #tpu.memory_space<vmem>> -> memref<1x64x64xf32, #tpu.memory_space<vmem>>
      %dma_start3A_1691 = tpu.memref_squeeze %dma_start3A_1690 : memref<1x64x64xf32, #tpu.memory_space<vmem>> -> memref<64x64xf32, #tpu.memory_space<vmem>>
      %dma_start3A_1692 = arith.constant 0 : i32
      %dma_start3A_1693 = arith.constant 0 : i32
      %dma_start3A_1694 = tpu.memref_slice %arg9[%select_n3A_1490, %dma_start3A_1692, %dma_start3A_1693] : memref<3x4x64xi32, #tpu.memory_space<vmem>> -> memref<1x4x64xi32, #tpu.memory_space<vmem>>
      %dma_start3A_1695 = tpu.memref_squeeze %dma_start3A_1694 : memref<1x4x64xi32, #tpu.memory_space<vmem>> -> memref<4x64xi32, #tpu.memory_space<vmem>>
      %dma_start3A_1696 = arith.constant 0 : i32
      %dma_start3A_1697 = tpu.memref_slice %dma_start3A_1695[%dma_start3A_1687, %dma_start3A_1696] : memref<4x64xi32, #tpu.memory_space<vmem>> -> memref<1x64xi32, #tpu.memory_space<vmem>>
      %dma_start3A_1698 = tpu.memref_squeeze %dma_start3A_1697 : memref<1x64xi32, #tpu.memory_space<vmem>> -> memref<64xi32, #tpu.memory_space<vmem>>
      %dma_start3A_1699 = arith.constant 0 : i32
      %dma_start3A_1700 = arith.constant 0 : i32
      %dma_start3A_1701 = tpu.memref_slice %arg11[%dma_start3A_1699, %dma_start3A_1700] : memref<10112x64xf32, #tpu.memory_space<vmem_shared>> -> memref<10112x64xf32, #tpu.memory_space<vmem_shared>>
      %dma_start3A_1702 = tpu.memref_slice %arg14[%add3A_1664] : memref<8x!tpu.dma_semaphore, #tpu.memory_space<semaphore_mem>> -> memref<1x!tpu.dma_semaphore, #tpu.memory_space<semaphore_mem>>
      %dma_start3A_1703 = tpu.memref_squeeze %dma_start3A_1702 : memref<1x!tpu.dma_semaphore, #tpu.memory_space<semaphore_mem>> -> memref<!tpu.dma_semaphore, #tpu.memory_space<semaphore_mem>>
      tpu.enqueue_indirect_dma source(%dma_start3A_1691 : memref<64x64xf32, #tpu.memory_space<vmem>>) target(%dma_start3A_1701 : memref<10112x64xf32, #tpu.memory_space<vmem_shared>>) offsets(%dma_start3A_1698 : memref<64xi32, #tpu.memory_space<vmem>>) semaphore(%dma_start3A_1703 : memref<!tpu.dma_semaphore, #tpu.memory_space<semaphore_mem>>) {add = true}
      %dma_wait3A_1704 = arith.constant 0 : i32
      %dma_wait3A_1705 = arith.constant 0 : i32
      %dma_wait3A_1706 = arith.constant 0 : i32
      %dma_wait3A_1707 = arith.constant 0 : i32
      %dma_wait3A_1708 = tpu.memref_slice %arg10[%add3A_1668, %dma_wait3A_1706, %dma_wait3A_1707] : memref<8x64x64xf32, #tpu.memory_space<vmem>> -> memref<1x64x64xf32, #tpu.memory_space<vmem>>
      %dma_wait3A_1709 = tpu.memref_squeeze %dma_wait3A_1708 : memref<1x64x64xf32, #tpu.memory_space<vmem>> -> memref<64x64xf32, #tpu.memory_space<vmem>>
      %dma_wait3A_1710 = arith.constant 0 : i32
      %dma_wait3A_1711 = arith.constant 0 : i32
      %dma_wait3A_1712 = tpu.memref_slice %arg9[%dma_wait3A_1704, %dma_wait3A_1710, %dma_wait3A_1711] : memref<3x4x64xi32, #tpu.memory_space<vmem>> -> memref<1x4x64xi32, #tpu.memory_space<vmem>>
      %dma_wait3A_1713 = tpu.memref_squeeze %dma_wait3A_1712 : memref<1x4x64xi32, #tpu.memory_space<vmem>> -> memref<4x64xi32, #tpu.memory_space<vmem>>
      %dma_wait3A_1714 = arith.constant 0 : i32
      %dma_wait3A_1715 = tpu.memref_slice %dma_wait3A_1713[%dma_wait3A_1705, %dma_wait3A_1714] : memref<4x64xi32, #tpu.memory_space<vmem>> -> memref<1x64xi32, #tpu.memory_space<vmem>>
      %dma_wait3A_1716 = tpu.memref_squeeze %dma_wait3A_1715 : memref<1x64xi32, #tpu.memory_space<vmem>> -> memref<64xi32, #tpu.memory_space<vmem>>
      %dma_wait3A_1717 = arith.constant 0 : i32
      %dma_wait3A_1718 = arith.constant 0 : i32
      %dma_wait3A_1719 = tpu.memref_slice %arg11[%dma_wait3A_1717, %dma_wait3A_1718] : memref<10112x64xf32, #tpu.memory_space<vmem_shared>> -> memref<10112x64xf32, #tpu.memory_space<vmem_shared>>
      %dma_wait3A_1720 = tpu.memref_slice %arg14[%add3A_1668] : memref<8x!tpu.dma_semaphore, #tpu.memory_space<semaphore_mem>> -> memref<1x!tpu.dma_semaphore, #tpu.memory_space<semaphore_mem>>
      %dma_wait3A_1721 = tpu.memref_squeeze %dma_wait3A_1720 : memref<1x!tpu.dma_semaphore, #tpu.memory_space<semaphore_mem>> -> memref<!tpu.dma_semaphore, #tpu.memory_space<semaphore_mem>>
      tpu.wait_indirect_dma semaphore(%dma_wait3A_1721 : memref<!tpu.dma_semaphore, #tpu.memory_space<semaphore_mem>>) src(%dma_wait3A_1709 : memref<64x64xf32, #tpu.memory_space<vmem>>) dst(%dma_wait3A_1719 : memref<10112x64xf32, #tpu.memory_space<vmem_shared>>)
      %dma_start3A_1722 = arith.constant 1 : i32
      %dma_start3A_1723 = arith.constant 0 : i32
      %dma_start3A_1724 = arith.constant 0 : i32
      %dma_start3A_1725 = tpu.memref_slice %arg10[%add3A_1668, %dma_start3A_1723, %dma_start3A_1724] : memref<8x64x64xf32, #tpu.memory_space<vmem>> -> memref<1x64x64xf32, #tpu.memory_space<vmem>>
      %dma_start3A_1726 = tpu.memref_squeeze %dma_start3A_1725 : memref<1x64x64xf32, #tpu.memory_space<vmem>> -> memref<64x64xf32, #tpu.memory_space<vmem>>
      %dma_start3A_1727 = arith.constant 0 : i32
      %dma_start3A_1728 = arith.constant 0 : i32
      %dma_start3A_1729 = tpu.memref_slice %arg8[%select_n3A_1508, %dma_start3A_1727, %dma_start3A_1728] : memref<3x4x64xi32, #tpu.memory_space<vmem>> -> memref<1x4x64xi32, #tpu.memory_space<vmem>>
      %dma_start3A_1730 = tpu.memref_squeeze %dma_start3A_1729 : memref<1x4x64xi32, #tpu.memory_space<vmem>> -> memref<4x64xi32, #tpu.memory_space<vmem>>
      %dma_start3A_1731 = arith.constant 0 : i32
      %dma_start3A_1732 = tpu.memref_slice %dma_start3A_1730[%dma_start3A_1722, %dma_start3A_1731] : memref<4x64xi32, #tpu.memory_space<vmem>> -> memref<1x64xi32, #tpu.memory_space<vmem>>
      %dma_start3A_1733 = tpu.memref_squeeze %dma_start3A_1732 : memref<1x64xi32, #tpu.memory_space<vmem>> -> memref<64xi32, #tpu.memory_space<vmem>>
      %dma_start3A_1734 = arith.constant 0 : i32
      %dma_start3A_1735 = arith.constant 0 : i32
      %dma_start3A_1736 = tpu.memref_slice %arg12[%dma_start3A_1734, %dma_start3A_1735] : memref<10112x64xf32, #tpu.memory_space<vmem_shared>> -> memref<10112x64xf32, #tpu.memory_space<vmem_shared>>
      %dma_start3A_1737 = tpu.memref_slice %arg13[%add3A_1668] : memref<8x!tpu.dma_semaphore, #tpu.memory_space<semaphore_mem>> -> memref<1x!tpu.dma_semaphore, #tpu.memory_space<semaphore_mem>>
      %dma_start3A_1738 = tpu.memref_squeeze %dma_start3A_1737 : memref<1x!tpu.dma_semaphore, #tpu.memory_space<semaphore_mem>> -> memref<!tpu.dma_semaphore, #tpu.memory_space<semaphore_mem>>
      tpu.enqueue_indirect_dma source(%dma_start3A_1736 : memref<10112x64xf32, #tpu.memory_space<vmem_shared>>) target(%dma_start3A_1726 : memref<64x64xf32, #tpu.memory_space<vmem>>) offsets(%dma_start3A_1733 : memref<64xi32, #tpu.memory_space<vmem>>) semaphore(%dma_start3A_1738 : memref<!tpu.dma_semaphore, #tpu.memory_space<semaphore_mem>>)
      %mul3A_1739 = arith.constant 4 : i32
      %mul3A_1740 = arith.muli %mul3A_1739, %select_n3A_1456 : i32
      %add3A_1741 = arith.constant 2 : i32
      %add3A_1742 = arith.addi %mul3A_1740, %add3A_1741 : i32
      %mul3A_1743 = arith.constant 4 : i32
      %mul3A_1744 = arith.muli %mul3A_1743, %select_n3A_1474 : i32
      %add3A_1745 = arith.constant 2 : i32
      %add3A_1746 = arith.addi %mul3A_1744, %add3A_1745 : i32
      %dma_wait3A_1747 = arith.constant 0 : i32
      %dma_wait3A_1748 = arith.constant 0 : i32
      %dma_wait3A_1749 = arith.constant 0 : i32
      %dma_wait3A_1750 = arith.constant 0 : i32
      %dma_wait3A_1751 = tpu.memref_slice %arg10[%add3A_1742, %dma_wait3A_1749, %dma_wait3A_1750] : memref<8x64x64xf32, #tpu.memory_space<vmem>> -> memref<1x64x64xf32, #tpu.memory_space<vmem>>
      %dma_wait3A_1752 = tpu.memref_squeeze %dma_wait3A_1751 : memref<1x64x64xf32, #tpu.memory_space<vmem>> -> memref<64x64xf32, #tpu.memory_space<vmem>>
      %dma_wait3A_1753 = arith.constant 0 : i32
      %dma_wait3A_1754 = arith.constant 0 : i32
      %dma_wait3A_1755 = tpu.memref_slice %arg8[%dma_wait3A_1747, %dma_wait3A_1753, %dma_wait3A_1754] : memref<3x4x64xi32, #tpu.memory_space<vmem>> -> memref<1x4x64xi32, #tpu.memory_space<vmem>>
      %dma_wait3A_1756 = tpu.memref_squeeze %dma_wait3A_1755 : memref<1x4x64xi32, #tpu.memory_space<vmem>> -> memref<4x64xi32, #tpu.memory_space<vmem>>
      %dma_wait3A_1757 = arith.constant 0 : i32
      %dma_wait3A_1758 = tpu.memref_slice %dma_wait3A_1756[%dma_wait3A_1748, %dma_wait3A_1757] : memref<4x64xi32, #tpu.memory_space<vmem>> -> memref<1x64xi32, #tpu.memory_space<vmem>>
      %dma_wait3A_1759 = tpu.memref_squeeze %dma_wait3A_1758 : memref<1x64xi32, #tpu.memory_space<vmem>> -> memref<64xi32, #tpu.memory_space<vmem>>
      %dma_wait3A_1760 = arith.constant 0 : i32
      %dma_wait3A_1761 = arith.constant 0 : i32
      %dma_wait3A_1762 = tpu.memref_slice %arg12[%dma_wait3A_1760, %dma_wait3A_1761] : memref<10112x64xf32, #tpu.memory_space<vmem_shared>> -> memref<10112x64xf32, #tpu.memory_space<vmem_shared>>
      %dma_wait3A_1763 = tpu.memref_slice %arg13[%add3A_1742] : memref<8x!tpu.dma_semaphore, #tpu.memory_space<semaphore_mem>> -> memref<1x!tpu.dma_semaphore, #tpu.memory_space<semaphore_mem>>
      %dma_wait3A_1764 = tpu.memref_squeeze %dma_wait3A_1763 : memref<1x!tpu.dma_semaphore, #tpu.memory_space<semaphore_mem>> -> memref<!tpu.dma_semaphore, #tpu.memory_space<semaphore_mem>>
      tpu.wait_indirect_dma semaphore(%dma_wait3A_1764 : memref<!tpu.dma_semaphore, #tpu.memory_space<semaphore_mem>>) src(%dma_wait3A_1762 : memref<10112x64xf32, #tpu.memory_space<vmem_shared>>) dst(%dma_wait3A_1752 : memref<64x64xf32, #tpu.memory_space<vmem>>)
      %dma_start3A_1765 = arith.constant 2 : i32
      %dma_start3A_1766 = arith.constant 0 : i32
      %dma_start3A_1767 = arith.constant 0 : i32
      %dma_start3A_1768 = tpu.memref_slice %arg10[%add3A_1742, %dma_start3A_1766, %dma_start3A_1767] : memref<8x64x64xf32, #tpu.memory_space<vmem>> -> memref<1x64x64xf32, #tpu.memory_space<vmem>>
      %dma_start3A_1769 = tpu.memref_squeeze %dma_start3A_1768 : memref<1x64x64xf32, #tpu.memory_space<vmem>> -> memref<64x64xf32, #tpu.memory_space<vmem>>
      %dma_start3A_1770 = arith.constant 0 : i32
      %dma_start3A_1771 = arith.constant 0 : i32
      %dma_start3A_1772 = tpu.memref_slice %arg9[%select_n3A_1490, %dma_start3A_1770, %dma_start3A_1771] : memref<3x4x64xi32, #tpu.memory_space<vmem>> -> memref<1x4x64xi32, #tpu.memory_space<vmem>>
      %dma_start3A_1773 = tpu.memref_squeeze %dma_start3A_1772 : memref<1x4x64xi32, #tpu.memory_space<vmem>> -> memref<4x64xi32, #tpu.memory_space<vmem>>
      %dma_start3A_1774 = arith.constant 0 : i32
      %dma_start3A_1775 = tpu.memref_slice %dma_start3A_1773[%dma_start3A_1765, %dma_start3A_1774] : memref<4x64xi32, #tpu.memory_space<vmem>> -> memref<1x64xi32, #tpu.memory_space<vmem>>
      %dma_start3A_1776 = tpu.memref_squeeze %dma_start3A_1775 : memref<1x64xi32, #tpu.memory_space<vmem>> -> memref<64xi32, #tpu.memory_space<vmem>>
      %dma_start3A_1777 = arith.constant 0 : i32
      %dma_start3A_1778 = arith.constant 0 : i32
      %dma_start3A_1779 = tpu.memref_slice %arg11[%dma_start3A_1777, %dma_start3A_1778] : memref<10112x64xf32, #tpu.memory_space<vmem_shared>> -> memref<10112x64xf32, #tpu.memory_space<vmem_shared>>
      %dma_start3A_1780 = tpu.memref_slice %arg14[%add3A_1742] : memref<8x!tpu.dma_semaphore, #tpu.memory_space<semaphore_mem>> -> memref<1x!tpu.dma_semaphore, #tpu.memory_space<semaphore_mem>>
      %dma_start3A_1781 = tpu.memref_squeeze %dma_start3A_1780 : memref<1x!tpu.dma_semaphore, #tpu.memory_space<semaphore_mem>> -> memref<!tpu.dma_semaphore, #tpu.memory_space<semaphore_mem>>
      tpu.enqueue_indirect_dma source(%dma_start3A_1769 : memref<64x64xf32, #tpu.memory_space<vmem>>) target(%dma_start3A_1779 : memref<10112x64xf32, #tpu.memory_space<vmem_shared>>) offsets(%dma_start3A_1776 : memref<64xi32, #tpu.memory_space<vmem>>) semaphore(%dma_start3A_1781 : memref<!tpu.dma_semaphore, #tpu.memory_space<semaphore_mem>>) {add = true}
      %dma_wait3A_1782 = arith.constant 0 : i32
      %dma_wait3A_1783 = arith.constant 0 : i32
      %dma_wait3A_1784 = arith.constant 0 : i32
      %dma_wait3A_1785 = arith.constant 0 : i32
      %dma_wait3A_1786 = tpu.memref_slice %arg10[%add3A_1746, %dma_wait3A_1784, %dma_wait3A_1785] : memref<8x64x64xf32, #tpu.memory_space<vmem>> -> memref<1x64x64xf32, #tpu.memory_space<vmem>>
      %dma_wait3A_1787 = tpu.memref_squeeze %dma_wait3A_1786 : memref<1x64x64xf32, #tpu.memory_space<vmem>> -> memref<64x64xf32, #tpu.memory_space<vmem>>
      %dma_wait3A_1788 = arith.constant 0 : i32
      %dma_wait3A_1789 = arith.constant 0 : i32
      %dma_wait3A_1790 = tpu.memref_slice %arg9[%dma_wait3A_1782, %dma_wait3A_1788, %dma_wait3A_1789] : memref<3x4x64xi32, #tpu.memory_space<vmem>> -> memref<1x4x64xi32, #tpu.memory_space<vmem>>
      %dma_wait3A_1791 = tpu.memref_squeeze %dma_wait3A_1790 : memref<1x4x64xi32, #tpu.memory_space<vmem>> -> memref<4x64xi32, #tpu.memory_space<vmem>>
      %dma_wait3A_1792 = arith.constant 0 : i32
      %dma_wait3A_1793 = tpu.memref_slice %dma_wait3A_1791[%dma_wait3A_1783, %dma_wait3A_1792] : memref<4x64xi32, #tpu.memory_space<vmem>> -> memref<1x64xi32, #tpu.memory_space<vmem>>
      %dma_wait3A_1794 = tpu.memref_squeeze %dma_wait3A_1793 : memref<1x64xi32, #tpu.memory_space<vmem>> -> memref<64xi32, #tpu.memory_space<vmem>>
      %dma_wait3A_1795 = arith.constant 0 : i32
      %dma_wait3A_1796 = arith.constant 0 : i32
      %dma_wait3A_1797 = tpu.memref_slice %arg11[%dma_wait3A_1795, %dma_wait3A_1796] : memref<10112x64xf32, #tpu.memory_space<vmem_shared>> -> memref<10112x64xf32, #tpu.memory_space<vmem_shared>>
      %dma_wait3A_1798 = tpu.memref_slice %arg14[%add3A_1746] : memref<8x!tpu.dma_semaphore, #tpu.memory_space<semaphore_mem>> -> memref<1x!tpu.dma_semaphore, #tpu.memory_space<semaphore_mem>>
      %dma_wait3A_1799 = tpu.memref_squeeze %dma_wait3A_1798 : memref<1x!tpu.dma_semaphore, #tpu.memory_space<semaphore_mem>> -> memref<!tpu.dma_semaphore, #tpu.memory_space<semaphore_mem>>
      tpu.wait_indirect_dma semaphore(%dma_wait3A_1799 : memref<!tpu.dma_semaphore, #tpu.memory_space<semaphore_mem>>) src(%dma_wait3A_1787 : memref<64x64xf32, #tpu.memory_space<vmem>>) dst(%dma_wait3A_1797 : memref<10112x64xf32, #tpu.memory_space<vmem_shared>>)
      %dma_start3A_1800 = arith.constant 2 : i32
      %dma_start3A_1801 = arith.constant 0 : i32
      %dma_start3A_1802 = arith.constant 0 : i32
      %dma_start3A_1803 = tpu.memref_slice %arg10[%add3A_1746, %dma_start3A_1801, %dma_start3A_1802] : memref<8x64x64xf32, #tpu.memory_space<vmem>> -> memref<1x64x64xf32, #tpu.memory_space<vmem>>
      %dma_start3A_1804 = tpu.memref_squeeze %dma_start3A_1803 : memref<1x64x64xf32, #tpu.memory_space<vmem>> -> memref<64x64xf32, #tpu.memory_space<vmem>>
      %dma_start3A_1805 = arith.constant 0 : i32
      %dma_start3A_1806 = arith.constant 0 : i32
      %dma_start3A_1807 = tpu.memref_slice %arg8[%select_n3A_1508, %dma_start3A_1805, %dma_start3A_1806] : memref<3x4x64xi32, #tpu.memory_space<vmem>> -> memref<1x4x64xi32, #tpu.memory_space<vmem>>
      %dma_start3A_1808 = tpu.memref_squeeze %dma_start3A_1807 : memref<1x4x64xi32, #tpu.memory_space<vmem>> -> memref<4x64xi32, #tpu.memory_space<vmem>>
      %dma_start3A_1809 = arith.constant 0 : i32
      %dma_start3A_1810 = tpu.memref_slice %dma_start3A_1808[%dma_start3A_1800, %dma_start3A_1809] : memref<4x64xi32, #tpu.memory_space<vmem>> -> memref<1x64xi32, #tpu.memory_space<vmem>>
      %dma_start3A_1811 = tpu.memref_squeeze %dma_start3A_1810 : memref<1x64xi32, #tpu.memory_space<vmem>> -> memref<64xi32, #tpu.memory_space<vmem>>
      %dma_start3A_1812 = arith.constant 0 : i32
      %dma_start3A_1813 = arith.constant 0 : i32
      %dma_start3A_1814 = tpu.memref_slice %arg12[%dma_start3A_1812, %dma_start3A_1813] : memref<10112x64xf32, #tpu.memory_space<vmem_shared>> -> memref<10112x64xf32, #tpu.memory_space<vmem_shared>>
      %dma_start3A_1815 = tpu.memref_slice %arg13[%add3A_1746] : memref<8x!tpu.dma_semaphore, #tpu.memory_space<semaphore_mem>> -> memref<1x!tpu.dma_semaphore, #tpu.memory_space<semaphore_mem>>
      %dma_start3A_1816 = tpu.memref_squeeze %dma_start3A_1815 : memref<1x!tpu.dma_semaphore, #tpu.memory_space<semaphore_mem>> -> memref<!tpu.dma_semaphore, #tpu.memory_space<semaphore_mem>>
      tpu.enqueue_indirect_dma source(%dma_start3A_1814 : memref<10112x64xf32, #tpu.memory_space<vmem_shared>>) target(%dma_start3A_1804 : memref<64x64xf32, #tpu.memory_space<vmem>>) offsets(%dma_start3A_1811 : memref<64xi32, #tpu.memory_space<vmem>>) semaphore(%dma_start3A_1816 : memref<!tpu.dma_semaphore, #tpu.memory_space<semaphore_mem>>)
      %mul3A_1817 = arith.constant 4 : i32
      %mul3A_1818 = arith.muli %mul3A_1817, %select_n3A_1456 : i32
      %add3A_1819 = arith.constant 3 : i32
      %add3A_1820 = arith.addi %mul3A_1818, %add3A_1819 : i32
      %mul3A_1821 = arith.constant 4 : i32
      %mul3A_1822 = arith.muli %mul3A_1821, %select_n3A_1474 : i32
      %add3A_1823 = arith.constant 3 : i32
      %add3A_1824 = arith.addi %mul3A_1822, %add3A_1823 : i32
      %dma_wait3A_1825 = arith.constant 0 : i32
      %dma_wait3A_1826 = arith.constant 0 : i32
      %dma_wait3A_1827 = arith.constant 0 : i32
      %dma_wait3A_1828 = arith.constant 0 : i32
      %dma_wait3A_1829 = tpu.memref_slice %arg10[%add3A_1820, %dma_wait3A_1827, %dma_wait3A_1828] : memref<8x64x64xf32, #tpu.memory_space<vmem>> -> memref<1x64x64xf32, #tpu.memory_space<vmem>>
      %dma_wait3A_1830 = tpu.memref_squeeze %dma_wait3A_1829 : memref<1x64x64xf32, #tpu.memory_space<vmem>> -> memref<64x64xf32, #tpu.memory_space<vmem>>
      %dma_wait3A_1831 = arith.constant 0 : i32
      %dma_wait3A_1832 = arith.constant 0 : i32
      %dma_wait3A_1833 = tpu.memref_slice %arg8[%dma_wait3A_1825, %dma_wait3A_1831, %dma_wait3A_1832] : memref<3x4x64xi32, #tpu.memory_space<vmem>> -> memref<1x4x64xi32, #tpu.memory_space<vmem>>
      %dma_wait3A_1834 = tpu.memref_squeeze %dma_wait3A_1833 : memref<1x4x64xi32, #tpu.memory_space<vmem>> -> memref<4x64xi32, #tpu.memory_space<vmem>>
      %dma_wait3A_1835 = arith.constant 0 : i32
      %dma_wait3A_1836 = tpu.memref_slice %dma_wait3A_1834[%dma_wait3A_1826, %dma_wait3A_1835] : memref<4x64xi32, #tpu.memory_space<vmem>> -> memref<1x64xi32, #tpu.memory_space<vmem>>
      %dma_wait3A_1837 = tpu.memref_squeeze %dma_wait3A_1836 : memref<1x64xi32, #tpu.memory_space<vmem>> -> memref<64xi32, #tpu.memory_space<vmem>>
      %dma_wait3A_1838 = arith.constant 0 : i32
      %dma_wait3A_1839 = arith.constant 0 : i32
      %dma_wait3A_1840 = tpu.memref_slice %arg12[%dma_wait3A_1838, %dma_wait3A_1839] : memref<10112x64xf32, #tpu.memory_space<vmem_shared>> -> memref<10112x64xf32, #tpu.memory_space<vmem_shared>>
      %dma_wait3A_1841 = tpu.memref_slice %arg13[%add3A_1820] : memref<8x!tpu.dma_semaphore, #tpu.memory_space<semaphore_mem>> -> memref<1x!tpu.dma_semaphore, #tpu.memory_space<semaphore_mem>>
      %dma_wait3A_1842 = tpu.memref_squeeze %dma_wait3A_1841 : memref<1x!tpu.dma_semaphore, #tpu.memory_space<semaphore_mem>> -> memref<!tpu.dma_semaphore, #tpu.memory_space<semaphore_mem>>
      tpu.wait_indirect_dma semaphore(%dma_wait3A_1842 : memref<!tpu.dma_semaphore, #tpu.memory_space<semaphore_mem>>) src(%dma_wait3A_1840 : memref<10112x64xf32, #tpu.memory_space<vmem_shared>>) dst(%dma_wait3A_1830 : memref<64x64xf32, #tpu.memory_space<vmem>>)
      %dma_start3A_1843 = arith.constant 3 : i32
      %dma_start3A_1844 = arith.constant 0 : i32
      %dma_start3A_1845 = arith.constant 0 : i32
      %dma_start3A_1846 = tpu.memref_slice %arg10[%add3A_1820, %dma_start3A_1844, %dma_start3A_1845] : memref<8x64x64xf32, #tpu.memory_space<vmem>> -> memref<1x64x64xf32, #tpu.memory_space<vmem>>
      %dma_start3A_1847 = tpu.memref_squeeze %dma_start3A_1846 : memref<1x64x64xf32, #tpu.memory_space<vmem>> -> memref<64x64xf32, #tpu.memory_space<vmem>>
      %dma_start3A_1848 = arith.constant 0 : i32
      %dma_start3A_1849 = arith.constant 0 : i32
      %dma_start3A_1850 = tpu.memref_slice %arg9[%select_n3A_1490, %dma_start3A_1848, %dma_start3A_1849] : memref<3x4x64xi32, #tpu.memory_space<vmem>> -> memref<1x4x64xi32, #tpu.memory_space<vmem>>
      %dma_start3A_1851 = tpu.memref_squeeze %dma_start3A_1850 : memref<1x4x64xi32, #tpu.memory_space<vmem>> -> memref<4x64xi32, #tpu.memory_space<vmem>>
      %dma_start3A_1852 = arith.constant 0 : i32
      %dma_start3A_1853 = tpu.memref_slice %dma_start3A_1851[%dma_start3A_1843, %dma_start3A_1852] : memref<4x64xi32, #tpu.memory_space<vmem>> -> memref<1x64xi32, #tpu.memory_space<vmem>>
      %dma_start3A_1854 = tpu.memref_squeeze %dma_start3A_1853 : memref<1x64xi32, #tpu.memory_space<vmem>> -> memref<64xi32, #tpu.memory_space<vmem>>
      %dma_start3A_1855 = arith.constant 0 : i32
      %dma_start3A_1856 = arith.constant 0 : i32
      %dma_start3A_1857 = tpu.memref_slice %arg11[%dma_start3A_1855, %dma_start3A_1856] : memref<10112x64xf32, #tpu.memory_space<vmem_shared>> -> memref<10112x64xf32, #tpu.memory_space<vmem_shared>>
      %dma_start3A_1858 = tpu.memref_slice %arg14[%add3A_1820] : memref<8x!tpu.dma_semaphore, #tpu.memory_space<semaphore_mem>> -> memref<1x!tpu.dma_semaphore, #tpu.memory_space<semaphore_mem>>
      %dma_start3A_1859 = tpu.memref_squeeze %dma_start3A_1858 : memref<1x!tpu.dma_semaphore, #tpu.memory_space<semaphore_mem>> -> memref<!tpu.dma_semaphore, #tpu.memory_space<semaphore_mem>>
      tpu.enqueue_indirect_dma source(%dma_start3A_1847 : memref<64x64xf32, #tpu.memory_space<vmem>>) target(%dma_start3A_1857 : memref<10112x64xf32, #tpu.memory_space<vmem_shared>>) offsets(%dma_start3A_1854 : memref<64xi32, #tpu.memory_space<vmem>>) semaphore(%dma_start3A_1859 : memref<!tpu.dma_semaphore, #tpu.memory_space<semaphore_mem>>) {add = true}
      %dma_wait3A_1860 = arith.constant 0 : i32
      %dma_wait3A_1861 = arith.constant 0 : i32
      %dma_wait3A_1862 = arith.constant 0 : i32
      %dma_wait3A_1863 = arith.constant 0 : i32
      %dma_wait3A_1864 = tpu.memref_slice %arg10[%add3A_1824, %dma_wait3A_1862, %dma_wait3A_1863] : memref<8x64x64xf32, #tpu.memory_space<vmem>> -> memref<1x64x64xf32, #tpu.memory_space<vmem>>
      %dma_wait3A_1865 = tpu.memref_squeeze %dma_wait3A_1864 : memref<1x64x64xf32, #tpu.memory_space<vmem>> -> memref<64x64xf32, #tpu.memory_space<vmem>>
      %dma_wait3A_1866 = arith.constant 0 : i32
      %dma_wait3A_1867 = arith.constant 0 : i32
      %dma_wait3A_1868 = tpu.memref_slice %arg9[%dma_wait3A_1860, %dma_wait3A_1866, %dma_wait3A_1867] : memref<3x4x64xi32, #tpu.memory_space<vmem>> -> memref<1x4x64xi32, #tpu.memory_space<vmem>>
      %dma_wait3A_1869 = tpu.memref_squeeze %dma_wait3A_1868 : memref<1x4x64xi32, #tpu.memory_space<vmem>> -> memref<4x64xi32, #tpu.memory_space<vmem>>
      %dma_wait3A_1870 = arith.constant 0 : i32
      %dma_wait3A_1871 = tpu.memref_slice %dma_wait3A_1869[%dma_wait3A_1861, %dma_wait3A_1870] : memref<4x64xi32, #tpu.memory_space<vmem>> -> memref<1x64xi32, #tpu.memory_space<vmem>>
      %dma_wait3A_1872 = tpu.memref_squeeze %dma_wait3A_1871 : memref<1x64xi32, #tpu.memory_space<vmem>> -> memref<64xi32, #tpu.memory_space<vmem>>
      %dma_wait3A_1873 = arith.constant 0 : i32
      %dma_wait3A_1874 = arith.constant 0 : i32
      %dma_wait3A_1875 = tpu.memref_slice %arg11[%dma_wait3A_1873, %dma_wait3A_1874] : memref<10112x64xf32, #tpu.memory_space<vmem_shared>> -> memref<10112x64xf32, #tpu.memory_space<vmem_shared>>
      %dma_wait3A_1876 = tpu.memref_slice %arg14[%add3A_1824] : memref<8x!tpu.dma_semaphore, #tpu.memory_space<semaphore_mem>> -> memref<1x!tpu.dma_semaphore, #tpu.memory_space<semaphore_mem>>
      %dma_wait3A_1877 = tpu.memref_squeeze %dma_wait3A_1876 : memref<1x!tpu.dma_semaphore, #tpu.memory_space<semaphore_mem>> -> memref<!tpu.dma_semaphore, #tpu.memory_space<semaphore_mem>>
      tpu.wait_indirect_dma semaphore(%dma_wait3A_1877 : memref<!tpu.dma_semaphore, #tpu.memory_space<semaphore_mem>>) src(%dma_wait3A_1865 : memref<64x64xf32, #tpu.memory_space<vmem>>) dst(%dma_wait3A_1875 : memref<10112x64xf32, #tpu.memory_space<vmem_shared>>)
      %dma_start3A_1878 = arith.constant 3 : i32
      %dma_start3A_1879 = arith.constant 0 : i32
      %dma_start3A_1880 = arith.constant 0 : i32
      %dma_start3A_1881 = tpu.memref_slice %arg10[%add3A_1824, %dma_start3A_1879, %dma_start3A_1880] : memref<8x64x64xf32, #tpu.memory_space<vmem>> -> memref<1x64x64xf32, #tpu.memory_space<vmem>>
      %dma_start3A_1882 = tpu.memref_squeeze %dma_start3A_1881 : memref<1x64x64xf32, #tpu.memory_space<vmem>> -> memref<64x64xf32, #tpu.memory_space<vmem>>
      %dma_start3A_1883 = arith.constant 0 : i32
      %dma_start3A_1884 = arith.constant 0 : i32
      %dma_start3A_1885 = tpu.memref_slice %arg8[%select_n3A_1508, %dma_start3A_1883, %dma_start3A_1884] : memref<3x4x64xi32, #tpu.memory_space<vmem>> -> memref<1x4x64xi32, #tpu.memory_space<vmem>>
      %dma_start3A_1886 = tpu.memref_squeeze %dma_start3A_1885 : memref<1x4x64xi32, #tpu.memory_space<vmem>> -> memref<4x64xi32, #tpu.memory_space<vmem>>
      %dma_start3A_1887 = arith.constant 0 : i32
      %dma_start3A_1888 = tpu.memref_slice %dma_start3A_1886[%dma_start3A_1878, %dma_start3A_1887] : memref<4x64xi32, #tpu.memory_space<vmem>> -> memref<1x64xi32, #tpu.memory_space<vmem>>
      %dma_start3A_1889 = tpu.memref_squeeze %dma_start3A_1888 : memref<1x64xi32, #tpu.memory_space<vmem>> -> memref<64xi32, #tpu.memory_space<vmem>>
      %dma_start3A_1890 = arith.constant 0 : i32
      %dma_start3A_1891 = arith.constant 0 : i32
      %dma_start3A_1892 = tpu.memref_slice %arg12[%dma_start3A_1890, %dma_start3A_1891] : memref<10112x64xf32, #tpu.memory_space<vmem_shared>> -> memref<10112x64xf32, #tpu.memory_space<vmem_shared>>
      %dma_start3A_1893 = tpu.memref_slice %arg13[%add3A_1824] : memref<8x!tpu.dma_semaphore, #tpu.memory_space<semaphore_mem>> -> memref<1x!tpu.dma_semaphore, #tpu.memory_space<semaphore_mem>>
      %dma_start3A_1894 = tpu.memref_squeeze %dma_start3A_1893 : memref<1x!tpu.dma_semaphore, #tpu.memory_space<semaphore_mem>> -> memref<!tpu.dma_semaphore, #tpu.memory_space<semaphore_mem>>
      tpu.enqueue_indirect_dma source(%dma_start3A_1892 : memref<10112x64xf32, #tpu.memory_space<vmem_shared>>) target(%dma_start3A_1882 : memref<64x64xf32, #tpu.memory_space<vmem>>) offsets(%dma_start3A_1889 : memref<64xi32, #tpu.memory_space<vmem>>) semaphore(%dma_start3A_1894 : memref<!tpu.dma_semaphore, #tpu.memory_space<semaphore_mem>>)
      %add3A_1895 = arith.constant 2 : i32
      %add3A_1896 = arith.addi %scan3A_1447, %add3A_1895 : i32
      %min3A = arith.constant 79 : i32
      %min3A_1897 = arith.minsi %add3A_1896, %min3A : i32
      %dma_start3A_1898 = arith.constant 0 : i32
      %dma_start3A_1899 = arith.constant 0 : i32
      %dma_start3A_1900 = tpu.memref_slice %arg8[%select_n3A_1526, %dma_start3A_1898, %dma_start3A_1899] : memref<3x4x64xi32, #tpu.memory_space<vmem>> -> memref<1x4x64xi32, #tpu.memory_space<vmem>>
      %dma_start3A_1901 = tpu.memref_squeeze %dma_start3A_1900 : memref<1x4x64xi32, #tpu.memory_space<vmem>> -> memref<4x64xi32, #tpu.memory_space<vmem>>
      %dma_start3A_1902 = arith.constant 0 : i32
      %dma_start3A_1903 = arith.constant 0 : i32
      %dma_start3A_1904 = arith.constant 0 : i32
      %dma_start3A_1905 = tpu.memref_slice %arg5[%arg1, %dma_start3A_1902, %dma_start3A_1903, %dma_start3A_1904] : memref<16x80x4x64xi32, #tpu.memory_space<hbm>> -> memref<1x80x4x64xi32, #tpu.memory_space<hbm>>
      %dma_start3A_1906 = tpu.memref_squeeze %dma_start3A_1905 : memref<1x80x4x64xi32, #tpu.memory_space<hbm>> -> memref<80x4x64xi32, #tpu.memory_space<hbm>>
      %dma_start3A_1907 = arith.constant 0 : i32
      %dma_start3A_1908 = arith.constant 0 : i32
      %dma_start3A_1909 = tpu.memref_slice %dma_start3A_1906[%min3A_1897, %dma_start3A_1907, %dma_start3A_1908] : memref<80x4x64xi32, #tpu.memory_space<hbm>> -> memref<1x4x64xi32, #tpu.memory_space<hbm>>
      %dma_start3A_1910 = tpu.memref_squeeze %dma_start3A_1909 : memref<1x4x64xi32, #tpu.memory_space<hbm>> -> memref<4x64xi32, #tpu.memory_space<hbm>>
      %dma_start3A_1911 = arith.constant 0 : i32
      %dma_start3A_1912 = arith.constant 0 : i32
      %dma_start3A_1913 = tpu.memref_slice %arg8[%select_n3A_1526, %dma_start3A_1911, %dma_start3A_1912] : memref<3x4x64xi32, #tpu.memory_space<vmem>> -> memref<1x4x64xi32, #tpu.memory_space<vmem>>
      %dma_start3A_1914 = tpu.memref_squeeze %dma_start3A_1913 : memref<1x4x64xi32, #tpu.memory_space<vmem>> -> memref<4x64xi32, #tpu.memory_space<vmem>>
      %dma_start3A_1915 = arith.constant 0 : i32
      %dma_start3A_1916 = arith.constant 0 : i32
      %dma_start3A_1917 = arith.constant 0 : i32
      %dma_start3A_1918 = tpu.memref_slice %arg5[%arg1, %dma_start3A_1915, %dma_start3A_1916, %dma_start3A_1917] : memref<16x80x4x64xi32, #tpu.memory_space<hbm>> -> memref<1x80x4x64xi32, #tpu.memory_space<hbm>>
      %dma_start3A_1919 = tpu.memref_squeeze %dma_start3A_1918 : memref<1x80x4x64xi32, #tpu.memory_space<hbm>> -> memref<80x4x64xi32, #tpu.memory_space<hbm>>
      %dma_start3A_1920 = arith.constant 0 : i32
      %dma_start3A_1921 = arith.constant 0 : i32
      %dma_start3A_1922 = tpu.memref_slice %dma_start3A_1919[%min3A_1897, %dma_start3A_1920, %dma_start3A_1921] : memref<80x4x64xi32, #tpu.memory_space<hbm>> -> memref<1x4x64xi32, #tpu.memory_space<hbm>>
      %dma_start3A_1923 = tpu.memref_squeeze %dma_start3A_1922 : memref<1x4x64xi32, #tpu.memory_space<hbm>> -> memref<4x64xi32, #tpu.memory_space<hbm>>
      tpu.enqueue_dma source(%dma_start3A_1923 : memref<4x64xi32, #tpu.memory_space<hbm>>) target(%dma_start3A_1914 : memref<4x64xi32, #tpu.memory_space<vmem>>) target_semaphore(%arg15 : memref<!tpu.dma_semaphore, #tpu.memory_space<semaphore_mem>>)
      %dma_start3A_1924 = arith.constant 0 : i32
      %dma_start3A_1925 = arith.constant 0 : i32
      %dma_start3A_1926 = tpu.memref_slice %arg9[%select_n3A_1526, %dma_start3A_1924, %dma_start3A_1925] : memref<3x4x64xi32, #tpu.memory_space<vmem>> -> memref<1x4x64xi32, #tpu.memory_space<vmem>>
      %dma_start3A_1927 = tpu.memref_squeeze %dma_start3A_1926 : memref<1x4x64xi32, #tpu.memory_space<vmem>> -> memref<4x64xi32, #tpu.memory_space<vmem>>
      %dma_start3A_1928 = arith.constant 0 : i32
      %dma_start3A_1929 = arith.constant 0 : i32
      %dma_start3A_1930 = arith.constant 0 : i32
      %dma_start3A_1931 = tpu.memref_slice %arg4[%arg1, %dma_start3A_1928, %dma_start3A_1929, %dma_start3A_1930] : memref<16x80x4x64xi32, #tpu.memory_space<hbm>> -> memref<1x80x4x64xi32, #tpu.memory_space<hbm>>
      %dma_start3A_1932 = tpu.memref_squeeze %dma_start3A_1931 : memref<1x80x4x64xi32, #tpu.memory_space<hbm>> -> memref<80x4x64xi32, #tpu.memory_space<hbm>>
      %dma_start3A_1933 = arith.constant 0 : i32
      %dma_start3A_1934 = arith.constant 0 : i32
      %dma_start3A_1935 = tpu.memref_slice %dma_start3A_1932[%min3A_1897, %dma_start3A_1933, %dma_start3A_1934] : memref<80x4x64xi32, #tpu.memory_space<hbm>> -> memref<1x4x64xi32, #tpu.memory_space<hbm>>
      %dma_start3A_1936 = tpu.memref_squeeze %dma_start3A_1935 : memref<1x4x64xi32, #tpu.memory_space<hbm>> -> memref<4x64xi32, #tpu.memory_space<hbm>>
      %dma_start3A_1937 = arith.constant 0 : i32
      %dma_start3A_1938 = arith.constant 0 : i32
      %dma_start3A_1939 = tpu.memref_slice %arg9[%select_n3A_1526, %dma_start3A_1937, %dma_start3A_1938] : memref<3x4x64xi32, #tpu.memory_space<vmem>> -> memref<1x4x64xi32, #tpu.memory_space<vmem>>
      %dma_start3A_1940 = tpu.memref_squeeze %dma_start3A_1939 : memref<1x4x64xi32, #tpu.memory_space<vmem>> -> memref<4x64xi32, #tpu.memory_space<vmem>>
      %dma_start3A_1941 = arith.constant 0 : i32
      %dma_start3A_1942 = arith.constant 0 : i32
      %dma_start3A_1943 = arith.constant 0 : i32
      %dma_start3A_1944 = tpu.memref_slice %arg4[%arg1, %dma_start3A_1941, %dma_start3A_1942, %dma_start3A_1943] : memref<16x80x4x64xi32, #tpu.memory_space<hbm>> -> memref<1x80x4x64xi32, #tpu.memory_space<hbm>>
      %dma_start3A_1945 = tpu.memref_squeeze %dma_start3A_1944 : memref<1x80x4x64xi32, #tpu.memory_space<hbm>> -> memref<80x4x64xi32, #tpu.memory_space<hbm>>
      %dma_start3A_1946 = arith.constant 0 : i32
      %dma_start3A_1947 = arith.constant 0 : i32
      %dma_start3A_1948 = tpu.memref_slice %dma_start3A_1945[%min3A_1897, %dma_start3A_1946, %dma_start3A_1947] : memref<80x4x64xi32, #tpu.memory_space<hbm>> -> memref<1x4x64xi32, #tpu.memory_space<hbm>>
      %dma_start3A_1949 = tpu.memref_squeeze %dma_start3A_1948 : memref<1x4x64xi32, #tpu.memory_space<hbm>> -> memref<4x64xi32, #tpu.memory_space<hbm>>
      tpu.enqueue_dma source(%dma_start3A_1949 : memref<4x64xi32, #tpu.memory_space<hbm>>) target(%dma_start3A_1940 : memref<4x64xi32, #tpu.memory_space<vmem>>) target_semaphore(%arg15 : memref<!tpu.dma_semaphore, #tpu.memory_space<semaphore_mem>>)
    }
    %scan3A_1217 = arith.constant 79 : i32
    %dma_wait3A_1218 = arith.constant 4 : i32
    %dma_wait3A_1219 = arith.constant 0 : i32
    %dma_wait3A_1220 = arith.constant 0 : i32
    %dma_wait3A_1221 = arith.constant 4 : i32
    %dma_wait3A_1222 = arith.constant 0 : i32
    %dma_wait3A_1223 = arith.constant 0 : i32
    %dma_wait3A_1224 = tpu.memref_slice %arg10[%dma_wait3A_1218, %dma_wait3A_1222, %dma_wait3A_1223] : memref<8x64x64xf32, #tpu.memory_space<vmem>> -> memref<1x64x64xf32, #tpu.memory_space<vmem>>
    %dma_wait3A_1225 = tpu.memref_squeeze %dma_wait3A_1224 : memref<1x64x64xf32, #tpu.memory_space<vmem>> -> memref<64x64xf32, #tpu.memory_space<vmem>>
    %dma_wait3A_1226 = arith.constant 0 : i32
    %dma_wait3A_1227 = arith.constant 0 : i32
    %dma_wait3A_1228 = tpu.memref_slice %arg9[%dma_wait3A_1219, %dma_wait3A_1226, %dma_wait3A_1227] : memref<3x4x64xi32, #tpu.memory_space<vmem>> -> memref<1x4x64xi32, #tpu.memory_space<vmem>>
    %dma_wait3A_1229 = tpu.memref_squeeze %dma_wait3A_1228 : memref<1x4x64xi32, #tpu.memory_space<vmem>> -> memref<4x64xi32, #tpu.memory_space<vmem>>
    %dma_wait3A_1230 = arith.constant 0 : i32
    %dma_wait3A_1231 = tpu.memref_slice %dma_wait3A_1229[%dma_wait3A_1220, %dma_wait3A_1230] : memref<4x64xi32, #tpu.memory_space<vmem>> -> memref<1x64xi32, #tpu.memory_space<vmem>>
    %dma_wait3A_1232 = tpu.memref_squeeze %dma_wait3A_1231 : memref<1x64xi32, #tpu.memory_space<vmem>> -> memref<64xi32, #tpu.memory_space<vmem>>
    %dma_wait3A_1233 = arith.constant 0 : i32
    %dma_wait3A_1234 = arith.constant 0 : i32
    %dma_wait3A_1235 = tpu.memref_slice %arg11[%dma_wait3A_1233, %dma_wait3A_1234] : memref<10112x64xf32, #tpu.memory_space<vmem_shared>> -> memref<10112x64xf32, #tpu.memory_space<vmem_shared>>
    %dma_wait3A_1236 = tpu.memref_slice %arg14[%dma_wait3A_1221] : memref<8x!tpu.dma_semaphore, #tpu.memory_space<semaphore_mem>> -> memref<1x!tpu.dma_semaphore, #tpu.memory_space<semaphore_mem>>
    %dma_wait3A_1237 = tpu.memref_squeeze %dma_wait3A_1236 : memref<1x!tpu.dma_semaphore, #tpu.memory_space<semaphore_mem>> -> memref<!tpu.dma_semaphore, #tpu.memory_space<semaphore_mem>>
    tpu.wait_indirect_dma semaphore(%dma_wait3A_1237 : memref<!tpu.dma_semaphore, #tpu.memory_space<semaphore_mem>>) src(%dma_wait3A_1225 : memref<64x64xf32, #tpu.memory_space<vmem>>) dst(%dma_wait3A_1235 : memref<10112x64xf32, #tpu.memory_space<vmem_shared>>)
    %dma_wait3A_1238 = arith.constant 5 : i32
    %dma_wait3A_1239 = arith.constant 0 : i32
    %dma_wait3A_1240 = arith.constant 0 : i32
    %dma_wait3A_1241 = arith.constant 5 : i32
    %dma_wait3A_1242 = arith.constant 0 : i32
    %dma_wait3A_1243 = arith.constant 0 : i32
    %dma_wait3A_1244 = tpu.memref_slice %arg10[%dma_wait3A_1238, %dma_wait3A_1242, %dma_wait3A_1243] : memref<8x64x64xf32, #tpu.memory_space<vmem>> -> memref<1x64x64xf32, #tpu.memory_space<vmem>>
    %dma_wait3A_1245 = tpu.memref_squeeze %dma_wait3A_1244 : memref<1x64x64xf32, #tpu.memory_space<vmem>> -> memref<64x64xf32, #tpu.memory_space<vmem>>
    %dma_wait3A_1246 = arith.constant 0 : i32
    %dma_wait3A_1247 = arith.constant 0 : i32
    %dma_wait3A_1248 = tpu.memref_slice %arg9[%dma_wait3A_1239, %dma_wait3A_1246, %dma_wait3A_1247] : memref<3x4x64xi32, #tpu.memory_space<vmem>> -> memref<1x4x64xi32, #tpu.memory_space<vmem>>
    %dma_wait3A_1249 = tpu.memref_squeeze %dma_wait3A_1248 : memref<1x4x64xi32, #tpu.memory_space<vmem>> -> memref<4x64xi32, #tpu.memory_space<vmem>>
    %dma_wait3A_1250 = arith.constant 0 : i32
    %dma_wait3A_1251 = tpu.memref_slice %dma_wait3A_1249[%dma_wait3A_1240, %dma_wait3A_1250] : memref<4x64xi32, #tpu.memory_space<vmem>> -> memref<1x64xi32, #tpu.memory_space<vmem>>
    %dma_wait3A_1252 = tpu.memref_squeeze %dma_wait3A_1251 : memref<1x64xi32, #tpu.memory_space<vmem>> -> memref<64xi32, #tpu.memory_space<vmem>>
    %dma_wait3A_1253 = arith.constant 0 : i32
    %dma_wait3A_1254 = arith.constant 0 : i32
    %dma_wait3A_1255 = tpu.memref_slice %arg11[%dma_wait3A_1253, %dma_wait3A_1254] : memref<10112x64xf32, #tpu.memory_space<vmem_shared>> -> memref<10112x64xf32, #tpu.memory_space<vmem_shared>>
    %dma_wait3A_1256 = tpu.memref_slice %arg14[%dma_wait3A_1241] : memref<8x!tpu.dma_semaphore, #tpu.memory_space<semaphore_mem>> -> memref<1x!tpu.dma_semaphore, #tpu.memory_space<semaphore_mem>>
    %dma_wait3A_1257 = tpu.memref_squeeze %dma_wait3A_1256 : memref<1x!tpu.dma_semaphore, #tpu.memory_space<semaphore_mem>> -> memref<!tpu.dma_semaphore, #tpu.memory_space<semaphore_mem>>
    tpu.wait_indirect_dma semaphore(%dma_wait3A_1257 : memref<!tpu.dma_semaphore, #tpu.memory_space<semaphore_mem>>) src(%dma_wait3A_1245 : memref<64x64xf32, #tpu.memory_space<vmem>>) dst(%dma_wait3A_1255 : memref<10112x64xf32, #tpu.memory_space<vmem_shared>>)
    %dma_wait3A_1258 = arith.constant 6 : i32
    %dma_wait3A_1259 = arith.constant 0 : i32
    %dma_wait3A_1260 = arith.constant 0 : i32
    %dma_wait3A_1261 = arith.constant 6 : i32
    %dma_wait3A_1262 = arith.constant 0 : i32
    %dma_wait3A_1263 = arith.constant 0 : i32
    %dma_wait3A_1264 = tpu.memref_slice %arg10[%dma_wait3A_1258, %dma_wait3A_1262, %dma_wait3A_1263] : memref<8x64x64xf32, #tpu.memory_space<vmem>> -> memref<1x64x64xf32, #tpu.memory_space<vmem>>
    %dma_wait3A_1265 = tpu.memref_squeeze %dma_wait3A_1264 : memref<1x64x64xf32, #tpu.memory_space<vmem>> -> memref<64x64xf32, #tpu.memory_space<vmem>>
    %dma_wait3A_1266 = arith.constant 0 : i32
    %dma_wait3A_1267 = arith.constant 0 : i32
    %dma_wait3A_1268 = tpu.memref_slice %arg9[%dma_wait3A_1259, %dma_wait3A_1266, %dma_wait3A_1267] : memref<3x4x64xi32, #tpu.memory_space<vmem>> -> memref<1x4x64xi32, #tpu.memory_space<vmem>>
    %dma_wait3A_1269 = tpu.memref_squeeze %dma_wait3A_1268 : memref<1x4x64xi32, #tpu.memory_space<vmem>> -> memref<4x64xi32, #tpu.memory_space<vmem>>
    %dma_wait3A_1270 = arith.constant 0 : i32
    %dma_wait3A_1271 = tpu.memref_slice %dma_wait3A_1269[%dma_wait3A_1260, %dma_wait3A_1270] : memref<4x64xi32, #tpu.memory_space<vmem>> -> memref<1x64xi32, #tpu.memory_space<vmem>>
    %dma_wait3A_1272 = tpu.memref_squeeze %dma_wait3A_1271 : memref<1x64xi32, #tpu.memory_space<vmem>> -> memref<64xi32, #tpu.memory_space<vmem>>
    %dma_wait3A_1273 = arith.constant 0 : i32
    %dma_wait3A_1274 = arith.constant 0 : i32
    %dma_wait3A_1275 = tpu.memref_slice %arg11[%dma_wait3A_1273, %dma_wait3A_1274] : memref<10112x64xf32, #tpu.memory_space<vmem_shared>> -> memref<10112x64xf32, #tpu.memory_space<vmem_shared>>
    %dma_wait3A_1276 = tpu.memref_slice %arg14[%dma_wait3A_1261] : memref<8x!tpu.dma_semaphore, #tpu.memory_space<semaphore_mem>> -> memref<1x!tpu.dma_semaphore, #tpu.memory_space<semaphore_mem>>
    %dma_wait3A_1277 = tpu.memref_squeeze %dma_wait3A_1276 : memref<1x!tpu.dma_semaphore, #tpu.memory_space<semaphore_mem>> -> memref<!tpu.dma_semaphore, #tpu.memory_space<semaphore_mem>>
    tpu.wait_indirect_dma semaphore(%dma_wait3A_1277 : memref<!tpu.dma_semaphore, #tpu.memory_space<semaphore_mem>>) src(%dma_wait3A_1265 : memref<64x64xf32, #tpu.memory_space<vmem>>) dst(%dma_wait3A_1275 : memref<10112x64xf32, #tpu.memory_space<vmem_shared>>)
    %dma_wait3A_1278 = arith.constant 7 : i32
    %dma_wait3A_1279 = arith.constant 0 : i32
    %dma_wait3A_1280 = arith.constant 0 : i32
    %dma_wait3A_1281 = arith.constant 7 : i32
    %dma_wait3A_1282 = arith.constant 0 : i32
    %dma_wait3A_1283 = arith.constant 0 : i32
    %dma_wait3A_1284 = tpu.memref_slice %arg10[%dma_wait3A_1278, %dma_wait3A_1282, %dma_wait3A_1283] : memref<8x64x64xf32, #tpu.memory_space<vmem>> -> memref<1x64x64xf32, #tpu.memory_space<vmem>>
    %dma_wait3A_1285 = tpu.memref_squeeze %dma_wait3A_1284 : memref<1x64x64xf32, #tpu.memory_space<vmem>> -> memref<64x64xf32, #tpu.memory_space<vmem>>
    %dma_wait3A_1286 = arith.constant 0 : i32
    %dma_wait3A_1287 = arith.constant 0 : i32
    %dma_wait3A_1288 = tpu.memref_slice %arg9[%dma_wait3A_1279, %dma_wait3A_1286, %dma_wait3A_1287] : memref<3x4x64xi32, #tpu.memory_space<vmem>> -> memref<1x4x64xi32, #tpu.memory_space<vmem>>
    %dma_wait3A_1289 = tpu.memref_squeeze %dma_wait3A_1288 : memref<1x4x64xi32, #tpu.memory_space<vmem>> -> memref<4x64xi32, #tpu.memory_space<vmem>>
    %dma_wait3A_1290 = arith.constant 0 : i32
    %dma_wait3A_1291 = tpu.memref_slice %dma_wait3A_1289[%dma_wait3A_1280, %dma_wait3A_1290] : memref<4x64xi32, #tpu.memory_space<vmem>> -> memref<1x64xi32, #tpu.memory_space<vmem>>
    %dma_wait3A_1292 = tpu.memref_squeeze %dma_wait3A_1291 : memref<1x64xi32, #tpu.memory_space<vmem>> -> memref<64xi32, #tpu.memory_space<vmem>>
    %dma_wait3A_1293 = arith.constant 0 : i32
    %dma_wait3A_1294 = arith.constant 0 : i32
    %dma_wait3A_1295 = tpu.memref_slice %arg11[%dma_wait3A_1293, %dma_wait3A_1294] : memref<10112x64xf32, #tpu.memory_space<vmem_shared>> -> memref<10112x64xf32, #tpu.memory_space<vmem_shared>>
    %dma_wait3A_1296 = tpu.memref_slice %arg14[%dma_wait3A_1281] : memref<8x!tpu.dma_semaphore, #tpu.memory_space<semaphore_mem>> -> memref<1x!tpu.dma_semaphore, #tpu.memory_space<semaphore_mem>>
    %dma_wait3A_1297 = tpu.memref_squeeze %dma_wait3A_1296 : memref<1x!tpu.dma_semaphore, #tpu.memory_space<semaphore_mem>> -> memref<!tpu.dma_semaphore, #tpu.memory_space<semaphore_mem>>
    tpu.wait_indirect_dma semaphore(%dma_wait3A_1297 : memref<!tpu.dma_semaphore, #tpu.memory_space<semaphore_mem>>) src(%dma_wait3A_1285 : memref<64x64xf32, #tpu.memory_space<vmem>>) dst(%dma_wait3A_1295 : memref<10112x64xf32, #tpu.memory_space<vmem_shared>>)
    %dma_wait3A_1298 = arith.constant 0 : i32
    %dma_wait3A_1299 = arith.constant 0 : i32
    %dma_wait3A_1300 = arith.constant 0 : i32
    %dma_wait3A_1301 = arith.constant 0 : i32
    %dma_wait3A_1302 = arith.constant 0 : i32
    %dma_wait3A_1303 = arith.constant 0 : i32
    %dma_wait3A_1304 = tpu.memref_slice %arg10[%dma_wait3A_1300, %dma_wait3A_1302, %dma_wait3A_1303] : memref<8x64x64xf32, #tpu.memory_space<vmem>> -> memref<1x64x64xf32, #tpu.memory_space<vmem>>
    %dma_wait3A_1305 = tpu.memref_squeeze %dma_wait3A_1304 : memref<1x64x64xf32, #tpu.memory_space<vmem>> -> memref<64x64xf32, #tpu.memory_space<vmem>>
    %dma_wait3A_1306 = arith.constant 0 : i32
    %dma_wait3A_1307 = arith.constant 0 : i32
    %dma_wait3A_1308 = tpu.memref_slice %arg8[%dma_wait3A_1298, %dma_wait3A_1306, %dma_wait3A_1307] : memref<3x4x64xi32, #tpu.memory_space<vmem>> -> memref<1x4x64xi32, #tpu.memory_space<vmem>>
    %dma_wait3A_1309 = tpu.memref_squeeze %dma_wait3A_1308 : memref<1x4x64xi32, #tpu.memory_space<vmem>> -> memref<4x64xi32, #tpu.memory_space<vmem>>
    %dma_wait3A_1310 = arith.constant 0 : i32
    %dma_wait3A_1311 = tpu.memref_slice %dma_wait3A_1309[%dma_wait3A_1299, %dma_wait3A_1310] : memref<4x64xi32, #tpu.memory_space<vmem>> -> memref<1x64xi32, #tpu.memory_space<vmem>>
    %dma_wait3A_1312 = tpu.memref_squeeze %dma_wait3A_1311 : memref<1x64xi32, #tpu.memory_space<vmem>> -> memref<64xi32, #tpu.memory_space<vmem>>
    %dma_wait3A_1313 = arith.constant 0 : i32
    %dma_wait3A_1314 = arith.constant 0 : i32
    %dma_wait3A_1315 = tpu.memref_slice %arg12[%dma_wait3A_1313, %dma_wait3A_1314] : memref<10112x64xf32, #tpu.memory_space<vmem_shared>> -> memref<10112x64xf32, #tpu.memory_space<vmem_shared>>
    %dma_wait3A_1316 = tpu.memref_slice %arg13[%dma_wait3A_1301] : memref<8x!tpu.dma_semaphore, #tpu.memory_space<semaphore_mem>> -> memref<1x!tpu.dma_semaphore, #tpu.memory_space<semaphore_mem>>
    %dma_wait3A_1317 = tpu.memref_squeeze %dma_wait3A_1316 : memref<1x!tpu.dma_semaphore, #tpu.memory_space<semaphore_mem>> -> memref<!tpu.dma_semaphore, #tpu.memory_space<semaphore_mem>>
    tpu.wait_indirect_dma semaphore(%dma_wait3A_1317 : memref<!tpu.dma_semaphore, #tpu.memory_space<semaphore_mem>>) src(%dma_wait3A_1315 : memref<10112x64xf32, #tpu.memory_space<vmem_shared>>) dst(%dma_wait3A_1305 : memref<64x64xf32, #tpu.memory_space<vmem>>)
    %dma_wait3A_1318 = arith.constant 0 : i32
    %dma_wait3A_1319 = arith.constant 0 : i32
    %dma_wait3A_1320 = arith.constant 1 : i32
    %dma_wait3A_1321 = arith.constant 1 : i32
    %dma_wait3A_1322 = arith.constant 0 : i32
    %dma_wait3A_1323 = arith.constant 0 : i32
    %dma_wait3A_1324 = tpu.memref_slice %arg10[%dma_wait3A_1320, %dma_wait3A_1322, %dma_wait3A_1323] : memref<8x64x64xf32, #tpu.memory_space<vmem>> -> memref<1x64x64xf32, #tpu.memory_space<vmem>>
    %dma_wait3A_1325 = tpu.memref_squeeze %dma_wait3A_1324 : memref<1x64x64xf32, #tpu.memory_space<vmem>> -> memref<64x64xf32, #tpu.memory_space<vmem>>
    %dma_wait3A_1326 = arith.constant 0 : i32
    %dma_wait3A_1327 = arith.constant 0 : i32
    %dma_wait3A_1328 = tpu.memref_slice %arg8[%dma_wait3A_1318, %dma_wait3A_1326, %dma_wait3A_1327] : memref<3x4x64xi32, #tpu.memory_space<vmem>> -> memref<1x4x64xi32, #tpu.memory_space<vmem>>
    %dma_wait3A_1329 = tpu.memref_squeeze %dma_wait3A_1328 : memref<1x4x64xi32, #tpu.memory_space<vmem>> -> memref<4x64xi32, #tpu.memory_space<vmem>>
    %dma_wait3A_1330 = arith.constant 0 : i32
    %dma_wait3A_1331 = tpu.memref_slice %dma_wait3A_1329[%dma_wait3A_1319, %dma_wait3A_1330] : memref<4x64xi32, #tpu.memory_space<vmem>> -> memref<1x64xi32, #tpu.memory_space<vmem>>
    %dma_wait3A_1332 = tpu.memref_squeeze %dma_wait3A_1331 : memref<1x64xi32, #tpu.memory_space<vmem>> -> memref<64xi32, #tpu.memory_space<vmem>>
    %dma_wait3A_1333 = arith.constant 0 : i32
    %dma_wait3A_1334 = arith.constant 0 : i32
    %dma_wait3A_1335 = tpu.memref_slice %arg12[%dma_wait3A_1333, %dma_wait3A_1334] : memref<10112x64xf32, #tpu.memory_space<vmem_shared>> -> memref<10112x64xf32, #tpu.memory_space<vmem_shared>>
    %dma_wait3A_1336 = tpu.memref_slice %arg13[%dma_wait3A_1321] : memref<8x!tpu.dma_semaphore, #tpu.memory_space<semaphore_mem>> -> memref<1x!tpu.dma_semaphore, #tpu.memory_space<semaphore_mem>>
    %dma_wait3A_1337 = tpu.memref_squeeze %dma_wait3A_1336 : memref<1x!tpu.dma_semaphore, #tpu.memory_space<semaphore_mem>> -> memref<!tpu.dma_semaphore, #tpu.memory_space<semaphore_mem>>
    tpu.wait_indirect_dma semaphore(%dma_wait3A_1337 : memref<!tpu.dma_semaphore, #tpu.memory_space<semaphore_mem>>) src(%dma_wait3A_1335 : memref<10112x64xf32, #tpu.memory_space<vmem_shared>>) dst(%dma_wait3A_1325 : memref<64x64xf32, #tpu.memory_space<vmem>>)
    %dma_wait3A_1338 = arith.constant 0 : i32
    %dma_wait3A_1339 = arith.constant 0 : i32
    %dma_wait3A_1340 = arith.constant 2 : i32
    %dma_wait3A_1341 = arith.constant 2 : i32
    %dma_wait3A_1342 = arith.constant 0 : i32
    %dma_wait3A_1343 = arith.constant 0 : i32
    %dma_wait3A_1344 = tpu.memref_slice %arg10[%dma_wait3A_1340, %dma_wait3A_1342, %dma_wait3A_1343] : memref<8x64x64xf32, #tpu.memory_space<vmem>> -> memref<1x64x64xf32, #tpu.memory_space<vmem>>
    %dma_wait3A_1345 = tpu.memref_squeeze %dma_wait3A_1344 : memref<1x64x64xf32, #tpu.memory_space<vmem>> -> memref<64x64xf32, #tpu.memory_space<vmem>>
    %dma_wait3A_1346 = arith.constant 0 : i32
    %dma_wait3A_1347 = arith.constant 0 : i32
    %dma_wait3A_1348 = tpu.memref_slice %arg8[%dma_wait3A_1338, %dma_wait3A_1346, %dma_wait3A_1347] : memref<3x4x64xi32, #tpu.memory_space<vmem>> -> memref<1x4x64xi32, #tpu.memory_space<vmem>>
    %dma_wait3A_1349 = tpu.memref_squeeze %dma_wait3A_1348 : memref<1x4x64xi32, #tpu.memory_space<vmem>> -> memref<4x64xi32, #tpu.memory_space<vmem>>
    %dma_wait3A_1350 = arith.constant 0 : i32
    %dma_wait3A_1351 = tpu.memref_slice %dma_wait3A_1349[%dma_wait3A_1339, %dma_wait3A_1350] : memref<4x64xi32, #tpu.memory_space<vmem>> -> memref<1x64xi32, #tpu.memory_space<vmem>>
    %dma_wait3A_1352 = tpu.memref_squeeze %dma_wait3A_1351 : memref<1x64xi32, #tpu.memory_space<vmem>> -> memref<64xi32, #tpu.memory_space<vmem>>
    %dma_wait3A_1353 = arith.constant 0 : i32
    %dma_wait3A_1354 = arith.constant 0 : i32
    %dma_wait3A_1355 = tpu.memref_slice %arg12[%dma_wait3A_1353, %dma_wait3A_1354] : memref<10112x64xf32, #tpu.memory_space<vmem_shared>> -> memref<10112x64xf32, #tpu.memory_space<vmem_shared>>
    %dma_wait3A_1356 = tpu.memref_slice %arg13[%dma_wait3A_1341] : memref<8x!tpu.dma_semaphore, #tpu.memory_space<semaphore_mem>> -> memref<1x!tpu.dma_semaphore, #tpu.memory_space<semaphore_mem>>
    %dma_wait3A_1357 = tpu.memref_squeeze %dma_wait3A_1356 : memref<1x!tpu.dma_semaphore, #tpu.memory_space<semaphore_mem>> -> memref<!tpu.dma_semaphore, #tpu.memory_space<semaphore_mem>>
    tpu.wait_indirect_dma semaphore(%dma_wait3A_1357 : memref<!tpu.dma_semaphore, #tpu.memory_space<semaphore_mem>>) src(%dma_wait3A_1355 : memref<10112x64xf32, #tpu.memory_space<vmem_shared>>) dst(%dma_wait3A_1345 : memref<64x64xf32, #tpu.memory_space<vmem>>)
    %dma_wait3A_1358 = arith.constant 0 : i32
    %dma_wait3A_1359 = arith.constant 0 : i32
    %dma_wait3A_1360 = arith.constant 3 : i32
    %dma_wait3A_1361 = arith.constant 3 : i32
    %dma_wait3A_1362 = arith.constant 0 : i32
    %dma_wait3A_1363 = arith.constant 0 : i32
    %dma_wait3A_1364 = tpu.memref_slice %arg10[%dma_wait3A_1360, %dma_wait3A_1362, %dma_wait3A_1363] : memref<8x64x64xf32, #tpu.memory_space<vmem>> -> memref<1x64x64xf32, #tpu.memory_space<vmem>>
    %dma_wait3A_1365 = tpu.memref_squeeze %dma_wait3A_1364 : memref<1x64x64xf32, #tpu.memory_space<vmem>> -> memref<64x64xf32, #tpu.memory_space<vmem>>
    %dma_wait3A_1366 = arith.constant 0 : i32
    %dma_wait3A_1367 = arith.constant 0 : i32
    %dma_wait3A_1368 = tpu.memref_slice %arg8[%dma_wait3A_1358, %dma_wait3A_1366, %dma_wait3A_1367] : memref<3x4x64xi32, #tpu.memory_space<vmem>> -> memref<1x4x64xi32, #tpu.memory_space<vmem>>
    %dma_wait3A_1369 = tpu.memref_squeeze %dma_wait3A_1368 : memref<1x4x64xi32, #tpu.memory_space<vmem>> -> memref<4x64xi32, #tpu.memory_space<vmem>>
    %dma_wait3A_1370 = arith.constant 0 : i32
    %dma_wait3A_1371 = tpu.memref_slice %dma_wait3A_1369[%dma_wait3A_1359, %dma_wait3A_1370] : memref<4x64xi32, #tpu.memory_space<vmem>> -> memref<1x64xi32, #tpu.memory_space<vmem>>
    %dma_wait3A_1372 = tpu.memref_squeeze %dma_wait3A_1371 : memref<1x64xi32, #tpu.memory_space<vmem>> -> memref<64xi32, #tpu.memory_space<vmem>>
    %dma_wait3A_1373 = arith.constant 0 : i32
    %dma_wait3A_1374 = arith.constant 0 : i32
    %dma_wait3A_1375 = tpu.memref_slice %arg12[%dma_wait3A_1373, %dma_wait3A_1374] : memref<10112x64xf32, #tpu.memory_space<vmem_shared>> -> memref<10112x64xf32, #tpu.memory_space<vmem_shared>>
    %dma_wait3A_1376 = tpu.memref_slice %arg13[%dma_wait3A_1361] : memref<8x!tpu.dma_semaphore, #tpu.memory_space<semaphore_mem>> -> memref<1x!tpu.dma_semaphore, #tpu.memory_space<semaphore_mem>>
    %dma_wait3A_1377 = tpu.memref_squeeze %dma_wait3A_1376 : memref<1x!tpu.dma_semaphore, #tpu.memory_space<semaphore_mem>> -> memref<!tpu.dma_semaphore, #tpu.memory_space<semaphore_mem>>
    tpu.wait_indirect_dma semaphore(%dma_wait3A_1377 : memref<!tpu.dma_semaphore, #tpu.memory_space<semaphore_mem>>) src(%dma_wait3A_1375 : memref<10112x64xf32, #tpu.memory_space<vmem_shared>>) dst(%dma_wait3A_1365 : memref<64x64xf32, #tpu.memory_space<vmem>>)
    %dma_wait3A_1378 = arith.constant 0 : i32
    %dma_wait3A_1379 = arith.constant 0 : i32
    %dma_wait3A_1380 = arith.constant 0 : i32
    %dma_wait3A_1381 = arith.constant 0 : i32
    %dma_wait3A_1382 = tpu.memref_slice %arg8[%dma_wait3A_1379, %dma_wait3A_1380, %dma_wait3A_1381] : memref<3x4x64xi32, #tpu.memory_space<vmem>> -> memref<1x4x64xi32, #tpu.memory_space<vmem>>
    %dma_wait3A_1383 = tpu.memref_squeeze %dma_wait3A_1382 : memref<1x4x64xi32, #tpu.memory_space<vmem>> -> memref<4x64xi32, #tpu.memory_space<vmem>>
    %dma_wait3A_1384 = arith.constant 0 : i32
    %dma_wait3A_1385 = arith.constant 0 : i32
    %dma_wait3A_1386 = arith.constant 0 : i32
    %dma_wait3A_1387 = tpu.memref_slice %arg5[%arg1, %dma_wait3A_1384, %dma_wait3A_1385, %dma_wait3A_1386] : memref<16x80x4x64xi32, #tpu.memory_space<hbm>> -> memref<1x80x4x64xi32, #tpu.memory_space<hbm>>
    %dma_wait3A_1388 = tpu.memref_squeeze %dma_wait3A_1387 : memref<1x80x4x64xi32, #tpu.memory_space<hbm>> -> memref<80x4x64xi32, #tpu.memory_space<hbm>>
    %dma_wait3A_1389 = arith.constant 0 : i32
    %dma_wait3A_1390 = arith.constant 0 : i32
    %dma_wait3A_1391 = tpu.memref_slice %dma_wait3A_1388[%dma_wait3A_1378, %dma_wait3A_1389, %dma_wait3A_1390] : memref<80x4x64xi32, #tpu.memory_space<hbm>> -> memref<1x4x64xi32, #tpu.memory_space<hbm>>
    %dma_wait3A_1392 = tpu.memref_squeeze %dma_wait3A_1391 : memref<1x4x64xi32, #tpu.memory_space<hbm>> -> memref<4x64xi32, #tpu.memory_space<hbm>>
    %dma_wait3A_1393 = arith.constant 0 : i32
    %dma_wait3A_1394 = arith.constant 0 : i32
    %dma_wait3A_1395 = tpu.memref_slice %arg8[%dma_wait3A_1379, %dma_wait3A_1393, %dma_wait3A_1394] : memref<3x4x64xi32, #tpu.memory_space<vmem>> -> memref<1x4x64xi32, #tpu.memory_space<vmem>>
    %dma_wait3A_1396 = tpu.memref_squeeze %dma_wait3A_1395 : memref<1x4x64xi32, #tpu.memory_space<vmem>> -> memref<4x64xi32, #tpu.memory_space<vmem>>
    %dma_wait3A_1397 = arith.constant 0 : i32
    %dma_wait3A_1398 = arith.constant 0 : i32
    %dma_wait3A_1399 = arith.constant 0 : i32
    %dma_wait3A_1400 = tpu.memref_slice %arg5[%arg1, %dma_wait3A_1397, %dma_wait3A_1398, %dma_wait3A_1399] : memref<16x80x4x64xi32, #tpu.memory_space<hbm>> -> memref<1x80x4x64xi32, #tpu.memory_space<hbm>>
    %dma_wait3A_1401 = tpu.memref_squeeze %dma_wait3A_1400 : memref<1x80x4x64xi32, #tpu.memory_space<hbm>> -> memref<80x4x64xi32, #tpu.memory_space<hbm>>
    %dma_wait3A_1402 = arith.constant 0 : i32
    %dma_wait3A_1403 = arith.constant 0 : i32
    %dma_wait3A_1404 = tpu.memref_slice %dma_wait3A_1401[%dma_wait3A_1378, %dma_wait3A_1402, %dma_wait3A_1403] : memref<80x4x64xi32, #tpu.memory_space<hbm>> -> memref<1x4x64xi32, #tpu.memory_space<hbm>>
    %dma_wait3A_1405 = tpu.memref_squeeze %dma_wait3A_1404 : memref<1x4x64xi32, #tpu.memory_space<hbm>> -> memref<4x64xi32, #tpu.memory_space<hbm>>
    tpu.wait_dma2 semaphore(%arg15 : memref<!tpu.dma_semaphore, #tpu.memory_space<semaphore_mem>>) src(%dma_wait3A_1405 : memref<4x64xi32, #tpu.memory_space<hbm>>) dst(%dma_wait3A_1396 : memref<4x64xi32, #tpu.memory_space<vmem>>)
    %dma_wait3A_1406 = arith.constant 0 : i32
    %dma_wait3A_1407 = arith.constant 0 : i32
    %dma_wait3A_1408 = arith.constant 0 : i32
    %dma_wait3A_1409 = arith.constant 0 : i32
    %dma_wait3A_1410 = tpu.memref_slice %arg8[%dma_wait3A_1407, %dma_wait3A_1408, %dma_wait3A_1409] : memref<3x4x64xi32, #tpu.memory_space<vmem>> -> memref<1x4x64xi32, #tpu.memory_space<vmem>>
    %dma_wait3A_1411 = tpu.memref_squeeze %dma_wait3A_1410 : memref<1x4x64xi32, #tpu.memory_space<vmem>> -> memref<4x64xi32, #tpu.memory_space<vmem>>
    %dma_wait3A_1412 = arith.constant 0 : i32
    %dma_wait3A_1413 = arith.constant 0 : i32
    %dma_wait3A_1414 = arith.constant 0 : i32
    %dma_wait3A_1415 = tpu.memref_slice %arg5[%arg1, %dma_wait3A_1412, %dma_wait3A_1413, %dma_wait3A_1414] : memref<16x80x4x64xi32, #tpu.memory_space<hbm>> -> memref<1x80x4x64xi32, #tpu.memory_space<hbm>>
    %dma_wait3A_1416 = tpu.memref_squeeze %dma_wait3A_1415 : memref<1x80x4x64xi32, #tpu.memory_space<hbm>> -> memref<80x4x64xi32, #tpu.memory_space<hbm>>
    %dma_wait3A_1417 = arith.constant 0 : i32
    %dma_wait3A_1418 = arith.constant 0 : i32
    %dma_wait3A_1419 = tpu.memref_slice %dma_wait3A_1416[%dma_wait3A_1406, %dma_wait3A_1417, %dma_wait3A_1418] : memref<80x4x64xi32, #tpu.memory_space<hbm>> -> memref<1x4x64xi32, #tpu.memory_space<hbm>>
    %dma_wait3A_1420 = tpu.memref_squeeze %dma_wait3A_1419 : memref<1x4x64xi32, #tpu.memory_space<hbm>> -> memref<4x64xi32, #tpu.memory_space<hbm>>
    %dma_wait3A_1421 = arith.constant 0 : i32
    %dma_wait3A_1422 = arith.constant 0 : i32
    %dma_wait3A_1423 = tpu.memref_slice %arg8[%dma_wait3A_1407, %dma_wait3A_1421, %dma_wait3A_1422] : memref<3x4x64xi32, #tpu.memory_space<vmem>> -> memref<1x4x64xi32, #tpu.memory_space<vmem>>
    %dma_wait3A_1424 = tpu.memref_squeeze %dma_wait3A_1423 : memref<1x4x64xi32, #tpu.memory_space<vmem>> -> memref<4x64xi32, #tpu.memory_space<vmem>>
    %dma_wait3A_1425 = arith.constant 0 : i32
    %dma_wait3A_1426 = arith.constant 0 : i32
    %dma_wait3A_1427 = arith.constant 0 : i32
    %dma_wait3A_1428 = tpu.memref_slice %arg5[%arg1, %dma_wait3A_1425, %dma_wait3A_1426, %dma_wait3A_1427] : memref<16x80x4x64xi32, #tpu.memory_space<hbm>> -> memref<1x80x4x64xi32, #tpu.memory_space<hbm>>
    %dma_wait3A_1429 = tpu.memref_squeeze %dma_wait3A_1428 : memref<1x80x4x64xi32, #tpu.memory_space<hbm>> -> memref<80x4x64xi32, #tpu.memory_space<hbm>>
    %dma_wait3A_1430 = arith.constant 0 : i32
    %dma_wait3A_1431 = arith.constant 0 : i32
    %dma_wait3A_1432 = tpu.memref_slice %dma_wait3A_1429[%dma_wait3A_1406, %dma_wait3A_1430, %dma_wait3A_1431] : memref<80x4x64xi32, #tpu.memory_space<hbm>> -> memref<1x4x64xi32, #tpu.memory_space<hbm>>
    %dma_wait3A_1433 = tpu.memref_squeeze %dma_wait3A_1432 : memref<1x4x64xi32, #tpu.memory_space<hbm>> -> memref<4x64xi32, #tpu.memory_space<hbm>>
    tpu.wait_dma2 semaphore(%arg15 : memref<!tpu.dma_semaphore, #tpu.memory_space<semaphore_mem>>) src(%dma_wait3A_1433 : memref<4x64xi32, #tpu.memory_space<hbm>>) dst(%dma_wait3A_1424 : memref<4x64xi32, #tpu.memory_space<vmem>>)
    %barrier3A_1434 = arith.constant 0 : index
    tpu.barrier barrier_id(%barrier3A_1434)
    %mul3A_1435 = arith.constant 625 : i32
    %mul3A_1436 = arith.muli %arg1, %mul3A_1435 : i32
    %eq3A_1437 = arith.constant 0 : i32
    %eq3A_1438 = arith.cmpi eq, %arg0, %eq3A_1437 : i32
    %convert_element_type3A_1439 = arith.extui %eq3A_1438 : i1 to i32
    %cond3A_1440 = arith.constant 0 : i32
    %cond3A_1441 = arith.cmpi ne, %convert_element_type3A_1439, %cond3A_1440 : i32
    scf.if %cond3A_1441 {
      "tpu.region"() ({
        %run_scoped3A_1447 = tpu.sem_alloc : memref<!tpu.dma_semaphore, #tpu.memory_space<semaphore_mem>>
        %dma_start3A_1448 = arith.constant 0 : i32
        %dma_start3A_1449 = tpu.memref_slice %arg7[%mul3A_1436, %dma_start3A_1448] : memref<10000x128xf32, #tpu.memory_space<hbm>> -> memref<625x64xf32, #tpu.memory_space<hbm>>
        %dma_start3A_1450 = arith.constant 0 : i32
        %dma_start3A_1451 = tpu.memref_slice %arg11[%mul3A_1436, %dma_start3A_1450] : memref<10112x64xf32, #tpu.memory_space<vmem_shared>> -> memref<625x64xf32, #tpu.memory_space<vmem_shared>>
        tpu.enqueue_dma source(%dma_start3A_1451 : memref<625x64xf32, #tpu.memory_space<vmem_shared>>) target(%dma_start3A_1449 : memref<625x64xf32, #tpu.memory_space<hbm>>) target_semaphore(%run_scoped3A_1447 : memref<!tpu.dma_semaphore, #tpu.memory_space<semaphore_mem>>)
        %dma_wait3A_1452 = arith.constant 0 : i32
        %dma_wait3A_1453 = tpu.memref_slice %arg7[%mul3A_1436, %dma_wait3A_1452] : memref<10000x128xf32, #tpu.memory_space<hbm>> -> memref<625x64xf32, #tpu.memory_space<hbm>>
        %dma_wait3A_1454 = arith.constant 0 : i32
        %dma_wait3A_1455 = tpu.memref_slice %arg11[%mul3A_1436, %dma_wait3A_1454] : memref<10112x64xf32, #tpu.memory_space<vmem_shared>> -> memref<625x64xf32, #tpu.memory_space<vmem_shared>>
        tpu.wait_dma2 semaphore(%run_scoped3A_1447 : memref<!tpu.dma_semaphore, #tpu.memory_space<semaphore_mem>>) src(%dma_wait3A_1455 : memref<625x64xf32, #tpu.memory_space<vmem_shared>>) dst(%dma_wait3A_1453 : memref<625x64xf32, #tpu.memory_space<hbm>>)
        tpu.yield
      }) : () -> ()
    } else {
    }
    %eq3A_1442 = arith.constant 1 : i32
    %eq3A_1443 = arith.cmpi eq, %arg0, %eq3A_1442 : i32
    %convert_element_type3A_1444 = arith.extui %eq3A_1443 : i1 to i32
    %cond3A_1445 = arith.constant 0 : i32
    %cond3A_1446 = arith.cmpi ne, %convert_element_type3A_1444, %cond3A_1445 : i32
    scf.if %cond3A_1446 {
      "tpu.region"() ({
        %run_scoped3A_1447 = tpu.sem_alloc : memref<!tpu.dma_semaphore, #tpu.memory_space<semaphore_mem>>
        %dma_start3A_1448 = arith.constant 64 : i32
        %dma_start3A_1449 = tpu.memref_slice %arg7[%mul3A_1436, %dma_start3A_1448] : memref<10000x128xf32, #tpu.memory_space<hbm>> -> memref<625x64xf32, #tpu.memory_space<hbm>>
        %dma_start3A_1450 = arith.constant 0 : i32
        %dma_start3A_1451 = tpu.memref_slice %arg11[%mul3A_1436, %dma_start3A_1450] : memref<10112x64xf32, #tpu.memory_space<vmem_shared>> -> memref<625x64xf32, #tpu.memory_space<vmem_shared>>
        tpu.enqueue_dma source(%dma_start3A_1451 : memref<625x64xf32, #tpu.memory_space<vmem_shared>>) target(%dma_start3A_1449 : memref<625x64xf32, #tpu.memory_space<hbm>>) target_semaphore(%run_scoped3A_1447 : memref<!tpu.dma_semaphore, #tpu.memory_space<semaphore_mem>>)
        %dma_wait3A_1452 = arith.constant 64 : i32
        %dma_wait3A_1453 = tpu.memref_slice %arg7[%mul3A_1436, %dma_wait3A_1452] : memref<10000x128xf32, #tpu.memory_space<hbm>> -> memref<625x64xf32, #tpu.memory_space<hbm>>
        %dma_wait3A_1454 = arith.constant 0 : i32
        %dma_wait3A_1455 = tpu.memref_slice %arg11[%mul3A_1436, %dma_wait3A_1454] : memref<10112x64xf32, #tpu.memory_space<vmem_shared>> -> memref<625x64xf32, #tpu.memory_space<vmem_shared>>
        tpu.wait_dma2 semaphore(%run_scoped3A_1447 : memref<!tpu.dma_semaphore, #tpu.memory_space<semaphore_mem>>) src(%dma_wait3A_1455 : memref<625x64xf32, #tpu.memory_space<vmem_shared>>) dst(%dma_wait3A_1453 : memref<625x64xf32, #tpu.memory_space<hbm>>)
        tpu.yield
      }) : () -> ()
    } else {
    }
    return
  }
}

module attributes {stable_mosaic.version = 14 : i64} {
  func.func @_mm_body(%arg0: i32, %arg1: memref<2528x128xf32, #tpu.memory_space<vmem>>, %arg2: memref<128x128xf32, #tpu.memory_space<vmem>>, %arg3: memref<2528x64xf32, #tpu.memory_space<vmem>>, %arg4: memref<2528x64xf32, #tpu.memory_space<vmem>>) attributes {dimension_semantics = [#tpu.dimension_semantics<arbitrary>], iteration_bounds = array<i64: 4>, scalar_prefetch = 0 : i64, scratch_operands = 0 : i64, tpu.core_type = #tpu.core_type<tc>, window_params = [{transform_indices = @transform_0, window_bounds = array<i64: 2528, 128>}, {pipeline_mode = #tpu.pipeline_mode<synchronous>, transform_indices = @transform_1, window_bounds = array<i64: 128, 128>}, {transform_indices = @transform_2, window_bounds = array<i64: 2528, 64>}, {transform_indices = @transform_3, window_bounds = array<i64: 2528, 64>}]} {
    %get3A = arith.constant 0 : index
    %get3A_0 = arith.constant 0 : index
    %get3A_1 = vector.load %arg1[%get3A, %get3A_0] : memref<2528x128xf32, #tpu.memory_space<vmem>>, vector<2528x128xf32>
    %get3A_2 = arith.constant 0 : index
    %get3A_3 = arith.constant 0 : index
    %get3A_4 = vector.load %arg2[%get3A_2, %get3A_3] : memref<128x128xf32, #tpu.memory_space<vmem>>, vector<128x128xf32>
    %dot_general3A = arith.constant dense<0.000000e+00> : vector<2528x128xf32>
    %dot_general3A_5 = tpu.matmul %get3A_1, %get3A_4, %dot_general3A {dimension_numbers = #tpu.dot_dimension_numbers<[1], [0], [0], [1], [0, 0, 1, 1], [], []>, transpose_lhs_hint = false} : vector<2528x128xf32>, vector<128x128xf32>, vector<2528x128xf32> -> vector<2528x128xf32>
    %slice3A = vector.extract_strided_slice %dot_general3A_5 {offsets = [0, 0], sizes = [2528, 64], strides = [1, 1]} : vector<2528x128xf32> to vector<2528x64xf32>
    %swap3A = arith.constant 0 : index
    %swap3A_6 = arith.constant 0 : index
    %swap3A_7 = vector.load %arg3[%swap3A, %swap3A_6] : memref<2528x64xf32, #tpu.memory_space<vmem>>, vector<2528x64xf32>
    tpu.vector_store %arg3[%swap3A, %swap3A_6], %slice3A {strides = array<i32>} : memref<2528x64xf32, #tpu.memory_space<vmem>>, vector<2528x64xf32>,
    %slice3A_8 = vector.extract_strided_slice %dot_general3A_5 {offsets = [0, 64], sizes = [2528, 64], strides = [1, 1]} : vector<2528x128xf32> to vector<2528x64xf32>
    %swap3A_9 = arith.constant 0 : index
    %swap3A_10 = arith.constant 0 : index
    %swap3A_11 = vector.load %arg4[%swap3A_9, %swap3A_10] : memref<2528x64xf32, #tpu.memory_space<vmem>>, vector<2528x64xf32>
    tpu.vector_store %arg4[%swap3A_9, %swap3A_10], %slice3A_8 {strides = array<i32>} : memref<2528x64xf32, #tpu.memory_space<vmem>>, vector<2528x64xf32>,
    return
  }
  func.func @transform_0(%arg0: i32) -> (i32, i32) {
    %c0_i32 = arith.constant 0 : i32
    %c0_i32_0 = arith.constant 0 : i32
    return %arg0, %c0_i32 : i32, i32
  }
  func.func @transform_1(%arg0: i32) -> (i32, i32) {
    %c0_i32 = arith.constant 0 : i32
    %c0_i32_0 = arith.constant 0 : i32
    %c0_i32_1 = arith.constant 0 : i32
    return %c0_i32, %c0_i32_0 : i32, i32
  }
  func.func @transform_2(%arg0: i32) -> (i32, i32) {
    %c0_i32 = arith.constant 0 : i32
    %c0_i32_0 = arith.constant 0 : i32
    return %arg0, %c0_i32 : i32, i32
  }
  func.func @transform_3(%arg0: i32) -> (i32, i32) {
    %c0_i32 = arith.constant 0 : i32
    %c0_i32_0 = arith.constant 0 : i32
    return %arg0, %c0_i32 : i32, i32
  }
}

</mosaic_0001>

<sc_bundles>
// kernel: kernel.4.cloned.1.call-start
scs
__scs_entry_jumppad:
0x0: {  	(pc) =	sbr.rel $0x88, $3  }
0x1: {  	(tag) =	ssettag $0x0;
	lr =	simm.s32 $0x1  }
0x2: {  	[smem:$0x3F9D] =	sst lr;
	_ =	strace $0xD0000000  }
0x3: {  	_ = 	snop  }
0x4: {  	_ = 	snop  }
0x5: {  	_ = 	snop  }
0x6: {  	_ = 	snop  }
0x7: {  	_ = 	snop  }
__scs_overlays_trampoline_lowered:
0x8: {  	[smem:$0x3FAC] =	sst s0  }
0x9: {  	[smem:$0x3FAD] =	sst s1  }
0xa: {  	[smem:$0x3FAE] =	sst s2  }
0xb: {  	[smem:$0x3FAF] =	sst s3  }
0xc: {  	[smem:$0x3FB0] =	sst s4  }
0xd: {  	[smem:$0x3FB1] =	sst s5  }
0xe: {  	[smem:$0x3FB2] =	sst s6  }
0xf: {  	[smem:$0x3FB3] =	sst s7  }
0x10: {  	[smem:$0x3FB4] =	sst s8  }
0x11: {  	[smem:$0x3FB5] =	sst s9;
	s0 =	simm.s32 @!p0 $0x0  }
0x12: {  	s1 =	sld [smem:$0x3F9B];
	s0 =	simm.s32 @p0 $0x1  }
0x13: {  	[smem:$0x3FB6] =	sst s0;
	s0 =	simm.s32 @!p1 $0x0  }
0x14: {  	s2 =	sld [smem:$0x3F9A];
	s0 =	simm.s32 @p1 $0x1  }
0x15: {  	[smem:$0x3FB7] =	sst s0;
	s0 =	simm.s32 @!p2 $0x0  }
0x16: {  	s3 =	sld [smem:$0x3FDB];
	s0 =	simm.s32 @p2 $0x1  }
0x17: {  	s4 =	simm.s32 $0x1BF5;
	[smem:$0x3FB9] =	sst s0  }
0x18: {  	s0 =	sld [smem:$0x3F9C];
	_ =	swait.ge [sflag:s4], $0x0  }
0x19: {  	s7 =	sld [smem:$0x3F9D]  }
0x1a: {  	s8 =	sadd.s32 $0xFFFFE003, lr  }
0x1b: {  	s9 =	sadd.s32 $0xFFFFFEF7, lr;
	s5 =	simm.s32 $0xFFFFFFFF;
	p2 =	slt.u32 s8, $0xFFFFF086  }
0x1c: {  	p1 =	slt.u32 s9, $0xF7A;
	s5 =	simm.s32 @!p2 $0x0  }
0x1d: {  	s5 =	simm.s32 @p1 $0x1;
	p0 =	seq.s32 s7, s2  }
0x1e: {  	s7 =	smul.u32 @!p0 $0xF7A, s2;
	p2 =	seq.s32 @!p0 s5, $0x0  }
0x1f: {  	s9 =	smul.u32 $0xF7A, s1;
	s8 =	simm.s32 @!p0 $0x1BF5;
	p2 =	por !p2, p0  }
0x20: {  	[sflag:s8] =	ssyncset.s32 @!p0 $0xFFFFF086;
	s6 =	sadd.s32 @!p0 s3, s7;
	s7 =	simm.s32 @!p0 $0x108  }
0x21: {  	s3 =	sadd.s32 s3, s9;
	s6 =	sadd.s32 @!p0 $0x88, s6;
	s7 =	simm.s32 @p2 $0x1082  }
0x22: {  	[simem:s7], [sflag:s8] =	dma.local @!p0 [hbm:s6], $0xF7A  }
0x23: {  	s9 =	sor.u32 $0xD0000000, s2;
	s6 =	simm.s32 $0x108;
	_ =	swait.ge @!p0 [sflag:s8], $0x0  }
0x24: {  	s3 =	sadd.s32 $0x88, s3;
	s6 =	simm.s32 @!p1 $0x1082;
	[sflag:s4] =	ssyncset.s32 $0xFFFFF086  }
0x25: {  	[simem:s6], [sflag:s4] =	dma.local [hbm:s3], $0xF7A  }
0x26: {  	[smem:$0x3F9D] =	sst s1;
	(tag) =	ssettag s2;
	_ =	strace s9  }
0x27: {  	s1 =	sld [smem:$0x3FAD]  }
0x28: {  	s2 =	sld [smem:$0x3FAE]  }
0x29: {  	s4 =	sld [smem:$0x3FB0]  }
0x2a: {  	p0 =	seq.s32 s5, $0x0;
	s5 =	sld [smem:$0x3FB1]  }
0x2b: {  	s6 =	sld [smem:$0x3FB2]  }
0x2c: {  	s7 =	sld [smem:$0x3FB3]  }
0x2d: {  	s3 =	simm.s32 $0x108;
	s8 =	sld [smem:$0x3FB4]  }
0x2e: {  	s3 =	simm.s32 @!p0 $0x1082;
	s9 =	sld [smem:$0x3FB5]  }
0x2f: {  	lr =	sadd.s32 s0, s3;
	s0 =	sld [smem:$0x3FAC]  }
0x30: {  	s3 =	sld [smem:$0x3FAF]  }
0x31: {  	[smem:$0x3FB8] =	sst s10  }
0x32: {  	s10 =	sld [smem:$0x3FB6];
	_ =	sdelay $0x3  }
0x33: {  	p0 =	seq.s32 s10, $0x1;
	s10 =	sld [smem:$0x3FB8];
	_ =	sdelay $0x3  }
0x34: {  	[smem:$0x3FB8] =	sst s10  }
0x35: {  	s10 =	sld [smem:$0x3FB7];
	_ =	sdelay $0x3  }
0x36: {  	p1 =	seq.s32 s10, $0x1;
	s10 =	sld [smem:$0x3FB8];
	_ =	sdelay $0x3  }
0x37: {  	[smem:$0x3FB8] =	sst s10  }
0x38: {  	s10 =	sld [smem:$0x3FB9]  }
0x39: {  	_ = 	snop;
	(pc) =	sbr.ind lr, $3  }
0x3a: {  	_ = 	snop  }
0x3b: {  	_ = 	snop  }
0x3c: {  	p2 =	seq.s32 s10, $0x1;
	s10 =	sld [smem:$0x3FB8]  }
0x3d: {  	_ =	shalt  }
0x3e: {  	_ =	shalt  }
0x3f: {  	_ =	shalt  }
0x40: {  	_ =	shalt  }
0x41: {  	_ =	shalt  }
0x42: {  	_ =	shalt  }
0x43: {  	_ =	shalt  }
0x44: {  	_ =	shalt  }
0x45: {  	_ =	shalt  }
0x46: {  	_ =	shalt  }
0x47: {  	_ =	shalt  }
0x48: {  	_ =	shalt  }
0x49: {  	_ =	shalt  }
0x4a: {  	_ =	shalt  }
0x4b: {  	_ =	shalt  }
0x4c: {  	_ =	shalt  }
0x4d: {  	_ =	shalt  }
0x4e: {  	_ =	shalt  }
0x4f: {  	_ =	shalt  }
0x50: {  	_ =	shalt  }
0x51: {  	_ =	shalt  }
0x52: {  	_ =	shalt  }
0x53: {  	_ =	shalt  }
0x54: {  	_ =	shalt  }
0x55: {  	_ =	shalt  }
0x56: {  	_ =	shalt  }
0x57: {  	_ =	shalt  }
0x58: {  	_ =	shalt  }
0x59: {  	_ =	shalt  }
0x5a: {  	_ =	shalt  }
0x5b: {  	_ =	shalt  }
0x5c: {  	_ =	shalt  }
0x5d: {  	_ =	shalt  }
0x5e: {  	_ =	shalt  }
0x5f: {  	_ =	shalt  }
0x60: {  	_ =	shalt  }
0x61: {  	_ =	shalt  }
0x62: {  	_ =	shalt  }
0x63: {  	_ =	shalt  }
0x64: {  	_ =	shalt  }
0x65: {  	_ =	shalt  }
0x66: {  	_ =	shalt  }
0x67: {  	_ =	shalt  }
0x68: {  	_ =	shalt  }
0x69: {  	_ =	shalt  }
0x6a: {  	_ =	shalt  }
0x6b: {  	_ =	shalt  }
0x6c: {  	_ =	shalt  }
0x6d: {  	_ =	shalt  }
0x6e: {  	_ =	shalt  }
0x6f: {  	_ =	shalt  }
0x70: {  	_ =	shalt  }
0x71: {  	_ =	shalt  }
0x72: {  	_ =	shalt  }
0x73: {  	_ =	shalt  }
0x74: {  	_ =	shalt  }
0x75: {  	_ =	shalt  }
0x76: {  	_ =	shalt  }
0x77: {  	_ =	shalt  }
0x78: {  	_ =	shalt  }
0x79: {  	_ =	shalt  }
0x7a: {  	_ =	shalt  }
0x7b: {  	_ =	shalt  }
0x7c: {  	_ =	shalt  }
0x7d: {  	_ =	shalt  }
0x7e: {  	_ =	shalt  }
0x7f: {  	_ =	shalt  }
0x80: {  	_ =	shalt  }
0x81: {  	_ =	shalt  }
0x82: {  	_ =	shalt  }
0x83: {  	_ =	shalt  }
0x84: {  	_ =	shalt  }
0x85: {  	_ =	shalt  }
0x86: {  	_ =	shalt  }
0x87: {  	_ =	shalt  }
.Lfunc_end0:
.L_simem_size_0:
called_computation_lowered:
.L_overlay_start_0:
0x88: {  	s2 =	sld [smem:$0x3FD9]  }
0x89: {  	s3 =	sld [smem:$0x3FFE];
	_ =	sdelay $0x1  }
0x8a: {  	s1 =	srdreg.scid  }
0x8b: {  	s0 =	sand.u32 $0x1, s1  }
0x8c: {  	s17 =	sshll.u32 s0, $0xA;
	s2 =	sadd.s32 s3, s2  }
0x8d: {  	s2 =	sadd.s32 s2, s17  }
0x8e: {  	[smem:$0x3FC4] =	sst s2  }
0x8f: {  	_ = 	snop  }
0x90: {  	s2 =	sld [smem:$0x3FD0];
	(tm) =	ssettm $0x1  }
0x91: {  	s18 =	sld [smem:$0x3FFB];
	_ =	sdelay $0x3  }
0x92: {  	_ =	strace s18  }
0x93: {  	s3 =	sld [smem:$0x3FFC];
	_ =	sdelay $0x3  }
0x94: {  	_ =	strace s3  }
0x95: {  	s3 =	sld [smem:$0x3FFD];
	_ =	sdelay $0x3  }
0x96: {  	_ =	strace s3  }
0x97: {  	_ =	strace $0x8FFFFFFF  }
0x98: {  	s19 =	sld [smem:$0x3FDB];
	_ =	sdelay $0x1  }
0x99: {  	s4 =	simm.s32 $_scs_section_size  }
0x9a: {  	s5 =	simm.s32 $_size__tile_overlayer_lowered;
	s6 =	simm.s32 $_tile_overlayer_lowered  }
0x9b: {  	s22 =	simm.s32 $0x1BFF;
	s21 =	sshll.u32 s6, $0x1;
	s3 =	sadd.s32 s4, s19  }
0x9c: {  	s7 =	simm.s32 $0x0;
	s20 =	sshll.u32 s5, $0x1;
	s5 =	sadd.s32 s21, s3  }
0x9d: {  	[timem:s7], [sflag:s22] =	dma.local [hbm:s5], s20  }
0x9e: {  	_ =	swait.ge [sflag:s22], s20  }
0x9f: {  	s4 =	ssub.s32 $0x0, s20;
	[sflag:s22] =	ssyncset.done $0x0  }
0xa0: {  	[sflag:s22] =	ssyncadd.s32 s4;
	_ =	sdelay $0x1  }
0xa1: {  	s23 =	simm.s32 $0x1B8B  }
0xa2: {  	_ =	swait.ge [sflag:s23], $0x1  }
0xa3: {  	[sflag:s23] =	ssyncset.done $0x0  }
0xa4: {  	s25 =	simm.s32 $0x1B8E;
	s24 =	sld [smem:$0x3FFE];
	[sflag:s23] =	ssyncadd.s32 $0xFFFFFFFF  }
0xa5: {  	s26 =	simm.s32 $execute0_lowered;
	[smem:$0x3FD2] =	sst s25  }
0xa6: {  	s5 =	sshll.u32 s26, $0x1;
	_ =	strace $0x80000046;
	[dreg:$0x1] =	wrdreg $0xFFFFFFFF  }
0xa7: {  	s28 =	simm.s32 $_size_execute0_lowered;
	s3 =	sadd.s32 s3, s5;
	[dreg:$0x0] =	wrdreg $0x0  }
0xa8: {  	s5 =	sshll.u32 s28, $0x1;
	[dreg:$0x2] =	wrdreg s3  }
0xa9: {  	[dreg:$0x3] =	wrdreg s5  }
0xaa: {  	[dreg:$0x4] =	wrdreg $0xC0  }
0xab: {  	_ =	task [dreg:s7], $0x5FFFF  }
0xac: {  	[dreg:$0x1] =	wrdreg $0xFFFFFFFF  }
0xad: {  	[dreg:$0x0] =	wrdreg $0x60  }
0xae: {  	[dreg:$0x2] =	wrdreg s24  }
0xaf: {  	[dreg:$0x3] =	wrdreg s2  }
0xb0: {  	[dreg:$0x4] =	wrdreg $0x86000  }
0xb1: {  	[dreg:$0x5] =	wrdreg $0x124000  }
0xb2: {  	[dreg:$0x6] =	wrdreg $0x9  }
0xb3: {  	_ =	task.clear_ibuf [dreg:s7], $0x7FFFF;
	_ =	strace $0x90000046  }
0xb4: {  	s29 =	simm.s32 $0x9;
	_ =	strace $0x80000048  }
0xb5: {  	_ =	swait.ge [sflag:s29], $0x1  }
0xb6: {  	[sflag:s29] =	ssyncadd.s32 $0xFFFFFFFF  }
0xb7: {  	_ =	strace $0x90000048  }
0xb8: {  	_ =	sfence  }
0xb9: {  	s30 =	sld [smem:$0x0];
	_ =	sdelay $0x2  }
0xba: {  	s31 =	sshll.u32 s1, $0xD;
	s1 =	sshrl.u32 s1, $0x2  }
0xbb: {  	s3 =	sand.u32 $0x4000, s31;
	s1 =	sadd.s32 s1, s30  }
0xbc: {  	s0 =	sor.u32 s3, s0;
	s1 =	sshll.u32 s1, $0x11  }
0xbd: {  	s0 =	sor.u32 s1, s0  }
0xbe: {  	s0 =	sadd.s32 $0x8F2B, s0  }
0xbf: {  	[sflag:s0] =	ssyncadd.remote.s32 $0x1  }
0xc0: {  	_ =	sfence.sel $0xFFFF  }
0xc1: {  	[dreg:$0x0] =	wrdreg $0xFFFFFFFF;
	(pc) =	sbr.abs _section_cstart, $3  }
0xc2: {  	[dreg:$0x1] =	wrdreg $0xFFFFFFFF  }
0xc3: {  	_ =	task.clear_ibuf [dreg:s7], $0x2FFFF;
	_ =	strace $0x9FFFFFFF  }
0xc4: {  	(tm) =	ssettm $0x7FFFFFFF  }
0xc5: {  	_ =	shalt  }
tec
execute0_lowered:
.L_overlay_start_1:
0x0: {  	(tag) =	ssettag $0x1  }
0x1: {  	s0 =	rddreg [dreg:$0x0]  }
0x2: {  	s1 =	rddreg [dreg:$0x1]  }
0x3: {  	s2 =	rddreg [dreg:$0x2]  }
0x4: {  	s3 =	rddreg [dreg:$0x3]  }
0x5: {  	s13 =	stileid.u32;
	s4 =	simm.s32 $0x0;
	s6 =	srdreg.scid  }
0x6: {  	s29 =	simm.s32 $0x11;
	s14 =	simm.s32 $0x2;
	s5 =	smul.u32 $0xA00, s13  }
0x7: {  	s15 =	simm.s32 $0x4;
	s16 =	simm.s32 $0x8;
	s7 =	smul.u32 $0x9E00, s13  }
0x8: {  	[smem:$0x7FF] =	sst s4;
	s8 =	sand.u32 $0x1, s6;
	s21 =	smul.u32 $0x27100, s13  }
0x9: {  	s23 =	smul.u32 $0x2710, s13;
	s13 =	sshll.u32 s13, $0x6;
	_ =	strace $0x80000047  }
0xa: {  	s6 =	ssub.s32 $0x2, s8;
	p0 =	seq.s32 s8, $0x0;
	s8 =	sshll.u32 s8, $0x3  }
0xb: {  	s5 =	sadd.s32 s5, s0;
	s9 =	sshrl.u32 s7, $0x3;
	s10 =	sshrl.u32 s6, $0x1  }
0xc: {  	s11 =	sadd.s32 s7, s2;
	s12 =	sadd.s32 s7, s3;
	s1 =	sadd.s32 s8, s1  }
0xd: {  	s8 =	sor.u32 $0x1C12, s13;
	s13 =	simm.s32 $0x12;
	s0 =	sadd.s32 s9, s0  }
0xe: {  	s20 =	ssub.s32 s6, s10;
	s24 =	sadd.s32 s1, s23;
	[dreg:$0x8] =	wrdreg s8  }
0xf: {  	s6 =	sadd.s32 $0x32600, s5;
	s25 =	sshrl.u32 s11, $0x3;
	[dreg:$0x9] =	wrdreg s24  }
0x10: {  	s10 =	sshrl.u32 s21, $0x2;
	s26 =	sshrl.u32 s12, $0x3;
	[dreg:$0xa] =	wrdreg s25  }
0x11: {  	s7 =	sadd.s32 $0x28600, s5;
	s22 =	sadd.s32 $0x3C600, s0;
	[dreg:$0xb] =	wrdreg s26  }
0x12: {  	s12 =	simm.s32 $0x1;
	s9 =	smax.u32 s20, $0x1;
	[dreg:$0x5] =	wrdreg s22  }
0x13: {  	s10 =	sadd.s32 s10, s2;
	s28 =	sadd.s32 $0x20, s6;
	[dreg:$0x6] =	wrdreg s9  }
0x14: {  	s30 =	sadd.s32 $0x20, s7;
	s9 =	simm.s32 $0x14A00;
	[dreg:$0xc] =	wrdreg s28  }
0x15: {  	[dreg:$0xd] =	wrdreg s30;
	s31 =	sshrl.u32 s10, $0x3;
	s9 =	simm.s32 @!p0 $0xE00  }
0x16: {  	s23 =	simm.s32 $0x3;
	[dreg:$0xe] =	wrdreg s31;
	s0 =	sadd.s32 s9, s0  }
0x17: {  	s1 =	simm.s32 $0x0;
	s20 =	simm.s32 $0x40;
	[dreg:$0x7] =	wrdreg s0  }
.LBB2_1:
0x18: {  	[dreg:$0xf] =	wrdreg s1  }
0x19: {  	s0 =	rddreg [dreg:$0x7]  }
0x1a: {  	s11 =	rddreg [dreg:$0xa]  }
0x1b: {  	[spmem:s11], [sflag:s8] =	dma.local [hbm:s0], $0x13C0  }
0x1c: {  	_ =	swait.ge [sflag:s13], $0x13C0  }
0x1d: {  	[sflag:s13] =	ssyncset.done $0x0;
	s17 =	rddreg [dreg:$0x5]  }
0x1e: {  	s18 =	rddreg [dreg:$0xb];
	[sflag:s13] =	ssyncadd.s32 $0xFFFFEC40  }
0x1f: {  	[spmem:s18], [sflag:s8] =	dma.local [hbm:s17], $0x13C0  }
0x20: {  	_ =	swait.ge [sflag:s13], $0x13C0  }
0x21: {  	[sflag:s13] =	ssyncset.done $0x0  }
0x22: {  	[sflag:s13] =	ssyncadd.s32 $0xFFFFEC40  }
0x23: {  	[bflag:$0x0] =	sbarrier.arrive $0xFFFF  }
0x24: {  	[tilespmem:s4], [sflag:$0x12] =	stream.linear.gather [hbm4b:s6+s4], $0x100, $0x38;
	[tilespmem:$0x1C200] =	vst v63  }
0x25: {  	_ =	swait.ge [sflag:s13], $0x100  }
0x26: {  	[sflag:s13] =	ssyncset.done $0x0  }
0x27: {  	s19 =	simm.s32 $0x300;
	[sflag:s13] =	ssyncadd.s32 $0xFFFFFF00  }
0x28: {  	[tilespmem:s19], [sflag:$0x12] =	stream.linear.gather [hbm4b:s7+s4], $0x100, $0x38;
	[tilespmem:$0x1C200] =	vst v63  }
0x29: {  	_ =	swait.ge [sflag:s13], $0x100  }
0x2a: {  	[sflag:s13] =	ssyncset.done $0x0  }
0x2b: {  	s5 =	simm.s32 $0x100;
	s21 =	rddreg [dreg:$0xc];
	[sflag:s13] =	ssyncadd.s32 $0xFFFFFF00  }
0x2c: {  	[tilespmem:s5], [sflag:$0x11] =	stream.linear.gather [hbm4b:s21+s4], $0x100, $0x38;
	[tilespmem:$0x1C200] =	vst v63  }
0x2d: {  	s24 =	simm.s32 $0x400;
	s22 =	rddreg [dreg:$0xd]  }
0x2e: {  	[tilespmem:s24], [sflag:$0x11] =	stream.linear.gather [hbm4b:s22+s4], $0x100, $0x38;
	[tilespmem:$0x1C200] =	vst v63  }
0x2f: {  	s25 =	simm.s32 $0x600  }
0x30: {  	[tilespmem:s25], [sflag:$0x1] =	stream.indirect.gather [spmem:s2], $0x40, s4, s20, $0xb8;
	[tilespmem:$0x1C200] =	vst v63  }
0x31: {  	s26 =	simm.s32 $0x1600  }
0x32: {  	[tilespmem:s26], [sflag:$0x2] =	stream.indirect.gather [spmem:s2], $0x40, s20, s20, $0xb8;
	[tilespmem:$0x1C200] =	vst v63  }
0x33: {  	s9 =	simm.s32 $0x80;
	s10 =	simm.s32 $0x2600  }
0x34: {  	[tilespmem:s10], [sflag:$0x3] =	stream.indirect.gather [spmem:s2], $0x40, s9, s20, $0xb8;
	[tilespmem:$0x1C200] =	vst v63  }
0x35: {  	s30 =	simm.s32 $0xC0;
	s11 =	simm.s32 $0x3600  }
0x36: {  	[tilespmem:s11], [sflag:$0x4] =	stream.indirect.gather [spmem:s2], $0x40, s30, s20, $0xb8;
	[tilespmem:$0x1C200] =	vst v63  }
0x37: {  	_ =	swait.ge [sflag:s29], $0x100  }
0x38: {  	[sflag:s29] =	ssyncset.done $0x0  }
0x39: {  	[sflag:s29] =	ssyncadd.s32 $0xFFFFFF00  }
0x3a: {  	_ =	swait.ge [sflag:s29], $0x100  }
0x3b: {  	[sflag:s29] =	ssyncset.done $0x0  }
0x3c: {  	[sflag:s29] =	ssyncadd.s32 $0xFFFFFF00  }
0x3d: {  	_ =	swait.ge [sflag:s12], $0x1000  }
0x3e: {  	[sflag:s12] =	ssyncset.done $0x0  }
0x3f: {  	[sflag:s12] =	ssyncadd.s32 $0xFFFFF000  }
0x40: {  	[spmem:s3] =	stream.indirect.scatter.add.f32 [tilespmem:s25], [sflag:$0x9], $0x40, s19, s20, $0xb8;
	[tilespmem:$0x1C200] =	vst v63  }
0x41: {  	_ =	swait.ge [sflag:s14], $0x1000  }
0x42: {  	[sflag:s14] =	ssyncset.done $0x0  }
0x43: {  	s12 =	simm.s32 $0x340;
	[sflag:s14] =	ssyncadd.s32 $0xFFFFF000  }
0x44: {  	[spmem:s3] =	stream.indirect.scatter.add.f32 [tilespmem:s26], [sflag:$0xA], $0x40, s12, s20, $0xb8;
	[tilespmem:$0x1C200] =	vst v63  }
0x45: {  	_ =	swait.ge [sflag:s23], $0x1000  }
0x46: {  	[sflag:s23] =	ssyncset.done $0x0  }
0x47: {  	s0 =	simm.s32 $0x4;
	s14 =	simm.s32 $0x380;
	[sflag:s23] =	ssyncadd.s32 $0xFFFFF000  }
0x48: {  	[spmem:s3] =	stream.indirect.scatter.add.f32 [tilespmem:s10], [sflag:$0xB], $0x40, s14, s20, $0xb8;
	[tilespmem:$0x1C200] =	vst v63  }
0x49: {  	s17 =	simm.s32 $0x4600;
	s18 =	simm.s32 $0x140;
	_ =	swait.ge [sflag:s15], $0x1000  }
0x4a: {  	s8 =	smul.u32 $0xAB, s23;
	s21 =	simm.s32 $0x180;
	[sflag:s15] =	ssyncset.done $0x0  }
0x4b: {  	s22 =	simm.s32 $0x6600;
	[sflag:s15] =	ssyncadd.s32 $0xFFFFF000;
	s15 =	simm.s32 $0x3C0  }
0x4c: {  	[spmem:s3] =	stream.indirect.scatter.add.f32 [tilespmem:s11], [sflag:$0xC], $0x40, s15, s20, $0xb8;
	[tilespmem:$0x1C200] =	vst v63  }
0x4d: {  	s24 =	simm.s32 $0x1C0;
	s30 =	simm.s32 $0x200;
	s19 =	simm.s32 $0x5600  }
0x4e: {  	[tilespmem:s17], [sflag:$0x5] =	stream.indirect.gather [spmem:s2], $0x40, s5, s20, $0xb8;
	[tilespmem:$0x1C200] =	vst v63  }
0x4f: {  	s25 =	simm.s32 $0x7600;
	s26 =	sadd.s32 $0x40, s6;
	s11 =	sadd.s32 $0xFFFFFEAA, s8  }
0x50: {  	[tilespmem:s19], [sflag:$0x6] =	stream.indirect.gather [spmem:s2], $0x40, s18, s20, $0xb8;
	[tilespmem:$0x1C200] =	vst v63  }
0x51: {  	s12 =	sadd.s32 $0xFFFFFF55, s8;
	s10 =	simm.s32 $0x500;
	s9 =	sshrl.u32 s11, $0x9  }
0x52: {  	[tilespmem:s22], [sflag:$0x7] =	stream.indirect.gather [spmem:s2], $0x40, s21, s20, $0xb8;
	[tilespmem:$0x1C200] =	vst v63  }
0x53: {  	s14 =	simm.s32 $0x4;
	s11 =	smul.u32 $0xAB, s0;
	s9 =	sand.u32 $0x7F, s9  }
0x54: {  	[tilespmem:s25], [sflag:$0x8] =	stream.indirect.gather [spmem:s2], $0x40, s24, s20, $0xb8;
	[tilespmem:$0x1C200] =	vst v63  }
0x55: {  	[dreg:$0x10] =	wrdreg s26;
	s5 =	sadd.s32 $0x40, s7;
	s9 =	smul.u32 $0x3, s9  }
0x56: {  	[tilespmem:s30], [sflag:$0x11] =	stream.linear.gather [hbm4b:s26+s4], $0x100, $0x38;
	[tilespmem:$0x1C200] =	vst v63  }
0x57: {  	[dreg:$0x11] =	wrdreg s5;
	s22 =	simm.s32 $0x5;
	s21 =	ssub.s32 $0x3, s9  }
0x58: {  	[tilespmem:s10], [sflag:$0x11] =	stream.linear.gather [hbm4b:s5+s4], $0x100, $0x38;
	[tilespmem:$0x1C200] =	vst v63  }
0x59: {  	s25 =	sadd.s32 $0xFFFFFFFE, s21;
	s10 =	sshrl.u32 s12, $0x9;
	s5 =	sshrl.u32 s8, $0x9  }
0x5a: {  	s12 =	sand.u32 $0x4, s16;
	s16 =	sand.u32 $0x4, s14;
	_ =	swait.ge [sflag:s29], $0x100  }
0x5b: {  	s10 =	sand.u32 $0x7F, s10;
	s15 =	sand.u32 $0x7F, s5;
	[sflag:s29] =	ssyncset.done $0x0  }
0x5c: {  	s17 =	sshll.u32 s16, $0xC;
	s5 =	sshll.u32 s12, $0xC;
	[sflag:s29] =	ssyncadd.s32 $0xFFFFFF00  }
0x5d: {  	s30 =	sor.u32 $0x2, s16;
	s1 =	sor.u32 $0x1, s16;
	_ =	swait.ge [sflag:s29], $0x100  }
0x5e: {  	s18 =	sor.u32 $0x9, s16;
	s8 =	sor.u32 $0x9, s12;
	[sflag:s29] =	ssyncset.done $0x0  }
0x5f: {  	s24 =	smul.u32 $0x3, s10;
	s26 =	sor.u32 $0x600, s5;
	[sflag:s29] =	ssyncadd.s32 $0xFFFFFF00  }
0x60: {  	s10 =	sand.u32 $0xFF, s25;
	s14 =	smul.u32 $0x3, s15;
	_ =	swait.ge [sflag:s1], $0x1000  }
0x61: {  	s19 =	sshll.u32 s10, $0x8;
	s9 =	sxor.u32 $0xFFFFFFFF, s24;
	[sflag:s1] =	ssyncset.done $0x0  }
0x62: {  	s21 =	sadd.s32 $0x300, s19;
	s24 =	sor.u32 $0x600, s17;
	[sflag:s1] =	ssyncadd.s32 $0xFFFFF000  }
0x63: {  	[spmem:s3] =	stream.indirect.scatter.add.f32 [tilespmem:s24], [sflag:s18], $0x40, s21, s20, $0xb8;
	[tilespmem:$0x1C200] =	vst v63  }
0x64: {  	s10 =	sor.u32 $0x1, s12;
	s9 =	sadd.s32 $0x3, s9;
	_ =	swait.ge [sflag:s8], $0x1000  }
0x65: {  	s14 =	ssub.s32 $0x3, s14;
	s9 =	sand.u32 $0xFF, s9;
	[sflag:s8] =	ssyncset.done $0x0  }
0x66: {  	s14 =	sand.u32 $0xFF, s14;
	s24 =	sshll.u32 s9, $0x8;
	[sflag:s8] =	ssyncadd.s32 $0xFFFFF000  }
0x67: {  	[tilespmem:s26], [sflag:s10] =	stream.indirect.gather [spmem:s2], $0x40, s24, s20, $0xb8;
	[tilespmem:$0x1C200] =	vst v63  }
0x68: {  	s25 =	sor.u32 $0x1600, s17;
	s21 =	sshll.u32 s14, $0x8;
	_ =	swait.ge [sflag:s30], $0x1000  }
0x69: {  	s9 =	smin.u32 s23, $0x4F;
	s14 =	sor.u32 $0xA, s16;
	[sflag:s30] =	ssyncset.done $0x0  }
0x6a: {  	s23 =	sor.u32 $0xA, s12;
	s26 =	sadd.s32 $0x340, s19;
	[sflag:s30] =	ssyncadd.s32 $0xFFFFF000  }
0x6b: {  	[spmem:s3] =	stream.indirect.scatter.add.f32 [tilespmem:s25], [sflag:s14], $0x40, s26, s20, $0xb8;
	[tilespmem:$0x1C200] =	vst v63  }
0x6c: {  	s28 =	sor.u32 $0xB, s16;
	s31 =	sadd.s32 $0x4, s16;
	_ =	swait.ge [sflag:s23], $0x1000  }
0x6d: {  	s1 =	sor.u32 $0x3, s16;
	s8 =	sor.u32 $0x40, s24;
	[sflag:s23] =	ssyncset.done $0x0  }
0x6e: {  	s30 =	sor.u32 $0x2, s12;
	s25 =	sor.u32 $0x1600, s5;
	[sflag:s23] =	ssyncadd.s32 $0xFFFFF000  }
0x6f: {  	[tilespmem:s25], [sflag:s30] =	stream.indirect.gather [spmem:s2], $0x40, s8, s20, $0xb8;
	[tilespmem:$0x1C200] =	vst v63  }
0x70: {  	s15 =	simm.s32 $0xC;
	s18 =	sadd.s32 $0x3C0, s19;
	_ =	swait.ge [sflag:s1], $0x1000  }
0x71: {  	s10 =	sor.u32 $0x2600, s5;
	s26 =	sor.u32 $0xB, s12;
	[sflag:s1] =	ssyncset.done $0x0  }
0x72: {  	s23 =	sor.u32 $0x2600, s17;
	s30 =	sadd.s32 $0x380, s19;
	[sflag:s1] =	ssyncadd.s32 $0xFFFFF000  }
0x73: {  	[spmem:s3] =	stream.indirect.scatter.add.f32 [tilespmem:s23], [sflag:s28], $0x40, s30, s20, $0xb8;
	[tilespmem:$0x1C200] =	vst v63  }
0x74: {  	s14 =	sadd.s32 $0xC, s12;
	s25 =	sor.u32 $0x80, s24;
	_ =	swait.ge [sflag:s26], $0x1000  }
0x75: {  	s19 =	sor.u32 $0x3, s12;
	s28 =	sadd.s32 $0xC, s16;
	[sflag:s26] =	ssyncset.done $0x0  }
.LBB2_2:
0x76: {  	s8 =	sshrl.u32 s11, $0x9;
	s23 =	sshll.u32 s9, $0x5  }
0x77: {  	s9 =	smov.u32 s0;
	s0 =	smov.u32 s22;
	s16 =	sadd.s32 $0x1, s22  }
0x78: {  	s30 =	sadd.s32 $0xFFFFFEAA, s11;
	s11 =	sadd.s32 $0xFFFFFF55, s11;
	s1 =	sadd.s32 s6, s23  }
0x79: {  	s30 =	sshrl.u32 s30, $0x9;
	s11 =	sshrl.u32 s11, $0x9;
	[sflag:s26] =	ssyncadd.s32 $0xFFFFF000  }
0x7a: {  	[tilespmem:s10], [sflag:s19] =	stream.indirect.gather [spmem:s2], $0x40, s25, s20, $0xb8;
	[tilespmem:$0x1C200] =	vst v63  }
0x7b: {  	s11 =	sand.u32 $0x7F, s11;
	s10 =	sand.u32 $0x7F, s30;
	_ =	swait.ge [sflag:s31], $0x1000  }
0x7c: {  	s17 =	sor.u32 $0x3600, s17;
	s10 =	smul.u32 $0x3, s10;
	[sflag:s31] =	ssyncset.done $0x0  }
0x7d: {  	s19 =	sadd.s32 $0xFFFFFFFC, s15;
	s25 =	sand.u32 $0x4, s15;
	[sflag:s31] =	ssyncadd.s32 $0xFFFFF000  }
0x7e: {  	[spmem:s3] =	stream.indirect.scatter.add.f32 [tilespmem:s17], [sflag:s28], $0x40, s18, s20, $0xb8;
	[tilespmem:$0x1C200] =	vst v63  }
0x7f: {  	s12 =	sadd.s32 $0x4, s12;
	s17 =	sor.u32 $0xC0, s24;
	_ =	swait.ge [sflag:s14], $0x1000  }
0x80: {  	s5 =	sor.u32 $0x3600, s5;
	s8 =	sand.u32 $0x7F, s8;
	[sflag:s14] =	ssyncset.done $0x0  }
0x81: {  	s10 =	ssub.s32 s9, s10;
	[sflag:s14] =	ssyncadd.s32 $0xFFFFF000;
	s14 =	sadd.s32 s7, s23  }
0x82: {  	[tilespmem:s5], [sflag:s12] =	stream.indirect.gather [spmem:s2], $0x40, s17, s20, $0xb8;
	[tilespmem:$0x1C200] =	vst v63  }
0x83: {  	s11 =	smul.u32 $0x3, s11;
	s28 =	sand.u32 $0x4, s19;
	s12 =	sadd.s32 $0x300, s21  }
0x84: {  	[tilespmem:s21], [sflag:$0x11] =	stream.linear.gather [hbm4b:s1+s4], $0x100, $0x38;
	[tilespmem:$0x1C200] =	vst v63  }
0x85: {  	s17 =	sshll.u32 s28, $0xC;
	s5 =	sshll.u32 s25, $0xC;
	s1 =	sadd.s32 $0xFFFFFFFE, s10  }
0x86: {  	[tilespmem:s12], [sflag:$0x11] =	stream.linear.gather [hbm4b:s14+s4], $0x100, $0x38;
	[tilespmem:$0x1C200] =	vst v63  }
0x87: {  	s10 =	sor.u32 $0x600, s5;
	s14 =	sor.u32 $0x2, s28;
	_ =	swait.ge [sflag:s29], $0x100  }
0x88: {  	s1 =	sand.u32 $0xFF, s1;
	s12 =	sxor.u32 $0xFFFFFFFF, s11;
	[sflag:s29] =	ssyncset.done $0x0  }
0x89: {  	s11 =	sshll.u32 s1, $0x8;
	s1 =	sor.u32 $0x9, s28;
	[sflag:s29] =	ssyncadd.s32 $0xFFFFFF00  }
0x8a: {  	s12 =	sadd.s32 s9, s12;
	s18 =	sadd.s32 $0x300, s11;
	_ =	swait.ge [sflag:s29], $0x100  }
0x8b: {  	s8 =	smul.u32 $0x3, s8;
	s19 =	sand.u32 $0xFF, s12;
	[sflag:s29] =	ssyncset.done $0x0  }
0x8c: {  	s23 =	sor.u32 $0x1, s28;
	s21 =	sor.u32 $0x600, s17;
	[sflag:s29] =	ssyncadd.s32 $0xFFFFFF00  }
0x8d: {  	p0 =	sne.s32 s22, $0x51;
	s8 =	ssub.s32 s9, s8;
	_ =	swait.ge [sflag:s23], $0x1000  }
0x8e: {  	s8 =	sand.u32 $0xFF, s8;
	s12 =	smov.u32 s25;
	[sflag:s23] =	ssyncset.done $0x0  }
0x8f: {  	s22 =	sor.u32 $0x9, s12;
	[sflag:s23] =	ssyncadd.s32 $0xFFFFF000  }
0x90: {  	[spmem:s3] =	stream.indirect.scatter.add.f32 [tilespmem:s21], [sflag:s1], $0x40, s18, s20, $0xb8;
	[tilespmem:$0x1C200] =	vst v63  }
0x91: {  	s15 =	sadd.s32 $0x4, s15;
	_ =	swait.ge [sflag:s22], $0x1000  }
0x92: {  	s31 =	sadd.s32 $0x4, s28;
	s21 =	sshll.u32 s8, $0x8;
	[sflag:s22] =	ssyncset.done $0x0  }
0x93: {  	s24 =	sshll.u32 s19, $0x8;
	s1 =	sor.u32 $0x1, s12;
	[sflag:s22] =	ssyncadd.s32 $0xFFFFF000  }
0x94: {  	[tilespmem:s10], [sflag:s1] =	stream.indirect.gather [spmem:s2], $0x40, s24, s20, $0xb8;
	[tilespmem:$0x1C200] =	vst v63  }
0x95: {  	s9 =	smin.u32 s9, $0x4F;
	s18 =	sadd.s32 $0x3C0, s11;
	_ =	swait.ge [sflag:s14], $0x1000  }
0x96: {  	s8 =	sor.u32 $0xA, s12;
	s1 =	sor.u32 $0xA, s28;
	[sflag:s14] =	ssyncset.done $0x0  }
0x97: {  	s10 =	sor.u32 $0x1600, s17;
	[sflag:s14] =	ssyncadd.s32 $0xFFFFF000;
	s14 =	sadd.s32 $0x340, s11  }
0x98: {  	[spmem:s3] =	stream.indirect.scatter.add.f32 [tilespmem:s10], [sflag:s1], $0x40, s14, s20, $0xb8;
	[tilespmem:$0x1C200] =	vst v63  }
0x99: {  	s26 =	sor.u32 $0xB, s12;
	s25 =	sor.u32 $0x80, s24;
	_ =	swait.ge [sflag:s8], $0x1000  }
0x9a: {  	s1 =	sor.u32 $0x2, s12;
	s14 =	sor.u32 $0x3, s28;
	[sflag:s8] =	ssyncset.done $0x0  }
0x9b: {  	s10 =	sor.u32 $0x1600, s5;
	[sflag:s8] =	ssyncadd.s32 $0xFFFFF000;
	s8 =	sor.u32 $0x40, s24  }
0x9c: {  	[tilespmem:s10], [sflag:s1] =	stream.indirect.gather [spmem:s2], $0x40, s8, s20, $0xb8;
	[tilespmem:$0x1C200] =	vst v63  }
0x9d: {  	s10 =	sor.u32 $0x2600, s5;
	s1 =	sor.u32 $0x2600, s17;
	_ =	swait.ge [sflag:s14], $0x1000  }
.Ltmp0:
0x9e: {  	s8 =	sor.u32 $0xB, s28;
	[sflag:s14] =	ssyncset.done $0x0;
	(pc) =	sbr.rel @p0 .LBB2_2-.Ltmp0, $4  }
0x9f: {  	s19 =	sor.u32 $0x3, s12;
	s11 =	sadd.s32 $0x380, s11;
	[sflag:s14] =	ssyncadd.s32 $0xFFFFF000  }
0xa0: {  	[spmem:s3] =	stream.indirect.scatter.add.f32 [tilespmem:s1], [sflag:s8], $0x40, s11, s20, $0xb8;
	[tilespmem:$0x1C200] =	vst v63  }
0xa1: {  	s14 =	sadd.s32 $0xC, s12;
	s11 =	smul.u32 $0xAB, s0;
	_ =	swait.ge [sflag:s26], $0x1000  }
0xa2: {  	s22 =	smov.u32 s16;
	s28 =	sadd.s32 $0xC, s28;
	[sflag:s26] =	ssyncset.done $0x0  }
0xa3: {  	[sflag:s26] =	ssyncadd.s32 $0xFFFFF000  }
0xa4: {  	[tilespmem:s10], [sflag:s19] =	stream.indirect.gather [spmem:s2], $0x40, s25, s20, $0xb8;
	[tilespmem:$0x1C200] =	vst v63  }
0xa5: {  	_ =	swait.ge [sflag:s31], $0x1000  }
0xa6: {  	[sflag:s31] =	ssyncset.done $0x0  }
0xa7: {  	s1 =	sor.u32 $0x3600, s17;
	[sflag:s31] =	ssyncadd.s32 $0xFFFFF000  }
0xa8: {  	[spmem:s3] =	stream.indirect.scatter.add.f32 [tilespmem:s1], [sflag:s28], $0x40, s18, s20, $0xb8;
	[tilespmem:$0x1C200] =	vst v63  }
0xa9: {  	s26 =	sshll.u32 s9, $0x5;
	s8 =	sadd.s32 $0xFFFFFEAA, s11;
	_ =	swait.ge [sflag:s14], $0x1000  }
0xaa: {  	s30 =	sadd.s32 $0xFFFFFF55, s11;
	s12 =	sadd.s32 $0x4, s12;
	[sflag:s14] =	ssyncset.done $0x0  }
0xab: {  	s5 =	sor.u32 $0x3600, s5;
	s31 =	sor.u32 $0xC0, s24;
	[sflag:s14] =	ssyncadd.s32 $0xFFFFF000  }
0xac: {  	[tilespmem:s5], [sflag:s12] =	stream.indirect.gather [spmem:s2], $0x40, s31, s20, $0xb8;
	[tilespmem:$0x1C200] =	vst v63  }
0xad: {  	s22 =	sadd.s32 $0xFFFFFFFC, s15;
	s16 =	sadd.s32 s6, s26;
	s8 =	sshrl.u32 s8, $0x9  }
0xae: {  	[tilespmem:s21], [sflag:$0x11] =	stream.linear.gather [hbm4b:s16+s4], $0x100, $0x38;
	[tilespmem:$0x1C200] =	vst v63  }
0xaf: {  	s9 =	sshrl.u32 s30, $0x9;
	s1 =	sadd.s32 s7, s26;
	s18 =	sadd.s32 $0x300, s21  }
0xb0: {  	[tilespmem:s18], [sflag:$0x11] =	stream.linear.gather [hbm4b:s1+s4], $0x100, $0x38;
	[tilespmem:$0x1C200] =	vst v63  }
0xb1: {  	s17 =	sand.u32 $0x7F, s8;
	s19 =	sand.u32 $0x7F, s9;
	_ =	swait.ge [sflag:s29], $0x100  }
0xb2: {  	s5 =	sand.u32 $0x4, s15;
	s12 =	sand.u32 $0x4, s22;
	[sflag:s29] =	ssyncset.done $0x0  }
0xb3: {  	s14 =	sshll.u32 s12, $0xC;
	s21 =	smul.u32 $0x3, s17;
	[sflag:s29] =	ssyncadd.s32 $0xFFFFFF00  }
0xb4: {  	s9 =	sshll.u32 s5, $0xC;
	s23 =	sor.u32 $0x1, s12;
	_ =	swait.ge [sflag:s29], $0x100  }
0xb5: {  	s24 =	sor.u32 $0x9, s12;
	s8 =	ssub.s32 s0, s21;
	[sflag:s29] =	ssyncset.done $0x0  }
0xb6: {  	s26 =	sor.u32 $0x9, s5;
	s8 =	sadd.s32 $0xFFFFFFFE, s8;
	[sflag:s29] =	ssyncadd.s32 $0xFFFFFF00  }
0xb7: {  	s1 =	smul.u32 $0x3, s19;
	s8 =	sand.u32 $0xFF, s8;
	_ =	swait.ge [sflag:s23], $0x1000  }
0xb8: {  	s25 =	sor.u32 $0x600, s14;
	s8 =	sshll.u32 s8, $0x8;
	[sflag:s23] =	ssyncset.done $0x0  }
0xb9: {  	s1 =	sxor.u32 $0xFFFFFFFF, s1;
	s16 =	sadd.s32 $0x300, s8;
	[sflag:s23] =	ssyncadd.s32 $0xFFFFF000  }
0xba: {  	[spmem:s3] =	stream.indirect.scatter.add.f32 [tilespmem:s25], [sflag:s24], $0x40, s16, s20, $0xb8;
	[tilespmem:$0x1C200] =	vst v63  }
0xbb: {  	s31 =	sor.u32 $0x2, s12;
	s1 =	sadd.s32 s0, s1;
	_ =	swait.ge [sflag:s26], $0x1000  }
0xbc: {  	s30 =	sor.u32 $0x600, s9;
	s1 =	sand.u32 $0xFF, s1;
	[sflag:s26] =	ssyncset.done $0x0  }
0xbd: {  	s17 =	sor.u32 $0x1, s5;
	s1 =	sshll.u32 s1, $0x8;
	[sflag:s26] =	ssyncadd.s32 $0xFFFFF000  }
0xbe: {  	[tilespmem:s30], [sflag:s17] =	stream.indirect.gather [spmem:s2], $0x40, s1, s20, $0xb8;
	[tilespmem:$0x1C200] =	vst v63  }
0xbf: {  	_ =	swait.ge [sflag:s31], $0x1000  }
0xc0: {  	s18 =	sor.u32 $0xA, s12;
	s19 =	sor.u32 $0xA, s5;
	[sflag:s31] =	ssyncset.done $0x0  }
0xc1: {  	s21 =	sor.u32 $0x1600, s14;
	s22 =	sadd.s32 $0x340, s8;
	[sflag:s31] =	ssyncadd.s32 $0xFFFFF000  }
0xc2: {  	[spmem:s3] =	stream.indirect.scatter.add.f32 [tilespmem:s21], [sflag:s18], $0x40, s22, s20, $0xb8;
	[tilespmem:$0x1C200] =	vst v63  }
0xc3: {  	_ =	swait.ge [sflag:s19], $0x1000  }
0xc4: {  	s24 =	sor.u32 $0x2, s5;
	s25 =	sor.u32 $0x3, s12;
	[sflag:s19] =	ssyncset.done $0x0  }
0xc5: {  	s26 =	sor.u32 $0x1600, s9;
	s30 =	sor.u32 $0x40, s1;
	[sflag:s19] =	ssyncadd.s32 $0xFFFFF000  }
0xc6: {  	[tilespmem:s26], [sflag:s24] =	stream.indirect.gather [spmem:s2], $0x40, s30, s20, $0xb8;
	[tilespmem:$0x1C200] =	vst v63  }
0xc7: {  	s23 =	sshrl.u32 s11, $0x9;
	_ =	swait.ge [sflag:s25], $0x1000  }
0xc8: {  	s31 =	sor.u32 $0xB, s5;
	s18 =	sor.u32 $0x2600, s14;
	[sflag:s25] =	ssyncset.done $0x0  }
0xc9: {  	s21 =	sadd.s32 $0x380, s8;
	s19 =	sor.u32 $0xB, s12;
	[sflag:s25] =	ssyncadd.s32 $0xFFFFF000  }
0xca: {  	[spmem:s3] =	stream.indirect.scatter.add.f32 [tilespmem:s18], [sflag:s19], $0x40, s21, s20, $0xb8;
	[tilespmem:$0x1C200] =	vst v63  }
0xcb: {  	s10 =	sand.u32 $0x7F, s23;
	s23 =	sor.u32 $0x80, s1;
	_ =	swait.ge [sflag:s31], $0x1000  }
0xcc: {  	s10 =	smul.u32 $0x3, s10;
	s22 =	sor.u32 $0x2600, s9;
	[sflag:s31] =	ssyncset.done $0x0  }
0xcd: {  	s24 =	sor.u32 $0x3, s5;
	s25 =	sadd.s32 $0x4, s12;
	[sflag:s31] =	ssyncadd.s32 $0xFFFFF000  }
0xce: {  	[tilespmem:s22], [sflag:s24] =	stream.indirect.gather [spmem:s2], $0x40, s23, s20, $0xb8;
	[tilespmem:$0x1C200] =	vst v63  }
0xcf: {  	s10 =	ssub.s32 s0, s10;
	_ =	swait.ge [sflag:s25], $0x1000  }
0xd0: {  	s8 =	sadd.s32 $0x3C0, s8;
	s14 =	sor.u32 $0x3600, s14;
	[sflag:s25] =	ssyncset.done $0x0  }
0xd1: {  	s26 =	sadd.s32 $0xC, s5;
	s12 =	sadd.s32 $0xC, s12;
	[sflag:s25] =	ssyncadd.s32 $0xFFFFF000  }
0xd2: {  	[spmem:s3] =	stream.indirect.scatter.add.f32 [tilespmem:s14], [sflag:s12], $0x40, s8, s20, $0xb8;
	[tilespmem:$0x1C200] =	vst v63  }
0xd3: {  	s1 =	sor.u32 $0xC0, s1;
	s9 =	sor.u32 $0x3600, s9;
	_ =	swait.ge [sflag:s26], $0x1000  }
0xd4: {  	s30 =	sand.u32 $0xFF, s10;
	s31 =	smin.u32 s0, $0x4F;
	[sflag:s26] =	ssyncset.done $0x0  }
0xd5: {  	s5 =	sadd.s32 $0x4, s5;
	s0 =	sshll.u32 s31, $0x5;
	[sflag:s26] =	ssyncadd.s32 $0xFFFFF000  }
0xd6: {  	[tilespmem:s9], [sflag:s5] =	stream.indirect.gather [spmem:s2], $0x40, s1, s20, $0xb8;
	[tilespmem:$0x1C200] =	vst v63  }
0xd7: {  	s8 =	sshll.u32 s30, $0x8;
	s9 =	sadd.s32 s6, s0  }
0xd8: {  	[tilespmem:s8], [sflag:$0x11] =	stream.linear.gather [hbm4b:s9+s4], $0x100, $0x38;
	[tilespmem:$0x1C200] =	vst v63  }
0xd9: {  	s10 =	simm.s32 $0xD;
	s0 =	sadd.s32 s7, s0;
	s1 =	sadd.s32 $0x300, s8  }
0xda: {  	[tilespmem:s1], [sflag:$0x11] =	stream.linear.gather [hbm4b:s0+s4], $0x100, $0x38;
	[tilespmem:$0x1C200] =	vst v63  }
0xdb: {  	_ =	swait.ge [sflag:s10], $0x1000  }
0xdc: {  	[sflag:s10] =	ssyncset.done $0x0  }
0xdd: {  	s11 =	simm.s32 $0xE;
	[sflag:s10] =	ssyncadd.s32 $0xFFFFF000  }
0xde: {  	_ =	swait.ge [sflag:s11], $0x1000  }
0xdf: {  	[sflag:s11] =	ssyncset.done $0x0  }
0xe0: {  	s12 =	simm.s32 $0xF;
	[sflag:s11] =	ssyncadd.s32 $0xFFFFF000  }
0xe1: {  	_ =	swait.ge [sflag:s12], $0x1000  }
0xe2: {  	[sflag:s12] =	ssyncset.done $0x0  }
0xe3: {  	s14 =	simm.s32 $0x10;
	[sflag:s12] =	ssyncadd.s32 $0xFFFFF000  }
0xe4: {  	_ =	swait.ge [sflag:s14], $0x1000  }
0xe5: {  	[sflag:s14] =	ssyncset.done $0x0  }
0xe6: {  	s15 =	simm.s32 $0x1;
	[sflag:s14] =	ssyncadd.s32 $0xFFFFF000  }
0xe7: {  	_ =	swait.ge [sflag:s15], $0x1000  }
0xe8: {  	[sflag:s15] =	ssyncset.done $0x0  }
0xe9: {  	s23 =	simm.s32 $0x2;
	[sflag:s15] =	ssyncadd.s32 $0xFFFFF000  }
0xea: {  	_ =	swait.ge [sflag:s23], $0x1000  }
0xeb: {  	[sflag:s23] =	ssyncset.done $0x0  }
0xec: {  	s5 =	simm.s32 $0x3;
	[sflag:s23] =	ssyncadd.s32 $0xFFFFF000  }
0xed: {  	_ =	swait.ge [sflag:s5], $0x1000  }
0xee: {  	[sflag:s5] =	ssyncset.done $0x0  }
0xef: {  	s16 =	simm.s32 $0x4;
	[sflag:s5] =	ssyncadd.s32 $0xFFFFF000  }
0xf0: {  	_ =	swait.ge [sflag:s16], $0x1000  }
0xf1: {  	[sflag:s16] =	ssyncset.done $0x0  }
0xf2: {  	[sflag:s16] =	ssyncadd.s32 $0xFFFFF000  }
0xf3: {  	_ =	swait.ge [sflag:s29], $0x100  }
0xf4: {  	[sflag:s29] =	ssyncset.done $0x0  }
0xf5: {  	[sflag:s29] =	ssyncadd.s32 $0xFFFFFF00  }
0xf6: {  	_ =	swait.ge [sflag:s29], $0x100  }
0xf7: {  	[sflag:s29] =	ssyncset.done $0x0  }
0xf8: {  	[sflag:s29] =	ssyncadd.s32 $0xFFFFFF00  }
0xf9: {  	[bflag:$0x0] =	sbarrier.arrive $0xFFFF  }
0xfa: {  	s24 =	rddreg [dreg:$0x5]  }
0xfb: {  	s25 =	rddreg [dreg:$0x8]  }
0xfc: {  	s26 =	rddreg [dreg:$0xa]  }
0xfd: {  	[spmem:s26], [sflag:s25] =	dma.local [hbm:s24], $0x13C0  }
0xfe: {  	_ =	swait.ge [sflag:s13], $0x13C0  }
0xff: {  	[sflag:s13] =	ssyncset.done $0x0  }
0x100: {  	[sflag:s13] =	ssyncadd.s32 $0xFFFFEC40  }
0x101: {  	[bflag:$0x0] =	sbarrier.arrive $0xFFFF  }
0x102: {  	[tilespmem:s4], [sflag:$0x12] =	stream.linear.gather [hbm4b:s7+s4], $0x100, $0x38;
	[tilespmem:$0x1C200] =	vst v63  }
0x103: {  	_ =	swait.ge [sflag:s13], $0x100  }
0x104: {  	[sflag:s13] =	ssyncset.done $0x0  }
0x105: {  	s30 =	simm.s32 $0x300;
	[sflag:s13] =	ssyncadd.s32 $0xFFFFFF00  }
0x106: {  	[tilespmem:s30], [sflag:$0x12] =	stream.linear.gather [hbm4b:s6+s4], $0x100, $0x38;
	[tilespmem:$0x1C200] =	vst v63  }
0x107: {  	_ =	swait.ge [sflag:s13], $0x100  }
0x108: {  	[sflag:s13] =	ssyncset.done $0x0  }
0x109: {  	s31 =	simm.s32 $0x100;
	s9 =	rddreg [dreg:$0xd];
	[sflag:s13] =	ssyncadd.s32 $0xFFFFFF00  }
0x10a: {  	[tilespmem:s31], [sflag:$0x11] =	stream.linear.gather [hbm4b:s9+s4], $0x100, $0x38;
	[tilespmem:$0x1C200] =	vst v63  }
0x10b: {  	s11 =	simm.s32 $0x400;
	s10 =	rddreg [dreg:$0xc]  }
0x10c: {  	[tilespmem:s11], [sflag:$0x11] =	stream.linear.gather [hbm4b:s10+s4], $0x100, $0x38;
	[tilespmem:$0x1C200] =	vst v63  }
0x10d: {  	s12 =	simm.s32 $0x600  }
0x10e: {  	[tilespmem:s12], [sflag:$0x1] =	stream.indirect.gather [spmem:s3], $0x40, s4, s20, $0xb8;
	[tilespmem:$0x1C200] =	vst v63  }
0x10f: {  	s17 =	simm.s32 $0x1600  }
0x110: {  	[tilespmem:s17], [sflag:$0x2] =	stream.indirect.gather [spmem:s3], $0x40, s20, s20, $0xb8;
	[tilespmem:$0x1C200] =	vst v63  }
0x111: {  	s18 =	simm.s32 $0x80;
	s19 =	simm.s32 $0x2600  }
0x112: {  	[tilespmem:s19], [sflag:$0x3] =	stream.indirect.gather [spmem:s3], $0x40, s18, s20, $0xb8;
	[tilespmem:$0x1C200] =	vst v63  }
0x113: {  	s21 =	simm.s32 $0xC0;
	s22 =	simm.s32 $0x3600  }
0x114: {  	[tilespmem:s22], [sflag:$0x4] =	stream.indirect.gather [spmem:s3], $0x40, s21, s20, $0xb8;
	[tilespmem:$0x1C200] =	vst v63  }
0x115: {  	_ =	swait.ge [sflag:s29], $0x100  }
0x116: {  	[sflag:s29] =	ssyncset.done $0x0  }
0x117: {  	[sflag:s29] =	ssyncadd.s32 $0xFFFFFF00  }
0x118: {  	_ =	swait.ge [sflag:s29], $0x100  }
0x119: {  	[sflag:s29] =	ssyncset.done $0x0  }
0x11a: {  	[sflag:s29] =	ssyncadd.s32 $0xFFFFFF00  }
0x11b: {  	_ =	swait.ge [sflag:s15], $0x1000  }
0x11c: {  	[sflag:s15] =	ssyncset.done $0x0  }
0x11d: {  	[sflag:s15] =	ssyncadd.s32 $0xFFFFF000  }
0x11e: {  	[spmem:s2] =	stream.indirect.scatter.add.f32 [tilespmem:s12], [sflag:$0x9], $0x40, s30, s20, $0xb8;
	[tilespmem:$0x1C200] =	vst v63  }
0x11f: {  	_ =	swait.ge [sflag:s23], $0x1000  }
0x120: {  	[sflag:s23] =	ssyncset.done $0x0  }
0x121: {  	[sflag:s23] =	ssyncadd.s32 $0xFFFFF000;
	s23 =	simm.s32 $0x340  }
0x122: {  	[spmem:s2] =	stream.indirect.scatter.add.f32 [tilespmem:s17], [sflag:$0xA], $0x40, s23, s20, $0xb8;
	[tilespmem:$0x1C200] =	vst v63  }
0x123: {  	_ =	swait.ge [sflag:s5], $0x1000  }
0x124: {  	s8 =	simm.s32 $0x180;
	s24 =	simm.s32 $0x380;
	[sflag:s5] =	ssyncset.done $0x0  }
0x125: {  	s25 =	simm.s32 $0x3C0;
	s26 =	simm.s32 $0x4600;
	[sflag:s5] =	ssyncadd.s32 $0xFFFFF000  }
0x126: {  	[spmem:s2] =	stream.indirect.scatter.add.f32 [tilespmem:s19], [sflag:$0xB], $0x40, s24, s20, $0xb8;
	[tilespmem:$0x1C200] =	vst v63  }
0x127: {  	s9 =	simm.s32 $0x6600;
	s10 =	simm.s32 $0x1C0;
	_ =	swait.ge [sflag:s16], $0x1000  }
0x128: {  	s11 =	simm.s32 $0x7600;
	s18 =	simm.s32 $0x8;
	[sflag:s16] =	ssyncset.done $0x0  }
0x129: {  	s15 =	smul.u32 $0xAB, s5;
	s30 =	simm.s32 $0x140;
	[sflag:s16] =	ssyncadd.s32 $0xFFFFF000  }
0x12a: {  	[spmem:s2] =	stream.indirect.scatter.add.f32 [tilespmem:s22], [sflag:$0xC], $0x40, s25, s20, $0xb8;
	[tilespmem:$0x1C200] =	vst v63  }
0x12b: {  	s12 =	simm.s32 $0x200;
	s21 =	sadd.s32 $0xFFFFFEAA, s15;
	s0 =	sshrl.u32 s15, $0x9  }
0x12c: {  	[tilespmem:s26], [sflag:$0x5] =	stream.indirect.gather [spmem:s3], $0x40, s31, s20, $0xb8;
	[tilespmem:$0x1C200] =	vst v63  }
0x12d: {  	s23 =	simm.s32 $0x4;
	s24 =	sand.u32 $0x7F, s0;
	s31 =	simm.s32 $0x5600  }
0x12e: {  	[tilespmem:s31], [sflag:$0x6] =	stream.indirect.gather [spmem:s3], $0x40, s30, s20, $0xb8;
	[tilespmem:$0x1C200] =	vst v63  }
0x12f: {  	s19 =	simm.s32 $0x4;
	s1 =	smul.u32 $0x3, s24;
	s14 =	rddreg [dreg:$0x11]  }
0x130: {  	[tilespmem:s9], [sflag:$0x7] =	stream.indirect.gather [spmem:s3], $0x40, s8, s20, $0xb8;
	[tilespmem:$0x1C200] =	vst v63  }
0x131: {  	s17 =	rddreg [dreg:$0x10];
	s22 =	sadd.s32 $0xFFFFFF55, s15;
	s8 =	sshrl.u32 s21, $0x9  }
0x132: {  	[tilespmem:s11], [sflag:$0x8] =	stream.indirect.gather [spmem:s3], $0x40, s10, s20, $0xb8;
	[tilespmem:$0x1C200] =	vst v63  }
0x133: {  	s16 =	simm.s32 $0x500;
	s9 =	sshrl.u32 s22, $0x9;
	s8 =	sand.u32 $0x7F, s8  }
0x134: {  	[tilespmem:s12], [sflag:$0x11] =	stream.linear.gather [hbm4b:s14+s4], $0x100, $0x38;
	[tilespmem:$0x1C200] =	vst v63  }
0x135: {  	s1 =	ssub.s32 $0x3, s1;
	s9 =	sand.u32 $0x7F, s9;
	s8 =	smul.u32 $0x3, s8  }
0x136: {  	[tilespmem:s16], [sflag:$0x11] =	stream.linear.gather [hbm4b:s17+s4], $0x100, $0x38;
	[tilespmem:$0x1C200] =	vst v63  }
0x137: {  	s1 =	sand.u32 $0xFF, s1;
	s26 =	smul.u32 $0x3, s9;
	_ =	swait.ge [sflag:s29], $0x100  }
0x138: {  	s21 =	simm.s32 $0x5;
	s12 =	sand.u32 $0x4, s18;
	[sflag:s29] =	ssyncset.done $0x0  }
0x139: {  	s25 =	ssub.s32 $0x3, s8;
	s8 =	sxor.u32 $0xFFFFFFFF, s26;
	[sflag:s29] =	ssyncadd.s32 $0xFFFFFF00  }
0x13a: {  	s30 =	sadd.s32 $0xFFFFFFFE, s25;
	s0 =	sshll.u32 s12, $0xC;
	_ =	swait.ge [sflag:s29], $0x100  }
0x13b: {  	s25 =	sor.u32 $0x9, s12;
	s16 =	sand.u32 $0x4, s23;
	[sflag:s29] =	ssyncset.done $0x0  }
0x13c: {  	s8 =	sadd.s32 $0x3, s8;
	s18 =	sor.u32 $0x1, s16;
	[sflag:s29] =	ssyncadd.s32 $0xFFFFFF00  }
0x13d: {  	s9 =	sand.u32 $0xFF, s30;
	s15 =	sshll.u32 s16, $0xC;
	_ =	swait.ge [sflag:s18], $0x1000  }
0x13e: {  	s14 =	sshll.u32 s9, $0x8;
	s23 =	sor.u32 $0x9, s16;
	[sflag:s18] =	ssyncset.done $0x0  }
0x13f: {  	s24 =	sadd.s32 $0x300, s14;
	s22 =	sor.u32 $0x600, s15;
	[sflag:s18] =	ssyncadd.s32 $0xFFFFF000  }
0x140: {  	[spmem:s2] =	stream.indirect.scatter.add.f32 [tilespmem:s22], [sflag:s23], $0x40, s24, s20, $0xb8;
	[tilespmem:$0x1C200] =	vst v63  }
0x141: {  	s26 =	sor.u32 $0x1, s12;
	s31 =	sor.u32 $0x600, s0;
	_ =	swait.ge [sflag:s25], $0x1000  }
0x142: {  	s8 =	sand.u32 $0xFF, s8;
	s17 =	sshll.u32 s1, $0x8;
	[sflag:s25] =	ssyncset.done $0x0  }
0x143: {  	s11 =	sor.u32 $0x2, s16;
	s22 =	sshll.u32 s8, $0x8;
	[sflag:s25] =	ssyncadd.s32 $0xFFFFF000  }
0x144: {  	[tilespmem:s31], [sflag:s26] =	stream.indirect.gather [spmem:s3], $0x40, s22, s20, $0xb8;
	[tilespmem:$0x1C200] =	vst v63  }
0x145: {  	s9 =	smin.u32 s5, $0x4F;
	s30 =	sor.u32 $0xA, s16;
	_ =	swait.ge [sflag:s11], $0x1000  }
0x146: {  	s5 =	simm.s32 $0xC;
	s10 =	sor.u32 $0x1600, s15;
	[sflag:s11] =	ssyncset.done $0x0  }
0x147: {  	s23 =	sadd.s32 $0x340, s14;
	s31 =	sor.u32 $0xA, s12;
	[sflag:s11] =	ssyncadd.s32 $0xFFFFF000  }
0x148: {  	[spmem:s2] =	stream.indirect.scatter.add.f32 [tilespmem:s10], [sflag:s30], $0x40, s23, s20, $0xb8;
	[tilespmem:$0x1C200] =	vst v63  }
0x149: {  	s28 =	sadd.s32 $0x4, s16;
	s18 =	sadd.s32 $0x3C0, s14;
	_ =	swait.ge [sflag:s31], $0x1000  }
0x14a: {  	s24 =	sor.u32 $0x2, s12;
	s25 =	sor.u32 $0x1600, s0;
	[sflag:s31] =	ssyncset.done $0x0  }
0x14b: {  	s26 =	sor.u32 $0x40, s22;
	s23 =	sor.u32 $0x3, s16;
	[sflag:s31] =	ssyncadd.s32 $0xFFFFF000  }
0x14c: {  	[tilespmem:s25], [sflag:s24] =	stream.indirect.gather [spmem:s3], $0x40, s26, s20, $0xb8;
	[tilespmem:$0x1C200] =	vst v63  }
0x14d: {  	s14 =	sadd.s32 $0x380, s14;
	s11 =	sor.u32 $0xB, s12;
	_ =	swait.ge [sflag:s23], $0x1000  }
0x14e: {  	s10 =	sor.u32 $0x2600, s0;
	s30 =	sor.u32 $0x2600, s15;
	[sflag:s23] =	ssyncset.done $0x0  }
0x14f: {  	s31 =	sor.u32 $0xB, s16;
	s25 =	sor.u32 $0x80, s22;
	[sflag:s23] =	ssyncadd.s32 $0xFFFFF000  }
0x150: {  	[spmem:s2] =	stream.indirect.scatter.add.f32 [tilespmem:s30], [sflag:s31], $0x40, s14, s20, $0xb8;
	[tilespmem:$0x1C200] =	vst v63  }
0x151: {  	s26 =	sor.u32 $0x3, s12;
	s23 =	smul.u32 $0xAB, s19;
	_ =	swait.ge [sflag:s11], $0x1000  }
0x152: {  	s24 =	sadd.s32 $0xC, s16;
	s14 =	sadd.s32 $0xC, s12;
	[sflag:s11] =	ssyncset.done $0x0  }
.LBB2_4:
0x153: {  	s1 =	sshrl.u32 s23, $0x9;
	s8 =	sshll.u32 s9, $0x5  }
0x154: {  	s9 =	smov.u32 s19;
	s19 =	smov.u32 s21;
	s16 =	sadd.s32 $0x1, s21  }
0x155: {  	s30 =	sadd.s32 $0xFFFFFEAA, s23;
	s23 =	sadd.s32 $0xFFFFFF55, s23;
	s31 =	sadd.s32 s7, s8  }
0x156: {  	s30 =	sshrl.u32 s30, $0x9;
	s23 =	sshrl.u32 s23, $0x9;
	[sflag:s11] =	ssyncadd.s32 $0xFFFFF000  }
0x157: {  	[tilespmem:s10], [sflag:s26] =	stream.indirect.gather [spmem:s3], $0x40, s25, s20, $0xb8;
	[tilespmem:$0x1C200] =	vst v63  }
0x158: {  	s11 =	sand.u32 $0x7F, s23;
	s10 =	sand.u32 $0x7F, s30;
	_ =	swait.ge [sflag:s28], $0x1000  }
0x159: {  	s15 =	sor.u32 $0x3600, s15;
	s10 =	smul.u32 $0x3, s10;
	[sflag:s28] =	ssyncset.done $0x0  }
0x15a: {  	s23 =	sadd.s32 $0xFFFFFFFC, s5;
	s25 =	sand.u32 $0x4, s5;
	[sflag:s28] =	ssyncadd.s32 $0xFFFFF000  }
0x15b: {  	[spmem:s2] =	stream.indirect.scatter.add.f32 [tilespmem:s15], [sflag:s24], $0x40, s18, s20, $0xb8;
	[tilespmem:$0x1C200] =	vst v63  }
0x15c: {  	s12 =	sadd.s32 $0x4, s12;
	s15 =	sor.u32 $0xC0, s22;
	_ =	swait.ge [sflag:s14], $0x1000  }
0x15d: {  	s0 =	sor.u32 $0x3600, s0;
	s1 =	sand.u32 $0x7F, s1;
	[sflag:s14] =	ssyncset.done $0x0  }
0x15e: {  	s8 =	sadd.s32 s6, s8;
	s10 =	ssub.s32 s9, s10;
	[sflag:s14] =	ssyncadd.s32 $0xFFFFF000  }
0x15f: {  	[tilespmem:s0], [sflag:s12] =	stream.indirect.gather [spmem:s3], $0x40, s15, s20, $0xb8;
	[tilespmem:$0x1C200] =	vst v63  }
0x160: {  	s11 =	smul.u32 $0x3, s11;
	s24 =	sand.u32 $0x4, s23;
	s12 =	sadd.s32 $0x300, s17  }
0x161: {  	[tilespmem:s17], [sflag:$0x11] =	stream.linear.gather [hbm4b:s31+s4], $0x100, $0x38;
	[tilespmem:$0x1C200] =	vst v63  }
0x162: {  	s10 =	sadd.s32 $0xFFFFFFFE, s10;
	s15 =	sshll.u32 s24, $0xC;
	s0 =	sshll.u32 s25, $0xC  }
0x163: {  	[tilespmem:s12], [sflag:$0x11] =	stream.linear.gather [hbm4b:s8+s4], $0x100, $0x38;
	[tilespmem:$0x1C200] =	vst v63  }
0x164: {  	s14 =	sor.u32 $0x2, s24;
	s8 =	sor.u32 $0x600, s0;
	_ =	swait.ge [sflag:s29], $0x100  }
0x165: {  	s11 =	sxor.u32 $0xFFFFFFFF, s11;
	s10 =	sand.u32 $0xFF, s10;
	[sflag:s29] =	ssyncset.done $0x0  }
0x166: {  	s23 =	sshll.u32 s10, $0x8;
	s10 =	sor.u32 $0x9, s24;
	[sflag:s29] =	ssyncadd.s32 $0xFFFFFF00  }
0x167: {  	s11 =	sadd.s32 s9, s11;
	s17 =	sadd.s32 $0x300, s23;
	_ =	swait.ge [sflag:s29], $0x100  }
0x168: {  	s1 =	smul.u32 $0x3, s1;
	s11 =	sand.u32 $0xFF, s11;
	[sflag:s29] =	ssyncset.done $0x0  }
0x169: {  	s22 =	sor.u32 $0x1, s24;
	s18 =	sor.u32 $0x600, s15;
	[sflag:s29] =	ssyncadd.s32 $0xFFFFFF00  }
0x16a: {  	p0 =	sne.s32 s21, $0x51;
	s1 =	ssub.s32 s9, s1;
	_ =	swait.ge [sflag:s22], $0x1000  }
0x16b: {  	s1 =	sand.u32 $0xFF, s1;
	s12 =	smov.u32 s25;
	[sflag:s22] =	ssyncset.done $0x0  }
0x16c: {  	s21 =	sor.u32 $0x9, s12;
	[sflag:s22] =	ssyncadd.s32 $0xFFFFF000  }
0x16d: {  	[spmem:s2] =	stream.indirect.scatter.add.f32 [tilespmem:s18], [sflag:s10], $0x40, s17, s20, $0xb8;
	[tilespmem:$0x1C200] =	vst v63  }
0x16e: {  	s5 =	sadd.s32 $0x4, s5;
	_ =	swait.ge [sflag:s21], $0x1000  }
0x16f: {  	s9 =	smin.u32 s9, $0x4F;
	s17 =	sshll.u32 s1, $0x8;
	[sflag:s21] =	ssyncset.done $0x0  }
0x170: {  	s22 =	sshll.u32 s11, $0x8;
	s1 =	sor.u32 $0x1, s12;
	[sflag:s21] =	ssyncadd.s32 $0xFFFFF000  }
0x171: {  	[tilespmem:s8], [sflag:s1] =	stream.indirect.gather [spmem:s3], $0x40, s22, s20, $0xb8;
	[tilespmem:$0x1C200] =	vst v63  }
0x172: {  	s28 =	sadd.s32 $0x4, s24;
	s18 =	sadd.s32 $0x3C0, s23;
	_ =	swait.ge [sflag:s14], $0x1000  }
0x173: {  	s1 =	sor.u32 $0xA, s24;
	s8 =	sor.u32 $0xA, s12;
	[sflag:s14] =	ssyncset.done $0x0  }
0x174: {  	s11 =	sadd.s32 $0x340, s23;
	s10 =	sor.u32 $0x1600, s15;
	[sflag:s14] =	ssyncadd.s32 $0xFFFFF000  }
0x175: {  	[spmem:s2] =	stream.indirect.scatter.add.f32 [tilespmem:s10], [sflag:s1], $0x40, s11, s20, $0xb8;
	[tilespmem:$0x1C200] =	vst v63  }
0x176: {  	s25 =	sor.u32 $0x80, s22;
	s11 =	sor.u32 $0xB, s12;
	_ =	swait.ge [sflag:s8], $0x1000  }
0x177: {  	s14 =	sor.u32 $0x3, s24;
	s1 =	sor.u32 $0x2, s12;
	[sflag:s8] =	ssyncset.done $0x0  }
0x178: {  	s10 =	sor.u32 $0x1600, s0;
	[sflag:s8] =	ssyncadd.s32 $0xFFFFF000;
	s8 =	sor.u32 $0x40, s22  }
0x179: {  	[tilespmem:s10], [sflag:s1] =	stream.indirect.gather [spmem:s3], $0x40, s8, s20, $0xb8;
	[tilespmem:$0x1C200] =	vst v63  }
0x17a: {  	s10 =	sor.u32 $0x2600, s0;
	s1 =	sor.u32 $0x2600, s15;
	_ =	swait.ge [sflag:s14], $0x1000  }
.Ltmp1:
0x17b: {  	s8 =	sor.u32 $0xB, s24;
	[sflag:s14] =	ssyncset.done $0x0;
	(pc) =	sbr.rel @p0 .LBB2_4-.Ltmp1, $4  }
0x17c: {  	s26 =	sor.u32 $0x3, s12;
	[sflag:s14] =	ssyncadd.s32 $0xFFFFF000;
	s14 =	sadd.s32 $0x380, s23  }
0x17d: {  	[spmem:s2] =	stream.indirect.scatter.add.f32 [tilespmem:s1], [sflag:s8], $0x40, s14, s20, $0xb8;
	[tilespmem:$0x1C200] =	vst v63  }
0x17e: {  	s23 =	smul.u32 $0xAB, s19;
	s14 =	sadd.s32 $0xC, s12;
	_ =	swait.ge [sflag:s11], $0x1000  }
0x17f: {  	s21 =	smov.u32 s16;
	s24 =	sadd.s32 $0xC, s24;
	[sflag:s11] =	ssyncset.done $0x0  }
0x180: {  	[sflag:s11] =	ssyncadd.s32 $0xFFFFF000  }
0x181: {  	[tilespmem:s10], [sflag:s26] =	stream.indirect.gather [spmem:s3], $0x40, s25, s20, $0xb8;
	[tilespmem:$0x1C200] =	vst v63  }
0x182: {  	_ =	swait.ge [sflag:s28], $0x1000  }
0x183: {  	[sflag:s28] =	ssyncset.done $0x0  }
0x184: {  	s1 =	sor.u32 $0x3600, s15;
	[sflag:s28] =	ssyncadd.s32 $0xFFFFF000  }
0x185: {  	[spmem:s2] =	stream.indirect.scatter.add.f32 [tilespmem:s1], [sflag:s24], $0x40, s18, s20, $0xb8;
	[tilespmem:$0x1C200] =	vst v63  }
0x186: {  	_ =	swait.ge [sflag:s14], $0x1000  }
0x187: {  	s8 =	sor.u32 $0xC0, s22;
	s31 =	sadd.s32 $0x4, s12;
	[sflag:s14] =	ssyncset.done $0x0  }
0x188: {  	s0 =	sor.u32 $0x3600, s0;
	s10 =	sadd.s32 $0xFFFFFEAA, s23;
	[sflag:s14] =	ssyncadd.s32 $0xFFFFF000  }
0x189: {  	[tilespmem:s0], [sflag:s31] =	stream.indirect.gather [spmem:s3], $0x40, s8, s20, $0xb8;
	[tilespmem:$0x1C200] =	vst v63  }
0x18a: {  	s30 =	sshll.u32 s9, $0x5;
	s0 =	sshrl.u32 s10, $0x9  }
0x18b: {  	s12 =	sadd.s32 $0x300, s17;
	s11 =	sadd.s32 s7, s30;
	s0 =	sand.u32 $0x7F, s0  }
0x18c: {  	[tilespmem:s17], [sflag:$0x11] =	stream.linear.gather [hbm4b:s11+s4], $0x100, $0x38;
	[tilespmem:$0x1C200] =	vst v63  }
0x18d: {  	s16 =	sadd.s32 $0xFFFFFFFC, s5;
	s1 =	sadd.s32 s6, s30;
	s15 =	smul.u32 $0x3, s0  }
0x18e: {  	[tilespmem:s12], [sflag:$0x11] =	stream.linear.gather [hbm4b:s1+s4], $0x100, $0x38;
	[tilespmem:$0x1C200] =	vst v63  }
0x18f: {  	s0 =	sand.u32 $0x4, s5;
	s5 =	sand.u32 $0x4, s16;
	_ =	swait.ge [sflag:s29], $0x100  }
0x190: {  	s14 =	sadd.s32 $0xFFFFFF55, s23;
	s9 =	sor.u32 $0x1, s5;
	[sflag:s29] =	ssyncset.done $0x0  }
0x191: {  	s10 =	sshll.u32 s5, $0xC;
	s17 =	sor.u32 $0x9, s5;
	[sflag:s29] =	ssyncadd.s32 $0xFFFFFF00  }
0x192: {  	s22 =	sor.u32 $0x9, s0;
	s25 =	sor.u32 $0x2, s5;
	_ =	swait.ge [sflag:s29], $0x100  }
0x193: {  	s1 =	sshrl.u32 s14, $0x9;
	s8 =	ssub.s32 s19, s15;
	[sflag:s29] =	ssyncset.done $0x0  }
0x194: {  	s1 =	sand.u32 $0x7F, s1;
	s8 =	sadd.s32 $0xFFFFFFFE, s8;
	[sflag:s29] =	ssyncadd.s32 $0xFFFFFF00  }
0x195: {  	s1 =	smul.u32 $0x3, s1;
	s8 =	sand.u32 $0xFF, s8;
	_ =	swait.ge [sflag:s9], $0x1000  }
0x196: {  	s21 =	sor.u32 $0x600, s10;
	s8 =	sshll.u32 s8, $0x8;
	[sflag:s9] =	ssyncset.done $0x0  }
0x197: {  	s18 =	sadd.s32 $0x300, s8;
	s1 =	sxor.u32 $0xFFFFFFFF, s1;
	[sflag:s9] =	ssyncadd.s32 $0xFFFFF000  }
0x198: {  	[spmem:s2] =	stream.indirect.scatter.add.f32 [tilespmem:s21], [sflag:s17], $0x40, s18, s20, $0xb8;
	[tilespmem:$0x1C200] =	vst v63  }
0x199: {  	s26 =	sor.u32 $0x1, s0;
	s1 =	sadd.s32 s19, s1;
	_ =	swait.ge [sflag:s22], $0x1000  }
0x19a: {  	s1 =	sand.u32 $0xFF, s1;
	s9 =	sshll.u32 s0, $0xC;
	[sflag:s22] =	ssyncset.done $0x0  }
0x19b: {  	s1 =	sshll.u32 s1, $0x8;
	s24 =	sor.u32 $0x600, s9;
	[sflag:s22] =	ssyncadd.s32 $0xFFFFF000  }
0x19c: {  	[tilespmem:s24], [sflag:s26] =	stream.indirect.gather [spmem:s3], $0x40, s1, s20, $0xb8;
	[tilespmem:$0x1C200] =	vst v63  }
0x19d: {  	_ =	swait.ge [sflag:s25], $0x1000  }
0x19e: {  	s28 =	sor.u32 $0xA, s5;
	s30 =	sor.u32 $0x1600, s10;
	[sflag:s25] =	ssyncset.done $0x0  }
0x19f: {  	s15 =	sor.u32 $0xA, s0;
	s31 =	sadd.s32 $0x340, s8;
	[sflag:s25] =	ssyncadd.s32 $0xFFFFF000  }
0x1a0: {  	[spmem:s2] =	stream.indirect.scatter.add.f32 [tilespmem:s30], [sflag:s28], $0x40, s31, s20, $0xb8;
	[tilespmem:$0x1C200] =	vst v63  }
0x1a1: {  	_ =	swait.ge [sflag:s15], $0x1000  }
0x1a2: {  	s16 =	sor.u32 $0x2, s0;
	s17 =	sor.u32 $0x1600, s9;
	[sflag:s15] =	ssyncset.done $0x0  }
0x1a3: {  	s18 =	sor.u32 $0x40, s1;
	s21 =	sor.u32 $0x3, s5;
	[sflag:s15] =	ssyncadd.s32 $0xFFFFF000  }
0x1a4: {  	[tilespmem:s17], [sflag:s16] =	stream.indirect.gather [spmem:s3], $0x40, s18, s20, $0xb8;
	[tilespmem:$0x1C200] =	vst v63  }
0x1a5: {  	_ =	swait.ge [sflag:s21], $0x1000  }
0x1a6: {  	s22 =	sor.u32 $0x2600, s10;
	s24 =	sor.u32 $0xB, s5;
	[sflag:s21] =	ssyncset.done $0x0  }
0x1a7: {  	s26 =	sor.u32 $0xB, s0;
	s25 =	sadd.s32 $0x380, s8;
	[sflag:s21] =	ssyncadd.s32 $0xFFFFF000  }
0x1a8: {  	[spmem:s2] =	stream.indirect.scatter.add.f32 [tilespmem:s22], [sflag:s24], $0x40, s25, s20, $0xb8;
	[tilespmem:$0x1C200] =	vst v63  }
0x1a9: {  	_ =	swait.ge [sflag:s26], $0x1000  }
0x1aa: {  	s12 =	sadd.s32 $0x4, s5;
	s28 =	sor.u32 $0x2600, s9;
	[sflag:s26] =	ssyncset.done $0x0  }
0x1ab: {  	s30 =	sor.u32 $0x80, s1;
	s31 =	sor.u32 $0x3, s0;
	[sflag:s26] =	ssyncadd.s32 $0xFFFFF000  }
0x1ac: {  	[tilespmem:s28], [sflag:s31] =	stream.indirect.gather [spmem:s3], $0x40, s30, s20, $0xb8;
	[tilespmem:$0x1C200] =	vst v63  }
0x1ad: {  	_ =	swait.ge [sflag:s12], $0x1000  }
0x1ae: {  	s10 =	sor.u32 $0x3600, s10;
	s5 =	sadd.s32 $0xC, s5;
	[sflag:s12] =	ssyncset.done $0x0  }
0x1af: {  	s8 =	sadd.s32 $0x3C0, s8;
	s15 =	sshrl.u32 s23, $0x9;
	[sflag:s12] =	ssyncadd.s32 $0xFFFFF000  }
0x1b0: {  	[spmem:s2] =	stream.indirect.scatter.add.f32 [tilespmem:s10], [sflag:s5], $0x40, s8, s20, $0xb8;
	[tilespmem:$0x1C200] =	vst v63  }
0x1b1: {  	s14 =	sadd.s32 $0xC, s0;
	s8 =	sand.u32 $0x7F, s15  }
0x1b2: {  	s1 =	sor.u32 $0xC0, s1;
	_ =	swait.ge [sflag:s14], $0x1000;
	s16 =	smul.u32 $0x3, s8  }
0x1b3: {  	s0 =	sadd.s32 $0x4, s0;
	s17 =	sor.u32 $0x3600, s9;
	[sflag:s14] =	ssyncset.done $0x0  }
0x1b4: {  	[sflag:s14] =	ssyncadd.s32 $0xFFFFF000;
	s18 =	ssub.s32 s19, s16;
	s19 =	smin.u32 s19, $0x4F  }
0x1b5: {  	[tilespmem:s17], [sflag:s0] =	stream.indirect.gather [spmem:s3], $0x40, s1, s20, $0xb8;
	[tilespmem:$0x1C200] =	vst v63  }
0x1b6: {  	s0 =	sand.u32 $0xFF, s18;
	s1 =	sshll.u32 s19, $0x5  }
0x1b7: {  	s0 =	sshll.u32 s0, $0x8;
	s21 =	sadd.s32 s7, s1  }
0x1b8: {  	[tilespmem:s0], [sflag:$0x11] =	stream.linear.gather [hbm4b:s21+s4], $0x100, $0x38;
	[tilespmem:$0x1C200] =	vst v63  }
0x1b9: {  	s22 =	simm.s32 $0xD;
	s1 =	sadd.s32 s6, s1;
	s0 =	sadd.s32 $0x300, s0  }
0x1ba: {  	[tilespmem:s0], [sflag:$0x11] =	stream.linear.gather [hbm4b:s1+s4], $0x100, $0x38;
	[tilespmem:$0x1C200] =	vst v63  }
0x1bb: {  	_ =	swait.ge [sflag:s22], $0x1000  }
0x1bc: {  	[sflag:s22] =	ssyncset.done $0x0  }
0x1bd: {  	s23 =	simm.s32 $0xE;
	[sflag:s22] =	ssyncadd.s32 $0xFFFFF000  }
0x1be: {  	_ =	swait.ge [sflag:s23], $0x1000  }
0x1bf: {  	[sflag:s23] =	ssyncset.done $0x0  }
0x1c0: {  	s24 =	simm.s32 $0xF;
	[sflag:s23] =	ssyncadd.s32 $0xFFFFF000  }
0x1c1: {  	_ =	swait.ge [sflag:s24], $0x1000  }
0x1c2: {  	[sflag:s24] =	ssyncset.done $0x0  }
0x1c3: {  	s25 =	simm.s32 $0x10;
	[sflag:s24] =	ssyncadd.s32 $0xFFFFF000  }
0x1c4: {  	_ =	swait.ge [sflag:s25], $0x1000  }
0x1c5: {  	[sflag:s25] =	ssyncset.done $0x0  }
0x1c6: {  	s12 =	simm.s32 $0x1;
	[sflag:s25] =	ssyncadd.s32 $0xFFFFF000  }
0x1c7: {  	_ =	swait.ge [sflag:s12], $0x1000  }
0x1c8: {  	[sflag:s12] =	ssyncset.done $0x0  }
0x1c9: {  	s14 =	simm.s32 $0x2;
	[sflag:s12] =	ssyncadd.s32 $0xFFFFF000  }
0x1ca: {  	_ =	swait.ge [sflag:s14], $0x1000  }
0x1cb: {  	[sflag:s14] =	ssyncset.done $0x0  }
0x1cc: {  	s23 =	simm.s32 $0x3;
	[sflag:s14] =	ssyncadd.s32 $0xFFFFF000  }
0x1cd: {  	_ =	swait.ge [sflag:s23], $0x1000  }
0x1ce: {  	[sflag:s23] =	ssyncset.done $0x0  }
0x1cf: {  	s15 =	simm.s32 $0x4;
	[sflag:s23] =	ssyncadd.s32 $0xFFFFF000  }
0x1d0: {  	_ =	swait.ge [sflag:s15], $0x1000  }
0x1d1: {  	[sflag:s15] =	ssyncset.done $0x0  }
0x1d2: {  	[sflag:s15] =	ssyncadd.s32 $0xFFFFF000  }
0x1d3: {  	_ =	swait.ge [sflag:s29], $0x100  }
0x1d4: {  	[sflag:s29] =	ssyncset.done $0x0  }
0x1d5: {  	[sflag:s29] =	ssyncadd.s32 $0xFFFFFF00  }
0x1d6: {  	_ =	swait.ge [sflag:s29], $0x100  }
0x1d7: {  	[sflag:s29] =	ssyncset.done $0x0  }
0x1d8: {  	[sflag:s29] =	ssyncadd.s32 $0xFFFFFF00  }
0x1d9: {  	[bflag:$0x0] =	sbarrier.arrive $0xFFFF  }
0x1da: {  	s8 =	rddreg [dreg:$0x8]  }
0x1db: {  	s26 =	rddreg [dreg:$0x9]  }
0x1dc: {  	s16 =	simm.s32 $0x8;
	s28 =	rddreg [dreg:$0xe]  }
0x1dd: {  	[hbm:s26@s25], [sflag:s8] =	dma.strided [spmem:s28@s16], $0x1388, s12, $0x8   }
0x1de: {  	_ =	swait.ge [sflag:s13], $0x1388  }
0x1df: {  	s30 =	rddreg [dreg:$0xf]  }
0x1e0: {  	s31 =	rddreg [dreg:$0x6];
	s1 =	sadd.s32 $0x1, s30  }
0x1e1: {  	p0 =	sne.s32 s1, s31  }
.Ltmp2:
0x1e2: {  	_ = 	snop;
	(pc) =	sbr.rel @p0 .LBB2_1-.Ltmp2, $3  }
0x1e3: {  	_ =	sdelay $0x1  }
0x1e4: {  	[sflag:s13] =	ssyncset.done $0x0  }
0x1e5: {  	[sflag:s13] =	ssyncadd.s32 $0xFFFFEC78  }
0x1e6: {  	_ =	sfence.sel $0x180000  }
0x1e7: {  	[bflag:$0x0] =	sbarrier.arrive $0xFFFF  }
0x1e8: {  	_ =	strace $0x90000047  }
0x1e9: {  	s0 =	stileid.u32;
	[bflag:$0x2] =	sbarrier.arrive $0xFFFF  }
0x1ea: {  	p0 =	sne.s32 s0, $0x0;
	s0 =	rddreg [dreg:$0x4]  }
0x1eb: {  	s0 =	sadd.s32 @!p0 $0x100000, s0  }
0x1ec: {  	[sflag:s0] =	ssyncadd.tile.s32 @!p0 $0x1;
	_ =	shalt  }
.Lfunc_end2:
_tile_overlayer_lowered:
.L_overlay_start_2:
0x1ed: {  	(tag) =	ssettag $0x2  }
0x1ee: {  	s0 =	rddreg [dreg:$0x0];
	s2 =	stileid.u32  }
0x1ef: {  	s1 =	rddreg [dreg:$0x1];
	p0 =	sne.s32 s2, $0x0  }
0x1f0: {  	s3 =	rddreg [dreg:$0x2];
	[bflag:$0x3] =	sbarrier.arrive $0xFFFF;
	s2 =	simm.s32 @!p0 $0x1C12  }
0x1f1: {  	[timem:s3], [sflag:s2] =	dma.local @!p0 [hbm:s0], s1  }
0x1f2: {  	s0 =	simm.s32 @!p0 $0x12  }
0x1f3: {  	_ =	swait.ge @!p0 [sflag:s0], s1  }
0x1f4: {  	s1 =	ssub.s32 @!p0 $0x0, s1;
	[sflag:s0] =	ssyncset.done @!p0 $0x0  }
0x1f5: {  	[sflag:s0] =	ssyncadd.s32 @!p0 s1  }
0x1f6: {  	[bflag:$0x3] =	sbarrier.arrive $0xFFFF  }
0x1f7: {  	_ =	shalt  }

</sc_bundles>
